<compile_context>
chip_gen: v7x
topology: tpu7x:2x2x1
jax: 0.10.2.dev20260603
libtpu: 0.0.44.dev20260713+nightly
codegen_flags: <defaults>
</compile_context>

<pallas_src>
import functools

import jax
import jax.numpy as jnp
from jax import lax
from jax.experimental import pallas as pl
from jax.experimental.pallas import tpu as pltpu
from jax.experimental.pallas import tpu_sc as plsc

BINS = 256
HEIGHT_RATE = 0.5

B = 8
H = 224
W = 224
PLANES = 96
NC = 2
NS = 16
NW = NC * NS
PPW = (B * PLANES) // NW
LANES = 16
HSTRIDE = BINS + 1
VEC_PER_ROW = W // LANES
PLANE_BLK = 24


def _sc_hist_body(x_hbm, out_hbm, buf0, buf1, hist, acc, sem0, sem1):
    wid = lax.axis_index("s") * NC + lax.axis_index("c")

    zeros16 = jnp.zeros((LANES,), jnp.float32)
    ones16 = jnp.ones((LANES,), jnp.float32)
    lane_iota = lax.iota(jnp.int32, LANES)
    lane_base = lane_iota * HSTRIDE

    def zbody(i, carry):
        hist[pl.ds(i * LANES, LANES)] = zeros16
        return carry

    lax.fori_loop(0, HSTRIDE, zbody, 0)

    def process(buf):
        def body(g, carry):
            bis = []
            for k in range(2):
                for c in range(VEC_PER_ROW):
                    v = buf[g * 2 + k, pl.ds(c * LANES, LANES)]
                    bis.append((v * jnp.float32(BINS)).astype(jnp.int32) + lane_base)
            for bi in bis:
                plsc.addupdate_scatter(hist, [bi], ones16)
            return carry

        lax.fori_loop(0, H // 2, body, 0, unroll=2)

    pltpu.async_copy(x_hbm.at[wid, 0], buf0, sem0)

    def pair_body(p, carry):
        c0 = p * 2
        pltpu.async_copy(x_hbm.at[wid, c0 + 1], buf1, sem1)
        pltpu.make_async_copy(x_hbm.at[wid, 0], buf0, sem0).wait()
        process(buf0)

        @pl.when(c0 + 2 < PPW)
        def _():
            pltpu.async_copy(x_hbm.at[wid, c0 + 2], buf0, sem0)

        pltpu.make_async_copy(x_hbm.at[wid, 0], buf1, sem1).wait()
        process(buf1)
        return carry

    lax.fori_loop(0, PPW // 2, pair_body, 0)

    for g in range(BINS // LANES):
        s = zeros16
        for r in range(LANES):
            s = s + plsc.load_gather(hist, [lane_iota + (r * HSTRIDE + g * LANES)])
        acc[pl.ds(g * LANES, LANES)] = s

    pltpu.sync_copy(acc, out_hbm.at[wid % 4, wid // 4])


def _sc_hist(x4):
    mesh = plsc.VectorSubcoreMesh(core_axis_name="c", subcore_axis_name="s")
    k = functools.partial(
        pl.kernel,
        mesh=mesh,
        compiler_params=pltpu.CompilerParams(needs_layout_passes=False),
        out_type=jax.ShapeDtypeStruct((4, B, BINS), jnp.float32),
        scratch_types=[
            pltpu.VMEM((H, W), jnp.float32),
            pltpu.VMEM((H, W), jnp.float32),
            pltpu.VMEM((LANES * HSTRIDE,), jnp.float32),
            pltpu.VMEM((BINS,), jnp.float32),
            pltpu.SemaphoreType.DMA,
            pltpu.SemaphoreType.DMA,
        ],
    )(_sc_hist_body)
    return k(x4)


def _tc_head_body(p_ref, val_out):
    hst = p_ref[0] + p_ref[1] + p_ref[2] + p_ref[3]
    m = jnp.max(hst, axis=1, keepdims=True)
    ar = lax.broadcasted_iota(jnp.int32, (B, BINS), 1)
    big = jnp.int32(BINS)
    bin_idx = jnp.min(jnp.where(hst == m, ar, big), axis=1, keepdims=True)
    cond = jnp.logical_or(ar < bin_idx, hst > m * HEIGHT_RATE)
    zmin = jnp.min(jnp.where(cond, big, ar), axis=1)
    value_idx = jnp.where(zmin == big, 0, zmin)
    val = value_idx.astype(jnp.float32) * (1.0 / BINS)
    val_out[...] = jnp.broadcast_to(val[:, None], (B, 128))


def _tc_head(partials):
    return pl.pallas_call(
        _tc_head_body,
        out_shape=jax.ShapeDtypeStruct((B, 128), jnp.float32),
    )(partials)


def _rescale_body(w_ref, x_ref, o_ref):
    b = pl.program_id(0)
    o_ref[...] = x_ref[...] * w_ref[b]


def _rescale(x, w_vec):
    grid = (B, PLANES // PLANE_BLK)
    return pl.pallas_call(
        _rescale_body,
        grid=grid,
        in_specs=[
            pl.BlockSpec(memory_space=pltpu.SMEM),
            pl.BlockSpec((1, PLANE_BLK, H, W), lambda b, i: (b, i, 0, 0)),
        ],
        out_specs=pl.BlockSpec((1, PLANE_BLK, H, W), lambda b, i: (b, i, 0, 0)),
        out_shape=jax.ShapeDtypeStruct((B, PLANES, H, W), jnp.float32),
    )(w_vec, x)


def kernel(x, W1, b1, W2, b2, W3, b3, W4, b4):
    x4 = x.reshape(NW, PPW, H, W)
    partials = _sc_hist(x4)

    val_full = _tc_head(partials)
    value = val_full[:, 0]

    hst = partials[0] + partials[1] + partials[2] + partials[3]
    h = jax.nn.relu(hst @ W1 + b1)
    h = jax.nn.relu(h @ W2 + b2)
    h = jax.nn.relu(h @ W3 + b3)
    w_vec = (h @ W4 + b4)[:, 0]

    out = _rescale(x, w_vec)
    return (out, value)

# --- scband reference (transcript-rebuilt; emitter-appended) ---
"""Pipeline reference for scband-rescaler-44349832298505 (READ-ONLY COPY).

The authoritative reference and input builder live on the scoring server;
editing this copy changes nothing except your own understanding.
"""

import jax, jax.numpy as jnp
import numpy as np

BINS = 256
V_RANGE = 1.0
HEIGHT_RATE = 0.5
DONT_RESCALE = False


def setup_inputs(seed: int = 0) -> dict:
    key = jax.random.key(seed)
    ks = jax.random.split(key, 9)
    x = jax.random.uniform(ks[0], (8, 96, 224, 224), dtype=jnp.float32)
    # MLP: bins -> 32 -> 64 -> 128 -> 1 (ReLU between layers, dropout inert at inference)
    W1 = jax.random.normal(ks[1], (BINS, 32), dtype=jnp.float32) * (1.0 / np.sqrt(BINS))
    b1 = jnp.zeros((32,), dtype=jnp.float32)
    W2 = jax.random.normal(ks[2], (32, 64), dtype=jnp.float32) * (1.0 / np.sqrt(32))
    b2 = jnp.zeros((64,), dtype=jnp.float32)
    W3 = jax.random.normal(ks[3], (64, 128), dtype=jnp.float32) * (1.0 / np.sqrt(64))
    b3 = jnp.zeros((128,), dtype=jnp.float32)
    W4 = jax.random.normal(ks[4], (128, 1), dtype=jnp.float32) * (1.0 / np.sqrt(128))
    b4 = jnp.zeros((1,), dtype=jnp.float32)
    return {"x": x, "W1": W1, "b1": b1, "W2": W2, "b2": b2, "W3": W3, "b3": b3, "W4": W4, "b4": b4}


def _histc(flat, bins, vmax):
    # torch.histc semantics over [0, vmax]; inputs are constructed in-range
    idx = jnp.clip(jnp.floor(flat / vmax * bins).astype(jnp.int32), 0, bins - 1)
    return jnp.zeros((bins,), dtype=jnp.float32).at[idx].add(1.0)


def reference(x, W1, b1, W2, b2, W3, b3, W4, b4):
    B = x.shape[0]
    flat = x.reshape(B, -1)
    hst = jax.vmap(lambda t: _histc(t, BINS, V_RANGE))(flat)  # [B, BINS]
    comp_height = jnp.max(hst, axis=1) * HEIGHT_RATE  # [B]
    comp_height_bin = jnp.argmax(hst, axis=1)  # [B]
    ar = jnp.arange(BINS)
    cond = jnp.logical_or(ar[None, :] < comp_height_bin[:, None], hst > comp_height[:, None]).astype(jnp.float32)
    value = jnp.argmin(cond, axis=1).astype(jnp.float32) / BINS * V_RANGE  # [B]
    hst = jax.lax.stop_gradient(hst)
    value = jax.lax.stop_gradient(value)
    h = jax.nn.relu(hst @ W1 + b1)
    h = jax.nn.relu(h @ W2 + b2)
    h = jax.nn.relu(h @ W3 + b3)
    w = (h @ W4 + b4)  # [B, 1]
    w = w[:, :, None, None]  # [B, 1, 1, 1]
    if not DONT_RESCALE:
        out = x * w
    else:
        out = x
    return (out, value)

if __name__ == "__main__":
    import jax
    _d = setup_inputs()
    print(jax.jit(kernel)(*tuple(_d.values())))

</pallas_src>

<mosaic_0001>
#map = affine_map<(d0, d1) -> (0, 0, 0, 0)>
#map1 = affine_map<(d0, d1) -> (0, 0, 0)>
module attributes {stable_mosaic.version = 14 : i64} {
  func.func @_sc_hist_body(%arg0: i32, %arg1: i32, %arg2: memref<32x24x224x224xf32, #tpu.memory_space<hbm>>, %arg3: memref<4x8x256xf32, #tpu.memory_space<hbm>>, %arg4: memref<224x224xf32, #tpu.memory_space<vmem>>, %arg5: memref<224x224xf32, #tpu.memory_space<vmem>>, %arg6: memref<4112xf32, #tpu.memory_space<vmem>>, %arg7: memref<256xf32, #tpu.memory_space<vmem>>, %arg8: memref<!tpu.dma_semaphore, #tpu.memory_space<semaphore_mem>>, %arg9: memref<!tpu.dma_semaphore, #tpu.memory_space<semaphore_mem>>) attributes {dimension_semantics = [#tpu.dimension_semantics<core_parallel>, #tpu.dimension_semantics<subcore_parallel>], iteration_bounds = array<i64: 2, 16>, scalar_prefetch = 0 : i64, scratch_operands = 6 : i64, tpu.core_type = #tpu.core_type<sc_vector_subcore>, window_params = [{transform_indices = #map}, {transform_indices = #map1}]} {
    %mul3A = arith.constant 2 : i32
    %mul3A_0 = arith.muli %arg1, %mul3A : i32
    %add3A = arith.addi %mul3A_0, %arg0 : i32
    %broadcast_in_dim3A = arith.constant 0.000000e+00 : f32
    %broadcast_in_dim3A_1 = vector.broadcast %broadcast_in_dim3A : f32 to vector<16xf32>
    %broadcast_in_dim3A_2 = arith.constant 1.000000e+00 : f32
    %broadcast_in_dim3A_3 = vector.broadcast %broadcast_in_dim3A_2 : f32 to vector<16xf32>
    %iota3A = tpu.iota {dimensions = array<i32: 0>} : vector<16xi32>
    %mul3A_4 = arith.constant 257 : i32
    %mul3A_5 = vector.broadcast %mul3A_4 : i32 to vector<16xi32>
    %mul3A_6 = arith.muli %iota3A, %mul3A_5 : vector<16xi32>
    %scan3A = arith.constant 0 : i32
    %scan3A_7 = arith.constant 0 : i32
    %scan3A_8 = arith.constant 257 : i32
    %scan3A_9 = arith.addi %scan3A_7, %scan3A_8 : i32
    %scan3A_10 = arith.constant 1 : i32
    scf.for %scan3A_1366 = %scan3A_7 to %scan3A_9 step %scan3A_10  : i32 {
      %mul3A_1367 = arith.constant 16 : i32
      %mul3A_1368 = arith.muli %scan3A_1366, %mul3A_1367 : i32
      %swap3A_1369 = arith.index_cast %mul3A_1368 : i32 to index
      %swap3A_1370 = tpu.vector_load %arg6[%swap3A_1369] {strides = array<i32>} : memref<4112xf32, #tpu.memory_space<vmem>>, vector<16xf32>,
      tpu.vector_store %arg6[%swap3A_1369], %broadcast_in_dim3A_1 {strides = array<i32>} : memref<4112xf32, #tpu.memory_space<vmem>>, vector<16xf32>,
    }
    %scan3A_11 = arith.constant 257 : i32
    %dma_start3A = arith.constant 0 : i32
    %dma_start3A_12 = arith.constant 0 : i32
    %dma_start3A_13 = arith.constant 0 : i32
    %dma_start3A_14 = tpu.memref_slice %arg2[%add3A, %dma_start3A, %dma_start3A_12, %dma_start3A_13] : memref<32x24x224x224xf32, #tpu.memory_space<hbm>> -> memref<1x1x224x224xf32, #tpu.memory_space<hbm>>
    %dma_start3A_15 = tpu.memref_squeeze %dma_start3A_14 : memref<1x1x224x224xf32, #tpu.memory_space<hbm>> -> memref<224x224xf32, #tpu.memory_space<hbm>>
    %dma_start3A_16 = arith.constant 0 : i32
    %dma_start3A_17 = arith.constant 0 : i32
    %dma_start3A_18 = tpu.memref_slice %arg2[%add3A, %dma_start3A, %dma_start3A_16, %dma_start3A_17] : memref<32x24x224x224xf32, #tpu.memory_space<hbm>> -> memref<1x1x224x224xf32, #tpu.memory_space<hbm>>
    %dma_start3A_19 = tpu.memref_squeeze %dma_start3A_18 : memref<1x1x224x224xf32, #tpu.memory_space<hbm>> -> memref<224x224xf32, #tpu.memory_space<hbm>>
    tpu.enqueue_dma source(%dma_start3A_19 : memref<224x224xf32, #tpu.memory_space<hbm>>) target(%arg4 : memref<224x224xf32, #tpu.memory_space<vmem>>) target_semaphore(%arg8 : memref<!tpu.dma_semaphore, #tpu.memory_space<semaphore_mem>>)
    %scan3A_20 = arith.constant 0 : i32
    %scan3A_21 = arith.constant 0 : i32
    %scan3A_22 = arith.constant 12 : i32
    %scan3A_23 = arith.addi %scan3A_21, %scan3A_22 : i32
    %scan3A_24 = arith.constant 1 : i32
    scf.for %scan3A_1366 = %scan3A_21 to %scan3A_23 step %scan3A_24  : i32 {
      %mul3A_1367 = arith.constant 2 : i32
      %mul3A_1368 = arith.muli %scan3A_1366, %mul3A_1367 : i32
      %add3A_1369 = arith.constant 1 : i32
      %add3A_1370 = arith.addi %mul3A_1368, %add3A_1369 : i32
      %dma_start3A_1371 = arith.constant 0 : i32
      %dma_start3A_1372 = arith.constant 0 : i32
      %dma_start3A_1373 = tpu.memref_slice %arg2[%add3A, %add3A_1370, %dma_start3A_1371, %dma_start3A_1372] : memref<32x24x224x224xf32, #tpu.memory_space<hbm>> -> memref<1x1x224x224xf32, #tpu.memory_space<hbm>>
      %dma_start3A_1374 = tpu.memref_squeeze %dma_start3A_1373 : memref<1x1x224x224xf32, #tpu.memory_space<hbm>> -> memref<224x224xf32, #tpu.memory_space<hbm>>
      %dma_start3A_1375 = arith.constant 0 : i32
      %dma_start3A_1376 = arith.constant 0 : i32
      %dma_start3A_1377 = tpu.memref_slice %arg2[%add3A, %add3A_1370, %dma_start3A_1375, %dma_start3A_1376] : memref<32x24x224x224xf32, #tpu.memory_space<hbm>> -> memref<1x1x224x224xf32, #tpu.memory_space<hbm>>
      %dma_start3A_1378 = tpu.memref_squeeze %dma_start3A_1377 : memref<1x1x224x224xf32, #tpu.memory_space<hbm>> -> memref<224x224xf32, #tpu.memory_space<hbm>>
      tpu.enqueue_dma source(%dma_start3A_1378 : memref<224x224xf32, #tpu.memory_space<hbm>>) target(%arg5 : memref<224x224xf32, #tpu.memory_space<vmem>>) target_semaphore(%arg9 : memref<!tpu.dma_semaphore, #tpu.memory_space<semaphore_mem>>)
      %dma_wait3A = arith.constant 0 : i32
      %dma_wait3A_1379 = arith.constant 0 : i32
      %dma_wait3A_1380 = arith.constant 0 : i32
      %dma_wait3A_1381 = tpu.memref_slice %arg2[%add3A, %dma_wait3A, %dma_wait3A_1379, %dma_wait3A_1380] : memref<32x24x224x224xf32, #tpu.memory_space<hbm>> -> memref<1x1x224x224xf32, #tpu.memory_space<hbm>>
      %dma_wait3A_1382 = tpu.memref_squeeze %dma_wait3A_1381 : memref<1x1x224x224xf32, #tpu.memory_space<hbm>> -> memref<224x224xf32, #tpu.memory_space<hbm>>
      %dma_wait3A_1383 = arith.constant 0 : i32
      %dma_wait3A_1384 = arith.constant 0 : i32
      %dma_wait3A_1385 = tpu.memref_slice %arg2[%add3A, %dma_wait3A, %dma_wait3A_1383, %dma_wait3A_1384] : memref<32x24x224x224xf32, #tpu.memory_space<hbm>> -> memref<1x1x224x224xf32, #tpu.memory_space<hbm>>
      %dma_wait3A_1386 = tpu.memref_squeeze %dma_wait3A_1385 : memref<1x1x224x224xf32, #tpu.memory_space<hbm>> -> memref<224x224xf32, #tpu.memory_space<hbm>>
      tpu.wait_dma2 semaphore(%arg8 : memref<!tpu.dma_semaphore, #tpu.memory_space<semaphore_mem>>) src(%dma_wait3A_1386 : memref<224x224xf32, #tpu.memory_space<hbm>>) dst(%arg4 : memref<224x224xf32, #tpu.memory_space<vmem>>)
      %scan3A_1387 = arith.constant 0 : i32
      %scan3A_1388 = arith.constant 0 : i32
      %scan3A_1389 = arith.constant 112 : i32
      %scan3A_1390 = arith.addi %scan3A_1388, %scan3A_1389 : i32
      %scan3A_1391 = arith.constant 2 : i32
      scf.for %scan3A_1413 = %scan3A_1388 to %scan3A_1390 step %scan3A_1391  : i32 {
        %mul3A_1414 = arith.constant 2 : i32
        %mul3A_1415 = arith.muli %scan3A_1413, %mul3A_1414 : i32
        %add3A_1416 = arith.constant 0 : i32
        %add3A_1417 = arith.addi %mul3A_1415, %add3A_1416 : i32
        %get3A = arith.index_cast %add3A_1417 : i32 to index
        %get3A_1418 = arith.constant 0 : index
        %get3A_1419 = tpu.vector_load %arg4[%get3A, %get3A_1418] {strides = array<i32>} : memref<224x224xf32, #tpu.memory_space<vmem>>, vector<16xf32>,
        %mul3A_1420 = arith.constant 2.560000e+02 : f32
        %mul3A_1421 = vector.broadcast %mul3A_1420 : f32 to vector<16xf32>
        %mul3A_1422 = arith.mulf %get3A_1419, %mul3A_1421 : vector<16xf32>
        %convert_element_type3A_1423 = arith.fptosi %mul3A_1422 : vector<16xf32> to vector<16xi32>
        %add3A_1424 = arith.addi %convert_element_type3A_1423, %mul3A_6 : vector<16xi32>
        %mul3A_1425 = arith.constant 2 : i32
        %mul3A_1426 = arith.muli %scan3A_1413, %mul3A_1425 : i32
        %add3A_1427 = arith.constant 0 : i32
        %add3A_1428 = arith.addi %mul3A_1426, %add3A_1427 : i32
        %get3A_1429 = arith.index_cast %add3A_1428 : i32 to index
        %get3A_1430 = arith.constant 16 : index
        %get3A_1431 = tpu.vector_load %arg4[%get3A_1429, %get3A_1430] {strides = array<i32>} : memref<224x224xf32, #tpu.memory_space<vmem>>, vector<16xf32>,
        %mul3A_1432 = arith.constant 2.560000e+02 : f32
        %mul3A_1433 = vector.broadcast %mul3A_1432 : f32 to vector<16xf32>
        %mul3A_1434 = arith.mulf %get3A_1431, %mul3A_1433 : vector<16xf32>
        %convert_element_type3A_1435 = arith.fptosi %mul3A_1434 : vector<16xf32> to vector<16xi32>
        %add3A_1436 = arith.addi %convert_element_type3A_1435, %mul3A_6 : vector<16xi32>
        %mul3A_1437 = arith.constant 2 : i32
        %mul3A_1438 = arith.muli %scan3A_1413, %mul3A_1437 : i32
        %add3A_1439 = arith.constant 0 : i32
        %add3A_1440 = arith.addi %mul3A_1438, %add3A_1439 : i32
        %get3A_1441 = arith.index_cast %add3A_1440 : i32 to index
        %get3A_1442 = arith.constant 32 : index
        %get3A_1443 = tpu.vector_load %arg4[%get3A_1441, %get3A_1442] {strides = array<i32>} : memref<224x224xf32, #tpu.memory_space<vmem>>, vector<16xf32>,
        %mul3A_1444 = arith.constant 2.560000e+02 : f32
        %mul3A_1445 = vector.broadcast %mul3A_1444 : f32 to vector<16xf32>
        %mul3A_1446 = arith.mulf %get3A_1443, %mul3A_1445 : vector<16xf32>
        %convert_element_type3A_1447 = arith.fptosi %mul3A_1446 : vector<16xf32> to vector<16xi32>
        %add3A_1448 = arith.addi %convert_element_type3A_1447, %mul3A_6 : vector<16xi32>
        %mul3A_1449 = arith.constant 2 : i32
        %mul3A_1450 = arith.muli %scan3A_1413, %mul3A_1449 : i32
        %add3A_1451 = arith.constant 0 : i32
        %add3A_1452 = arith.addi %mul3A_1450, %add3A_1451 : i32
        %get3A_1453 = arith.index_cast %add3A_1452 : i32 to index
        %get3A_1454 = arith.constant 48 : index
        %get3A_1455 = tpu.vector_load %arg4[%get3A_1453, %get3A_1454] {strides = array<i32>} : memref<224x224xf32, #tpu.memory_space<vmem>>, vector<16xf32>,
        %mul3A_1456 = arith.constant 2.560000e+02 : f32
        %mul3A_1457 = vector.broadcast %mul3A_1456 : f32 to vector<16xf32>
        %mul3A_1458 = arith.mulf %get3A_1455, %mul3A_1457 : vector<16xf32>
        %convert_element_type3A_1459 = arith.fptosi %mul3A_1458 : vector<16xf32> to vector<16xi32>
        %add3A_1460 = arith.addi %convert_element_type3A_1459, %mul3A_6 : vector<16xi32>
        %mul3A_1461 = arith.constant 2 : i32
        %mul3A_1462 = arith.muli %scan3A_1413, %mul3A_1461 : i32
        %add3A_1463 = arith.constant 0 : i32
        %add3A_1464 = arith.addi %mul3A_1462, %add3A_1463 : i32
        %get3A_1465 = arith.index_cast %add3A_1464 : i32 to index
        %get3A_1466 = arith.constant 64 : index
        %get3A_1467 = tpu.vector_load %arg4[%get3A_1465, %get3A_1466] {strides = array<i32>} : memref<224x224xf32, #tpu.memory_space<vmem>>, vector<16xf32>,
        %mul3A_1468 = arith.constant 2.560000e+02 : f32
        %mul3A_1469 = vector.broadcast %mul3A_1468 : f32 to vector<16xf32>
        %mul3A_1470 = arith.mulf %get3A_1467, %mul3A_1469 : vector<16xf32>
        %convert_element_type3A_1471 = arith.fptosi %mul3A_1470 : vector<16xf32> to vector<16xi32>
        %add3A_1472 = arith.addi %convert_element_type3A_1471, %mul3A_6 : vector<16xi32>
        %mul3A_1473 = arith.constant 2 : i32
        %mul3A_1474 = arith.muli %scan3A_1413, %mul3A_1473 : i32
        %add3A_1475 = arith.constant 0 : i32
        %add3A_1476 = arith.addi %mul3A_1474, %add3A_1475 : i32
        %get3A_1477 = arith.index_cast %add3A_1476 : i32 to index
        %get3A_1478 = arith.constant 80 : index
        %get3A_1479 = tpu.vector_load %arg4[%get3A_1477, %get3A_1478] {strides = array<i32>} : memref<224x224xf32, #tpu.memory_space<vmem>>, vector<16xf32>,
        %mul3A_1480 = arith.constant 2.560000e+02 : f32
        %mul3A_1481 = vector.broadcast %mul3A_1480 : f32 to vector<16xf32>
        %mul3A_1482 = arith.mulf %get3A_1479, %mul3A_1481 : vector<16xf32>
        %convert_element_type3A_1483 = arith.fptosi %mul3A_1482 : vector<16xf32> to vector<16xi32>
        %add3A_1484 = arith.addi %convert_element_type3A_1483, %mul3A_6 : vector<16xi32>
        %mul3A_1485 = arith.constant 2 : i32
        %mul3A_1486 = arith.muli %scan3A_1413, %mul3A_1485 : i32
        %add3A_1487 = arith.constant 0 : i32
        %add3A_1488 = arith.addi %mul3A_1486, %add3A_1487 : i32
        %get3A_1489 = arith.index_cast %add3A_1488 : i32 to index
        %get3A_1490 = arith.constant 96 : index
        %get3A_1491 = tpu.vector_load %arg4[%get3A_1489, %get3A_1490] {strides = array<i32>} : memref<224x224xf32, #tpu.memory_space<vmem>>, vector<16xf32>,
        %mul3A_1492 = arith.constant 2.560000e+02 : f32
        %mul3A_1493 = vector.broadcast %mul3A_1492 : f32 to vector<16xf32>
        %mul3A_1494 = arith.mulf %get3A_1491, %mul3A_1493 : vector<16xf32>
        %convert_element_type3A_1495 = arith.fptosi %mul3A_1494 : vector<16xf32> to vector<16xi32>
        %add3A_1496 = arith.addi %convert_element_type3A_1495, %mul3A_6 : vector<16xi32>
        %mul3A_1497 = arith.constant 2 : i32
        %mul3A_1498 = arith.muli %scan3A_1413, %mul3A_1497 : i32
        %add3A_1499 = arith.constant 0 : i32
        %add3A_1500 = arith.addi %mul3A_1498, %add3A_1499 : i32
        %get3A_1501 = arith.index_cast %add3A_1500 : i32 to index
        %get3A_1502 = arith.constant 112 : index
        %get3A_1503 = tpu.vector_load %arg4[%get3A_1501, %get3A_1502] {strides = array<i32>} : memref<224x224xf32, #tpu.memory_space<vmem>>, vector<16xf32>,
        %mul3A_1504 = arith.constant 2.560000e+02 : f32
        %mul3A_1505 = vector.broadcast %mul3A_1504 : f32 to vector<16xf32>
        %mul3A_1506 = arith.mulf %get3A_1503, %mul3A_1505 : vector<16xf32>
        %convert_element_type3A_1507 = arith.fptosi %mul3A_1506 : vector<16xf32> to vector<16xi32>
        %add3A_1508 = arith.addi %convert_element_type3A_1507, %mul3A_6 : vector<16xi32>
        %mul3A_1509 = arith.constant 2 : i32
        %mul3A_1510 = arith.muli %scan3A_1413, %mul3A_1509 : i32
        %add3A_1511 = arith.constant 0 : i32
        %add3A_1512 = arith.addi %mul3A_1510, %add3A_1511 : i32
        %get3A_1513 = arith.index_cast %add3A_1512 : i32 to index
        %get3A_1514 = arith.constant 128 : index
        %get3A_1515 = tpu.vector_load %arg4[%get3A_1513, %get3A_1514] {strides = array<i32>} : memref<224x224xf32, #tpu.memory_space<vmem>>, vector<16xf32>,
        %mul3A_1516 = arith.constant 2.560000e+02 : f32
        %mul3A_1517 = vector.broadcast %mul3A_1516 : f32 to vector<16xf32>
        %mul3A_1518 = arith.mulf %get3A_1515, %mul3A_1517 : vector<16xf32>
        %convert_element_type3A_1519 = arith.fptosi %mul3A_1518 : vector<16xf32> to vector<16xi32>
        %add3A_1520 = arith.addi %convert_element_type3A_1519, %mul3A_6 : vector<16xi32>
        %mul3A_1521 = arith.constant 2 : i32
        %mul3A_1522 = arith.muli %scan3A_1413, %mul3A_1521 : i32
        %add3A_1523 = arith.constant 0 : i32
        %add3A_1524 = arith.addi %mul3A_1522, %add3A_1523 : i32
        %get3A_1525 = arith.index_cast %add3A_1524 : i32 to index
        %get3A_1526 = arith.constant 144 : index
        %get3A_1527 = tpu.vector_load %arg4[%get3A_1525, %get3A_1526] {strides = array<i32>} : memref<224x224xf32, #tpu.memory_space<vmem>>, vector<16xf32>,
        %mul3A_1528 = arith.constant 2.560000e+02 : f32
        %mul3A_1529 = vector.broadcast %mul3A_1528 : f32 to vector<16xf32>
        %mul3A_1530 = arith.mulf %get3A_1527, %mul3A_1529 : vector<16xf32>
        %convert_element_type3A_1531 = arith.fptosi %mul3A_1530 : vector<16xf32> to vector<16xi32>
        %add3A_1532 = arith.addi %convert_element_type3A_1531, %mul3A_6 : vector<16xi32>
        %mul3A_1533 = arith.constant 2 : i32
        %mul3A_1534 = arith.muli %scan3A_1413, %mul3A_1533 : i32
        %add3A_1535 = arith.constant 0 : i32
        %add3A_1536 = arith.addi %mul3A_1534, %add3A_1535 : i32
        %get3A_1537 = arith.index_cast %add3A_1536 : i32 to index
        %get3A_1538 = arith.constant 160 : index
        %get3A_1539 = tpu.vector_load %arg4[%get3A_1537, %get3A_1538] {strides = array<i32>} : memref<224x224xf32, #tpu.memory_space<vmem>>, vector<16xf32>,
        %mul3A_1540 = arith.constant 2.560000e+02 : f32
        %mul3A_1541 = vector.broadcast %mul3A_1540 : f32 to vector<16xf32>
        %mul3A_1542 = arith.mulf %get3A_1539, %mul3A_1541 : vector<16xf32>
        %convert_element_type3A_1543 = arith.fptosi %mul3A_1542 : vector<16xf32> to vector<16xi32>
        %add3A_1544 = arith.addi %convert_element_type3A_1543, %mul3A_6 : vector<16xi32>
        %mul3A_1545 = arith.constant 2 : i32
        %mul3A_1546 = arith.muli %scan3A_1413, %mul3A_1545 : i32
        %add3A_1547 = arith.constant 0 : i32
        %add3A_1548 = arith.addi %mul3A_1546, %add3A_1547 : i32
        %get3A_1549 = arith.index_cast %add3A_1548 : i32 to index
        %get3A_1550 = arith.constant 176 : index
        %get3A_1551 = tpu.vector_load %arg4[%get3A_1549, %get3A_1550] {strides = array<i32>} : memref<224x224xf32, #tpu.memory_space<vmem>>, vector<16xf32>,
        %mul3A_1552 = arith.constant 2.560000e+02 : f32
        %mul3A_1553 = vector.broadcast %mul3A_1552 : f32 to vector<16xf32>
        %mul3A_1554 = arith.mulf %get3A_1551, %mul3A_1553 : vector<16xf32>
        %convert_element_type3A_1555 = arith.fptosi %mul3A_1554 : vector<16xf32> to vector<16xi32>
        %add3A_1556 = arith.addi %convert_element_type3A_1555, %mul3A_6 : vector<16xi32>
        %mul3A_1557 = arith.constant 2 : i32
        %mul3A_1558 = arith.muli %scan3A_1413, %mul3A_1557 : i32
        %add3A_1559 = arith.constant 0 : i32
        %add3A_1560 = arith.addi %mul3A_1558, %add3A_1559 : i32
        %get3A_1561 = arith.index_cast %add3A_1560 : i32 to index
        %get3A_1562 = arith.constant 192 : index
        %get3A_1563 = tpu.vector_load %arg4[%get3A_1561, %get3A_1562] {strides = array<i32>} : memref<224x224xf32, #tpu.memory_space<vmem>>, vector<16xf32>,
        %mul3A_1564 = arith.constant 2.560000e+02 : f32
        %mul3A_1565 = vector.broadcast %mul3A_1564 : f32 to vector<16xf32>
        %mul3A_1566 = arith.mulf %get3A_1563, %mul3A_1565 : vector<16xf32>
        %convert_element_type3A_1567 = arith.fptosi %mul3A_1566 : vector<16xf32> to vector<16xi32>
        %add3A_1568 = arith.addi %convert_element_type3A_1567, %mul3A_6 : vector<16xi32>
        %mul3A_1569 = arith.constant 2 : i32
        %mul3A_1570 = arith.muli %scan3A_1413, %mul3A_1569 : i32
        %add3A_1571 = arith.constant 0 : i32
        %add3A_1572 = arith.addi %mul3A_1570, %add3A_1571 : i32
        %get3A_1573 = arith.index_cast %add3A_1572 : i32 to index
        %get3A_1574 = arith.constant 208 : index
        %get3A_1575 = tpu.vector_load %arg4[%get3A_1573, %get3A_1574] {strides = array<i32>} : memref<224x224xf32, #tpu.memory_space<vmem>>, vector<16xf32>,
        %mul3A_1576 = arith.constant 2.560000e+02 : f32
        %mul3A_1577 = vector.broadcast %mul3A_1576 : f32 to vector<16xf32>
        %mul3A_1578 = arith.mulf %get3A_1575, %mul3A_1577 : vector<16xf32>
        %convert_element_type3A_1579 = arith.fptosi %mul3A_1578 : vector<16xf32> to vector<16xi32>
        %add3A_1580 = arith.addi %convert_element_type3A_1579, %mul3A_6 : vector<16xi32>
        %mul3A_1581 = arith.constant 2 : i32
        %mul3A_1582 = arith.muli %scan3A_1413, %mul3A_1581 : i32
        %add3A_1583 = arith.constant 1 : i32
        %add3A_1584 = arith.addi %mul3A_1582, %add3A_1583 : i32
        %get3A_1585 = arith.index_cast %add3A_1584 : i32 to index
        %get3A_1586 = arith.constant 0 : index
        %get3A_1587 = tpu.vector_load %arg4[%get3A_1585, %get3A_1586] {strides = array<i32>} : memref<224x224xf32, #tpu.memory_space<vmem>>, vector<16xf32>,
        %mul3A_1588 = arith.constant 2.560000e+02 : f32
        %mul3A_1589 = vector.broadcast %mul3A_1588 : f32 to vector<16xf32>
        %mul3A_1590 = arith.mulf %get3A_1587, %mul3A_1589 : vector<16xf32>
        %convert_element_type3A_1591 = arith.fptosi %mul3A_1590 : vector<16xf32> to vector<16xi32>
        %add3A_1592 = arith.addi %convert_element_type3A_1591, %mul3A_6 : vector<16xi32>
        %mul3A_1593 = arith.constant 2 : i32
        %mul3A_1594 = arith.muli %scan3A_1413, %mul3A_1593 : i32
        %add3A_1595 = arith.constant 1 : i32
        %add3A_1596 = arith.addi %mul3A_1594, %add3A_1595 : i32
        %get3A_1597 = arith.index_cast %add3A_1596 : i32 to index
        %get3A_1598 = arith.constant 16 : index
        %get3A_1599 = tpu.vector_load %arg4[%get3A_1597, %get3A_1598] {strides = array<i32>} : memref<224x224xf32, #tpu.memory_space<vmem>>, vector<16xf32>,
        %mul3A_1600 = arith.constant 2.560000e+02 : f32
        %mul3A_1601 = vector.broadcast %mul3A_1600 : f32 to vector<16xf32>
        %mul3A_1602 = arith.mulf %get3A_1599, %mul3A_1601 : vector<16xf32>
        %convert_element_type3A_1603 = arith.fptosi %mul3A_1602 : vector<16xf32> to vector<16xi32>
        %add3A_1604 = arith.addi %convert_element_type3A_1603, %mul3A_6 : vector<16xi32>
        %mul3A_1605 = arith.constant 2 : i32
        %mul3A_1606 = arith.muli %scan3A_1413, %mul3A_1605 : i32
        %add3A_1607 = arith.constant 1 : i32
        %add3A_1608 = arith.addi %mul3A_1606, %add3A_1607 : i32
        %get3A_1609 = arith.index_cast %add3A_1608 : i32 to index
        %get3A_1610 = arith.constant 32 : index
        %get3A_1611 = tpu.vector_load %arg4[%get3A_1609, %get3A_1610] {strides = array<i32>} : memref<224x224xf32, #tpu.memory_space<vmem>>, vector<16xf32>,
        %mul3A_1612 = arith.constant 2.560000e+02 : f32
        %mul3A_1613 = vector.broadcast %mul3A_1612 : f32 to vector<16xf32>
        %mul3A_1614 = arith.mulf %get3A_1611, %mul3A_1613 : vector<16xf32>
        %convert_element_type3A_1615 = arith.fptosi %mul3A_1614 : vector<16xf32> to vector<16xi32>
        %add3A_1616 = arith.addi %convert_element_type3A_1615, %mul3A_6 : vector<16xi32>
        %mul3A_1617 = arith.constant 2 : i32
        %mul3A_1618 = arith.muli %scan3A_1413, %mul3A_1617 : i32
        %add3A_1619 = arith.constant 1 : i32
        %add3A_1620 = arith.addi %mul3A_1618, %add3A_1619 : i32
        %get3A_1621 = arith.index_cast %add3A_1620 : i32 to index
        %get3A_1622 = arith.constant 48 : index
        %get3A_1623 = tpu.vector_load %arg4[%get3A_1621, %get3A_1622] {strides = array<i32>} : memref<224x224xf32, #tpu.memory_space<vmem>>, vector<16xf32>,
        %mul3A_1624 = arith.constant 2.560000e+02 : f32
        %mul3A_1625 = vector.broadcast %mul3A_1624 : f32 to vector<16xf32>
        %mul3A_1626 = arith.mulf %get3A_1623, %mul3A_1625 : vector<16xf32>
        %convert_element_type3A_1627 = arith.fptosi %mul3A_1626 : vector<16xf32> to vector<16xi32>
        %add3A_1628 = arith.addi %convert_element_type3A_1627, %mul3A_6 : vector<16xi32>
        %mul3A_1629 = arith.constant 2 : i32
        %mul3A_1630 = arith.muli %scan3A_1413, %mul3A_1629 : i32
        %add3A_1631 = arith.constant 1 : i32
        %add3A_1632 = arith.addi %mul3A_1630, %add3A_1631 : i32
        %get3A_1633 = arith.index_cast %add3A_1632 : i32 to index
        %get3A_1634 = arith.constant 64 : index
        %get3A_1635 = tpu.vector_load %arg4[%get3A_1633, %get3A_1634] {strides = array<i32>} : memref<224x224xf32, #tpu.memory_space<vmem>>, vector<16xf32>,
        %mul3A_1636 = arith.constant 2.560000e+02 : f32
        %mul3A_1637 = vector.broadcast %mul3A_1636 : f32 to vector<16xf32>
        %mul3A_1638 = arith.mulf %get3A_1635, %mul3A_1637 : vector<16xf32>
        %convert_element_type3A_1639 = arith.fptosi %mul3A_1638 : vector<16xf32> to vector<16xi32>
        %add3A_1640 = arith.addi %convert_element_type3A_1639, %mul3A_6 : vector<16xi32>
        %mul3A_1641 = arith.constant 2 : i32
        %mul3A_1642 = arith.muli %scan3A_1413, %mul3A_1641 : i32
        %add3A_1643 = arith.constant 1 : i32
        %add3A_1644 = arith.addi %mul3A_1642, %add3A_1643 : i32
        %get3A_1645 = arith.index_cast %add3A_1644 : i32 to index
        %get3A_1646 = arith.constant 80 : index
        %get3A_1647 = tpu.vector_load %arg4[%get3A_1645, %get3A_1646] {strides = array<i32>} : memref<224x224xf32, #tpu.memory_space<vmem>>, vector<16xf32>,
        %mul3A_1648 = arith.constant 2.560000e+02 : f32
        %mul3A_1649 = vector.broadcast %mul3A_1648 : f32 to vector<16xf32>
        %mul3A_1650 = arith.mulf %get3A_1647, %mul3A_1649 : vector<16xf32>
        %convert_element_type3A_1651 = arith.fptosi %mul3A_1650 : vector<16xf32> to vector<16xi32>
        %add3A_1652 = arith.addi %convert_element_type3A_1651, %mul3A_6 : vector<16xi32>
        %mul3A_1653 = arith.constant 2 : i32
        %mul3A_1654 = arith.muli %scan3A_1413, %mul3A_1653 : i32
        %add3A_1655 = arith.constant 1 : i32
        %add3A_1656 = arith.addi %mul3A_1654, %add3A_1655 : i32
        %get3A_1657 = arith.index_cast %add3A_1656 : i32 to index
        %get3A_1658 = arith.constant 96 : index
        %get3A_1659 = tpu.vector_load %arg4[%get3A_1657, %get3A_1658] {strides = array<i32>} : memref<224x224xf32, #tpu.memory_space<vmem>>, vector<16xf32>,
        %mul3A_1660 = arith.constant 2.560000e+02 : f32
        %mul3A_1661 = vector.broadcast %mul3A_1660 : f32 to vector<16xf32>
        %mul3A_1662 = arith.mulf %get3A_1659, %mul3A_1661 : vector<16xf32>
        %convert_element_type3A_1663 = arith.fptosi %mul3A_1662 : vector<16xf32> to vector<16xi32>
        %add3A_1664 = arith.addi %convert_element_type3A_1663, %mul3A_6 : vector<16xi32>
        %mul3A_1665 = arith.constant 2 : i32
        %mul3A_1666 = arith.muli %scan3A_1413, %mul3A_1665 : i32
        %add3A_1667 = arith.constant 1 : i32
        %add3A_1668 = arith.addi %mul3A_1666, %add3A_1667 : i32
        %get3A_1669 = arith.index_cast %add3A_1668 : i32 to index
        %get3A_1670 = arith.constant 112 : index
        %get3A_1671 = tpu.vector_load %arg4[%get3A_1669, %get3A_1670] {strides = array<i32>} : memref<224x224xf32, #tpu.memory_space<vmem>>, vector<16xf32>,
        %mul3A_1672 = arith.constant 2.560000e+02 : f32
        %mul3A_1673 = vector.broadcast %mul3A_1672 : f32 to vector<16xf32>
        %mul3A_1674 = arith.mulf %get3A_1671, %mul3A_1673 : vector<16xf32>
        %convert_element_type3A_1675 = arith.fptosi %mul3A_1674 : vector<16xf32> to vector<16xi32>
        %add3A_1676 = arith.addi %convert_element_type3A_1675, %mul3A_6 : vector<16xi32>
        %mul3A_1677 = arith.constant 2 : i32
        %mul3A_1678 = arith.muli %scan3A_1413, %mul3A_1677 : i32
        %add3A_1679 = arith.constant 1 : i32
        %add3A_1680 = arith.addi %mul3A_1678, %add3A_1679 : i32
        %get3A_1681 = arith.index_cast %add3A_1680 : i32 to index
        %get3A_1682 = arith.constant 128 : index
        %get3A_1683 = tpu.vector_load %arg4[%get3A_1681, %get3A_1682] {strides = array<i32>} : memref<224x224xf32, #tpu.memory_space<vmem>>, vector<16xf32>,
        %mul3A_1684 = arith.constant 2.560000e+02 : f32
        %mul3A_1685 = vector.broadcast %mul3A_1684 : f32 to vector<16xf32>
        %mul3A_1686 = arith.mulf %get3A_1683, %mul3A_1685 : vector<16xf32>
        %convert_element_type3A_1687 = arith.fptosi %mul3A_1686 : vector<16xf32> to vector<16xi32>
        %add3A_1688 = arith.addi %convert_element_type3A_1687, %mul3A_6 : vector<16xi32>
        %mul3A_1689 = arith.constant 2 : i32
        %mul3A_1690 = arith.muli %scan3A_1413, %mul3A_1689 : i32
        %add3A_1691 = arith.constant 1 : i32
        %add3A_1692 = arith.addi %mul3A_1690, %add3A_1691 : i32
        %get3A_1693 = arith.index_cast %add3A_1692 : i32 to index
        %get3A_1694 = arith.constant 144 : index
        %get3A_1695 = tpu.vector_load %arg4[%get3A_1693, %get3A_1694] {strides = array<i32>} : memref<224x224xf32, #tpu.memory_space<vmem>>, vector<16xf32>,
        %mul3A_1696 = arith.constant 2.560000e+02 : f32
        %mul3A_1697 = vector.broadcast %mul3A_1696 : f32 to vector<16xf32>
        %mul3A_1698 = arith.mulf %get3A_1695, %mul3A_1697 : vector<16xf32>
        %convert_element_type3A_1699 = arith.fptosi %mul3A_1698 : vector<16xf32> to vector<16xi32>
        %add3A_1700 = arith.addi %convert_element_type3A_1699, %mul3A_6 : vector<16xi32>
        %mul3A_1701 = arith.constant 2 : i32
        %mul3A_1702 = arith.muli %scan3A_1413, %mul3A_1701 : i32
        %add3A_1703 = arith.constant 1 : i32
        %add3A_1704 = arith.addi %mul3A_1702, %add3A_1703 : i32
        %get3A_1705 = arith.index_cast %add3A_1704 : i32 to index
        %get3A_1706 = arith.constant 160 : index
        %get3A_1707 = tpu.vector_load %arg4[%get3A_1705, %get3A_1706] {strides = array<i32>} : memref<224x224xf32, #tpu.memory_space<vmem>>, vector<16xf32>,
        %mul3A_1708 = arith.constant 2.560000e+02 : f32
        %mul3A_1709 = vector.broadcast %mul3A_1708 : f32 to vector<16xf32>
        %mul3A_1710 = arith.mulf %get3A_1707, %mul3A_1709 : vector<16xf32>
        %convert_element_type3A_1711 = arith.fptosi %mul3A_1710 : vector<16xf32> to vector<16xi32>
        %add3A_1712 = arith.addi %convert_element_type3A_1711, %mul3A_6 : vector<16xi32>
        %mul3A_1713 = arith.constant 2 : i32
        %mul3A_1714 = arith.muli %scan3A_1413, %mul3A_1713 : i32
        %add3A_1715 = arith.constant 1 : i32
        %add3A_1716 = arith.addi %mul3A_1714, %add3A_1715 : i32
        %get3A_1717 = arith.index_cast %add3A_1716 : i32 to index
        %get3A_1718 = arith.constant 176 : index
        %get3A_1719 = tpu.vector_load %arg4[%get3A_1717, %get3A_1718] {strides = array<i32>} : memref<224x224xf32, #tpu.memory_space<vmem>>, vector<16xf32>,
        %mul3A_1720 = arith.constant 2.560000e+02 : f32
        %mul3A_1721 = vector.broadcast %mul3A_1720 : f32 to vector<16xf32>
        %mul3A_1722 = arith.mulf %get3A_1719, %mul3A_1721 : vector<16xf32>
        %convert_element_type3A_1723 = arith.fptosi %mul3A_1722 : vector<16xf32> to vector<16xi32>
        %add3A_1724 = arith.addi %convert_element_type3A_1723, %mul3A_6 : vector<16xi32>
        %mul3A_1725 = arith.constant 2 : i32
        %mul3A_1726 = arith.muli %scan3A_1413, %mul3A_1725 : i32
        %add3A_1727 = arith.constant 1 : i32
        %add3A_1728 = arith.addi %mul3A_1726, %add3A_1727 : i32
        %get3A_1729 = arith.index_cast %add3A_1728 : i32 to index
        %get3A_1730 = arith.constant 192 : index
        %get3A_1731 = tpu.vector_load %arg4[%get3A_1729, %get3A_1730] {strides = array<i32>} : memref<224x224xf32, #tpu.memory_space<vmem>>, vector<16xf32>,
        %mul3A_1732 = arith.constant 2.560000e+02 : f32
        %mul3A_1733 = vector.broadcast %mul3A_1732 : f32 to vector<16xf32>
        %mul3A_1734 = arith.mulf %get3A_1731, %mul3A_1733 : vector<16xf32>
        %convert_element_type3A_1735 = arith.fptosi %mul3A_1734 : vector<16xf32> to vector<16xi32>
        %add3A_1736 = arith.addi %convert_element_type3A_1735, %mul3A_6 : vector<16xi32>
        %mul3A_1737 = arith.constant 2 : i32
        %mul3A_1738 = arith.muli %scan3A_1413, %mul3A_1737 : i32
        %add3A_1739 = arith.constant 1 : i32
        %add3A_1740 = arith.addi %mul3A_1738, %add3A_1739 : i32
        %get3A_1741 = arith.index_cast %add3A_1740 : i32 to index
        %get3A_1742 = arith.constant 208 : index
        %get3A_1743 = tpu.vector_load %arg4[%get3A_1741, %get3A_1742] {strides = array<i32>} : memref<224x224xf32, #tpu.memory_space<vmem>>, vector<16xf32>,
        %mul3A_1744 = arith.constant 2.560000e+02 : f32
        %mul3A_1745 = vector.broadcast %mul3A_1744 : f32 to vector<16xf32>
        %mul3A_1746 = arith.mulf %get3A_1743, %mul3A_1745 : vector<16xf32>
        %convert_element_type3A_1747 = arith.fptosi %mul3A_1746 : vector<16xf32> to vector<16xi32>
        %add3A_1748 = arith.addi %convert_element_type3A_1747, %mul3A_6 : vector<16xi32>
        tpu.vector_store_idx %arg6[%add3A_1424], %broadcast_in_dim3A_3 {add = true} : memref<4112xf32, #tpu.memory_space<vmem>>[vector<16xi32>], vector<16xf32>,
        tpu.vector_store_idx %arg6[%add3A_1436], %broadcast_in_dim3A_3 {add = true} : memref<4112xf32, #tpu.memory_space<vmem>>[vector<16xi32>], vector<16xf32>,
        tpu.vector_store_idx %arg6[%add3A_1448], %broadcast_in_dim3A_3 {add = true} : memref<4112xf32, #tpu.memory_space<vmem>>[vector<16xi32>], vector<16xf32>,
        tpu.vector_store_idx %arg6[%add3A_1460], %broadcast_in_dim3A_3 {add = true} : memref<4112xf32, #tpu.memory_space<vmem>>[vector<16xi32>], vector<16xf32>,
        tpu.vector_store_idx %arg6[%add3A_1472], %broadcast_in_dim3A_3 {add = true} : memref<4112xf32, #tpu.memory_space<vmem>>[vector<16xi32>], vector<16xf32>,
        tpu.vector_store_idx %arg6[%add3A_1484], %broadcast_in_dim3A_3 {add = true} : memref<4112xf32, #tpu.memory_space<vmem>>[vector<16xi32>], vector<16xf32>,
        tpu.vector_store_idx %arg6[%add3A_1496], %broadcast_in_dim3A_3 {add = true} : memref<4112xf32, #tpu.memory_space<vmem>>[vector<16xi32>], vector<16xf32>,
        tpu.vector_store_idx %arg6[%add3A_1508], %broadcast_in_dim3A_3 {add = true} : memref<4112xf32, #tpu.memory_space<vmem>>[vector<16xi32>], vector<16xf32>,
        tpu.vector_store_idx %arg6[%add3A_1520], %broadcast_in_dim3A_3 {add = true} : memref<4112xf32, #tpu.memory_space<vmem>>[vector<16xi32>], vector<16xf32>,
        tpu.vector_store_idx %arg6[%add3A_1532], %broadcast_in_dim3A_3 {add = true} : memref<4112xf32, #tpu.memory_space<vmem>>[vector<16xi32>], vector<16xf32>,
        tpu.vector_store_idx %arg6[%add3A_1544], %broadcast_in_dim3A_3 {add = true} : memref<4112xf32, #tpu.memory_space<vmem>>[vector<16xi32>], vector<16xf32>,
        tpu.vector_store_idx %arg6[%add3A_1556], %broadcast_in_dim3A_3 {add = true} : memref<4112xf32, #tpu.memory_space<vmem>>[vector<16xi32>], vector<16xf32>,
        tpu.vector_store_idx %arg6[%add3A_1568], %broadcast_in_dim3A_3 {add = true} : memref<4112xf32, #tpu.memory_space<vmem>>[vector<16xi32>], vector<16xf32>,
        tpu.vector_store_idx %arg6[%add3A_1580], %broadcast_in_dim3A_3 {add = true} : memref<4112xf32, #tpu.memory_space<vmem>>[vector<16xi32>], vector<16xf32>,
        tpu.vector_store_idx %arg6[%add3A_1592], %broadcast_in_dim3A_3 {add = true} : memref<4112xf32, #tpu.memory_space<vmem>>[vector<16xi32>], vector<16xf32>,
        tpu.vector_store_idx %arg6[%add3A_1604], %broadcast_in_dim3A_3 {add = true} : memref<4112xf32, #tpu.memory_space<vmem>>[vector<16xi32>], vector<16xf32>,
        tpu.vector_store_idx %arg6[%add3A_1616], %broadcast_in_dim3A_3 {add = true} : memref<4112xf32, #tpu.memory_space<vmem>>[vector<16xi32>], vector<16xf32>,
        tpu.vector_store_idx %arg6[%add3A_1628], %broadcast_in_dim3A_3 {add = true} : memref<4112xf32, #tpu.memory_space<vmem>>[vector<16xi32>], vector<16xf32>,
        tpu.vector_store_idx %arg6[%add3A_1640], %broadcast_in_dim3A_3 {add = true} : memref<4112xf32, #tpu.memory_space<vmem>>[vector<16xi32>], vector<16xf32>,
        tpu.vector_store_idx %arg6[%add3A_1652], %broadcast_in_dim3A_3 {add = true} : memref<4112xf32, #tpu.memory_space<vmem>>[vector<16xi32>], vector<16xf32>,
        tpu.vector_store_idx %arg6[%add3A_1664], %broadcast_in_dim3A_3 {add = true} : memref<4112xf32, #tpu.memory_space<vmem>>[vector<16xi32>], vector<16xf32>,
        tpu.vector_store_idx %arg6[%add3A_1676], %broadcast_in_dim3A_3 {add = true} : memref<4112xf32, #tpu.memory_space<vmem>>[vector<16xi32>], vector<16xf32>,
        tpu.vector_store_idx %arg6[%add3A_1688], %broadcast_in_dim3A_3 {add = true} : memref<4112xf32, #tpu.memory_space<vmem>>[vector<16xi32>], vector<16xf32>,
        tpu.vector_store_idx %arg6[%add3A_1700], %broadcast_in_dim3A_3 {add = true} : memref<4112xf32, #tpu.memory_space<vmem>>[vector<16xi32>], vector<16xf32>,
        tpu.vector_store_idx %arg6[%add3A_1712], %broadcast_in_dim3A_3 {add = true} : memref<4112xf32, #tpu.memory_space<vmem>>[vector<16xi32>], vector<16xf32>,
        tpu.vector_store_idx %arg6[%add3A_1724], %broadcast_in_dim3A_3 {add = true} : memref<4112xf32, #tpu.memory_space<vmem>>[vector<16xi32>], vector<16xf32>,
        tpu.vector_store_idx %arg6[%add3A_1736], %broadcast_in_dim3A_3 {add = true} : memref<4112xf32, #tpu.memory_space<vmem>>[vector<16xi32>], vector<16xf32>,
        tpu.vector_store_idx %arg6[%add3A_1748], %broadcast_in_dim3A_3 {add = true} : memref<4112xf32, #tpu.memory_space<vmem>>[vector<16xi32>], vector<16xf32>,
        %scan3A_1749 = arith.constant 1 : i32
        %scan3A_1750 = arith.addi %scan3A_1413, %scan3A_1749 : i32
        %mul3A_1751 = arith.constant 2 : i32
        %mul3A_1752 = arith.muli %scan3A_1750, %mul3A_1751 : i32
        %add3A_1753 = arith.constant 0 : i32
        %add3A_1754 = arith.addi %mul3A_1752, %add3A_1753 : i32
        %get3A_1755 = arith.index_cast %add3A_1754 : i32 to index
        %get3A_1756 = arith.constant 0 : index
        %get3A_1757 = tpu.vector_load %arg4[%get3A_1755, %get3A_1756] {strides = array<i32>} : memref<224x224xf32, #tpu.memory_space<vmem>>, vector<16xf32>,
        %mul3A_1758 = arith.constant 2.560000e+02 : f32
        %mul3A_1759 = vector.broadcast %mul3A_1758 : f32 to vector<16xf32>
        %mul3A_1760 = arith.mulf %get3A_1757, %mul3A_1759 : vector<16xf32>
        %convert_element_type3A_1761 = arith.fptosi %mul3A_1760 : vector<16xf32> to vector<16xi32>
        %add3A_1762 = arith.addi %convert_element_type3A_1761, %mul3A_6 : vector<16xi32>
        %mul3A_1763 = arith.constant 2 : i32
        %mul3A_1764 = arith.muli %scan3A_1750, %mul3A_1763 : i32
        %add3A_1765 = arith.constant 0 : i32
        %add3A_1766 = arith.addi %mul3A_1764, %add3A_1765 : i32
        %get3A_1767 = arith.index_cast %add3A_1766 : i32 to index
        %get3A_1768 = arith.constant 16 : index
        %get3A_1769 = tpu.vector_load %arg4[%get3A_1767, %get3A_1768] {strides = array<i32>} : memref<224x224xf32, #tpu.memory_space<vmem>>, vector<16xf32>,
        %mul3A_1770 = arith.constant 2.560000e+02 : f32
        %mul3A_1771 = vector.broadcast %mul3A_1770 : f32 to vector<16xf32>
        %mul3A_1772 = arith.mulf %get3A_1769, %mul3A_1771 : vector<16xf32>
        %convert_element_type3A_1773 = arith.fptosi %mul3A_1772 : vector<16xf32> to vector<16xi32>
        %add3A_1774 = arith.addi %convert_element_type3A_1773, %mul3A_6 : vector<16xi32>
        %mul3A_1775 = arith.constant 2 : i32
        %mul3A_1776 = arith.muli %scan3A_1750, %mul3A_1775 : i32
        %add3A_1777 = arith.constant 0 : i32
        %add3A_1778 = arith.addi %mul3A_1776, %add3A_1777 : i32
        %get3A_1779 = arith.index_cast %add3A_1778 : i32 to index
        %get3A_1780 = arith.constant 32 : index
        %get3A_1781 = tpu.vector_load %arg4[%get3A_1779, %get3A_1780] {strides = array<i32>} : memref<224x224xf32, #tpu.memory_space<vmem>>, vector<16xf32>,
        %mul3A_1782 = arith.constant 2.560000e+02 : f32
        %mul3A_1783 = vector.broadcast %mul3A_1782 : f32 to vector<16xf32>
        %mul3A_1784 = arith.mulf %get3A_1781, %mul3A_1783 : vector<16xf32>
        %convert_element_type3A_1785 = arith.fptosi %mul3A_1784 : vector<16xf32> to vector<16xi32>
        %add3A_1786 = arith.addi %convert_element_type3A_1785, %mul3A_6 : vector<16xi32>
        %mul3A_1787 = arith.constant 2 : i32
        %mul3A_1788 = arith.muli %scan3A_1750, %mul3A_1787 : i32
        %add3A_1789 = arith.constant 0 : i32
        %add3A_1790 = arith.addi %mul3A_1788, %add3A_1789 : i32
        %get3A_1791 = arith.index_cast %add3A_1790 : i32 to index
        %get3A_1792 = arith.constant 48 : index
        %get3A_1793 = tpu.vector_load %arg4[%get3A_1791, %get3A_1792] {strides = array<i32>} : memref<224x224xf32, #tpu.memory_space<vmem>>, vector<16xf32>,
        %mul3A_1794 = arith.constant 2.560000e+02 : f32
        %mul3A_1795 = vector.broadcast %mul3A_1794 : f32 to vector<16xf32>
        %mul3A_1796 = arith.mulf %get3A_1793, %mul3A_1795 : vector<16xf32>
        %convert_element_type3A_1797 = arith.fptosi %mul3A_1796 : vector<16xf32> to vector<16xi32>
        %add3A_1798 = arith.addi %convert_element_type3A_1797, %mul3A_6 : vector<16xi32>
        %mul3A_1799 = arith.constant 2 : i32
        %mul3A_1800 = arith.muli %scan3A_1750, %mul3A_1799 : i32
        %add3A_1801 = arith.constant 0 : i32
        %add3A_1802 = arith.addi %mul3A_1800, %add3A_1801 : i32
        %get3A_1803 = arith.index_cast %add3A_1802 : i32 to index
        %get3A_1804 = arith.constant 64 : index
        %get3A_1805 = tpu.vector_load %arg4[%get3A_1803, %get3A_1804] {strides = array<i32>} : memref<224x224xf32, #tpu.memory_space<vmem>>, vector<16xf32>,
        %mul3A_1806 = arith.constant 2.560000e+02 : f32
        %mul3A_1807 = vector.broadcast %mul3A_1806 : f32 to vector<16xf32>
        %mul3A_1808 = arith.mulf %get3A_1805, %mul3A_1807 : vector<16xf32>
        %convert_element_type3A_1809 = arith.fptosi %mul3A_1808 : vector<16xf32> to vector<16xi32>
        %add3A_1810 = arith.addi %convert_element_type3A_1809, %mul3A_6 : vector<16xi32>
        %mul3A_1811 = arith.constant 2 : i32
        %mul3A_1812 = arith.muli %scan3A_1750, %mul3A_1811 : i32
        %add3A_1813 = arith.constant 0 : i32
        %add3A_1814 = arith.addi %mul3A_1812, %add3A_1813 : i32
        %get3A_1815 = arith.index_cast %add3A_1814 : i32 to index
        %get3A_1816 = arith.constant 80 : index
        %get3A_1817 = tpu.vector_load %arg4[%get3A_1815, %get3A_1816] {strides = array<i32>} : memref<224x224xf32, #tpu.memory_space<vmem>>, vector<16xf32>,
        %mul3A_1818 = arith.constant 2.560000e+02 : f32
        %mul3A_1819 = vector.broadcast %mul3A_1818 : f32 to vector<16xf32>
        %mul3A_1820 = arith.mulf %get3A_1817, %mul3A_1819 : vector<16xf32>
        %convert_element_type3A_1821 = arith.fptosi %mul3A_1820 : vector<16xf32> to vector<16xi32>
        %add3A_1822 = arith.addi %convert_element_type3A_1821, %mul3A_6 : vector<16xi32>
        %mul3A_1823 = arith.constant 2 : i32
        %mul3A_1824 = arith.muli %scan3A_1750, %mul3A_1823 : i32
        %add3A_1825 = arith.constant 0 : i32
        %add3A_1826 = arith.addi %mul3A_1824, %add3A_1825 : i32
        %get3A_1827 = arith.index_cast %add3A_1826 : i32 to index
        %get3A_1828 = arith.constant 96 : index
        %get3A_1829 = tpu.vector_load %arg4[%get3A_1827, %get3A_1828] {strides = array<i32>} : memref<224x224xf32, #tpu.memory_space<vmem>>, vector<16xf32>,
        %mul3A_1830 = arith.constant 2.560000e+02 : f32
        %mul3A_1831 = vector.broadcast %mul3A_1830 : f32 to vector<16xf32>
        %mul3A_1832 = arith.mulf %get3A_1829, %mul3A_1831 : vector<16xf32>
        %convert_element_type3A_1833 = arith.fptosi %mul3A_1832 : vector<16xf32> to vector<16xi32>
        %add3A_1834 = arith.addi %convert_element_type3A_1833, %mul3A_6 : vector<16xi32>
        %mul3A_1835 = arith.constant 2 : i32
        %mul3A_1836 = arith.muli %scan3A_1750, %mul3A_1835 : i32
        %add3A_1837 = arith.constant 0 : i32
        %add3A_1838 = arith.addi %mul3A_1836, %add3A_1837 : i32
        %get3A_1839 = arith.index_cast %add3A_1838 : i32 to index
        %get3A_1840 = arith.constant 112 : index
        %get3A_1841 = tpu.vector_load %arg4[%get3A_1839, %get3A_1840] {strides = array<i32>} : memref<224x224xf32, #tpu.memory_space<vmem>>, vector<16xf32>,
        %mul3A_1842 = arith.constant 2.560000e+02 : f32
        %mul3A_1843 = vector.broadcast %mul3A_1842 : f32 to vector<16xf32>
        %mul3A_1844 = arith.mulf %get3A_1841, %mul3A_1843 : vector<16xf32>
        %convert_element_type3A_1845 = arith.fptosi %mul3A_1844 : vector<16xf32> to vector<16xi32>
        %add3A_1846 = arith.addi %convert_element_type3A_1845, %mul3A_6 : vector<16xi32>
        %mul3A_1847 = arith.constant 2 : i32
        %mul3A_1848 = arith.muli %scan3A_1750, %mul3A_1847 : i32
        %add3A_1849 = arith.constant 0 : i32
        %add3A_1850 = arith.addi %mul3A_1848, %add3A_1849 : i32
        %get3A_1851 = arith.index_cast %add3A_1850 : i32 to index
        %get3A_1852 = arith.constant 128 : index
        %get3A_1853 = tpu.vector_load %arg4[%get3A_1851, %get3A_1852] {strides = array<i32>} : memref<224x224xf32, #tpu.memory_space<vmem>>, vector<16xf32>,
        %mul3A_1854 = arith.constant 2.560000e+02 : f32
        %mul3A_1855 = vector.broadcast %mul3A_1854 : f32 to vector<16xf32>
        %mul3A_1856 = arith.mulf %get3A_1853, %mul3A_1855 : vector<16xf32>
        %convert_element_type3A_1857 = arith.fptosi %mul3A_1856 : vector<16xf32> to vector<16xi32>
        %add3A_1858 = arith.addi %convert_element_type3A_1857, %mul3A_6 : vector<16xi32>
        %mul3A_1859 = arith.constant 2 : i32
        %mul3A_1860 = arith.muli %scan3A_1750, %mul3A_1859 : i32
        %add3A_1861 = arith.constant 0 : i32
        %add3A_1862 = arith.addi %mul3A_1860, %add3A_1861 : i32
        %get3A_1863 = arith.index_cast %add3A_1862 : i32 to index
        %get3A_1864 = arith.constant 144 : index
        %get3A_1865 = tpu.vector_load %arg4[%get3A_1863, %get3A_1864] {strides = array<i32>} : memref<224x224xf32, #tpu.memory_space<vmem>>, vector<16xf32>,
        %mul3A_1866 = arith.constant 2.560000e+02 : f32
        %mul3A_1867 = vector.broadcast %mul3A_1866 : f32 to vector<16xf32>
        %mul3A_1868 = arith.mulf %get3A_1865, %mul3A_1867 : vector<16xf32>
        %convert_element_type3A_1869 = arith.fptosi %mul3A_1868 : vector<16xf32> to vector<16xi32>
        %add3A_1870 = arith.addi %convert_element_type3A_1869, %mul3A_6 : vector<16xi32>
        %mul3A_1871 = arith.constant 2 : i32
        %mul3A_1872 = arith.muli %scan3A_1750, %mul3A_1871 : i32
        %add3A_1873 = arith.constant 0 : i32
        %add3A_1874 = arith.addi %mul3A_1872, %add3A_1873 : i32
        %get3A_1875 = arith.index_cast %add3A_1874 : i32 to index
        %get3A_1876 = arith.constant 160 : index
        %get3A_1877 = tpu.vector_load %arg4[%get3A_1875, %get3A_1876] {strides = array<i32>} : memref<224x224xf32, #tpu.memory_space<vmem>>, vector<16xf32>,
        %mul3A_1878 = arith.constant 2.560000e+02 : f32
        %mul3A_1879 = vector.broadcast %mul3A_1878 : f32 to vector<16xf32>
        %mul3A_1880 = arith.mulf %get3A_1877, %mul3A_1879 : vector<16xf32>
        %convert_element_type3A_1881 = arith.fptosi %mul3A_1880 : vector<16xf32> to vector<16xi32>
        %add3A_1882 = arith.addi %convert_element_type3A_1881, %mul3A_6 : vector<16xi32>
        %mul3A_1883 = arith.constant 2 : i32
        %mul3A_1884 = arith.muli %scan3A_1750, %mul3A_1883 : i32
        %add3A_1885 = arith.constant 0 : i32
        %add3A_1886 = arith.addi %mul3A_1884, %add3A_1885 : i32
        %get3A_1887 = arith.index_cast %add3A_1886 : i32 to index
        %get3A_1888 = arith.constant 176 : index
        %get3A_1889 = tpu.vector_load %arg4[%get3A_1887, %get3A_1888] {strides = array<i32>} : memref<224x224xf32, #tpu.memory_space<vmem>>, vector<16xf32>,
        %mul3A_1890 = arith.constant 2.560000e+02 : f32
        %mul3A_1891 = vector.broadcast %mul3A_1890 : f32 to vector<16xf32>
        %mul3A_1892 = arith.mulf %get3A_1889, %mul3A_1891 : vector<16xf32>
        %convert_element_type3A_1893 = arith.fptosi %mul3A_1892 : vector<16xf32> to vector<16xi32>
        %add3A_1894 = arith.addi %convert_element_type3A_1893, %mul3A_6 : vector<16xi32>
        %mul3A_1895 = arith.constant 2 : i32
        %mul3A_1896 = arith.muli %scan3A_1750, %mul3A_1895 : i32
        %add3A_1897 = arith.constant 0 : i32
        %add3A_1898 = arith.addi %mul3A_1896, %add3A_1897 : i32
        %get3A_1899 = arith.index_cast %add3A_1898 : i32 to index
        %get3A_1900 = arith.constant 192 : index
        %get3A_1901 = tpu.vector_load %arg4[%get3A_1899, %get3A_1900] {strides = array<i32>} : memref<224x224xf32, #tpu.memory_space<vmem>>, vector<16xf32>,
        %mul3A_1902 = arith.constant 2.560000e+02 : f32
        %mul3A_1903 = vector.broadcast %mul3A_1902 : f32 to vector<16xf32>
        %mul3A_1904 = arith.mulf %get3A_1901, %mul3A_1903 : vector<16xf32>
        %convert_element_type3A_1905 = arith.fptosi %mul3A_1904 : vector<16xf32> to vector<16xi32>
        %add3A_1906 = arith.addi %convert_element_type3A_1905, %mul3A_6 : vector<16xi32>
        %mul3A_1907 = arith.constant 2 : i32
        %mul3A_1908 = arith.muli %scan3A_1750, %mul3A_1907 : i32
        %add3A_1909 = arith.constant 0 : i32
        %add3A_1910 = arith.addi %mul3A_1908, %add3A_1909 : i32
        %get3A_1911 = arith.index_cast %add3A_1910 : i32 to index
        %get3A_1912 = arith.constant 208 : index
        %get3A_1913 = tpu.vector_load %arg4[%get3A_1911, %get3A_1912] {strides = array<i32>} : memref<224x224xf32, #tpu.memory_space<vmem>>, vector<16xf32>,
        %mul3A_1914 = arith.constant 2.560000e+02 : f32
        %mul3A_1915 = vector.broadcast %mul3A_1914 : f32 to vector<16xf32>
        %mul3A_1916 = arith.mulf %get3A_1913, %mul3A_1915 : vector<16xf32>
        %convert_element_type3A_1917 = arith.fptosi %mul3A_1916 : vector<16xf32> to vector<16xi32>
        %add3A_1918 = arith.addi %convert_element_type3A_1917, %mul3A_6 : vector<16xi32>
        %mul3A_1919 = arith.constant 2 : i32
        %mul3A_1920 = arith.muli %scan3A_1750, %mul3A_1919 : i32
        %add3A_1921 = arith.constant 1 : i32
        %add3A_1922 = arith.addi %mul3A_1920, %add3A_1921 : i32
        %get3A_1923 = arith.index_cast %add3A_1922 : i32 to index
        %get3A_1924 = arith.constant 0 : index
        %get3A_1925 = tpu.vector_load %arg4[%get3A_1923, %get3A_1924] {strides = array<i32>} : memref<224x224xf32, #tpu.memory_space<vmem>>, vector<16xf32>,
        %mul3A_1926 = arith.constant 2.560000e+02 : f32
        %mul3A_1927 = vector.broadcast %mul3A_1926 : f32 to vector<16xf32>
        %mul3A_1928 = arith.mulf %get3A_1925, %mul3A_1927 : vector<16xf32>
        %convert_element_type3A_1929 = arith.fptosi %mul3A_1928 : vector<16xf32> to vector<16xi32>
        %add3A_1930 = arith.addi %convert_element_type3A_1929, %mul3A_6 : vector<16xi32>
        %mul3A_1931 = arith.constant 2 : i32
        %mul3A_1932 = arith.muli %scan3A_1750, %mul3A_1931 : i32
        %add3A_1933 = arith.constant 1 : i32
        %add3A_1934 = arith.addi %mul3A_1932, %add3A_1933 : i32
        %get3A_1935 = arith.index_cast %add3A_1934 : i32 to index
        %get3A_1936 = arith.constant 16 : index
        %get3A_1937 = tpu.vector_load %arg4[%get3A_1935, %get3A_1936] {strides = array<i32>} : memref<224x224xf32, #tpu.memory_space<vmem>>, vector<16xf32>,
        %mul3A_1938 = arith.constant 2.560000e+02 : f32
        %mul3A_1939 = vector.broadcast %mul3A_1938 : f32 to vector<16xf32>
        %mul3A_1940 = arith.mulf %get3A_1937, %mul3A_1939 : vector<16xf32>
        %convert_element_type3A_1941 = arith.fptosi %mul3A_1940 : vector<16xf32> to vector<16xi32>
        %add3A_1942 = arith.addi %convert_element_type3A_1941, %mul3A_6 : vector<16xi32>
        %mul3A_1943 = arith.constant 2 : i32
        %mul3A_1944 = arith.muli %scan3A_1750, %mul3A_1943 : i32
        %add3A_1945 = arith.constant 1 : i32
        %add3A_1946 = arith.addi %mul3A_1944, %add3A_1945 : i32
        %get3A_1947 = arith.index_cast %add3A_1946 : i32 to index
        %get3A_1948 = arith.constant 32 : index
        %get3A_1949 = tpu.vector_load %arg4[%get3A_1947, %get3A_1948] {strides = array<i32>} : memref<224x224xf32, #tpu.memory_space<vmem>>, vector<16xf32>,
        %mul3A_1950 = arith.constant 2.560000e+02 : f32
        %mul3A_1951 = vector.broadcast %mul3A_1950 : f32 to vector<16xf32>
        %mul3A_1952 = arith.mulf %get3A_1949, %mul3A_1951 : vector<16xf32>
        %convert_element_type3A_1953 = arith.fptosi %mul3A_1952 : vector<16xf32> to vector<16xi32>
        %add3A_1954 = arith.addi %convert_element_type3A_1953, %mul3A_6 : vector<16xi32>
        %mul3A_1955 = arith.constant 2 : i32
        %mul3A_1956 = arith.muli %scan3A_1750, %mul3A_1955 : i32
        %add3A_1957 = arith.constant 1 : i32
        %add3A_1958 = arith.addi %mul3A_1956, %add3A_1957 : i32
        %get3A_1959 = arith.index_cast %add3A_1958 : i32 to index
        %get3A_1960 = arith.constant 48 : index
        %get3A_1961 = tpu.vector_load %arg4[%get3A_1959, %get3A_1960] {strides = array<i32>} : memref<224x224xf32, #tpu.memory_space<vmem>>, vector<16xf32>,
        %mul3A_1962 = arith.constant 2.560000e+02 : f32
        %mul3A_1963 = vector.broadcast %mul3A_1962 : f32 to vector<16xf32>
        %mul3A_1964 = arith.mulf %get3A_1961, %mul3A_1963 : vector<16xf32>
        %convert_element_type3A_1965 = arith.fptosi %mul3A_1964 : vector<16xf32> to vector<16xi32>
        %add3A_1966 = arith.addi %convert_element_type3A_1965, %mul3A_6 : vector<16xi32>
        %mul3A_1967 = arith.constant 2 : i32
        %mul3A_1968 = arith.muli %scan3A_1750, %mul3A_1967 : i32
        %add3A_1969 = arith.constant 1 : i32
        %add3A_1970 = arith.addi %mul3A_1968, %add3A_1969 : i32
        %get3A_1971 = arith.index_cast %add3A_1970 : i32 to index
        %get3A_1972 = arith.constant 64 : index
        %get3A_1973 = tpu.vector_load %arg4[%get3A_1971, %get3A_1972] {strides = array<i32>} : memref<224x224xf32, #tpu.memory_space<vmem>>, vector<16xf32>,
        %mul3A_1974 = arith.constant 2.560000e+02 : f32
        %mul3A_1975 = vector.broadcast %mul3A_1974 : f32 to vector<16xf32>
        %mul3A_1976 = arith.mulf %get3A_1973, %mul3A_1975 : vector<16xf32>
        %convert_element_type3A_1977 = arith.fptosi %mul3A_1976 : vector<16xf32> to vector<16xi32>
        %add3A_1978 = arith.addi %convert_element_type3A_1977, %mul3A_6 : vector<16xi32>
        %mul3A_1979 = arith.constant 2 : i32
        %mul3A_1980 = arith.muli %scan3A_1750, %mul3A_1979 : i32
        %add3A_1981 = arith.constant 1 : i32
        %add3A_1982 = arith.addi %mul3A_1980, %add3A_1981 : i32
        %get3A_1983 = arith.index_cast %add3A_1982 : i32 to index
        %get3A_1984 = arith.constant 80 : index
        %get3A_1985 = tpu.vector_load %arg4[%get3A_1983, %get3A_1984] {strides = array<i32>} : memref<224x224xf32, #tpu.memory_space<vmem>>, vector<16xf32>,
        %mul3A_1986 = arith.constant 2.560000e+02 : f32
        %mul3A_1987 = vector.broadcast %mul3A_1986 : f32 to vector<16xf32>
        %mul3A_1988 = arith.mulf %get3A_1985, %mul3A_1987 : vector<16xf32>
        %convert_element_type3A_1989 = arith.fptosi %mul3A_1988 : vector<16xf32> to vector<16xi32>
        %add3A_1990 = arith.addi %convert_element_type3A_1989, %mul3A_6 : vector<16xi32>
        %mul3A_1991 = arith.constant 2 : i32
        %mul3A_1992 = arith.muli %scan3A_1750, %mul3A_1991 : i32
        %add3A_1993 = arith.constant 1 : i32
        %add3A_1994 = arith.addi %mul3A_1992, %add3A_1993 : i32
        %get3A_1995 = arith.index_cast %add3A_1994 : i32 to index
        %get3A_1996 = arith.constant 96 : index
        %get3A_1997 = tpu.vector_load %arg4[%get3A_1995, %get3A_1996] {strides = array<i32>} : memref<224x224xf32, #tpu.memory_space<vmem>>, vector<16xf32>,
        %mul3A_1998 = arith.constant 2.560000e+02 : f32
        %mul3A_1999 = vector.broadcast %mul3A_1998 : f32 to vector<16xf32>
        %mul3A_2000 = arith.mulf %get3A_1997, %mul3A_1999 : vector<16xf32>
        %convert_element_type3A_2001 = arith.fptosi %mul3A_2000 : vector<16xf32> to vector<16xi32>
        %add3A_2002 = arith.addi %convert_element_type3A_2001, %mul3A_6 : vector<16xi32>
        %mul3A_2003 = arith.constant 2 : i32
        %mul3A_2004 = arith.muli %scan3A_1750, %mul3A_2003 : i32
        %add3A_2005 = arith.constant 1 : i32
        %add3A_2006 = arith.addi %mul3A_2004, %add3A_2005 : i32
        %get3A_2007 = arith.index_cast %add3A_2006 : i32 to index
        %get3A_2008 = arith.constant 112 : index
        %get3A_2009 = tpu.vector_load %arg4[%get3A_2007, %get3A_2008] {strides = array<i32>} : memref<224x224xf32, #tpu.memory_space<vmem>>, vector<16xf32>,
        %mul3A_2010 = arith.constant 2.560000e+02 : f32
        %mul3A_2011 = vector.broadcast %mul3A_2010 : f32 to vector<16xf32>
        %mul3A_2012 = arith.mulf %get3A_2009, %mul3A_2011 : vector<16xf32>
        %convert_element_type3A_2013 = arith.fptosi %mul3A_2012 : vector<16xf32> to vector<16xi32>
        %add3A_2014 = arith.addi %convert_element_type3A_2013, %mul3A_6 : vector<16xi32>
        %mul3A_2015 = arith.constant 2 : i32
        %mul3A_2016 = arith.muli %scan3A_1750, %mul3A_2015 : i32
        %add3A_2017 = arith.constant 1 : i32
        %add3A_2018 = arith.addi %mul3A_2016, %add3A_2017 : i32
        %get3A_2019 = arith.index_cast %add3A_2018 : i32 to index
        %get3A_2020 = arith.constant 128 : index
        %get3A_2021 = tpu.vector_load %arg4[%get3A_2019, %get3A_2020] {strides = array<i32>} : memref<224x224xf32, #tpu.memory_space<vmem>>, vector<16xf32>,
        %mul3A_2022 = arith.constant 2.560000e+02 : f32
        %mul3A_2023 = vector.broadcast %mul3A_2022 : f32 to vector<16xf32>
        %mul3A_2024 = arith.mulf %get3A_2021, %mul3A_2023 : vector<16xf32>
        %convert_element_type3A_2025 = arith.fptosi %mul3A_2024 : vector<16xf32> to vector<16xi32>
        %add3A_2026 = arith.addi %convert_element_type3A_2025, %mul3A_6 : vector<16xi32>
        %mul3A_2027 = arith.constant 2 : i32
        %mul3A_2028 = arith.muli %scan3A_1750, %mul3A_2027 : i32
        %add3A_2029 = arith.constant 1 : i32
        %add3A_2030 = arith.addi %mul3A_2028, %add3A_2029 : i32
        %get3A_2031 = arith.index_cast %add3A_2030 : i32 to index
        %get3A_2032 = arith.constant 144 : index
        %get3A_2033 = tpu.vector_load %arg4[%get3A_2031, %get3A_2032] {strides = array<i32>} : memref<224x224xf32, #tpu.memory_space<vmem>>, vector<16xf32>,
        %mul3A_2034 = arith.constant 2.560000e+02 : f32
        %mul3A_2035 = vector.broadcast %mul3A_2034 : f32 to vector<16xf32>
        %mul3A_2036 = arith.mulf %get3A_2033, %mul3A_2035 : vector<16xf32>
        %convert_element_type3A_2037 = arith.fptosi %mul3A_2036 : vector<16xf32> to vector<16xi32>
        %add3A_2038 = arith.addi %convert_element_type3A_2037, %mul3A_6 : vector<16xi32>
        %mul3A_2039 = arith.constant 2 : i32
        %mul3A_2040 = arith.muli %scan3A_1750, %mul3A_2039 : i32
        %add3A_2041 = arith.constant 1 : i32
        %add3A_2042 = arith.addi %mul3A_2040, %add3A_2041 : i32
        %get3A_2043 = arith.index_cast %add3A_2042 : i32 to index
        %get3A_2044 = arith.constant 160 : index
        %get3A_2045 = tpu.vector_load %arg4[%get3A_2043, %get3A_2044] {strides = array<i32>} : memref<224x224xf32, #tpu.memory_space<vmem>>, vector<16xf32>,
        %mul3A_2046 = arith.constant 2.560000e+02 : f32
        %mul3A_2047 = vector.broadcast %mul3A_2046 : f32 to vector<16xf32>
        %mul3A_2048 = arith.mulf %get3A_2045, %mul3A_2047 : vector<16xf32>
        %convert_element_type3A_2049 = arith.fptosi %mul3A_2048 : vector<16xf32> to vector<16xi32>
        %add3A_2050 = arith.addi %convert_element_type3A_2049, %mul3A_6 : vector<16xi32>
        %mul3A_2051 = arith.constant 2 : i32
        %mul3A_2052 = arith.muli %scan3A_1750, %mul3A_2051 : i32
        %add3A_2053 = arith.constant 1 : i32
        %add3A_2054 = arith.addi %mul3A_2052, %add3A_2053 : i32
        %get3A_2055 = arith.index_cast %add3A_2054 : i32 to index
        %get3A_2056 = arith.constant 176 : index
        %get3A_2057 = tpu.vector_load %arg4[%get3A_2055, %get3A_2056] {strides = array<i32>} : memref<224x224xf32, #tpu.memory_space<vmem>>, vector<16xf32>,
        %mul3A_2058 = arith.constant 2.560000e+02 : f32
        %mul3A_2059 = vector.broadcast %mul3A_2058 : f32 to vector<16xf32>
        %mul3A_2060 = arith.mulf %get3A_2057, %mul3A_2059 : vector<16xf32>
        %convert_element_type3A_2061 = arith.fptosi %mul3A_2060 : vector<16xf32> to vector<16xi32>
        %add3A_2062 = arith.addi %convert_element_type3A_2061, %mul3A_6 : vector<16xi32>
        %mul3A_2063 = arith.constant 2 : i32
        %mul3A_2064 = arith.muli %scan3A_1750, %mul3A_2063 : i32
        %add3A_2065 = arith.constant 1 : i32
        %add3A_2066 = arith.addi %mul3A_2064, %add3A_2065 : i32
        %get3A_2067 = arith.index_cast %add3A_2066 : i32 to index
        %get3A_2068 = arith.constant 192 : index
        %get3A_2069 = tpu.vector_load %arg4[%get3A_2067, %get3A_2068] {strides = array<i32>} : memref<224x224xf32, #tpu.memory_space<vmem>>, vector<16xf32>,
        %mul3A_2070 = arith.constant 2.560000e+02 : f32
        %mul3A_2071 = vector.broadcast %mul3A_2070 : f32 to vector<16xf32>
        %mul3A_2072 = arith.mulf %get3A_2069, %mul3A_2071 : vector<16xf32>
        %convert_element_type3A_2073 = arith.fptosi %mul3A_2072 : vector<16xf32> to vector<16xi32>
        %add3A_2074 = arith.addi %convert_element_type3A_2073, %mul3A_6 : vector<16xi32>
        %mul3A_2075 = arith.constant 2 : i32
        %mul3A_2076 = arith.muli %scan3A_1750, %mul3A_2075 : i32
        %add3A_2077 = arith.constant 1 : i32
        %add3A_2078 = arith.addi %mul3A_2076, %add3A_2077 : i32
        %get3A_2079 = arith.index_cast %add3A_2078 : i32 to index
        %get3A_2080 = arith.constant 208 : index
        %get3A_2081 = tpu.vector_load %arg4[%get3A_2079, %get3A_2080] {strides = array<i32>} : memref<224x224xf32, #tpu.memory_space<vmem>>, vector<16xf32>,
        %mul3A_2082 = arith.constant 2.560000e+02 : f32
        %mul3A_2083 = vector.broadcast %mul3A_2082 : f32 to vector<16xf32>
        %mul3A_2084 = arith.mulf %get3A_2081, %mul3A_2083 : vector<16xf32>
        %convert_element_type3A_2085 = arith.fptosi %mul3A_2084 : vector<16xf32> to vector<16xi32>
        %add3A_2086 = arith.addi %convert_element_type3A_2085, %mul3A_6 : vector<16xi32>
        tpu.vector_store_idx %arg6[%add3A_1762], %broadcast_in_dim3A_3 {add = true} : memref<4112xf32, #tpu.memory_space<vmem>>[vector<16xi32>], vector<16xf32>,
        tpu.vector_store_idx %arg6[%add3A_1774], %broadcast_in_dim3A_3 {add = true} : memref<4112xf32, #tpu.memory_space<vmem>>[vector<16xi32>], vector<16xf32>,
        tpu.vector_store_idx %arg6[%add3A_1786], %broadcast_in_dim3A_3 {add = true} : memref<4112xf32, #tpu.memory_space<vmem>>[vector<16xi32>], vector<16xf32>,
        tpu.vector_store_idx %arg6[%add3A_1798], %broadcast_in_dim3A_3 {add = true} : memref<4112xf32, #tpu.memory_space<vmem>>[vector<16xi32>], vector<16xf32>,
        tpu.vector_store_idx %arg6[%add3A_1810], %broadcast_in_dim3A_3 {add = true} : memref<4112xf32, #tpu.memory_space<vmem>>[vector<16xi32>], vector<16xf32>,
        tpu.vector_store_idx %arg6[%add3A_1822], %broadcast_in_dim3A_3 {add = true} : memref<4112xf32, #tpu.memory_space<vmem>>[vector<16xi32>], vector<16xf32>,
        tpu.vector_store_idx %arg6[%add3A_1834], %broadcast_in_dim3A_3 {add = true} : memref<4112xf32, #tpu.memory_space<vmem>>[vector<16xi32>], vector<16xf32>,
        tpu.vector_store_idx %arg6[%add3A_1846], %broadcast_in_dim3A_3 {add = true} : memref<4112xf32, #tpu.memory_space<vmem>>[vector<16xi32>], vector<16xf32>,
        tpu.vector_store_idx %arg6[%add3A_1858], %broadcast_in_dim3A_3 {add = true} : memref<4112xf32, #tpu.memory_space<vmem>>[vector<16xi32>], vector<16xf32>,
        tpu.vector_store_idx %arg6[%add3A_1870], %broadcast_in_dim3A_3 {add = true} : memref<4112xf32, #tpu.memory_space<vmem>>[vector<16xi32>], vector<16xf32>,
        tpu.vector_store_idx %arg6[%add3A_1882], %broadcast_in_dim3A_3 {add = true} : memref<4112xf32, #tpu.memory_space<vmem>>[vector<16xi32>], vector<16xf32>,
        tpu.vector_store_idx %arg6[%add3A_1894], %broadcast_in_dim3A_3 {add = true} : memref<4112xf32, #tpu.memory_space<vmem>>[vector<16xi32>], vector<16xf32>,
        tpu.vector_store_idx %arg6[%add3A_1906], %broadcast_in_dim3A_3 {add = true} : memref<4112xf32, #tpu.memory_space<vmem>>[vector<16xi32>], vector<16xf32>,
        tpu.vector_store_idx %arg6[%add3A_1918], %broadcast_in_dim3A_3 {add = true} : memref<4112xf32, #tpu.memory_space<vmem>>[vector<16xi32>], vector<16xf32>,
        tpu.vector_store_idx %arg6[%add3A_1930], %broadcast_in_dim3A_3 {add = true} : memref<4112xf32, #tpu.memory_space<vmem>>[vector<16xi32>], vector<16xf32>,
        tpu.vector_store_idx %arg6[%add3A_1942], %broadcast_in_dim3A_3 {add = true} : memref<4112xf32, #tpu.memory_space<vmem>>[vector<16xi32>], vector<16xf32>,
        tpu.vector_store_idx %arg6[%add3A_1954], %broadcast_in_dim3A_3 {add = true} : memref<4112xf32, #tpu.memory_space<vmem>>[vector<16xi32>], vector<16xf32>,
        tpu.vector_store_idx %arg6[%add3A_1966], %broadcast_in_dim3A_3 {add = true} : memref<4112xf32, #tpu.memory_space<vmem>>[vector<16xi32>], vector<16xf32>,
        tpu.vector_store_idx %arg6[%add3A_1978], %broadcast_in_dim3A_3 {add = true} : memref<4112xf32, #tpu.memory_space<vmem>>[vector<16xi32>], vector<16xf32>,
        tpu.vector_store_idx %arg6[%add3A_1990], %broadcast_in_dim3A_3 {add = true} : memref<4112xf32, #tpu.memory_space<vmem>>[vector<16xi32>], vector<16xf32>,
        tpu.vector_store_idx %arg6[%add3A_2002], %broadcast_in_dim3A_3 {add = true} : memref<4112xf32, #tpu.memory_space<vmem>>[vector<16xi32>], vector<16xf32>,
        tpu.vector_store_idx %arg6[%add3A_2014], %broadcast_in_dim3A_3 {add = true} : memref<4112xf32, #tpu.memory_space<vmem>>[vector<16xi32>], vector<16xf32>,
        tpu.vector_store_idx %arg6[%add3A_2026], %broadcast_in_dim3A_3 {add = true} : memref<4112xf32, #tpu.memory_space<vmem>>[vector<16xi32>], vector<16xf32>,
        tpu.vector_store_idx %arg6[%add3A_2038], %broadcast_in_dim3A_3 {add = true} : memref<4112xf32, #tpu.memory_space<vmem>>[vector<16xi32>], vector<16xf32>,
        tpu.vector_store_idx %arg6[%add3A_2050], %broadcast_in_dim3A_3 {add = true} : memref<4112xf32, #tpu.memory_space<vmem>>[vector<16xi32>], vector<16xf32>,
        tpu.vector_store_idx %arg6[%add3A_2062], %broadcast_in_dim3A_3 {add = true} : memref<4112xf32, #tpu.memory_space<vmem>>[vector<16xi32>], vector<16xf32>,
        tpu.vector_store_idx %arg6[%add3A_2074], %broadcast_in_dim3A_3 {add = true} : memref<4112xf32, #tpu.memory_space<vmem>>[vector<16xi32>], vector<16xf32>,
        tpu.vector_store_idx %arg6[%add3A_2086], %broadcast_in_dim3A_3 {add = true} : memref<4112xf32, #tpu.memory_space<vmem>>[vector<16xi32>], vector<16xf32>,
      }
      %scan3A_1392 = arith.constant 112 : i32
      %add3A_1393 = arith.constant 2 : i32
      %add3A_1394 = arith.addi %mul3A_1368, %add3A_1393 : i32
      %lt3A_1395 = arith.constant 24 : i32
      %lt3A_1396 = arith.cmpi slt, %add3A_1394, %lt3A_1395 : i32
      %convert_element_type3A = arith.extui %lt3A_1396 : i1 to i32
      %cond3A = arith.constant 0 : i32
      %cond3A_1397 = arith.cmpi ne, %convert_element_type3A, %cond3A : i32
      scf.if %cond3A_1397 {
        %add3A_1413 = arith.constant 2 : i32
        %add3A_1414 = arith.addi %mul3A_1368, %add3A_1413 : i32
        %dma_start3A_1415 = arith.constant 0 : i32
        %dma_start3A_1416 = arith.constant 0 : i32
        %dma_start3A_1417 = tpu.memref_slice %arg2[%add3A, %add3A_1414, %dma_start3A_1415, %dma_start3A_1416] : memref<32x24x224x224xf32, #tpu.memory_space<hbm>> -> memref<1x1x224x224xf32, #tpu.memory_space<hbm>>
        %dma_start3A_1418 = tpu.memref_squeeze %dma_start3A_1417 : memref<1x1x224x224xf32, #tpu.memory_space<hbm>> -> memref<224x224xf32, #tpu.memory_space<hbm>>
        %dma_start3A_1419 = arith.constant 0 : i32
        %dma_start3A_1420 = arith.constant 0 : i32
        %dma_start3A_1421 = tpu.memref_slice %arg2[%add3A, %add3A_1414, %dma_start3A_1419, %dma_start3A_1420] : memref<32x24x224x224xf32, #tpu.memory_space<hbm>> -> memref<1x1x224x224xf32, #tpu.memory_space<hbm>>
        %dma_start3A_1422 = tpu.memref_squeeze %dma_start3A_1421 : memref<1x1x224x224xf32, #tpu.memory_space<hbm>> -> memref<224x224xf32, #tpu.memory_space<hbm>>
        tpu.enqueue_dma source(%dma_start3A_1422 : memref<224x224xf32, #tpu.memory_space<hbm>>) target(%arg4 : memref<224x224xf32, #tpu.memory_space<vmem>>) target_semaphore(%arg8 : memref<!tpu.dma_semaphore, #tpu.memory_space<semaphore_mem>>)
      } else {
      }
      %dma_wait3A_1398 = arith.constant 0 : i32
      %dma_wait3A_1399 = arith.constant 0 : i32
      %dma_wait3A_1400 = arith.constant 0 : i32
      %dma_wait3A_1401 = tpu.memref_slice %arg2[%add3A, %dma_wait3A_1398, %dma_wait3A_1399, %dma_wait3A_1400] : memref<32x24x224x224xf32, #tpu.memory_space<hbm>> -> memref<1x1x224x224xf32, #tpu.memory_space<hbm>>
      %dma_wait3A_1402 = tpu.memref_squeeze %dma_wait3A_1401 : memref<1x1x224x224xf32, #tpu.memory_space<hbm>> -> memref<224x224xf32, #tpu.memory_space<hbm>>
      %dma_wait3A_1403 = arith.constant 0 : i32
      %dma_wait3A_1404 = arith.constant 0 : i32
      %dma_wait3A_1405 = tpu.memref_slice %arg2[%add3A, %dma_wait3A_1398, %dma_wait3A_1403, %dma_wait3A_1404] : memref<32x24x224x224xf32, #tpu.memory_space<hbm>> -> memref<1x1x224x224xf32, #tpu.memory_space<hbm>>
      %dma_wait3A_1406 = tpu.memref_squeeze %dma_wait3A_1405 : memref<1x1x224x224xf32, #tpu.memory_space<hbm>> -> memref<224x224xf32, #tpu.memory_space<hbm>>
      tpu.wait_dma2 semaphore(%arg9 : memref<!tpu.dma_semaphore, #tpu.memory_space<semaphore_mem>>) src(%dma_wait3A_1406 : memref<224x224xf32, #tpu.memory_space<hbm>>) dst(%arg5 : memref<224x224xf32, #tpu.memory_space<vmem>>)
      %scan3A_1407 = arith.constant 0 : i32
      %scan3A_1408 = arith.constant 0 : i32
      %scan3A_1409 = arith.constant 112 : i32
      %scan3A_1410 = arith.addi %scan3A_1408, %scan3A_1409 : i32
      %scan3A_1411 = arith.constant 2 : i32
      scf.for %scan3A_1413 = %scan3A_1408 to %scan3A_1410 step %scan3A_1411  : i32 {
        %mul3A_1414 = arith.constant 2 : i32
        %mul3A_1415 = arith.muli %scan3A_1413, %mul3A_1414 : i32
        %add3A_1416 = arith.constant 0 : i32
        %add3A_1417 = arith.addi %mul3A_1415, %add3A_1416 : i32
        %get3A = arith.index_cast %add3A_1417 : i32 to index
        %get3A_1418 = arith.constant 0 : index
        %get3A_1419 = tpu.vector_load %arg5[%get3A, %get3A_1418] {strides = array<i32>} : memref<224x224xf32, #tpu.memory_space<vmem>>, vector<16xf32>,
        %mul3A_1420 = arith.constant 2.560000e+02 : f32
        %mul3A_1421 = vector.broadcast %mul3A_1420 : f32 to vector<16xf32>
        %mul3A_1422 = arith.mulf %get3A_1419, %mul3A_1421 : vector<16xf32>
        %convert_element_type3A_1423 = arith.fptosi %mul3A_1422 : vector<16xf32> to vector<16xi32>
        %add3A_1424 = arith.addi %convert_element_type3A_1423, %mul3A_6 : vector<16xi32>
        %mul3A_1425 = arith.constant 2 : i32
        %mul3A_1426 = arith.muli %scan3A_1413, %mul3A_1425 : i32
        %add3A_1427 = arith.constant 0 : i32
        %add3A_1428 = arith.addi %mul3A_1426, %add3A_1427 : i32
        %get3A_1429 = arith.index_cast %add3A_1428 : i32 to index
        %get3A_1430 = arith.constant 16 : index
        %get3A_1431 = tpu.vector_load %arg5[%get3A_1429, %get3A_1430] {strides = array<i32>} : memref<224x224xf32, #tpu.memory_space<vmem>>, vector<16xf32>,
        %mul3A_1432 = arith.constant 2.560000e+02 : f32
        %mul3A_1433 = vector.broadcast %mul3A_1432 : f32 to vector<16xf32>
        %mul3A_1434 = arith.mulf %get3A_1431, %mul3A_1433 : vector<16xf32>
        %convert_element_type3A_1435 = arith.fptosi %mul3A_1434 : vector<16xf32> to vector<16xi32>
        %add3A_1436 = arith.addi %convert_element_type3A_1435, %mul3A_6 : vector<16xi32>
        %mul3A_1437 = arith.constant 2 : i32
        %mul3A_1438 = arith.muli %scan3A_1413, %mul3A_1437 : i32
        %add3A_1439 = arith.constant 0 : i32
        %add3A_1440 = arith.addi %mul3A_1438, %add3A_1439 : i32
        %get3A_1441 = arith.index_cast %add3A_1440 : i32 to index
        %get3A_1442 = arith.constant 32 : index
        %get3A_1443 = tpu.vector_load %arg5[%get3A_1441, %get3A_1442] {strides = array<i32>} : memref<224x224xf32, #tpu.memory_space<vmem>>, vector<16xf32>,
        %mul3A_1444 = arith.constant 2.560000e+02 : f32
        %mul3A_1445 = vector.broadcast %mul3A_1444 : f32 to vector<16xf32>
        %mul3A_1446 = arith.mulf %get3A_1443, %mul3A_1445 : vector<16xf32>
        %convert_element_type3A_1447 = arith.fptosi %mul3A_1446 : vector<16xf32> to vector<16xi32>
        %add3A_1448 = arith.addi %convert_element_type3A_1447, %mul3A_6 : vector<16xi32>
        %mul3A_1449 = arith.constant 2 : i32
        %mul3A_1450 = arith.muli %scan3A_1413, %mul3A_1449 : i32
        %add3A_1451 = arith.constant 0 : i32
        %add3A_1452 = arith.addi %mul3A_1450, %add3A_1451 : i32
        %get3A_1453 = arith.index_cast %add3A_1452 : i32 to index
        %get3A_1454 = arith.constant 48 : index
        %get3A_1455 = tpu.vector_load %arg5[%get3A_1453, %get3A_1454] {strides = array<i32>} : memref<224x224xf32, #tpu.memory_space<vmem>>, vector<16xf32>,
        %mul3A_1456 = arith.constant 2.560000e+02 : f32
        %mul3A_1457 = vector.broadcast %mul3A_1456 : f32 to vector<16xf32>
        %mul3A_1458 = arith.mulf %get3A_1455, %mul3A_1457 : vector<16xf32>
        %convert_element_type3A_1459 = arith.fptosi %mul3A_1458 : vector<16xf32> to vector<16xi32>
        %add3A_1460 = arith.addi %convert_element_type3A_1459, %mul3A_6 : vector<16xi32>
        %mul3A_1461 = arith.constant 2 : i32
        %mul3A_1462 = arith.muli %scan3A_1413, %mul3A_1461 : i32
        %add3A_1463 = arith.constant 0 : i32
        %add3A_1464 = arith.addi %mul3A_1462, %add3A_1463 : i32
        %get3A_1465 = arith.index_cast %add3A_1464 : i32 to index
        %get3A_1466 = arith.constant 64 : index
        %get3A_1467 = tpu.vector_load %arg5[%get3A_1465, %get3A_1466] {strides = array<i32>} : memref<224x224xf32, #tpu.memory_space<vmem>>, vector<16xf32>,
        %mul3A_1468 = arith.constant 2.560000e+02 : f32
        %mul3A_1469 = vector.broadcast %mul3A_1468 : f32 to vector<16xf32>
        %mul3A_1470 = arith.mulf %get3A_1467, %mul3A_1469 : vector<16xf32>
        %convert_element_type3A_1471 = arith.fptosi %mul3A_1470 : vector<16xf32> to vector<16xi32>
        %add3A_1472 = arith.addi %convert_element_type3A_1471, %mul3A_6 : vector<16xi32>
        %mul3A_1473 = arith.constant 2 : i32
        %mul3A_1474 = arith.muli %scan3A_1413, %mul3A_1473 : i32
        %add3A_1475 = arith.constant 0 : i32
        %add3A_1476 = arith.addi %mul3A_1474, %add3A_1475 : i32
        %get3A_1477 = arith.index_cast %add3A_1476 : i32 to index
        %get3A_1478 = arith.constant 80 : index
        %get3A_1479 = tpu.vector_load %arg5[%get3A_1477, %get3A_1478] {strides = array<i32>} : memref<224x224xf32, #tpu.memory_space<vmem>>, vector<16xf32>,
        %mul3A_1480 = arith.constant 2.560000e+02 : f32
        %mul3A_1481 = vector.broadcast %mul3A_1480 : f32 to vector<16xf32>
        %mul3A_1482 = arith.mulf %get3A_1479, %mul3A_1481 : vector<16xf32>
        %convert_element_type3A_1483 = arith.fptosi %mul3A_1482 : vector<16xf32> to vector<16xi32>
        %add3A_1484 = arith.addi %convert_element_type3A_1483, %mul3A_6 : vector<16xi32>
        %mul3A_1485 = arith.constant 2 : i32
        %mul3A_1486 = arith.muli %scan3A_1413, %mul3A_1485 : i32
        %add3A_1487 = arith.constant 0 : i32
        %add3A_1488 = arith.addi %mul3A_1486, %add3A_1487 : i32
        %get3A_1489 = arith.index_cast %add3A_1488 : i32 to index
        %get3A_1490 = arith.constant 96 : index
        %get3A_1491 = tpu.vector_load %arg5[%get3A_1489, %get3A_1490] {strides = array<i32>} : memref<224x224xf32, #tpu.memory_space<vmem>>, vector<16xf32>,
        %mul3A_1492 = arith.constant 2.560000e+02 : f32
        %mul3A_1493 = vector.broadcast %mul3A_1492 : f32 to vector<16xf32>
        %mul3A_1494 = arith.mulf %get3A_1491, %mul3A_1493 : vector<16xf32>
        %convert_element_type3A_1495 = arith.fptosi %mul3A_1494 : vector<16xf32> to vector<16xi32>
        %add3A_1496 = arith.addi %convert_element_type3A_1495, %mul3A_6 : vector<16xi32>
        %mul3A_1497 = arith.constant 2 : i32
        %mul3A_1498 = arith.muli %scan3A_1413, %mul3A_1497 : i32
        %add3A_1499 = arith.constant 0 : i32
        %add3A_1500 = arith.addi %mul3A_1498, %add3A_1499 : i32
        %get3A_1501 = arith.index_cast %add3A_1500 : i32 to index
        %get3A_1502 = arith.constant 112 : index
        %get3A_1503 = tpu.vector_load %arg5[%get3A_1501, %get3A_1502] {strides = array<i32>} : memref<224x224xf32, #tpu.memory_space<vmem>>, vector<16xf32>,
        %mul3A_1504 = arith.constant 2.560000e+02 : f32
        %mul3A_1505 = vector.broadcast %mul3A_1504 : f32 to vector<16xf32>
        %mul3A_1506 = arith.mulf %get3A_1503, %mul3A_1505 : vector<16xf32>
        %convert_element_type3A_1507 = arith.fptosi %mul3A_1506 : vector<16xf32> to vector<16xi32>
        %add3A_1508 = arith.addi %convert_element_type3A_1507, %mul3A_6 : vector<16xi32>
        %mul3A_1509 = arith.constant 2 : i32
        %mul3A_1510 = arith.muli %scan3A_1413, %mul3A_1509 : i32
        %add3A_1511 = arith.constant 0 : i32
        %add3A_1512 = arith.addi %mul3A_1510, %add3A_1511 : i32
        %get3A_1513 = arith.index_cast %add3A_1512 : i32 to index
        %get3A_1514 = arith.constant 128 : index
        %get3A_1515 = tpu.vector_load %arg5[%get3A_1513, %get3A_1514] {strides = array<i32>} : memref<224x224xf32, #tpu.memory_space<vmem>>, vector<16xf32>,
        %mul3A_1516 = arith.constant 2.560000e+02 : f32
        %mul3A_1517 = vector.broadcast %mul3A_1516 : f32 to vector<16xf32>
        %mul3A_1518 = arith.mulf %get3A_1515, %mul3A_1517 : vector<16xf32>
        %convert_element_type3A_1519 = arith.fptosi %mul3A_1518 : vector<16xf32> to vector<16xi32>
        %add3A_1520 = arith.addi %convert_element_type3A_1519, %mul3A_6 : vector<16xi32>
        %mul3A_1521 = arith.constant 2 : i32
        %mul3A_1522 = arith.muli %scan3A_1413, %mul3A_1521 : i32
        %add3A_1523 = arith.constant 0 : i32
        %add3A_1524 = arith.addi %mul3A_1522, %add3A_1523 : i32
        %get3A_1525 = arith.index_cast %add3A_1524 : i32 to index
        %get3A_1526 = arith.constant 144 : index
        %get3A_1527 = tpu.vector_load %arg5[%get3A_1525, %get3A_1526] {strides = array<i32>} : memref<224x224xf32, #tpu.memory_space<vmem>>, vector<16xf32>,
        %mul3A_1528 = arith.constant 2.560000e+02 : f32
        %mul3A_1529 = vector.broadcast %mul3A_1528 : f32 to vector<16xf32>
        %mul3A_1530 = arith.mulf %get3A_1527, %mul3A_1529 : vector<16xf32>
        %convert_element_type3A_1531 = arith.fptosi %mul3A_1530 : vector<16xf32> to vector<16xi32>
        %add3A_1532 = arith.addi %convert_element_type3A_1531, %mul3A_6 : vector<16xi32>
        %mul3A_1533 = arith.constant 2 : i32
        %mul3A_1534 = arith.muli %scan3A_1413, %mul3A_1533 : i32
        %add3A_1535 = arith.constant 0 : i32
        %add3A_1536 = arith.addi %mul3A_1534, %add3A_1535 : i32
        %get3A_1537 = arith.index_cast %add3A_1536 : i32 to index
        %get3A_1538 = arith.constant 160 : index
        %get3A_1539 = tpu.vector_load %arg5[%get3A_1537, %get3A_1538] {strides = array<i32>} : memref<224x224xf32, #tpu.memory_space<vmem>>, vector<16xf32>,
        %mul3A_1540 = arith.constant 2.560000e+02 : f32
        %mul3A_1541 = vector.broadcast %mul3A_1540 : f32 to vector<16xf32>
        %mul3A_1542 = arith.mulf %get3A_1539, %mul3A_1541 : vector<16xf32>
        %convert_element_type3A_1543 = arith.fptosi %mul3A_1542 : vector<16xf32> to vector<16xi32>
        %add3A_1544 = arith.addi %convert_element_type3A_1543, %mul3A_6 : vector<16xi32>
        %mul3A_1545 = arith.constant 2 : i32
        %mul3A_1546 = arith.muli %scan3A_1413, %mul3A_1545 : i32
        %add3A_1547 = arith.constant 0 : i32
        %add3A_1548 = arith.addi %mul3A_1546, %add3A_1547 : i32
        %get3A_1549 = arith.index_cast %add3A_1548 : i32 to index
        %get3A_1550 = arith.constant 176 : index
        %get3A_1551 = tpu.vector_load %arg5[%get3A_1549, %get3A_1550] {strides = array<i32>} : memref<224x224xf32, #tpu.memory_space<vmem>>, vector<16xf32>,
        %mul3A_1552 = arith.constant 2.560000e+02 : f32
        %mul3A_1553 = vector.broadcast %mul3A_1552 : f32 to vector<16xf32>
        %mul3A_1554 = arith.mulf %get3A_1551, %mul3A_1553 : vector<16xf32>
        %convert_element_type3A_1555 = arith.fptosi %mul3A_1554 : vector<16xf32> to vector<16xi32>
        %add3A_1556 = arith.addi %convert_element_type3A_1555, %mul3A_6 : vector<16xi32>
        %mul3A_1557 = arith.constant 2 : i32
        %mul3A_1558 = arith.muli %scan3A_1413, %mul3A_1557 : i32
        %add3A_1559 = arith.constant 0 : i32
        %add3A_1560 = arith.addi %mul3A_1558, %add3A_1559 : i32
        %get3A_1561 = arith.index_cast %add3A_1560 : i32 to index
        %get3A_1562 = arith.constant 192 : index
        %get3A_1563 = tpu.vector_load %arg5[%get3A_1561, %get3A_1562] {strides = array<i32>} : memref<224x224xf32, #tpu.memory_space<vmem>>, vector<16xf32>,
        %mul3A_1564 = arith.constant 2.560000e+02 : f32
        %mul3A_1565 = vector.broadcast %mul3A_1564 : f32 to vector<16xf32>
        %mul3A_1566 = arith.mulf %get3A_1563, %mul3A_1565 : vector<16xf32>
        %convert_element_type3A_1567 = arith.fptosi %mul3A_1566 : vector<16xf32> to vector<16xi32>
        %add3A_1568 = arith.addi %convert_element_type3A_1567, %mul3A_6 : vector<16xi32>
        %mul3A_1569 = arith.constant 2 : i32
        %mul3A_1570 = arith.muli %scan3A_1413, %mul3A_1569 : i32
        %add3A_1571 = arith.constant 0 : i32
        %add3A_1572 = arith.addi %mul3A_1570, %add3A_1571 : i32
        %get3A_1573 = arith.index_cast %add3A_1572 : i32 to index
        %get3A_1574 = arith.constant 208 : index
        %get3A_1575 = tpu.vector_load %arg5[%get3A_1573, %get3A_1574] {strides = array<i32>} : memref<224x224xf32, #tpu.memory_space<vmem>>, vector<16xf32>,
        %mul3A_1576 = arith.constant 2.560000e+02 : f32
        %mul3A_1577 = vector.broadcast %mul3A_1576 : f32 to vector<16xf32>
        %mul3A_1578 = arith.mulf %get3A_1575, %mul3A_1577 : vector<16xf32>
        %convert_element_type3A_1579 = arith.fptosi %mul3A_1578 : vector<16xf32> to vector<16xi32>
        %add3A_1580 = arith.addi %convert_element_type3A_1579, %mul3A_6 : vector<16xi32>
        %mul3A_1581 = arith.constant 2 : i32
        %mul3A_1582 = arith.muli %scan3A_1413, %mul3A_1581 : i32
        %add3A_1583 = arith.constant 1 : i32
        %add3A_1584 = arith.addi %mul3A_1582, %add3A_1583 : i32
        %get3A_1585 = arith.index_cast %add3A_1584 : i32 to index
        %get3A_1586 = arith.constant 0 : index
        %get3A_1587 = tpu.vector_load %arg5[%get3A_1585, %get3A_1586] {strides = array<i32>} : memref<224x224xf32, #tpu.memory_space<vmem>>, vector<16xf32>,
        %mul3A_1588 = arith.constant 2.560000e+02 : f32
        %mul3A_1589 = vector.broadcast %mul3A_1588 : f32 to vector<16xf32>
        %mul3A_1590 = arith.mulf %get3A_1587, %mul3A_1589 : vector<16xf32>
        %convert_element_type3A_1591 = arith.fptosi %mul3A_1590 : vector<16xf32> to vector<16xi32>
        %add3A_1592 = arith.addi %convert_element_type3A_1591, %mul3A_6 : vector<16xi32>
        %mul3A_1593 = arith.constant 2 : i32
        %mul3A_1594 = arith.muli %scan3A_1413, %mul3A_1593 : i32
        %add3A_1595 = arith.constant 1 : i32
        %add3A_1596 = arith.addi %mul3A_1594, %add3A_1595 : i32
        %get3A_1597 = arith.index_cast %add3A_1596 : i32 to index
        %get3A_1598 = arith.constant 16 : index
        %get3A_1599 = tpu.vector_load %arg5[%get3A_1597, %get3A_1598] {strides = array<i32>} : memref<224x224xf32, #tpu.memory_space<vmem>>, vector<16xf32>,
        %mul3A_1600 = arith.constant 2.560000e+02 : f32
        %mul3A_1601 = vector.broadcast %mul3A_1600 : f32 to vector<16xf32>
        %mul3A_1602 = arith.mulf %get3A_1599, %mul3A_1601 : vector<16xf32>
        %convert_element_type3A_1603 = arith.fptosi %mul3A_1602 : vector<16xf32> to vector<16xi32>
        %add3A_1604 = arith.addi %convert_element_type3A_1603, %mul3A_6 : vector<16xi32>
        %mul3A_1605 = arith.constant 2 : i32
        %mul3A_1606 = arith.muli %scan3A_1413, %mul3A_1605 : i32
        %add3A_1607 = arith.constant 1 : i32
        %add3A_1608 = arith.addi %mul3A_1606, %add3A_1607 : i32
        %get3A_1609 = arith.index_cast %add3A_1608 : i32 to index
        %get3A_1610 = arith.constant 32 : index
        %get3A_1611 = tpu.vector_load %arg5[%get3A_1609, %get3A_1610] {strides = array<i32>} : memref<224x224xf32, #tpu.memory_space<vmem>>, vector<16xf32>,
        %mul3A_1612 = arith.constant 2.560000e+02 : f32
        %mul3A_1613 = vector.broadcast %mul3A_1612 : f32 to vector<16xf32>
        %mul3A_1614 = arith.mulf %get3A_1611, %mul3A_1613 : vector<16xf32>
        %convert_element_type3A_1615 = arith.fptosi %mul3A_1614 : vector<16xf32> to vector<16xi32>
        %add3A_1616 = arith.addi %convert_element_type3A_1615, %mul3A_6 : vector<16xi32>
        %mul3A_1617 = arith.constant 2 : i32
        %mul3A_1618 = arith.muli %scan3A_1413, %mul3A_1617 : i32
        %add3A_1619 = arith.constant 1 : i32
        %add3A_1620 = arith.addi %mul3A_1618, %add3A_1619 : i32
        %get3A_1621 = arith.index_cast %add3A_1620 : i32 to index
        %get3A_1622 = arith.constant 48 : index
        %get3A_1623 = tpu.vector_load %arg5[%get3A_1621, %get3A_1622] {strides = array<i32>} : memref<224x224xf32, #tpu.memory_space<vmem>>, vector<16xf32>,
        %mul3A_1624 = arith.constant 2.560000e+02 : f32
        %mul3A_1625 = vector.broadcast %mul3A_1624 : f32 to vector<16xf32>
        %mul3A_1626 = arith.mulf %get3A_1623, %mul3A_1625 : vector<16xf32>
        %convert_element_type3A_1627 = arith.fptosi %mul3A_1626 : vector<16xf32> to vector<16xi32>
        %add3A_1628 = arith.addi %convert_element_type3A_1627, %mul3A_6 : vector<16xi32>
        %mul3A_1629 = arith.constant 2 : i32
        %mul3A_1630 = arith.muli %scan3A_1413, %mul3A_1629 : i32
        %add3A_1631 = arith.constant 1 : i32
        %add3A_1632 = arith.addi %mul3A_1630, %add3A_1631 : i32
        %get3A_1633 = arith.index_cast %add3A_1632 : i32 to index
        %get3A_1634 = arith.constant 64 : index
        %get3A_1635 = tpu.vector_load %arg5[%get3A_1633, %get3A_1634] {strides = array<i32>} : memref<224x224xf32, #tpu.memory_space<vmem>>, vector<16xf32>,
        %mul3A_1636 = arith.constant 2.560000e+02 : f32
        %mul3A_1637 = vector.broadcast %mul3A_1636 : f32 to vector<16xf32>
        %mul3A_1638 = arith.mulf %get3A_1635, %mul3A_1637 : vector<16xf32>
        %convert_element_type3A_1639 = arith.fptosi %mul3A_1638 : vector<16xf32> to vector<16xi32>
        %add3A_1640 = arith.addi %convert_element_type3A_1639, %mul3A_6 : vector<16xi32>
        %mul3A_1641 = arith.constant 2 : i32
        %mul3A_1642 = arith.muli %scan3A_1413, %mul3A_1641 : i32
        %add3A_1643 = arith.constant 1 : i32
        %add3A_1644 = arith.addi %mul3A_1642, %add3A_1643 : i32
        %get3A_1645 = arith.index_cast %add3A_1644 : i32 to index
        %get3A_1646 = arith.constant 80 : index
        %get3A_1647 = tpu.vector_load %arg5[%get3A_1645, %get3A_1646] {strides = array<i32>} : memref<224x224xf32, #tpu.memory_space<vmem>>, vector<16xf32>,
        %mul3A_1648 = arith.constant 2.560000e+02 : f32
        %mul3A_1649 = vector.broadcast %mul3A_1648 : f32 to vector<16xf32>
        %mul3A_1650 = arith.mulf %get3A_1647, %mul3A_1649 : vector<16xf32>
        %convert_element_type3A_1651 = arith.fptosi %mul3A_1650 : vector<16xf32> to vector<16xi32>
        %add3A_1652 = arith.addi %convert_element_type3A_1651, %mul3A_6 : vector<16xi32>
        %mul3A_1653 = arith.constant 2 : i32
        %mul3A_1654 = arith.muli %scan3A_1413, %mul3A_1653 : i32
        %add3A_1655 = arith.constant 1 : i32
        %add3A_1656 = arith.addi %mul3A_1654, %add3A_1655 : i32
        %get3A_1657 = arith.index_cast %add3A_1656 : i32 to index
        %get3A_1658 = arith.constant 96 : index
        %get3A_1659 = tpu.vector_load %arg5[%get3A_1657, %get3A_1658] {strides = array<i32>} : memref<224x224xf32, #tpu.memory_space<vmem>>, vector<16xf32>,
        %mul3A_1660 = arith.constant 2.560000e+02 : f32
        %mul3A_1661 = vector.broadcast %mul3A_1660 : f32 to vector<16xf32>
        %mul3A_1662 = arith.mulf %get3A_1659, %mul3A_1661 : vector<16xf32>
        %convert_element_type3A_1663 = arith.fptosi %mul3A_1662 : vector<16xf32> to vector<16xi32>
        %add3A_1664 = arith.addi %convert_element_type3A_1663, %mul3A_6 : vector<16xi32>
        %mul3A_1665 = arith.constant 2 : i32
        %mul3A_1666 = arith.muli %scan3A_1413, %mul3A_1665 : i32
        %add3A_1667 = arith.constant 1 : i32
        %add3A_1668 = arith.addi %mul3A_1666, %add3A_1667 : i32
        %get3A_1669 = arith.index_cast %add3A_1668 : i32 to index
        %get3A_1670 = arith.constant 112 : index
        %get3A_1671 = tpu.vector_load %arg5[%get3A_1669, %get3A_1670] {strides = array<i32>} : memref<224x224xf32, #tpu.memory_space<vmem>>, vector<16xf32>,
        %mul3A_1672 = arith.constant 2.560000e+02 : f32
        %mul3A_1673 = vector.broadcast %mul3A_1672 : f32 to vector<16xf32>
        %mul3A_1674 = arith.mulf %get3A_1671, %mul3A_1673 : vector<16xf32>
        %convert_element_type3A_1675 = arith.fptosi %mul3A_1674 : vector<16xf32> to vector<16xi32>
        %add3A_1676 = arith.addi %convert_element_type3A_1675, %mul3A_6 : vector<16xi32>
        %mul3A_1677 = arith.constant 2 : i32
        %mul3A_1678 = arith.muli %scan3A_1413, %mul3A_1677 : i32
        %add3A_1679 = arith.constant 1 : i32
        %add3A_1680 = arith.addi %mul3A_1678, %add3A_1679 : i32
        %get3A_1681 = arith.index_cast %add3A_1680 : i32 to index
        %get3A_1682 = arith.constant 128 : index
        %get3A_1683 = tpu.vector_load %arg5[%get3A_1681, %get3A_1682] {strides = array<i32>} : memref<224x224xf32, #tpu.memory_space<vmem>>, vector<16xf32>,
        %mul3A_1684 = arith.constant 2.560000e+02 : f32
        %mul3A_1685 = vector.broadcast %mul3A_1684 : f32 to vector<16xf32>
        %mul3A_1686 = arith.mulf %get3A_1683, %mul3A_1685 : vector<16xf32>
        %convert_element_type3A_1687 = arith.fptosi %mul3A_1686 : vector<16xf32> to vector<16xi32>
        %add3A_1688 = arith.addi %convert_element_type3A_1687, %mul3A_6 : vector<16xi32>
        %mul3A_1689 = arith.constant 2 : i32
        %mul3A_1690 = arith.muli %scan3A_1413, %mul3A_1689 : i32
        %add3A_1691 = arith.constant 1 : i32
        %add3A_1692 = arith.addi %mul3A_1690, %add3A_1691 : i32
        %get3A_1693 = arith.index_cast %add3A_1692 : i32 to index
        %get3A_1694 = arith.constant 144 : index
        %get3A_1695 = tpu.vector_load %arg5[%get3A_1693, %get3A_1694] {strides = array<i32>} : memref<224x224xf32, #tpu.memory_space<vmem>>, vector<16xf32>,
        %mul3A_1696 = arith.constant 2.560000e+02 : f32
        %mul3A_1697 = vector.broadcast %mul3A_1696 : f32 to vector<16xf32>
        %mul3A_1698 = arith.mulf %get3A_1695, %mul3A_1697 : vector<16xf32>
        %convert_element_type3A_1699 = arith.fptosi %mul3A_1698 : vector<16xf32> to vector<16xi32>
        %add3A_1700 = arith.addi %convert_element_type3A_1699, %mul3A_6 : vector<16xi32>
        %mul3A_1701 = arith.constant 2 : i32
        %mul3A_1702 = arith.muli %scan3A_1413, %mul3A_1701 : i32
        %add3A_1703 = arith.constant 1 : i32
        %add3A_1704 = arith.addi %mul3A_1702, %add3A_1703 : i32
        %get3A_1705 = arith.index_cast %add3A_1704 : i32 to index
        %get3A_1706 = arith.constant 160 : index
        %get3A_1707 = tpu.vector_load %arg5[%get3A_1705, %get3A_1706] {strides = array<i32>} : memref<224x224xf32, #tpu.memory_space<vmem>>, vector<16xf32>,
        %mul3A_1708 = arith.constant 2.560000e+02 : f32
        %mul3A_1709 = vector.broadcast %mul3A_1708 : f32 to vector<16xf32>
        %mul3A_1710 = arith.mulf %get3A_1707, %mul3A_1709 : vector<16xf32>
        %convert_element_type3A_1711 = arith.fptosi %mul3A_1710 : vector<16xf32> to vector<16xi32>
        %add3A_1712 = arith.addi %convert_element_type3A_1711, %mul3A_6 : vector<16xi32>
        %mul3A_1713 = arith.constant 2 : i32
        %mul3A_1714 = arith.muli %scan3A_1413, %mul3A_1713 : i32
        %add3A_1715 = arith.constant 1 : i32
        %add3A_1716 = arith.addi %mul3A_1714, %add3A_1715 : i32
        %get3A_1717 = arith.index_cast %add3A_1716 : i32 to index
        %get3A_1718 = arith.constant 176 : index
        %get3A_1719 = tpu.vector_load %arg5[%get3A_1717, %get3A_1718] {strides = array<i32>} : memref<224x224xf32, #tpu.memory_space<vmem>>, vector<16xf32>,
        %mul3A_1720 = arith.constant 2.560000e+02 : f32
        %mul3A_1721 = vector.broadcast %mul3A_1720 : f32 to vector<16xf32>
        %mul3A_1722 = arith.mulf %get3A_1719, %mul3A_1721 : vector<16xf32>
        %convert_element_type3A_1723 = arith.fptosi %mul3A_1722 : vector<16xf32> to vector<16xi32>
        %add3A_1724 = arith.addi %convert_element_type3A_1723, %mul3A_6 : vector<16xi32>
        %mul3A_1725 = arith.constant 2 : i32
        %mul3A_1726 = arith.muli %scan3A_1413, %mul3A_1725 : i32
        %add3A_1727 = arith.constant 1 : i32
        %add3A_1728 = arith.addi %mul3A_1726, %add3A_1727 : i32
        %get3A_1729 = arith.index_cast %add3A_1728 : i32 to index
        %get3A_1730 = arith.constant 192 : index
        %get3A_1731 = tpu.vector_load %arg5[%get3A_1729, %get3A_1730] {strides = array<i32>} : memref<224x224xf32, #tpu.memory_space<vmem>>, vector<16xf32>,
        %mul3A_1732 = arith.constant 2.560000e+02 : f32
        %mul3A_1733 = vector.broadcast %mul3A_1732 : f32 to vector<16xf32>
        %mul3A_1734 = arith.mulf %get3A_1731, %mul3A_1733 : vector<16xf32>
        %convert_element_type3A_1735 = arith.fptosi %mul3A_1734 : vector<16xf32> to vector<16xi32>
        %add3A_1736 = arith.addi %convert_element_type3A_1735, %mul3A_6 : vector<16xi32>
        %mul3A_1737 = arith.constant 2 : i32
        %mul3A_1738 = arith.muli %scan3A_1413, %mul3A_1737 : i32
        %add3A_1739 = arith.constant 1 : i32
        %add3A_1740 = arith.addi %mul3A_1738, %add3A_1739 : i32
        %get3A_1741 = arith.index_cast %add3A_1740 : i32 to index
        %get3A_1742 = arith.constant 208 : index
        %get3A_1743 = tpu.vector_load %arg5[%get3A_1741, %get3A_1742] {strides = array<i32>} : memref<224x224xf32, #tpu.memory_space<vmem>>, vector<16xf32>,
        %mul3A_1744 = arith.constant 2.560000e+02 : f32
        %mul3A_1745 = vector.broadcast %mul3A_1744 : f32 to vector<16xf32>
        %mul3A_1746 = arith.mulf %get3A_1743, %mul3A_1745 : vector<16xf32>
        %convert_element_type3A_1747 = arith.fptosi %mul3A_1746 : vector<16xf32> to vector<16xi32>
        %add3A_1748 = arith.addi %convert_element_type3A_1747, %mul3A_6 : vector<16xi32>
        tpu.vector_store_idx %arg6[%add3A_1424], %broadcast_in_dim3A_3 {add = true} : memref<4112xf32, #tpu.memory_space<vmem>>[vector<16xi32>], vector<16xf32>,
        tpu.vector_store_idx %arg6[%add3A_1436], %broadcast_in_dim3A_3 {add = true} : memref<4112xf32, #tpu.memory_space<vmem>>[vector<16xi32>], vector<16xf32>,
        tpu.vector_store_idx %arg6[%add3A_1448], %broadcast_in_dim3A_3 {add = true} : memref<4112xf32, #tpu.memory_space<vmem>>[vector<16xi32>], vector<16xf32>,
        tpu.vector_store_idx %arg6[%add3A_1460], %broadcast_in_dim3A_3 {add = true} : memref<4112xf32, #tpu.memory_space<vmem>>[vector<16xi32>], vector<16xf32>,
        tpu.vector_store_idx %arg6[%add3A_1472], %broadcast_in_dim3A_3 {add = true} : memref<4112xf32, #tpu.memory_space<vmem>>[vector<16xi32>], vector<16xf32>,
        tpu.vector_store_idx %arg6[%add3A_1484], %broadcast_in_dim3A_3 {add = true} : memref<4112xf32, #tpu.memory_space<vmem>>[vector<16xi32>], vector<16xf32>,
        tpu.vector_store_idx %arg6[%add3A_1496], %broadcast_in_dim3A_3 {add = true} : memref<4112xf32, #tpu.memory_space<vmem>>[vector<16xi32>], vector<16xf32>,
        tpu.vector_store_idx %arg6[%add3A_1508], %broadcast_in_dim3A_3 {add = true} : memref<4112xf32, #tpu.memory_space<vmem>>[vector<16xi32>], vector<16xf32>,
        tpu.vector_store_idx %arg6[%add3A_1520], %broadcast_in_dim3A_3 {add = true} : memref<4112xf32, #tpu.memory_space<vmem>>[vector<16xi32>], vector<16xf32>,
        tpu.vector_store_idx %arg6[%add3A_1532], %broadcast_in_dim3A_3 {add = true} : memref<4112xf32, #tpu.memory_space<vmem>>[vector<16xi32>], vector<16xf32>,
        tpu.vector_store_idx %arg6[%add3A_1544], %broadcast_in_dim3A_3 {add = true} : memref<4112xf32, #tpu.memory_space<vmem>>[vector<16xi32>], vector<16xf32>,
        tpu.vector_store_idx %arg6[%add3A_1556], %broadcast_in_dim3A_3 {add = true} : memref<4112xf32, #tpu.memory_space<vmem>>[vector<16xi32>], vector<16xf32>,
        tpu.vector_store_idx %arg6[%add3A_1568], %broadcast_in_dim3A_3 {add = true} : memref<4112xf32, #tpu.memory_space<vmem>>[vector<16xi32>], vector<16xf32>,
        tpu.vector_store_idx %arg6[%add3A_1580], %broadcast_in_dim3A_3 {add = true} : memref<4112xf32, #tpu.memory_space<vmem>>[vector<16xi32>], vector<16xf32>,
        tpu.vector_store_idx %arg6[%add3A_1592], %broadcast_in_dim3A_3 {add = true} : memref<4112xf32, #tpu.memory_space<vmem>>[vector<16xi32>], vector<16xf32>,
        tpu.vector_store_idx %arg6[%add3A_1604], %broadcast_in_dim3A_3 {add = true} : memref<4112xf32, #tpu.memory_space<vmem>>[vector<16xi32>], vector<16xf32>,
        tpu.vector_store_idx %arg6[%add3A_1616], %broadcast_in_dim3A_3 {add = true} : memref<4112xf32, #tpu.memory_space<vmem>>[vector<16xi32>], vector<16xf32>,
        tpu.vector_store_idx %arg6[%add3A_1628], %broadcast_in_dim3A_3 {add = true} : memref<4112xf32, #tpu.memory_space<vmem>>[vector<16xi32>], vector<16xf32>,
        tpu.vector_store_idx %arg6[%add3A_1640], %broadcast_in_dim3A_3 {add = true} : memref<4112xf32, #tpu.memory_space<vmem>>[vector<16xi32>], vector<16xf32>,
        tpu.vector_store_idx %arg6[%add3A_1652], %broadcast_in_dim3A_3 {add = true} : memref<4112xf32, #tpu.memory_space<vmem>>[vector<16xi32>], vector<16xf32>,
        tpu.vector_store_idx %arg6[%add3A_1664], %broadcast_in_dim3A_3 {add = true} : memref<4112xf32, #tpu.memory_space<vmem>>[vector<16xi32>], vector<16xf32>,
        tpu.vector_store_idx %arg6[%add3A_1676], %broadcast_in_dim3A_3 {add = true} : memref<4112xf32, #tpu.memory_space<vmem>>[vector<16xi32>], vector<16xf32>,
        tpu.vector_store_idx %arg6[%add3A_1688], %broadcast_in_dim3A_3 {add = true} : memref<4112xf32, #tpu.memory_space<vmem>>[vector<16xi32>], vector<16xf32>,
        tpu.vector_store_idx %arg6[%add3A_1700], %broadcast_in_dim3A_3 {add = true} : memref<4112xf32, #tpu.memory_space<vmem>>[vector<16xi32>], vector<16xf32>,
        tpu.vector_store_idx %arg6[%add3A_1712], %broadcast_in_dim3A_3 {add = true} : memref<4112xf32, #tpu.memory_space<vmem>>[vector<16xi32>], vector<16xf32>,
        tpu.vector_store_idx %arg6[%add3A_1724], %broadcast_in_dim3A_3 {add = true} : memref<4112xf32, #tpu.memory_space<vmem>>[vector<16xi32>], vector<16xf32>,
        tpu.vector_store_idx %arg6[%add3A_1736], %broadcast_in_dim3A_3 {add = true} : memref<4112xf32, #tpu.memory_space<vmem>>[vector<16xi32>], vector<16xf32>,
        tpu.vector_store_idx %arg6[%add3A_1748], %broadcast_in_dim3A_3 {add = true} : memref<4112xf32, #tpu.memory_space<vmem>>[vector<16xi32>], vector<16xf32>,
        %scan3A_1749 = arith.constant 1 : i32
        %scan3A_1750 = arith.addi %scan3A_1413, %scan3A_1749 : i32
        %mul3A_1751 = arith.constant 2 : i32
        %mul3A_1752 = arith.muli %scan3A_1750, %mul3A_1751 : i32
        %add3A_1753 = arith.constant 0 : i32
        %add3A_1754 = arith.addi %mul3A_1752, %add3A_1753 : i32
        %get3A_1755 = arith.index_cast %add3A_1754 : i32 to index
        %get3A_1756 = arith.constant 0 : index
        %get3A_1757 = tpu.vector_load %arg5[%get3A_1755, %get3A_1756] {strides = array<i32>} : memref<224x224xf32, #tpu.memory_space<vmem>>, vector<16xf32>,
        %mul3A_1758 = arith.constant 2.560000e+02 : f32
        %mul3A_1759 = vector.broadcast %mul3A_1758 : f32 to vector<16xf32>
        %mul3A_1760 = arith.mulf %get3A_1757, %mul3A_1759 : vector<16xf32>
        %convert_element_type3A_1761 = arith.fptosi %mul3A_1760 : vector<16xf32> to vector<16xi32>
        %add3A_1762 = arith.addi %convert_element_type3A_1761, %mul3A_6 : vector<16xi32>
        %mul3A_1763 = arith.constant 2 : i32
        %mul3A_1764 = arith.muli %scan3A_1750, %mul3A_1763 : i32
        %add3A_1765 = arith.constant 0 : i32
        %add3A_1766 = arith.addi %mul3A_1764, %add3A_1765 : i32
        %get3A_1767 = arith.index_cast %add3A_1766 : i32 to index
        %get3A_1768 = arith.constant 16 : index
        %get3A_1769 = tpu.vector_load %arg5[%get3A_1767, %get3A_1768] {strides = array<i32>} : memref<224x224xf32, #tpu.memory_space<vmem>>, vector<16xf32>,
        %mul3A_1770 = arith.constant 2.560000e+02 : f32
        %mul3A_1771 = vector.broadcast %mul3A_1770 : f32 to vector<16xf32>
        %mul3A_1772 = arith.mulf %get3A_1769, %mul3A_1771 : vector<16xf32>
        %convert_element_type3A_1773 = arith.fptosi %mul3A_1772 : vector<16xf32> to vector<16xi32>
        %add3A_1774 = arith.addi %convert_element_type3A_1773, %mul3A_6 : vector<16xi32>
        %mul3A_1775 = arith.constant 2 : i32
        %mul3A_1776 = arith.muli %scan3A_1750, %mul3A_1775 : i32
        %add3A_1777 = arith.constant 0 : i32
        %add3A_1778 = arith.addi %mul3A_1776, %add3A_1777 : i32
        %get3A_1779 = arith.index_cast %add3A_1778 : i32 to index
        %get3A_1780 = arith.constant 32 : index
        %get3A_1781 = tpu.vector_load %arg5[%get3A_1779, %get3A_1780] {strides = array<i32>} : memref<224x224xf32, #tpu.memory_space<vmem>>, vector<16xf32>,
        %mul3A_1782 = arith.constant 2.560000e+02 : f32
        %mul3A_1783 = vector.broadcast %mul3A_1782 : f32 to vector<16xf32>
        %mul3A_1784 = arith.mulf %get3A_1781, %mul3A_1783 : vector<16xf32>
        %convert_element_type3A_1785 = arith.fptosi %mul3A_1784 : vector<16xf32> to vector<16xi32>
        %add3A_1786 = arith.addi %convert_element_type3A_1785, %mul3A_6 : vector<16xi32>
        %mul3A_1787 = arith.constant 2 : i32
        %mul3A_1788 = arith.muli %scan3A_1750, %mul3A_1787 : i32
        %add3A_1789 = arith.constant 0 : i32
        %add3A_1790 = arith.addi %mul3A_1788, %add3A_1789 : i32
        %get3A_1791 = arith.index_cast %add3A_1790 : i32 to index
        %get3A_1792 = arith.constant 48 : index
        %get3A_1793 = tpu.vector_load %arg5[%get3A_1791, %get3A_1792] {strides = array<i32>} : memref<224x224xf32, #tpu.memory_space<vmem>>, vector<16xf32>,
        %mul3A_1794 = arith.constant 2.560000e+02 : f32
        %mul3A_1795 = vector.broadcast %mul3A_1794 : f32 to vector<16xf32>
        %mul3A_1796 = arith.mulf %get3A_1793, %mul3A_1795 : vector<16xf32>
        %convert_element_type3A_1797 = arith.fptosi %mul3A_1796 : vector<16xf32> to vector<16xi32>
        %add3A_1798 = arith.addi %convert_element_type3A_1797, %mul3A_6 : vector<16xi32>
        %mul3A_1799 = arith.constant 2 : i32
        %mul3A_1800 = arith.muli %scan3A_1750, %mul3A_1799 : i32
        %add3A_1801 = arith.constant 0 : i32
        %add3A_1802 = arith.addi %mul3A_1800, %add3A_1801 : i32
        %get3A_1803 = arith.index_cast %add3A_1802 : i32 to index
        %get3A_1804 = arith.constant 64 : index
        %get3A_1805 = tpu.vector_load %arg5[%get3A_1803, %get3A_1804] {strides = array<i32>} : memref<224x224xf32, #tpu.memory_space<vmem>>, vector<16xf32>,
        %mul3A_1806 = arith.constant 2.560000e+02 : f32
        %mul3A_1807 = vector.broadcast %mul3A_1806 : f32 to vector<16xf32>
        %mul3A_1808 = arith.mulf %get3A_1805, %mul3A_1807 : vector<16xf32>
        %convert_element_type3A_1809 = arith.fptosi %mul3A_1808 : vector<16xf32> to vector<16xi32>
        %add3A_1810 = arith.addi %convert_element_type3A_1809, %mul3A_6 : vector<16xi32>
        %mul3A_1811 = arith.constant 2 : i32
        %mul3A_1812 = arith.muli %scan3A_1750, %mul3A_1811 : i32
        %add3A_1813 = arith.constant 0 : i32
        %add3A_1814 = arith.addi %mul3A_1812, %add3A_1813 : i32
        %get3A_1815 = arith.index_cast %add3A_1814 : i32 to index
        %get3A_1816 = arith.constant 80 : index
        %get3A_1817 = tpu.vector_load %arg5[%get3A_1815, %get3A_1816] {strides = array<i32>} : memref<224x224xf32, #tpu.memory_space<vmem>>, vector<16xf32>,
        %mul3A_1818 = arith.constant 2.560000e+02 : f32
        %mul3A_1819 = vector.broadcast %mul3A_1818 : f32 to vector<16xf32>
        %mul3A_1820 = arith.mulf %get3A_1817, %mul3A_1819 : vector<16xf32>
        %convert_element_type3A_1821 = arith.fptosi %mul3A_1820 : vector<16xf32> to vector<16xi32>
        %add3A_1822 = arith.addi %convert_element_type3A_1821, %mul3A_6 : vector<16xi32>
        %mul3A_1823 = arith.constant 2 : i32
        %mul3A_1824 = arith.muli %scan3A_1750, %mul3A_1823 : i32
        %add3A_1825 = arith.constant 0 : i32
        %add3A_1826 = arith.addi %mul3A_1824, %add3A_1825 : i32
        %get3A_1827 = arith.index_cast %add3A_1826 : i32 to index
        %get3A_1828 = arith.constant 96 : index
        %get3A_1829 = tpu.vector_load %arg5[%get3A_1827, %get3A_1828] {strides = array<i32>} : memref<224x224xf32, #tpu.memory_space<vmem>>, vector<16xf32>,
        %mul3A_1830 = arith.constant 2.560000e+02 : f32
        %mul3A_1831 = vector.broadcast %mul3A_1830 : f32 to vector<16xf32>
        %mul3A_1832 = arith.mulf %get3A_1829, %mul3A_1831 : vector<16xf32>
        %convert_element_type3A_1833 = arith.fptosi %mul3A_1832 : vector<16xf32> to vector<16xi32>
        %add3A_1834 = arith.addi %convert_element_type3A_1833, %mul3A_6 : vector<16xi32>
        %mul3A_1835 = arith.constant 2 : i32
        %mul3A_1836 = arith.muli %scan3A_1750, %mul3A_1835 : i32
        %add3A_1837 = arith.constant 0 : i32
        %add3A_1838 = arith.addi %mul3A_1836, %add3A_1837 : i32
        %get3A_1839 = arith.index_cast %add3A_1838 : i32 to index
        %get3A_1840 = arith.constant 112 : index
        %get3A_1841 = tpu.vector_load %arg5[%get3A_1839, %get3A_1840] {strides = array<i32>} : memref<224x224xf32, #tpu.memory_space<vmem>>, vector<16xf32>,
        %mul3A_1842 = arith.constant 2.560000e+02 : f32
        %mul3A_1843 = vector.broadcast %mul3A_1842 : f32 to vector<16xf32>
        %mul3A_1844 = arith.mulf %get3A_1841, %mul3A_1843 : vector<16xf32>
        %convert_element_type3A_1845 = arith.fptosi %mul3A_1844 : vector<16xf32> to vector<16xi32>
        %add3A_1846 = arith.addi %convert_element_type3A_1845, %mul3A_6 : vector<16xi32>
        %mul3A_1847 = arith.constant 2 : i32
        %mul3A_1848 = arith.muli %scan3A_1750, %mul3A_1847 : i32
        %add3A_1849 = arith.constant 0 : i32
        %add3A_1850 = arith.addi %mul3A_1848, %add3A_1849 : i32
        %get3A_1851 = arith.index_cast %add3A_1850 : i32 to index
        %get3A_1852 = arith.constant 128 : index
        %get3A_1853 = tpu.vector_load %arg5[%get3A_1851, %get3A_1852] {strides = array<i32>} : memref<224x224xf32, #tpu.memory_space<vmem>>, vector<16xf32>,
        %mul3A_1854 = arith.constant 2.560000e+02 : f32
        %mul3A_1855 = vector.broadcast %mul3A_1854 : f32 to vector<16xf32>
        %mul3A_1856 = arith.mulf %get3A_1853, %mul3A_1855 : vector<16xf32>
        %convert_element_type3A_1857 = arith.fptosi %mul3A_1856 : vector<16xf32> to vector<16xi32>
        %add3A_1858 = arith.addi %convert_element_type3A_1857, %mul3A_6 : vector<16xi32>
        %mul3A_1859 = arith.constant 2 : i32
        %mul3A_1860 = arith.muli %scan3A_1750, %mul3A_1859 : i32
        %add3A_1861 = arith.constant 0 : i32
        %add3A_1862 = arith.addi %mul3A_1860, %add3A_1861 : i32
        %get3A_1863 = arith.index_cast %add3A_1862 : i32 to index
        %get3A_1864 = arith.constant 144 : index
        %get3A_1865 = tpu.vector_load %arg5[%get3A_1863, %get3A_1864] {strides = array<i32>} : memref<224x224xf32, #tpu.memory_space<vmem>>, vector<16xf32>,
        %mul3A_1866 = arith.constant 2.560000e+02 : f32
        %mul3A_1867 = vector.broadcast %mul3A_1866 : f32 to vector<16xf32>
        %mul3A_1868 = arith.mulf %get3A_1865, %mul3A_1867 : vector<16xf32>
        %convert_element_type3A_1869 = arith.fptosi %mul3A_1868 : vector<16xf32> to vector<16xi32>
        %add3A_1870 = arith.addi %convert_element_type3A_1869, %mul3A_6 : vector<16xi32>
        %mul3A_1871 = arith.constant 2 : i32
        %mul3A_1872 = arith.muli %scan3A_1750, %mul3A_1871 : i32
        %add3A_1873 = arith.constant 0 : i32
        %add3A_1874 = arith.addi %mul3A_1872, %add3A_1873 : i32
        %get3A_1875 = arith.index_cast %add3A_1874 : i32 to index
        %get3A_1876 = arith.constant 160 : index
        %get3A_1877 = tpu.vector_load %arg5[%get3A_1875, %get3A_1876] {strides = array<i32>} : memref<224x224xf32, #tpu.memory_space<vmem>>, vector<16xf32>,
        %mul3A_1878 = arith.constant 2.560000e+02 : f32
        %mul3A_1879 = vector.broadcast %mul3A_1878 : f32 to vector<16xf32>
        %mul3A_1880 = arith.mulf %get3A_1877, %mul3A_1879 : vector<16xf32>
        %convert_element_type3A_1881 = arith.fptosi %mul3A_1880 : vector<16xf32> to vector<16xi32>
        %add3A_1882 = arith.addi %convert_element_type3A_1881, %mul3A_6 : vector<16xi32>
        %mul3A_1883 = arith.constant 2 : i32
        %mul3A_1884 = arith.muli %scan3A_1750, %mul3A_1883 : i32
        %add3A_1885 = arith.constant 0 : i32
        %add3A_1886 = arith.addi %mul3A_1884, %add3A_1885 : i32
        %get3A_1887 = arith.index_cast %add3A_1886 : i32 to index
        %get3A_1888 = arith.constant 176 : index
        %get3A_1889 = tpu.vector_load %arg5[%get3A_1887, %get3A_1888] {strides = array<i32>} : memref<224x224xf32, #tpu.memory_space<vmem>>, vector<16xf32>,
        %mul3A_1890 = arith.constant 2.560000e+02 : f32
        %mul3A_1891 = vector.broadcast %mul3A_1890 : f32 to vector<16xf32>
        %mul3A_1892 = arith.mulf %get3A_1889, %mul3A_1891 : vector<16xf32>
        %convert_element_type3A_1893 = arith.fptosi %mul3A_1892 : vector<16xf32> to vector<16xi32>
        %add3A_1894 = arith.addi %convert_element_type3A_1893, %mul3A_6 : vector<16xi32>
        %mul3A_1895 = arith.constant 2 : i32
        %mul3A_1896 = arith.muli %scan3A_1750, %mul3A_1895 : i32
        %add3A_1897 = arith.constant 0 : i32
        %add3A_1898 = arith.addi %mul3A_1896, %add3A_1897 : i32
        %get3A_1899 = arith.index_cast %add3A_1898 : i32 to index
        %get3A_1900 = arith.constant 192 : index
        %get3A_1901 = tpu.vector_load %arg5[%get3A_1899, %get3A_1900] {strides = array<i32>} : memref<224x224xf32, #tpu.memory_space<vmem>>, vector<16xf32>,
        %mul3A_1902 = arith.constant 2.560000e+02 : f32
        %mul3A_1903 = vector.broadcast %mul3A_1902 : f32 to vector<16xf32>
        %mul3A_1904 = arith.mulf %get3A_1901, %mul3A_1903 : vector<16xf32>
        %convert_element_type3A_1905 = arith.fptosi %mul3A_1904 : vector<16xf32> to vector<16xi32>
        %add3A_1906 = arith.addi %convert_element_type3A_1905, %mul3A_6 : vector<16xi32>
        %mul3A_1907 = arith.constant 2 : i32
        %mul3A_1908 = arith.muli %scan3A_1750, %mul3A_1907 : i32
        %add3A_1909 = arith.constant 0 : i32
        %add3A_1910 = arith.addi %mul3A_1908, %add3A_1909 : i32
        %get3A_1911 = arith.index_cast %add3A_1910 : i32 to index
        %get3A_1912 = arith.constant 208 : index
        %get3A_1913 = tpu.vector_load %arg5[%get3A_1911, %get3A_1912] {strides = array<i32>} : memref<224x224xf32, #tpu.memory_space<vmem>>, vector<16xf32>,
        %mul3A_1914 = arith.constant 2.560000e+02 : f32
        %mul3A_1915 = vector.broadcast %mul3A_1914 : f32 to vector<16xf32>
        %mul3A_1916 = arith.mulf %get3A_1913, %mul3A_1915 : vector<16xf32>
        %convert_element_type3A_1917 = arith.fptosi %mul3A_1916 : vector<16xf32> to vector<16xi32>
        %add3A_1918 = arith.addi %convert_element_type3A_1917, %mul3A_6 : vector<16xi32>
        %mul3A_1919 = arith.constant 2 : i32
        %mul3A_1920 = arith.muli %scan3A_1750, %mul3A_1919 : i32
        %add3A_1921 = arith.constant 1 : i32
        %add3A_1922 = arith.addi %mul3A_1920, %add3A_1921 : i32
        %get3A_1923 = arith.index_cast %add3A_1922 : i32 to index
        %get3A_1924 = arith.constant 0 : index
        %get3A_1925 = tpu.vector_load %arg5[%get3A_1923, %get3A_1924] {strides = array<i32>} : memref<224x224xf32, #tpu.memory_space<vmem>>, vector<16xf32>,
        %mul3A_1926 = arith.constant 2.560000e+02 : f32
        %mul3A_1927 = vector.broadcast %mul3A_1926 : f32 to vector<16xf32>
        %mul3A_1928 = arith.mulf %get3A_1925, %mul3A_1927 : vector<16xf32>
        %convert_element_type3A_1929 = arith.fptosi %mul3A_1928 : vector<16xf32> to vector<16xi32>
        %add3A_1930 = arith.addi %convert_element_type3A_1929, %mul3A_6 : vector<16xi32>
        %mul3A_1931 = arith.constant 2 : i32
        %mul3A_1932 = arith.muli %scan3A_1750, %mul3A_1931 : i32
        %add3A_1933 = arith.constant 1 : i32
        %add3A_1934 = arith.addi %mul3A_1932, %add3A_1933 : i32
        %get3A_1935 = arith.index_cast %add3A_1934 : i32 to index
        %get3A_1936 = arith.constant 16 : index
        %get3A_1937 = tpu.vector_load %arg5[%get3A_1935, %get3A_1936] {strides = array<i32>} : memref<224x224xf32, #tpu.memory_space<vmem>>, vector<16xf32>,
        %mul3A_1938 = arith.constant 2.560000e+02 : f32
        %mul3A_1939 = vector.broadcast %mul3A_1938 : f32 to vector<16xf32>
        %mul3A_1940 = arith.mulf %get3A_1937, %mul3A_1939 : vector<16xf32>
        %convert_element_type3A_1941 = arith.fptosi %mul3A_1940 : vector<16xf32> to vector<16xi32>
        %add3A_1942 = arith.addi %convert_element_type3A_1941, %mul3A_6 : vector<16xi32>
        %mul3A_1943 = arith.constant 2 : i32
        %mul3A_1944 = arith.muli %scan3A_1750, %mul3A_1943 : i32
        %add3A_1945 = arith.constant 1 : i32
        %add3A_1946 = arith.addi %mul3A_1944, %add3A_1945 : i32
        %get3A_1947 = arith.index_cast %add3A_1946 : i32 to index
        %get3A_1948 = arith.constant 32 : index
        %get3A_1949 = tpu.vector_load %arg5[%get3A_1947, %get3A_1948] {strides = array<i32>} : memref<224x224xf32, #tpu.memory_space<vmem>>, vector<16xf32>,
        %mul3A_1950 = arith.constant 2.560000e+02 : f32
        %mul3A_1951 = vector.broadcast %mul3A_1950 : f32 to vector<16xf32>
        %mul3A_1952 = arith.mulf %get3A_1949, %mul3A_1951 : vector<16xf32>
        %convert_element_type3A_1953 = arith.fptosi %mul3A_1952 : vector<16xf32> to vector<16xi32>
        %add3A_1954 = arith.addi %convert_element_type3A_1953, %mul3A_6 : vector<16xi32>
        %mul3A_1955 = arith.constant 2 : i32
        %mul3A_1956 = arith.muli %scan3A_1750, %mul3A_1955 : i32
        %add3A_1957 = arith.constant 1 : i32
        %add3A_1958 = arith.addi %mul3A_1956, %add3A_1957 : i32
        %get3A_1959 = arith.index_cast %add3A_1958 : i32 to index
        %get3A_1960 = arith.constant 48 : index
        %get3A_1961 = tpu.vector_load %arg5[%get3A_1959, %get3A_1960] {strides = array<i32>} : memref<224x224xf32, #tpu.memory_space<vmem>>, vector<16xf32>,
        %mul3A_1962 = arith.constant 2.560000e+02 : f32
        %mul3A_1963 = vector.broadcast %mul3A_1962 : f32 to vector<16xf32>
        %mul3A_1964 = arith.mulf %get3A_1961, %mul3A_1963 : vector<16xf32>
        %convert_element_type3A_1965 = arith.fptosi %mul3A_1964 : vector<16xf32> to vector<16xi32>
        %add3A_1966 = arith.addi %convert_element_type3A_1965, %mul3A_6 : vector<16xi32>
        %mul3A_1967 = arith.constant 2 : i32
        %mul3A_1968 = arith.muli %scan3A_1750, %mul3A_1967 : i32
        %add3A_1969 = arith.constant 1 : i32
        %add3A_1970 = arith.addi %mul3A_1968, %add3A_1969 : i32
        %get3A_1971 = arith.index_cast %add3A_1970 : i32 to index
        %get3A_1972 = arith.constant 64 : index
        %get3A_1973 = tpu.vector_load %arg5[%get3A_1971, %get3A_1972] {strides = array<i32>} : memref<224x224xf32, #tpu.memory_space<vmem>>, vector<16xf32>,
        %mul3A_1974 = arith.constant 2.560000e+02 : f32
        %mul3A_1975 = vector.broadcast %mul3A_1974 : f32 to vector<16xf32>
        %mul3A_1976 = arith.mulf %get3A_1973, %mul3A_1975 : vector<16xf32>
        %convert_element_type3A_1977 = arith.fptosi %mul3A_1976 : vector<16xf32> to vector<16xi32>
        %add3A_1978 = arith.addi %convert_element_type3A_1977, %mul3A_6 : vector<16xi32>
        %mul3A_1979 = arith.constant 2 : i32
        %mul3A_1980 = arith.muli %scan3A_1750, %mul3A_1979 : i32
        %add3A_1981 = arith.constant 1 : i32
        %add3A_1982 = arith.addi %mul3A_1980, %add3A_1981 : i32
        %get3A_1983 = arith.index_cast %add3A_1982 : i32 to index
        %get3A_1984 = arith.constant 80 : index
        %get3A_1985 = tpu.vector_load %arg5[%get3A_1983, %get3A_1984] {strides = array<i32>} : memref<224x224xf32, #tpu.memory_space<vmem>>, vector<16xf32>,
        %mul3A_1986 = arith.constant 2.560000e+02 : f32
        %mul3A_1987 = vector.broadcast %mul3A_1986 : f32 to vector<16xf32>
        %mul3A_1988 = arith.mulf %get3A_1985, %mul3A_1987 : vector<16xf32>
        %convert_element_type3A_1989 = arith.fptosi %mul3A_1988 : vector<16xf32> to vector<16xi32>
        %add3A_1990 = arith.addi %convert_element_type3A_1989, %mul3A_6 : vector<16xi32>
        %mul3A_1991 = arith.constant 2 : i32
        %mul3A_1992 = arith.muli %scan3A_1750, %mul3A_1991 : i32
        %add3A_1993 = arith.constant 1 : i32
        %add3A_1994 = arith.addi %mul3A_1992, %add3A_1993 : i32
        %get3A_1995 = arith.index_cast %add3A_1994 : i32 to index
        %get3A_1996 = arith.constant 96 : index
        %get3A_1997 = tpu.vector_load %arg5[%get3A_1995, %get3A_1996] {strides = array<i32>} : memref<224x224xf32, #tpu.memory_space<vmem>>, vector<16xf32>,
        %mul3A_1998 = arith.constant 2.560000e+02 : f32
        %mul3A_1999 = vector.broadcast %mul3A_1998 : f32 to vector<16xf32>
        %mul3A_2000 = arith.mulf %get3A_1997, %mul3A_1999 : vector<16xf32>
        %convert_element_type3A_2001 = arith.fptosi %mul3A_2000 : vector<16xf32> to vector<16xi32>
        %add3A_2002 = arith.addi %convert_element_type3A_2001, %mul3A_6 : vector<16xi32>
        %mul3A_2003 = arith.constant 2 : i32
        %mul3A_2004 = arith.muli %scan3A_1750, %mul3A_2003 : i32
        %add3A_2005 = arith.constant 1 : i32
        %add3A_2006 = arith.addi %mul3A_2004, %add3A_2005 : i32
        %get3A_2007 = arith.index_cast %add3A_2006 : i32 to index
        %get3A_2008 = arith.constant 112 : index
        %get3A_2009 = tpu.vector_load %arg5[%get3A_2007, %get3A_2008] {strides = array<i32>} : memref<224x224xf32, #tpu.memory_space<vmem>>, vector<16xf32>,
        %mul3A_2010 = arith.constant 2.560000e+02 : f32
        %mul3A_2011 = vector.broadcast %mul3A_2010 : f32 to vector<16xf32>
        %mul3A_2012 = arith.mulf %get3A_2009, %mul3A_2011 : vector<16xf32>
        %convert_element_type3A_2013 = arith.fptosi %mul3A_2012 : vector<16xf32> to vector<16xi32>
        %add3A_2014 = arith.addi %convert_element_type3A_2013, %mul3A_6 : vector<16xi32>
        %mul3A_2015 = arith.constant 2 : i32
        %mul3A_2016 = arith.muli %scan3A_1750, %mul3A_2015 : i32
        %add3A_2017 = arith.constant 1 : i32
        %add3A_2018 = arith.addi %mul3A_2016, %add3A_2017 : i32
        %get3A_2019 = arith.index_cast %add3A_2018 : i32 to index
        %get3A_2020 = arith.constant 128 : index
        %get3A_2021 = tpu.vector_load %arg5[%get3A_2019, %get3A_2020] {strides = array<i32>} : memref<224x224xf32, #tpu.memory_space<vmem>>, vector<16xf32>,
        %mul3A_2022 = arith.constant 2.560000e+02 : f32
        %mul3A_2023 = vector.broadcast %mul3A_2022 : f32 to vector<16xf32>
        %mul3A_2024 = arith.mulf %get3A_2021, %mul3A_2023 : vector<16xf32>
        %convert_element_type3A_2025 = arith.fptosi %mul3A_2024 : vector<16xf32> to vector<16xi32>
        %add3A_2026 = arith.addi %convert_element_type3A_2025, %mul3A_6 : vector<16xi32>
        %mul3A_2027 = arith.constant 2 : i32
        %mul3A_2028 = arith.muli %scan3A_1750, %mul3A_2027 : i32
        %add3A_2029 = arith.constant 1 : i32
        %add3A_2030 = arith.addi %mul3A_2028, %add3A_2029 : i32
        %get3A_2031 = arith.index_cast %add3A_2030 : i32 to index
        %get3A_2032 = arith.constant 144 : index
        %get3A_2033 = tpu.vector_load %arg5[%get3A_2031, %get3A_2032] {strides = array<i32>} : memref<224x224xf32, #tpu.memory_space<vmem>>, vector<16xf32>,
        %mul3A_2034 = arith.constant 2.560000e+02 : f32
        %mul3A_2035 = vector.broadcast %mul3A_2034 : f32 to vector<16xf32>
        %mul3A_2036 = arith.mulf %get3A_2033, %mul3A_2035 : vector<16xf32>
        %convert_element_type3A_2037 = arith.fptosi %mul3A_2036 : vector<16xf32> to vector<16xi32>
        %add3A_2038 = arith.addi %convert_element_type3A_2037, %mul3A_6 : vector<16xi32>
        %mul3A_2039 = arith.constant 2 : i32
        %mul3A_2040 = arith.muli %scan3A_1750, %mul3A_2039 : i32
        %add3A_2041 = arith.constant 1 : i32
        %add3A_2042 = arith.addi %mul3A_2040, %add3A_2041 : i32
        %get3A_2043 = arith.index_cast %add3A_2042 : i32 to index
        %get3A_2044 = arith.constant 160 : index
        %get3A_2045 = tpu.vector_load %arg5[%get3A_2043, %get3A_2044] {strides = array<i32>} : memref<224x224xf32, #tpu.memory_space<vmem>>, vector<16xf32>,
        %mul3A_2046 = arith.constant 2.560000e+02 : f32
        %mul3A_2047 = vector.broadcast %mul3A_2046 : f32 to vector<16xf32>
        %mul3A_2048 = arith.mulf %get3A_2045, %mul3A_2047 : vector<16xf32>
        %convert_element_type3A_2049 = arith.fptosi %mul3A_2048 : vector<16xf32> to vector<16xi32>
        %add3A_2050 = arith.addi %convert_element_type3A_2049, %mul3A_6 : vector<16xi32>
        %mul3A_2051 = arith.constant 2 : i32
        %mul3A_2052 = arith.muli %scan3A_1750, %mul3A_2051 : i32
        %add3A_2053 = arith.constant 1 : i32
        %add3A_2054 = arith.addi %mul3A_2052, %add3A_2053 : i32
        %get3A_2055 = arith.index_cast %add3A_2054 : i32 to index
        %get3A_2056 = arith.constant 176 : index
        %get3A_2057 = tpu.vector_load %arg5[%get3A_2055, %get3A_2056] {strides = array<i32>} : memref<224x224xf32, #tpu.memory_space<vmem>>, vector<16xf32>,
        %mul3A_2058 = arith.constant 2.560000e+02 : f32
        %mul3A_2059 = vector.broadcast %mul3A_2058 : f32 to vector<16xf32>
        %mul3A_2060 = arith.mulf %get3A_2057, %mul3A_2059 : vector<16xf32>
        %convert_element_type3A_2061 = arith.fptosi %mul3A_2060 : vector<16xf32> to vector<16xi32>
        %add3A_2062 = arith.addi %convert_element_type3A_2061, %mul3A_6 : vector<16xi32>
        %mul3A_2063 = arith.constant 2 : i32
        %mul3A_2064 = arith.muli %scan3A_1750, %mul3A_2063 : i32
        %add3A_2065 = arith.constant 1 : i32
        %add3A_2066 = arith.addi %mul3A_2064, %add3A_2065 : i32
        %get3A_2067 = arith.index_cast %add3A_2066 : i32 to index
        %get3A_2068 = arith.constant 192 : index
        %get3A_2069 = tpu.vector_load %arg5[%get3A_2067, %get3A_2068] {strides = array<i32>} : memref<224x224xf32, #tpu.memory_space<vmem>>, vector<16xf32>,
        %mul3A_2070 = arith.constant 2.560000e+02 : f32
        %mul3A_2071 = vector.broadcast %mul3A_2070 : f32 to vector<16xf32>
        %mul3A_2072 = arith.mulf %get3A_2069, %mul3A_2071 : vector<16xf32>
        %convert_element_type3A_2073 = arith.fptosi %mul3A_2072 : vector<16xf32> to vector<16xi32>
        %add3A_2074 = arith.addi %convert_element_type3A_2073, %mul3A_6 : vector<16xi32>
        %mul3A_2075 = arith.constant 2 : i32
        %mul3A_2076 = arith.muli %scan3A_1750, %mul3A_2075 : i32
        %add3A_2077 = arith.constant 1 : i32
        %add3A_2078 = arith.addi %mul3A_2076, %add3A_2077 : i32
        %get3A_2079 = arith.index_cast %add3A_2078 : i32 to index
        %get3A_2080 = arith.constant 208 : index
        %get3A_2081 = tpu.vector_load %arg5[%get3A_2079, %get3A_2080] {strides = array<i32>} : memref<224x224xf32, #tpu.memory_space<vmem>>, vector<16xf32>,
        %mul3A_2082 = arith.constant 2.560000e+02 : f32
        %mul3A_2083 = vector.broadcast %mul3A_2082 : f32 to vector<16xf32>
        %mul3A_2084 = arith.mulf %get3A_2081, %mul3A_2083 : vector<16xf32>
        %convert_element_type3A_2085 = arith.fptosi %mul3A_2084 : vector<16xf32> to vector<16xi32>
        %add3A_2086 = arith.addi %convert_element_type3A_2085, %mul3A_6 : vector<16xi32>
        tpu.vector_store_idx %arg6[%add3A_1762], %broadcast_in_dim3A_3 {add = true} : memref<4112xf32, #tpu.memory_space<vmem>>[vector<16xi32>], vector<16xf32>,
        tpu.vector_store_idx %arg6[%add3A_1774], %broadcast_in_dim3A_3 {add = true} : memref<4112xf32, #tpu.memory_space<vmem>>[vector<16xi32>], vector<16xf32>,
        tpu.vector_store_idx %arg6[%add3A_1786], %broadcast_in_dim3A_3 {add = true} : memref<4112xf32, #tpu.memory_space<vmem>>[vector<16xi32>], vector<16xf32>,
        tpu.vector_store_idx %arg6[%add3A_1798], %broadcast_in_dim3A_3 {add = true} : memref<4112xf32, #tpu.memory_space<vmem>>[vector<16xi32>], vector<16xf32>,
        tpu.vector_store_idx %arg6[%add3A_1810], %broadcast_in_dim3A_3 {add = true} : memref<4112xf32, #tpu.memory_space<vmem>>[vector<16xi32>], vector<16xf32>,
        tpu.vector_store_idx %arg6[%add3A_1822], %broadcast_in_dim3A_3 {add = true} : memref<4112xf32, #tpu.memory_space<vmem>>[vector<16xi32>], vector<16xf32>,
        tpu.vector_store_idx %arg6[%add3A_1834], %broadcast_in_dim3A_3 {add = true} : memref<4112xf32, #tpu.memory_space<vmem>>[vector<16xi32>], vector<16xf32>,
        tpu.vector_store_idx %arg6[%add3A_1846], %broadcast_in_dim3A_3 {add = true} : memref<4112xf32, #tpu.memory_space<vmem>>[vector<16xi32>], vector<16xf32>,
        tpu.vector_store_idx %arg6[%add3A_1858], %broadcast_in_dim3A_3 {add = true} : memref<4112xf32, #tpu.memory_space<vmem>>[vector<16xi32>], vector<16xf32>,
        tpu.vector_store_idx %arg6[%add3A_1870], %broadcast_in_dim3A_3 {add = true} : memref<4112xf32, #tpu.memory_space<vmem>>[vector<16xi32>], vector<16xf32>,
        tpu.vector_store_idx %arg6[%add3A_1882], %broadcast_in_dim3A_3 {add = true} : memref<4112xf32, #tpu.memory_space<vmem>>[vector<16xi32>], vector<16xf32>,
        tpu.vector_store_idx %arg6[%add3A_1894], %broadcast_in_dim3A_3 {add = true} : memref<4112xf32, #tpu.memory_space<vmem>>[vector<16xi32>], vector<16xf32>,
        tpu.vector_store_idx %arg6[%add3A_1906], %broadcast_in_dim3A_3 {add = true} : memref<4112xf32, #tpu.memory_space<vmem>>[vector<16xi32>], vector<16xf32>,
        tpu.vector_store_idx %arg6[%add3A_1918], %broadcast_in_dim3A_3 {add = true} : memref<4112xf32, #tpu.memory_space<vmem>>[vector<16xi32>], vector<16xf32>,
        tpu.vector_store_idx %arg6[%add3A_1930], %broadcast_in_dim3A_3 {add = true} : memref<4112xf32, #tpu.memory_space<vmem>>[vector<16xi32>], vector<16xf32>,
        tpu.vector_store_idx %arg6[%add3A_1942], %broadcast_in_dim3A_3 {add = true} : memref<4112xf32, #tpu.memory_space<vmem>>[vector<16xi32>], vector<16xf32>,
        tpu.vector_store_idx %arg6[%add3A_1954], %broadcast_in_dim3A_3 {add = true} : memref<4112xf32, #tpu.memory_space<vmem>>[vector<16xi32>], vector<16xf32>,
        tpu.vector_store_idx %arg6[%add3A_1966], %broadcast_in_dim3A_3 {add = true} : memref<4112xf32, #tpu.memory_space<vmem>>[vector<16xi32>], vector<16xf32>,
        tpu.vector_store_idx %arg6[%add3A_1978], %broadcast_in_dim3A_3 {add = true} : memref<4112xf32, #tpu.memory_space<vmem>>[vector<16xi32>], vector<16xf32>,
        tpu.vector_store_idx %arg6[%add3A_1990], %broadcast_in_dim3A_3 {add = true} : memref<4112xf32, #tpu.memory_space<vmem>>[vector<16xi32>], vector<16xf32>,
        tpu.vector_store_idx %arg6[%add3A_2002], %broadcast_in_dim3A_3 {add = true} : memref<4112xf32, #tpu.memory_space<vmem>>[vector<16xi32>], vector<16xf32>,
        tpu.vector_store_idx %arg6[%add3A_2014], %broadcast_in_dim3A_3 {add = true} : memref<4112xf32, #tpu.memory_space<vmem>>[vector<16xi32>], vector<16xf32>,
        tpu.vector_store_idx %arg6[%add3A_2026], %broadcast_in_dim3A_3 {add = true} : memref<4112xf32, #tpu.memory_space<vmem>>[vector<16xi32>], vector<16xf32>,
        tpu.vector_store_idx %arg6[%add3A_2038], %broadcast_in_dim3A_3 {add = true} : memref<4112xf32, #tpu.memory_space<vmem>>[vector<16xi32>], vector<16xf32>,
        tpu.vector_store_idx %arg6[%add3A_2050], %broadcast_in_dim3A_3 {add = true} : memref<4112xf32, #tpu.memory_space<vmem>>[vector<16xi32>], vector<16xf32>,
        tpu.vector_store_idx %arg6[%add3A_2062], %broadcast_in_dim3A_3 {add = true} : memref<4112xf32, #tpu.memory_space<vmem>>[vector<16xi32>], vector<16xf32>,
        tpu.vector_store_idx %arg6[%add3A_2074], %broadcast_in_dim3A_3 {add = true} : memref<4112xf32, #tpu.memory_space<vmem>>[vector<16xi32>], vector<16xf32>,
        tpu.vector_store_idx %arg6[%add3A_2086], %broadcast_in_dim3A_3 {add = true} : memref<4112xf32, #tpu.memory_space<vmem>>[vector<16xi32>], vector<16xf32>,
      }
      %scan3A_1412 = arith.constant 112 : i32
    }
    %scan3A_25 = arith.constant 12 : i32
    %add3A_26 = arith.constant 0 : i32
    %add3A_27 = vector.broadcast %add3A_26 : i32 to vector<16xi32>
    %add3A_28 = arith.addi %iota3A, %add3A_27 : vector<16xi32>
    %gather3A = tpu.vector_load_idx %arg6[%add3A_28] : memref<4112xf32, #tpu.memory_space<vmem>>[vector<16xi32>], vector<16xf32>,
    %add3A_29 = arith.addf %broadcast_in_dim3A_1, %gather3A : vector<16xf32>
    %add3A_30 = arith.constant 257 : i32
    %add3A_31 = vector.broadcast %add3A_30 : i32 to vector<16xi32>
    %add3A_32 = arith.addi %iota3A, %add3A_31 : vector<16xi32>
    %gather3A_33 = tpu.vector_load_idx %arg6[%add3A_32] : memref<4112xf32, #tpu.memory_space<vmem>>[vector<16xi32>], vector<16xf32>,
    %add3A_34 = arith.addf %add3A_29, %gather3A_33 : vector<16xf32>
    %add3A_35 = arith.constant 514 : i32
    %add3A_36 = vector.broadcast %add3A_35 : i32 to vector<16xi32>
    %add3A_37 = arith.addi %iota3A, %add3A_36 : vector<16xi32>
    %gather3A_38 = tpu.vector_load_idx %arg6[%add3A_37] : memref<4112xf32, #tpu.memory_space<vmem>>[vector<16xi32>], vector<16xf32>,
    %add3A_39 = arith.addf %add3A_34, %gather3A_38 : vector<16xf32>
    %add3A_40 = arith.constant 771 : i32
    %add3A_41 = vector.broadcast %add3A_40 : i32 to vector<16xi32>
    %add3A_42 = arith.addi %iota3A, %add3A_41 : vector<16xi32>
    %gather3A_43 = tpu.vector_load_idx %arg6[%add3A_42] : memref<4112xf32, #tpu.memory_space<vmem>>[vector<16xi32>], vector<16xf32>,
    %add3A_44 = arith.addf %add3A_39, %gather3A_43 : vector<16xf32>
    %add3A_45 = arith.constant 1028 : i32
    %add3A_46 = vector.broadcast %add3A_45 : i32 to vector<16xi32>
    %add3A_47 = arith.addi %iota3A, %add3A_46 : vector<16xi32>
    %gather3A_48 = tpu.vector_load_idx %arg6[%add3A_47] : memref<4112xf32, #tpu.memory_space<vmem>>[vector<16xi32>], vector<16xf32>,
    %add3A_49 = arith.addf %add3A_44, %gather3A_48 : vector<16xf32>
    %add3A_50 = arith.constant 1285 : i32
    %add3A_51 = vector.broadcast %add3A_50 : i32 to vector<16xi32>
    %add3A_52 = arith.addi %iota3A, %add3A_51 : vector<16xi32>
    %gather3A_53 = tpu.vector_load_idx %arg6[%add3A_52] : memref<4112xf32, #tpu.memory_space<vmem>>[vector<16xi32>], vector<16xf32>,
    %add3A_54 = arith.addf %add3A_49, %gather3A_53 : vector<16xf32>
    %add3A_55 = arith.constant 1542 : i32
    %add3A_56 = vector.broadcast %add3A_55 : i32 to vector<16xi32>
    %add3A_57 = arith.addi %iota3A, %add3A_56 : vector<16xi32>
    %gather3A_58 = tpu.vector_load_idx %arg6[%add3A_57] : memref<4112xf32, #tpu.memory_space<vmem>>[vector<16xi32>], vector<16xf32>,
    %add3A_59 = arith.addf %add3A_54, %gather3A_58 : vector<16xf32>
    %add3A_60 = arith.constant 1799 : i32
    %add3A_61 = vector.broadcast %add3A_60 : i32 to vector<16xi32>
    %add3A_62 = arith.addi %iota3A, %add3A_61 : vector<16xi32>
    %gather3A_63 = tpu.vector_load_idx %arg6[%add3A_62] : memref<4112xf32, #tpu.memory_space<vmem>>[vector<16xi32>], vector<16xf32>,
    %add3A_64 = arith.addf %add3A_59, %gather3A_63 : vector<16xf32>
    %add3A_65 = arith.constant 2056 : i32
    %add3A_66 = vector.broadcast %add3A_65 : i32 to vector<16xi32>
    %add3A_67 = arith.addi %iota3A, %add3A_66 : vector<16xi32>
    %gather3A_68 = tpu.vector_load_idx %arg6[%add3A_67] : memref<4112xf32, #tpu.memory_space<vmem>>[vector<16xi32>], vector<16xf32>,
    %add3A_69 = arith.addf %add3A_64, %gather3A_68 : vector<16xf32>
    %add3A_70 = arith.constant 2313 : i32
    %add3A_71 = vector.broadcast %add3A_70 : i32 to vector<16xi32>
    %add3A_72 = arith.addi %iota3A, %add3A_71 : vector<16xi32>
    %gather3A_73 = tpu.vector_load_idx %arg6[%add3A_72] : memref<4112xf32, #tpu.memory_space<vmem>>[vector<16xi32>], vector<16xf32>,
    %add3A_74 = arith.addf %add3A_69, %gather3A_73 : vector<16xf32>
    %add3A_75 = arith.constant 2570 : i32
    %add3A_76 = vector.broadcast %add3A_75 : i32 to vector<16xi32>
    %add3A_77 = arith.addi %iota3A, %add3A_76 : vector<16xi32>
    %gather3A_78 = tpu.vector_load_idx %arg6[%add3A_77] : memref<4112xf32, #tpu.memory_space<vmem>>[vector<16xi32>], vector<16xf32>,
    %add3A_79 = arith.addf %add3A_74, %gather3A_78 : vector<16xf32>
    %add3A_80 = arith.constant 2827 : i32
    %add3A_81 = vector.broadcast %add3A_80 : i32 to vector<16xi32>
    %add3A_82 = arith.addi %iota3A, %add3A_81 : vector<16xi32>
    %gather3A_83 = tpu.vector_load_idx %arg6[%add3A_82] : memref<4112xf32, #tpu.memory_space<vmem>>[vector<16xi32>], vector<16xf32>,
    %add3A_84 = arith.addf %add3A_79, %gather3A_83 : vector<16xf32>
    %add3A_85 = arith.constant 3084 : i32
    %add3A_86 = vector.broadcast %add3A_85 : i32 to vector<16xi32>
    %add3A_87 = arith.addi %iota3A, %add3A_86 : vector<16xi32>
    %gather3A_88 = tpu.vector_load_idx %arg6[%add3A_87] : memref<4112xf32, #tpu.memory_space<vmem>>[vector<16xi32>], vector<16xf32>,
    %add3A_89 = arith.addf %add3A_84, %gather3A_88 : vector<16xf32>
    %add3A_90 = arith.constant 3341 : i32
    %add3A_91 = vector.broadcast %add3A_90 : i32 to vector<16xi32>
    %add3A_92 = arith.addi %iota3A, %add3A_91 : vector<16xi32>
    %gather3A_93 = tpu.vector_load_idx %arg6[%add3A_92] : memref<4112xf32, #tpu.memory_space<vmem>>[vector<16xi32>], vector<16xf32>,
    %add3A_94 = arith.addf %add3A_89, %gather3A_93 : vector<16xf32>
    %add3A_95 = arith.constant 3598 : i32
    %add3A_96 = vector.broadcast %add3A_95 : i32 to vector<16xi32>
    %add3A_97 = arith.addi %iota3A, %add3A_96 : vector<16xi32>
    %gather3A_98 = tpu.vector_load_idx %arg6[%add3A_97] : memref<4112xf32, #tpu.memory_space<vmem>>[vector<16xi32>], vector<16xf32>,
    %add3A_99 = arith.addf %add3A_94, %gather3A_98 : vector<16xf32>
    %add3A_100 = arith.constant 3855 : i32
    %add3A_101 = vector.broadcast %add3A_100 : i32 to vector<16xi32>
    %add3A_102 = arith.addi %iota3A, %add3A_101 : vector<16xi32>
    %gather3A_103 = tpu.vector_load_idx %arg6[%add3A_102] : memref<4112xf32, #tpu.memory_space<vmem>>[vector<16xi32>], vector<16xf32>,
    %add3A_104 = arith.addf %add3A_99, %gather3A_103 : vector<16xf32>
    %swap3A = arith.constant 0 : index
    %swap3A_105 = tpu.vector_load %arg7[%swap3A] {strides = array<i32>} : memref<256xf32, #tpu.memory_space<vmem>>, vector<16xf32>,
    tpu.vector_store %arg7[%swap3A], %add3A_104 {strides = array<i32>} : memref<256xf32, #tpu.memory_space<vmem>>, vector<16xf32>,
    %add3A_106 = arith.constant 16 : i32
    %add3A_107 = vector.broadcast %add3A_106 : i32 to vector<16xi32>
    %add3A_108 = arith.addi %iota3A, %add3A_107 : vector<16xi32>
    %gather3A_109 = tpu.vector_load_idx %arg6[%add3A_108] : memref<4112xf32, #tpu.memory_space<vmem>>[vector<16xi32>], vector<16xf32>,
    %add3A_110 = arith.addf %broadcast_in_dim3A_1, %gather3A_109 : vector<16xf32>
    %add3A_111 = arith.constant 273 : i32
    %add3A_112 = vector.broadcast %add3A_111 : i32 to vector<16xi32>
    %add3A_113 = arith.addi %iota3A, %add3A_112 : vector<16xi32>
    %gather3A_114 = tpu.vector_load_idx %arg6[%add3A_113] : memref<4112xf32, #tpu.memory_space<vmem>>[vector<16xi32>], vector<16xf32>,
    %add3A_115 = arith.addf %add3A_110, %gather3A_114 : vector<16xf32>
    %add3A_116 = arith.constant 530 : i32
    %add3A_117 = vector.broadcast %add3A_116 : i32 to vector<16xi32>
    %add3A_118 = arith.addi %iota3A, %add3A_117 : vector<16xi32>
    %gather3A_119 = tpu.vector_load_idx %arg6[%add3A_118] : memref<4112xf32, #tpu.memory_space<vmem>>[vector<16xi32>], vector<16xf32>,
    %add3A_120 = arith.addf %add3A_115, %gather3A_119 : vector<16xf32>
    %add3A_121 = arith.constant 787 : i32
    %add3A_122 = vector.broadcast %add3A_121 : i32 to vector<16xi32>
    %add3A_123 = arith.addi %iota3A, %add3A_122 : vector<16xi32>
    %gather3A_124 = tpu.vector_load_idx %arg6[%add3A_123] : memref<4112xf32, #tpu.memory_space<vmem>>[vector<16xi32>], vector<16xf32>,
    %add3A_125 = arith.addf %add3A_120, %gather3A_124 : vector<16xf32>
    %add3A_126 = arith.constant 1044 : i32
    %add3A_127 = vector.broadcast %add3A_126 : i32 to vector<16xi32>
    %add3A_128 = arith.addi %iota3A, %add3A_127 : vector<16xi32>
    %gather3A_129 = tpu.vector_load_idx %arg6[%add3A_128] : memref<4112xf32, #tpu.memory_space<vmem>>[vector<16xi32>], vector<16xf32>,
    %add3A_130 = arith.addf %add3A_125, %gather3A_129 : vector<16xf32>
    %add3A_131 = arith.constant 1301 : i32
    %add3A_132 = vector.broadcast %add3A_131 : i32 to vector<16xi32>
    %add3A_133 = arith.addi %iota3A, %add3A_132 : vector<16xi32>
    %gather3A_134 = tpu.vector_load_idx %arg6[%add3A_133] : memref<4112xf32, #tpu.memory_space<vmem>>[vector<16xi32>], vector<16xf32>,
    %add3A_135 = arith.addf %add3A_130, %gather3A_134 : vector<16xf32>
    %add3A_136 = arith.constant 1558 : i32
    %add3A_137 = vector.broadcast %add3A_136 : i32 to vector<16xi32>
    %add3A_138 = arith.addi %iota3A, %add3A_137 : vector<16xi32>
    %gather3A_139 = tpu.vector_load_idx %arg6[%add3A_138] : memref<4112xf32, #tpu.memory_space<vmem>>[vector<16xi32>], vector<16xf32>,
    %add3A_140 = arith.addf %add3A_135, %gather3A_139 : vector<16xf32>
    %add3A_141 = arith.constant 1815 : i32
    %add3A_142 = vector.broadcast %add3A_141 : i32 to vector<16xi32>
    %add3A_143 = arith.addi %iota3A, %add3A_142 : vector<16xi32>
    %gather3A_144 = tpu.vector_load_idx %arg6[%add3A_143] : memref<4112xf32, #tpu.memory_space<vmem>>[vector<16xi32>], vector<16xf32>,
    %add3A_145 = arith.addf %add3A_140, %gather3A_144 : vector<16xf32>
    %add3A_146 = arith.constant 2072 : i32
    %add3A_147 = vector.broadcast %add3A_146 : i32 to vector<16xi32>
    %add3A_148 = arith.addi %iota3A, %add3A_147 : vector<16xi32>
    %gather3A_149 = tpu.vector_load_idx %arg6[%add3A_148] : memref<4112xf32, #tpu.memory_space<vmem>>[vector<16xi32>], vector<16xf32>,
    %add3A_150 = arith.addf %add3A_145, %gather3A_149 : vector<16xf32>
    %add3A_151 = arith.constant 2329 : i32
    %add3A_152 = vector.broadcast %add3A_151 : i32 to vector<16xi32>
    %add3A_153 = arith.addi %iota3A, %add3A_152 : vector<16xi32>
    %gather3A_154 = tpu.vector_load_idx %arg6[%add3A_153] : memref<4112xf32, #tpu.memory_space<vmem>>[vector<16xi32>], vector<16xf32>,
    %add3A_155 = arith.addf %add3A_150, %gather3A_154 : vector<16xf32>
    %add3A_156 = arith.constant 2586 : i32
    %add3A_157 = vector.broadcast %add3A_156 : i32 to vector<16xi32>
    %add3A_158 = arith.addi %iota3A, %add3A_157 : vector<16xi32>
    %gather3A_159 = tpu.vector_load_idx %arg6[%add3A_158] : memref<4112xf32, #tpu.memory_space<vmem>>[vector<16xi32>], vector<16xf32>,
    %add3A_160 = arith.addf %add3A_155, %gather3A_159 : vector<16xf32>
    %add3A_161 = arith.constant 2843 : i32
    %add3A_162 = vector.broadcast %add3A_161 : i32 to vector<16xi32>
    %add3A_163 = arith.addi %iota3A, %add3A_162 : vector<16xi32>
    %gather3A_164 = tpu.vector_load_idx %arg6[%add3A_163] : memref<4112xf32, #tpu.memory_space<vmem>>[vector<16xi32>], vector<16xf32>,
    %add3A_165 = arith.addf %add3A_160, %gather3A_164 : vector<16xf32>
    %add3A_166 = arith.constant 3100 : i32
    %add3A_167 = vector.broadcast %add3A_166 : i32 to vector<16xi32>
    %add3A_168 = arith.addi %iota3A, %add3A_167 : vector<16xi32>
    %gather3A_169 = tpu.vector_load_idx %arg6[%add3A_168] : memref<4112xf32, #tpu.memory_space<vmem>>[vector<16xi32>], vector<16xf32>,
    %add3A_170 = arith.addf %add3A_165, %gather3A_169 : vector<16xf32>
    %add3A_171 = arith.constant 3357 : i32
    %add3A_172 = vector.broadcast %add3A_171 : i32 to vector<16xi32>
    %add3A_173 = arith.addi %iota3A, %add3A_172 : vector<16xi32>
    %gather3A_174 = tpu.vector_load_idx %arg6[%add3A_173] : memref<4112xf32, #tpu.memory_space<vmem>>[vector<16xi32>], vector<16xf32>,
    %add3A_175 = arith.addf %add3A_170, %gather3A_174 : vector<16xf32>
    %add3A_176 = arith.constant 3614 : i32
    %add3A_177 = vector.broadcast %add3A_176 : i32 to vector<16xi32>
    %add3A_178 = arith.addi %iota3A, %add3A_177 : vector<16xi32>
    %gather3A_179 = tpu.vector_load_idx %arg6[%add3A_178] : memref<4112xf32, #tpu.memory_space<vmem>>[vector<16xi32>], vector<16xf32>,
    %add3A_180 = arith.addf %add3A_175, %gather3A_179 : vector<16xf32>
    %add3A_181 = arith.constant 3871 : i32
    %add3A_182 = vector.broadcast %add3A_181 : i32 to vector<16xi32>
    %add3A_183 = arith.addi %iota3A, %add3A_182 : vector<16xi32>
    %gather3A_184 = tpu.vector_load_idx %arg6[%add3A_183] : memref<4112xf32, #tpu.memory_space<vmem>>[vector<16xi32>], vector<16xf32>,
    %add3A_185 = arith.addf %add3A_180, %gather3A_184 : vector<16xf32>
    %swap3A_186 = arith.constant 16 : index
    %swap3A_187 = tpu.vector_load %arg7[%swap3A_186] {strides = array<i32>} : memref<256xf32, #tpu.memory_space<vmem>>, vector<16xf32>,
    tpu.vector_store %arg7[%swap3A_186], %add3A_185 {strides = array<i32>} : memref<256xf32, #tpu.memory_space<vmem>>, vector<16xf32>,
    %add3A_188 = arith.constant 32 : i32
    %add3A_189 = vector.broadcast %add3A_188 : i32 to vector<16xi32>
    %add3A_190 = arith.addi %iota3A, %add3A_189 : vector<16xi32>
    %gather3A_191 = tpu.vector_load_idx %arg6[%add3A_190] : memref<4112xf32, #tpu.memory_space<vmem>>[vector<16xi32>], vector<16xf32>,
    %add3A_192 = arith.addf %broadcast_in_dim3A_1, %gather3A_191 : vector<16xf32>
    %add3A_193 = arith.constant 289 : i32
    %add3A_194 = vector.broadcast %add3A_193 : i32 to vector<16xi32>
    %add3A_195 = arith.addi %iota3A, %add3A_194 : vector<16xi32>
    %gather3A_196 = tpu.vector_load_idx %arg6[%add3A_195] : memref<4112xf32, #tpu.memory_space<vmem>>[vector<16xi32>], vector<16xf32>,
    %add3A_197 = arith.addf %add3A_192, %gather3A_196 : vector<16xf32>
    %add3A_198 = arith.constant 546 : i32
    %add3A_199 = vector.broadcast %add3A_198 : i32 to vector<16xi32>
    %add3A_200 = arith.addi %iota3A, %add3A_199 : vector<16xi32>
    %gather3A_201 = tpu.vector_load_idx %arg6[%add3A_200] : memref<4112xf32, #tpu.memory_space<vmem>>[vector<16xi32>], vector<16xf32>,
    %add3A_202 = arith.addf %add3A_197, %gather3A_201 : vector<16xf32>
    %add3A_203 = arith.constant 803 : i32
    %add3A_204 = vector.broadcast %add3A_203 : i32 to vector<16xi32>
    %add3A_205 = arith.addi %iota3A, %add3A_204 : vector<16xi32>
    %gather3A_206 = tpu.vector_load_idx %arg6[%add3A_205] : memref<4112xf32, #tpu.memory_space<vmem>>[vector<16xi32>], vector<16xf32>,
    %add3A_207 = arith.addf %add3A_202, %gather3A_206 : vector<16xf32>
    %add3A_208 = arith.constant 1060 : i32
    %add3A_209 = vector.broadcast %add3A_208 : i32 to vector<16xi32>
    %add3A_210 = arith.addi %iota3A, %add3A_209 : vector<16xi32>
    %gather3A_211 = tpu.vector_load_idx %arg6[%add3A_210] : memref<4112xf32, #tpu.memory_space<vmem>>[vector<16xi32>], vector<16xf32>,
    %add3A_212 = arith.addf %add3A_207, %gather3A_211 : vector<16xf32>
    %add3A_213 = arith.constant 1317 : i32
    %add3A_214 = vector.broadcast %add3A_213 : i32 to vector<16xi32>
    %add3A_215 = arith.addi %iota3A, %add3A_214 : vector<16xi32>
    %gather3A_216 = tpu.vector_load_idx %arg6[%add3A_215] : memref<4112xf32, #tpu.memory_space<vmem>>[vector<16xi32>], vector<16xf32>,
    %add3A_217 = arith.addf %add3A_212, %gather3A_216 : vector<16xf32>
    %add3A_218 = arith.constant 1574 : i32
    %add3A_219 = vector.broadcast %add3A_218 : i32 to vector<16xi32>
    %add3A_220 = arith.addi %iota3A, %add3A_219 : vector<16xi32>
    %gather3A_221 = tpu.vector_load_idx %arg6[%add3A_220] : memref<4112xf32, #tpu.memory_space<vmem>>[vector<16xi32>], vector<16xf32>,
    %add3A_222 = arith.addf %add3A_217, %gather3A_221 : vector<16xf32>
    %add3A_223 = arith.constant 1831 : i32
    %add3A_224 = vector.broadcast %add3A_223 : i32 to vector<16xi32>
    %add3A_225 = arith.addi %iota3A, %add3A_224 : vector<16xi32>
    %gather3A_226 = tpu.vector_load_idx %arg6[%add3A_225] : memref<4112xf32, #tpu.memory_space<vmem>>[vector<16xi32>], vector<16xf32>,
    %add3A_227 = arith.addf %add3A_222, %gather3A_226 : vector<16xf32>
    %add3A_228 = arith.constant 2088 : i32
    %add3A_229 = vector.broadcast %add3A_228 : i32 to vector<16xi32>
    %add3A_230 = arith.addi %iota3A, %add3A_229 : vector<16xi32>
    %gather3A_231 = tpu.vector_load_idx %arg6[%add3A_230] : memref<4112xf32, #tpu.memory_space<vmem>>[vector<16xi32>], vector<16xf32>,
    %add3A_232 = arith.addf %add3A_227, %gather3A_231 : vector<16xf32>
    %add3A_233 = arith.constant 2345 : i32
    %add3A_234 = vector.broadcast %add3A_233 : i32 to vector<16xi32>
    %add3A_235 = arith.addi %iota3A, %add3A_234 : vector<16xi32>
    %gather3A_236 = tpu.vector_load_idx %arg6[%add3A_235] : memref<4112xf32, #tpu.memory_space<vmem>>[vector<16xi32>], vector<16xf32>,
    %add3A_237 = arith.addf %add3A_232, %gather3A_236 : vector<16xf32>
    %add3A_238 = arith.constant 2602 : i32
    %add3A_239 = vector.broadcast %add3A_238 : i32 to vector<16xi32>
    %add3A_240 = arith.addi %iota3A, %add3A_239 : vector<16xi32>
    %gather3A_241 = tpu.vector_load_idx %arg6[%add3A_240] : memref<4112xf32, #tpu.memory_space<vmem>>[vector<16xi32>], vector<16xf32>,
    %add3A_242 = arith.addf %add3A_237, %gather3A_241 : vector<16xf32>
    %add3A_243 = arith.constant 2859 : i32
    %add3A_244 = vector.broadcast %add3A_243 : i32 to vector<16xi32>
    %add3A_245 = arith.addi %iota3A, %add3A_244 : vector<16xi32>
    %gather3A_246 = tpu.vector_load_idx %arg6[%add3A_245] : memref<4112xf32, #tpu.memory_space<vmem>>[vector<16xi32>], vector<16xf32>,
    %add3A_247 = arith.addf %add3A_242, %gather3A_246 : vector<16xf32>
    %add3A_248 = arith.constant 3116 : i32
    %add3A_249 = vector.broadcast %add3A_248 : i32 to vector<16xi32>
    %add3A_250 = arith.addi %iota3A, %add3A_249 : vector<16xi32>
    %gather3A_251 = tpu.vector_load_idx %arg6[%add3A_250] : memref<4112xf32, #tpu.memory_space<vmem>>[vector<16xi32>], vector<16xf32>,
    %add3A_252 = arith.addf %add3A_247, %gather3A_251 : vector<16xf32>
    %add3A_253 = arith.constant 3373 : i32
    %add3A_254 = vector.broadcast %add3A_253 : i32 to vector<16xi32>
    %add3A_255 = arith.addi %iota3A, %add3A_254 : vector<16xi32>
    %gather3A_256 = tpu.vector_load_idx %arg6[%add3A_255] : memref<4112xf32, #tpu.memory_space<vmem>>[vector<16xi32>], vector<16xf32>,
    %add3A_257 = arith.addf %add3A_252, %gather3A_256 : vector<16xf32>
    %add3A_258 = arith.constant 3630 : i32
    %add3A_259 = vector.broadcast %add3A_258 : i32 to vector<16xi32>
    %add3A_260 = arith.addi %iota3A, %add3A_259 : vector<16xi32>
    %gather3A_261 = tpu.vector_load_idx %arg6[%add3A_260] : memref<4112xf32, #tpu.memory_space<vmem>>[vector<16xi32>], vector<16xf32>,
    %add3A_262 = arith.addf %add3A_257, %gather3A_261 : vector<16xf32>
    %add3A_263 = arith.constant 3887 : i32
    %add3A_264 = vector.broadcast %add3A_263 : i32 to vector<16xi32>
    %add3A_265 = arith.addi %iota3A, %add3A_264 : vector<16xi32>
    %gather3A_266 = tpu.vector_load_idx %arg6[%add3A_265] : memref<4112xf32, #tpu.memory_space<vmem>>[vector<16xi32>], vector<16xf32>,
    %add3A_267 = arith.addf %add3A_262, %gather3A_266 : vector<16xf32>
    %swap3A_268 = arith.constant 32 : index
    %swap3A_269 = tpu.vector_load %arg7[%swap3A_268] {strides = array<i32>} : memref<256xf32, #tpu.memory_space<vmem>>, vector<16xf32>,
    tpu.vector_store %arg7[%swap3A_268], %add3A_267 {strides = array<i32>} : memref<256xf32, #tpu.memory_space<vmem>>, vector<16xf32>,
    %add3A_270 = arith.constant 48 : i32
    %add3A_271 = vector.broadcast %add3A_270 : i32 to vector<16xi32>
    %add3A_272 = arith.addi %iota3A, %add3A_271 : vector<16xi32>
    %gather3A_273 = tpu.vector_load_idx %arg6[%add3A_272] : memref<4112xf32, #tpu.memory_space<vmem>>[vector<16xi32>], vector<16xf32>,
    %add3A_274 = arith.addf %broadcast_in_dim3A_1, %gather3A_273 : vector<16xf32>
    %add3A_275 = arith.constant 305 : i32
    %add3A_276 = vector.broadcast %add3A_275 : i32 to vector<16xi32>
    %add3A_277 = arith.addi %iota3A, %add3A_276 : vector<16xi32>
    %gather3A_278 = tpu.vector_load_idx %arg6[%add3A_277] : memref<4112xf32, #tpu.memory_space<vmem>>[vector<16xi32>], vector<16xf32>,
    %add3A_279 = arith.addf %add3A_274, %gather3A_278 : vector<16xf32>
    %add3A_280 = arith.constant 562 : i32
    %add3A_281 = vector.broadcast %add3A_280 : i32 to vector<16xi32>
    %add3A_282 = arith.addi %iota3A, %add3A_281 : vector<16xi32>
    %gather3A_283 = tpu.vector_load_idx %arg6[%add3A_282] : memref<4112xf32, #tpu.memory_space<vmem>>[vector<16xi32>], vector<16xf32>,
    %add3A_284 = arith.addf %add3A_279, %gather3A_283 : vector<16xf32>
    %add3A_285 = arith.constant 819 : i32
    %add3A_286 = vector.broadcast %add3A_285 : i32 to vector<16xi32>
    %add3A_287 = arith.addi %iota3A, %add3A_286 : vector<16xi32>
    %gather3A_288 = tpu.vector_load_idx %arg6[%add3A_287] : memref<4112xf32, #tpu.memory_space<vmem>>[vector<16xi32>], vector<16xf32>,
    %add3A_289 = arith.addf %add3A_284, %gather3A_288 : vector<16xf32>
    %add3A_290 = arith.constant 1076 : i32
    %add3A_291 = vector.broadcast %add3A_290 : i32 to vector<16xi32>
    %add3A_292 = arith.addi %iota3A, %add3A_291 : vector<16xi32>
    %gather3A_293 = tpu.vector_load_idx %arg6[%add3A_292] : memref<4112xf32, #tpu.memory_space<vmem>>[vector<16xi32>], vector<16xf32>,
    %add3A_294 = arith.addf %add3A_289, %gather3A_293 : vector<16xf32>
    %add3A_295 = arith.constant 1333 : i32
    %add3A_296 = vector.broadcast %add3A_295 : i32 to vector<16xi32>
    %add3A_297 = arith.addi %iota3A, %add3A_296 : vector<16xi32>
    %gather3A_298 = tpu.vector_load_idx %arg6[%add3A_297] : memref<4112xf32, #tpu.memory_space<vmem>>[vector<16xi32>], vector<16xf32>,
    %add3A_299 = arith.addf %add3A_294, %gather3A_298 : vector<16xf32>
    %add3A_300 = arith.constant 1590 : i32
    %add3A_301 = vector.broadcast %add3A_300 : i32 to vector<16xi32>
    %add3A_302 = arith.addi %iota3A, %add3A_301 : vector<16xi32>
    %gather3A_303 = tpu.vector_load_idx %arg6[%add3A_302] : memref<4112xf32, #tpu.memory_space<vmem>>[vector<16xi32>], vector<16xf32>,
    %add3A_304 = arith.addf %add3A_299, %gather3A_303 : vector<16xf32>
    %add3A_305 = arith.constant 1847 : i32
    %add3A_306 = vector.broadcast %add3A_305 : i32 to vector<16xi32>
    %add3A_307 = arith.addi %iota3A, %add3A_306 : vector<16xi32>
    %gather3A_308 = tpu.vector_load_idx %arg6[%add3A_307] : memref<4112xf32, #tpu.memory_space<vmem>>[vector<16xi32>], vector<16xf32>,
    %add3A_309 = arith.addf %add3A_304, %gather3A_308 : vector<16xf32>
    %add3A_310 = arith.constant 2104 : i32
    %add3A_311 = vector.broadcast %add3A_310 : i32 to vector<16xi32>
    %add3A_312 = arith.addi %iota3A, %add3A_311 : vector<16xi32>
    %gather3A_313 = tpu.vector_load_idx %arg6[%add3A_312] : memref<4112xf32, #tpu.memory_space<vmem>>[vector<16xi32>], vector<16xf32>,
    %add3A_314 = arith.addf %add3A_309, %gather3A_313 : vector<16xf32>
    %add3A_315 = arith.constant 2361 : i32
    %add3A_316 = vector.broadcast %add3A_315 : i32 to vector<16xi32>
    %add3A_317 = arith.addi %iota3A, %add3A_316 : vector<16xi32>
    %gather3A_318 = tpu.vector_load_idx %arg6[%add3A_317] : memref<4112xf32, #tpu.memory_space<vmem>>[vector<16xi32>], vector<16xf32>,
    %add3A_319 = arith.addf %add3A_314, %gather3A_318 : vector<16xf32>
    %add3A_320 = arith.constant 2618 : i32
    %add3A_321 = vector.broadcast %add3A_320 : i32 to vector<16xi32>
    %add3A_322 = arith.addi %iota3A, %add3A_321 : vector<16xi32>
    %gather3A_323 = tpu.vector_load_idx %arg6[%add3A_322] : memref<4112xf32, #tpu.memory_space<vmem>>[vector<16xi32>], vector<16xf32>,
    %add3A_324 = arith.addf %add3A_319, %gather3A_323 : vector<16xf32>
    %add3A_325 = arith.constant 2875 : i32
    %add3A_326 = vector.broadcast %add3A_325 : i32 to vector<16xi32>
    %add3A_327 = arith.addi %iota3A, %add3A_326 : vector<16xi32>
    %gather3A_328 = tpu.vector_load_idx %arg6[%add3A_327] : memref<4112xf32, #tpu.memory_space<vmem>>[vector<16xi32>], vector<16xf32>,
    %add3A_329 = arith.addf %add3A_324, %gather3A_328 : vector<16xf32>
    %add3A_330 = arith.constant 3132 : i32
    %add3A_331 = vector.broadcast %add3A_330 : i32 to vector<16xi32>
    %add3A_332 = arith.addi %iota3A, %add3A_331 : vector<16xi32>
    %gather3A_333 = tpu.vector_load_idx %arg6[%add3A_332] : memref<4112xf32, #tpu.memory_space<vmem>>[vector<16xi32>], vector<16xf32>,
    %add3A_334 = arith.addf %add3A_329, %gather3A_333 : vector<16xf32>
    %add3A_335 = arith.constant 3389 : i32
    %add3A_336 = vector.broadcast %add3A_335 : i32 to vector<16xi32>
    %add3A_337 = arith.addi %iota3A, %add3A_336 : vector<16xi32>
    %gather3A_338 = tpu.vector_load_idx %arg6[%add3A_337] : memref<4112xf32, #tpu.memory_space<vmem>>[vector<16xi32>], vector<16xf32>,
    %add3A_339 = arith.addf %add3A_334, %gather3A_338 : vector<16xf32>
    %add3A_340 = arith.constant 3646 : i32
    %add3A_341 = vector.broadcast %add3A_340 : i32 to vector<16xi32>
    %add3A_342 = arith.addi %iota3A, %add3A_341 : vector<16xi32>
    %gather3A_343 = tpu.vector_load_idx %arg6[%add3A_342] : memref<4112xf32, #tpu.memory_space<vmem>>[vector<16xi32>], vector<16xf32>,
    %add3A_344 = arith.addf %add3A_339, %gather3A_343 : vector<16xf32>
    %add3A_345 = arith.constant 3903 : i32
    %add3A_346 = vector.broadcast %add3A_345 : i32 to vector<16xi32>
    %add3A_347 = arith.addi %iota3A, %add3A_346 : vector<16xi32>
    %gather3A_348 = tpu.vector_load_idx %arg6[%add3A_347] : memref<4112xf32, #tpu.memory_space<vmem>>[vector<16xi32>], vector<16xf32>,
    %add3A_349 = arith.addf %add3A_344, %gather3A_348 : vector<16xf32>
    %swap3A_350 = arith.constant 48 : index
    %swap3A_351 = tpu.vector_load %arg7[%swap3A_350] {strides = array<i32>} : memref<256xf32, #tpu.memory_space<vmem>>, vector<16xf32>,
    tpu.vector_store %arg7[%swap3A_350], %add3A_349 {strides = array<i32>} : memref<256xf32, #tpu.memory_space<vmem>>, vector<16xf32>,
    %add3A_352 = arith.constant 64 : i32
    %add3A_353 = vector.broadcast %add3A_352 : i32 to vector<16xi32>
    %add3A_354 = arith.addi %iota3A, %add3A_353 : vector<16xi32>
    %gather3A_355 = tpu.vector_load_idx %arg6[%add3A_354] : memref<4112xf32, #tpu.memory_space<vmem>>[vector<16xi32>], vector<16xf32>,
    %add3A_356 = arith.addf %broadcast_in_dim3A_1, %gather3A_355 : vector<16xf32>
    %add3A_357 = arith.constant 321 : i32
    %add3A_358 = vector.broadcast %add3A_357 : i32 to vector<16xi32>
    %add3A_359 = arith.addi %iota3A, %add3A_358 : vector<16xi32>
    %gather3A_360 = tpu.vector_load_idx %arg6[%add3A_359] : memref<4112xf32, #tpu.memory_space<vmem>>[vector<16xi32>], vector<16xf32>,
    %add3A_361 = arith.addf %add3A_356, %gather3A_360 : vector<16xf32>
    %add3A_362 = arith.constant 578 : i32
    %add3A_363 = vector.broadcast %add3A_362 : i32 to vector<16xi32>
    %add3A_364 = arith.addi %iota3A, %add3A_363 : vector<16xi32>
    %gather3A_365 = tpu.vector_load_idx %arg6[%add3A_364] : memref<4112xf32, #tpu.memory_space<vmem>>[vector<16xi32>], vector<16xf32>,
    %add3A_366 = arith.addf %add3A_361, %gather3A_365 : vector<16xf32>
    %add3A_367 = arith.constant 835 : i32
    %add3A_368 = vector.broadcast %add3A_367 : i32 to vector<16xi32>
    %add3A_369 = arith.addi %iota3A, %add3A_368 : vector<16xi32>
    %gather3A_370 = tpu.vector_load_idx %arg6[%add3A_369] : memref<4112xf32, #tpu.memory_space<vmem>>[vector<16xi32>], vector<16xf32>,
    %add3A_371 = arith.addf %add3A_366, %gather3A_370 : vector<16xf32>
    %add3A_372 = arith.constant 1092 : i32
    %add3A_373 = vector.broadcast %add3A_372 : i32 to vector<16xi32>
    %add3A_374 = arith.addi %iota3A, %add3A_373 : vector<16xi32>
    %gather3A_375 = tpu.vector_load_idx %arg6[%add3A_374] : memref<4112xf32, #tpu.memory_space<vmem>>[vector<16xi32>], vector<16xf32>,
    %add3A_376 = arith.addf %add3A_371, %gather3A_375 : vector<16xf32>
    %add3A_377 = arith.constant 1349 : i32
    %add3A_378 = vector.broadcast %add3A_377 : i32 to vector<16xi32>
    %add3A_379 = arith.addi %iota3A, %add3A_378 : vector<16xi32>
    %gather3A_380 = tpu.vector_load_idx %arg6[%add3A_379] : memref<4112xf32, #tpu.memory_space<vmem>>[vector<16xi32>], vector<16xf32>,
    %add3A_381 = arith.addf %add3A_376, %gather3A_380 : vector<16xf32>
    %add3A_382 = arith.constant 1606 : i32
    %add3A_383 = vector.broadcast %add3A_382 : i32 to vector<16xi32>
    %add3A_384 = arith.addi %iota3A, %add3A_383 : vector<16xi32>
    %gather3A_385 = tpu.vector_load_idx %arg6[%add3A_384] : memref<4112xf32, #tpu.memory_space<vmem>>[vector<16xi32>], vector<16xf32>,
    %add3A_386 = arith.addf %add3A_381, %gather3A_385 : vector<16xf32>
    %add3A_387 = arith.constant 1863 : i32
    %add3A_388 = vector.broadcast %add3A_387 : i32 to vector<16xi32>
    %add3A_389 = arith.addi %iota3A, %add3A_388 : vector<16xi32>
    %gather3A_390 = tpu.vector_load_idx %arg6[%add3A_389] : memref<4112xf32, #tpu.memory_space<vmem>>[vector<16xi32>], vector<16xf32>,
    %add3A_391 = arith.addf %add3A_386, %gather3A_390 : vector<16xf32>
    %add3A_392 = arith.constant 2120 : i32
    %add3A_393 = vector.broadcast %add3A_392 : i32 to vector<16xi32>
    %add3A_394 = arith.addi %iota3A, %add3A_393 : vector<16xi32>
    %gather3A_395 = tpu.vector_load_idx %arg6[%add3A_394] : memref<4112xf32, #tpu.memory_space<vmem>>[vector<16xi32>], vector<16xf32>,
    %add3A_396 = arith.addf %add3A_391, %gather3A_395 : vector<16xf32>
    %add3A_397 = arith.constant 2377 : i32
    %add3A_398 = vector.broadcast %add3A_397 : i32 to vector<16xi32>
    %add3A_399 = arith.addi %iota3A, %add3A_398 : vector<16xi32>
    %gather3A_400 = tpu.vector_load_idx %arg6[%add3A_399] : memref<4112xf32, #tpu.memory_space<vmem>>[vector<16xi32>], vector<16xf32>,
    %add3A_401 = arith.addf %add3A_396, %gather3A_400 : vector<16xf32>
    %add3A_402 = arith.constant 2634 : i32
    %add3A_403 = vector.broadcast %add3A_402 : i32 to vector<16xi32>
    %add3A_404 = arith.addi %iota3A, %add3A_403 : vector<16xi32>
    %gather3A_405 = tpu.vector_load_idx %arg6[%add3A_404] : memref<4112xf32, #tpu.memory_space<vmem>>[vector<16xi32>], vector<16xf32>,
    %add3A_406 = arith.addf %add3A_401, %gather3A_405 : vector<16xf32>
    %add3A_407 = arith.constant 2891 : i32
    %add3A_408 = vector.broadcast %add3A_407 : i32 to vector<16xi32>
    %add3A_409 = arith.addi %iota3A, %add3A_408 : vector<16xi32>
    %gather3A_410 = tpu.vector_load_idx %arg6[%add3A_409] : memref<4112xf32, #tpu.memory_space<vmem>>[vector<16xi32>], vector<16xf32>,
    %add3A_411 = arith.addf %add3A_406, %gather3A_410 : vector<16xf32>
    %add3A_412 = arith.constant 3148 : i32
    %add3A_413 = vector.broadcast %add3A_412 : i32 to vector<16xi32>
    %add3A_414 = arith.addi %iota3A, %add3A_413 : vector<16xi32>
    %gather3A_415 = tpu.vector_load_idx %arg6[%add3A_414] : memref<4112xf32, #tpu.memory_space<vmem>>[vector<16xi32>], vector<16xf32>,
    %add3A_416 = arith.addf %add3A_411, %gather3A_415 : vector<16xf32>
    %add3A_417 = arith.constant 3405 : i32
    %add3A_418 = vector.broadcast %add3A_417 : i32 to vector<16xi32>
    %add3A_419 = arith.addi %iota3A, %add3A_418 : vector<16xi32>
    %gather3A_420 = tpu.vector_load_idx %arg6[%add3A_419] : memref<4112xf32, #tpu.memory_space<vmem>>[vector<16xi32>], vector<16xf32>,
    %add3A_421 = arith.addf %add3A_416, %gather3A_420 : vector<16xf32>
    %add3A_422 = arith.constant 3662 : i32
    %add3A_423 = vector.broadcast %add3A_422 : i32 to vector<16xi32>
    %add3A_424 = arith.addi %iota3A, %add3A_423 : vector<16xi32>
    %gather3A_425 = tpu.vector_load_idx %arg6[%add3A_424] : memref<4112xf32, #tpu.memory_space<vmem>>[vector<16xi32>], vector<16xf32>,
    %add3A_426 = arith.addf %add3A_421, %gather3A_425 : vector<16xf32>
    %add3A_427 = arith.constant 3919 : i32
    %add3A_428 = vector.broadcast %add3A_427 : i32 to vector<16xi32>
    %add3A_429 = arith.addi %iota3A, %add3A_428 : vector<16xi32>
    %gather3A_430 = tpu.vector_load_idx %arg6[%add3A_429] : memref<4112xf32, #tpu.memory_space<vmem>>[vector<16xi32>], vector<16xf32>,
    %add3A_431 = arith.addf %add3A_426, %gather3A_430 : vector<16xf32>
    %swap3A_432 = arith.constant 64 : index
    %swap3A_433 = tpu.vector_load %arg7[%swap3A_432] {strides = array<i32>} : memref<256xf32, #tpu.memory_space<vmem>>, vector<16xf32>,
    tpu.vector_store %arg7[%swap3A_432], %add3A_431 {strides = array<i32>} : memref<256xf32, #tpu.memory_space<vmem>>, vector<16xf32>,
    %add3A_434 = arith.constant 80 : i32
    %add3A_435 = vector.broadcast %add3A_434 : i32 to vector<16xi32>
    %add3A_436 = arith.addi %iota3A, %add3A_435 : vector<16xi32>
    %gather3A_437 = tpu.vector_load_idx %arg6[%add3A_436] : memref<4112xf32, #tpu.memory_space<vmem>>[vector<16xi32>], vector<16xf32>,
    %add3A_438 = arith.addf %broadcast_in_dim3A_1, %gather3A_437 : vector<16xf32>
    %add3A_439 = arith.constant 337 : i32
    %add3A_440 = vector.broadcast %add3A_439 : i32 to vector<16xi32>
    %add3A_441 = arith.addi %iota3A, %add3A_440 : vector<16xi32>
    %gather3A_442 = tpu.vector_load_idx %arg6[%add3A_441] : memref<4112xf32, #tpu.memory_space<vmem>>[vector<16xi32>], vector<16xf32>,
    %add3A_443 = arith.addf %add3A_438, %gather3A_442 : vector<16xf32>
    %add3A_444 = arith.constant 594 : i32
    %add3A_445 = vector.broadcast %add3A_444 : i32 to vector<16xi32>
    %add3A_446 = arith.addi %iota3A, %add3A_445 : vector<16xi32>
    %gather3A_447 = tpu.vector_load_idx %arg6[%add3A_446] : memref<4112xf32, #tpu.memory_space<vmem>>[vector<16xi32>], vector<16xf32>,
    %add3A_448 = arith.addf %add3A_443, %gather3A_447 : vector<16xf32>
    %add3A_449 = arith.constant 851 : i32
    %add3A_450 = vector.broadcast %add3A_449 : i32 to vector<16xi32>
    %add3A_451 = arith.addi %iota3A, %add3A_450 : vector<16xi32>
    %gather3A_452 = tpu.vector_load_idx %arg6[%add3A_451] : memref<4112xf32, #tpu.memory_space<vmem>>[vector<16xi32>], vector<16xf32>,
    %add3A_453 = arith.addf %add3A_448, %gather3A_452 : vector<16xf32>
    %add3A_454 = arith.constant 1108 : i32
    %add3A_455 = vector.broadcast %add3A_454 : i32 to vector<16xi32>
    %add3A_456 = arith.addi %iota3A, %add3A_455 : vector<16xi32>
    %gather3A_457 = tpu.vector_load_idx %arg6[%add3A_456] : memref<4112xf32, #tpu.memory_space<vmem>>[vector<16xi32>], vector<16xf32>,
    %add3A_458 = arith.addf %add3A_453, %gather3A_457 : vector<16xf32>
    %add3A_459 = arith.constant 1365 : i32
    %add3A_460 = vector.broadcast %add3A_459 : i32 to vector<16xi32>
    %add3A_461 = arith.addi %iota3A, %add3A_460 : vector<16xi32>
    %gather3A_462 = tpu.vector_load_idx %arg6[%add3A_461] : memref<4112xf32, #tpu.memory_space<vmem>>[vector<16xi32>], vector<16xf32>,
    %add3A_463 = arith.addf %add3A_458, %gather3A_462 : vector<16xf32>
    %add3A_464 = arith.constant 1622 : i32
    %add3A_465 = vector.broadcast %add3A_464 : i32 to vector<16xi32>
    %add3A_466 = arith.addi %iota3A, %add3A_465 : vector<16xi32>
    %gather3A_467 = tpu.vector_load_idx %arg6[%add3A_466] : memref<4112xf32, #tpu.memory_space<vmem>>[vector<16xi32>], vector<16xf32>,
    %add3A_468 = arith.addf %add3A_463, %gather3A_467 : vector<16xf32>
    %add3A_469 = arith.constant 1879 : i32
    %add3A_470 = vector.broadcast %add3A_469 : i32 to vector<16xi32>
    %add3A_471 = arith.addi %iota3A, %add3A_470 : vector<16xi32>
    %gather3A_472 = tpu.vector_load_idx %arg6[%add3A_471] : memref<4112xf32, #tpu.memory_space<vmem>>[vector<16xi32>], vector<16xf32>,
    %add3A_473 = arith.addf %add3A_468, %gather3A_472 : vector<16xf32>
    %add3A_474 = arith.constant 2136 : i32
    %add3A_475 = vector.broadcast %add3A_474 : i32 to vector<16xi32>
    %add3A_476 = arith.addi %iota3A, %add3A_475 : vector<16xi32>
    %gather3A_477 = tpu.vector_load_idx %arg6[%add3A_476] : memref<4112xf32, #tpu.memory_space<vmem>>[vector<16xi32>], vector<16xf32>,
    %add3A_478 = arith.addf %add3A_473, %gather3A_477 : vector<16xf32>
    %add3A_479 = arith.constant 2393 : i32
    %add3A_480 = vector.broadcast %add3A_479 : i32 to vector<16xi32>
    %add3A_481 = arith.addi %iota3A, %add3A_480 : vector<16xi32>
    %gather3A_482 = tpu.vector_load_idx %arg6[%add3A_481] : memref<4112xf32, #tpu.memory_space<vmem>>[vector<16xi32>], vector<16xf32>,
    %add3A_483 = arith.addf %add3A_478, %gather3A_482 : vector<16xf32>
    %add3A_484 = arith.constant 2650 : i32
    %add3A_485 = vector.broadcast %add3A_484 : i32 to vector<16xi32>
    %add3A_486 = arith.addi %iota3A, %add3A_485 : vector<16xi32>
    %gather3A_487 = tpu.vector_load_idx %arg6[%add3A_486] : memref<4112xf32, #tpu.memory_space<vmem>>[vector<16xi32>], vector<16xf32>,
    %add3A_488 = arith.addf %add3A_483, %gather3A_487 : vector<16xf32>
    %add3A_489 = arith.constant 2907 : i32
    %add3A_490 = vector.broadcast %add3A_489 : i32 to vector<16xi32>
    %add3A_491 = arith.addi %iota3A, %add3A_490 : vector<16xi32>
    %gather3A_492 = tpu.vector_load_idx %arg6[%add3A_491] : memref<4112xf32, #tpu.memory_space<vmem>>[vector<16xi32>], vector<16xf32>,
    %add3A_493 = arith.addf %add3A_488, %gather3A_492 : vector<16xf32>
    %add3A_494 = arith.constant 3164 : i32
    %add3A_495 = vector.broadcast %add3A_494 : i32 to vector<16xi32>
    %add3A_496 = arith.addi %iota3A, %add3A_495 : vector<16xi32>
    %gather3A_497 = tpu.vector_load_idx %arg6[%add3A_496] : memref<4112xf32, #tpu.memory_space<vmem>>[vector<16xi32>], vector<16xf32>,
    %add3A_498 = arith.addf %add3A_493, %gather3A_497 : vector<16xf32>
    %add3A_499 = arith.constant 3421 : i32
    %add3A_500 = vector.broadcast %add3A_499 : i32 to vector<16xi32>
    %add3A_501 = arith.addi %iota3A, %add3A_500 : vector<16xi32>
    %gather3A_502 = tpu.vector_load_idx %arg6[%add3A_501] : memref<4112xf32, #tpu.memory_space<vmem>>[vector<16xi32>], vector<16xf32>,
    %add3A_503 = arith.addf %add3A_498, %gather3A_502 : vector<16xf32>
    %add3A_504 = arith.constant 3678 : i32
    %add3A_505 = vector.broadcast %add3A_504 : i32 to vector<16xi32>
    %add3A_506 = arith.addi %iota3A, %add3A_505 : vector<16xi32>
    %gather3A_507 = tpu.vector_load_idx %arg6[%add3A_506] : memref<4112xf32, #tpu.memory_space<vmem>>[vector<16xi32>], vector<16xf32>,
    %add3A_508 = arith.addf %add3A_503, %gather3A_507 : vector<16xf32>
    %add3A_509 = arith.constant 3935 : i32
    %add3A_510 = vector.broadcast %add3A_509 : i32 to vector<16xi32>
    %add3A_511 = arith.addi %iota3A, %add3A_510 : vector<16xi32>
    %gather3A_512 = tpu.vector_load_idx %arg6[%add3A_511] : memref<4112xf32, #tpu.memory_space<vmem>>[vector<16xi32>], vector<16xf32>,
    %add3A_513 = arith.addf %add3A_508, %gather3A_512 : vector<16xf32>
    %swap3A_514 = arith.constant 80 : index
    %swap3A_515 = tpu.vector_load %arg7[%swap3A_514] {strides = array<i32>} : memref<256xf32, #tpu.memory_space<vmem>>, vector<16xf32>,
    tpu.vector_store %arg7[%swap3A_514], %add3A_513 {strides = array<i32>} : memref<256xf32, #tpu.memory_space<vmem>>, vector<16xf32>,
    %add3A_516 = arith.constant 96 : i32
    %add3A_517 = vector.broadcast %add3A_516 : i32 to vector<16xi32>
    %add3A_518 = arith.addi %iota3A, %add3A_517 : vector<16xi32>
    %gather3A_519 = tpu.vector_load_idx %arg6[%add3A_518] : memref<4112xf32, #tpu.memory_space<vmem>>[vector<16xi32>], vector<16xf32>,
    %add3A_520 = arith.addf %broadcast_in_dim3A_1, %gather3A_519 : vector<16xf32>
    %add3A_521 = arith.constant 353 : i32
    %add3A_522 = vector.broadcast %add3A_521 : i32 to vector<16xi32>
    %add3A_523 = arith.addi %iota3A, %add3A_522 : vector<16xi32>
    %gather3A_524 = tpu.vector_load_idx %arg6[%add3A_523] : memref<4112xf32, #tpu.memory_space<vmem>>[vector<16xi32>], vector<16xf32>,
    %add3A_525 = arith.addf %add3A_520, %gather3A_524 : vector<16xf32>
    %add3A_526 = arith.constant 610 : i32
    %add3A_527 = vector.broadcast %add3A_526 : i32 to vector<16xi32>
    %add3A_528 = arith.addi %iota3A, %add3A_527 : vector<16xi32>
    %gather3A_529 = tpu.vector_load_idx %arg6[%add3A_528] : memref<4112xf32, #tpu.memory_space<vmem>>[vector<16xi32>], vector<16xf32>,
    %add3A_530 = arith.addf %add3A_525, %gather3A_529 : vector<16xf32>
    %add3A_531 = arith.constant 867 : i32
    %add3A_532 = vector.broadcast %add3A_531 : i32 to vector<16xi32>
    %add3A_533 = arith.addi %iota3A, %add3A_532 : vector<16xi32>
    %gather3A_534 = tpu.vector_load_idx %arg6[%add3A_533] : memref<4112xf32, #tpu.memory_space<vmem>>[vector<16xi32>], vector<16xf32>,
    %add3A_535 = arith.addf %add3A_530, %gather3A_534 : vector<16xf32>
    %add3A_536 = arith.constant 1124 : i32
    %add3A_537 = vector.broadcast %add3A_536 : i32 to vector<16xi32>
    %add3A_538 = arith.addi %iota3A, %add3A_537 : vector<16xi32>
    %gather3A_539 = tpu.vector_load_idx %arg6[%add3A_538] : memref<4112xf32, #tpu.memory_space<vmem>>[vector<16xi32>], vector<16xf32>,
    %add3A_540 = arith.addf %add3A_535, %gather3A_539 : vector<16xf32>
    %add3A_541 = arith.constant 1381 : i32
    %add3A_542 = vector.broadcast %add3A_541 : i32 to vector<16xi32>
    %add3A_543 = arith.addi %iota3A, %add3A_542 : vector<16xi32>
    %gather3A_544 = tpu.vector_load_idx %arg6[%add3A_543] : memref<4112xf32, #tpu.memory_space<vmem>>[vector<16xi32>], vector<16xf32>,
    %add3A_545 = arith.addf %add3A_540, %gather3A_544 : vector<16xf32>
    %add3A_546 = arith.constant 1638 : i32
    %add3A_547 = vector.broadcast %add3A_546 : i32 to vector<16xi32>
    %add3A_548 = arith.addi %iota3A, %add3A_547 : vector<16xi32>
    %gather3A_549 = tpu.vector_load_idx %arg6[%add3A_548] : memref<4112xf32, #tpu.memory_space<vmem>>[vector<16xi32>], vector<16xf32>,
    %add3A_550 = arith.addf %add3A_545, %gather3A_549 : vector<16xf32>
    %add3A_551 = arith.constant 1895 : i32
    %add3A_552 = vector.broadcast %add3A_551 : i32 to vector<16xi32>
    %add3A_553 = arith.addi %iota3A, %add3A_552 : vector<16xi32>
    %gather3A_554 = tpu.vector_load_idx %arg6[%add3A_553] : memref<4112xf32, #tpu.memory_space<vmem>>[vector<16xi32>], vector<16xf32>,
    %add3A_555 = arith.addf %add3A_550, %gather3A_554 : vector<16xf32>
    %add3A_556 = arith.constant 2152 : i32
    %add3A_557 = vector.broadcast %add3A_556 : i32 to vector<16xi32>
    %add3A_558 = arith.addi %iota3A, %add3A_557 : vector<16xi32>
    %gather3A_559 = tpu.vector_load_idx %arg6[%add3A_558] : memref<4112xf32, #tpu.memory_space<vmem>>[vector<16xi32>], vector<16xf32>,
    %add3A_560 = arith.addf %add3A_555, %gather3A_559 : vector<16xf32>
    %add3A_561 = arith.constant 2409 : i32
    %add3A_562 = vector.broadcast %add3A_561 : i32 to vector<16xi32>
    %add3A_563 = arith.addi %iota3A, %add3A_562 : vector<16xi32>
    %gather3A_564 = tpu.vector_load_idx %arg6[%add3A_563] : memref<4112xf32, #tpu.memory_space<vmem>>[vector<16xi32>], vector<16xf32>,
    %add3A_565 = arith.addf %add3A_560, %gather3A_564 : vector<16xf32>
    %add3A_566 = arith.constant 2666 : i32
    %add3A_567 = vector.broadcast %add3A_566 : i32 to vector<16xi32>
    %add3A_568 = arith.addi %iota3A, %add3A_567 : vector<16xi32>
    %gather3A_569 = tpu.vector_load_idx %arg6[%add3A_568] : memref<4112xf32, #tpu.memory_space<vmem>>[vector<16xi32>], vector<16xf32>,
    %add3A_570 = arith.addf %add3A_565, %gather3A_569 : vector<16xf32>
    %add3A_571 = arith.constant 2923 : i32
    %add3A_572 = vector.broadcast %add3A_571 : i32 to vector<16xi32>
    %add3A_573 = arith.addi %iota3A, %add3A_572 : vector<16xi32>
    %gather3A_574 = tpu.vector_load_idx %arg6[%add3A_573] : memref<4112xf32, #tpu.memory_space<vmem>>[vector<16xi32>], vector<16xf32>,
    %add3A_575 = arith.addf %add3A_570, %gather3A_574 : vector<16xf32>
    %add3A_576 = arith.constant 3180 : i32
    %add3A_577 = vector.broadcast %add3A_576 : i32 to vector<16xi32>
    %add3A_578 = arith.addi %iota3A, %add3A_577 : vector<16xi32>
    %gather3A_579 = tpu.vector_load_idx %arg6[%add3A_578] : memref<4112xf32, #tpu.memory_space<vmem>>[vector<16xi32>], vector<16xf32>,
    %add3A_580 = arith.addf %add3A_575, %gather3A_579 : vector<16xf32>
    %add3A_581 = arith.constant 3437 : i32
    %add3A_582 = vector.broadcast %add3A_581 : i32 to vector<16xi32>
    %add3A_583 = arith.addi %iota3A, %add3A_582 : vector<16xi32>
    %gather3A_584 = tpu.vector_load_idx %arg6[%add3A_583] : memref<4112xf32, #tpu.memory_space<vmem>>[vector<16xi32>], vector<16xf32>,
    %add3A_585 = arith.addf %add3A_580, %gather3A_584 : vector<16xf32>
    %add3A_586 = arith.constant 3694 : i32
    %add3A_587 = vector.broadcast %add3A_586 : i32 to vector<16xi32>
    %add3A_588 = arith.addi %iota3A, %add3A_587 : vector<16xi32>
    %gather3A_589 = tpu.vector_load_idx %arg6[%add3A_588] : memref<4112xf32, #tpu.memory_space<vmem>>[vector<16xi32>], vector<16xf32>,
    %add3A_590 = arith.addf %add3A_585, %gather3A_589 : vector<16xf32>
    %add3A_591 = arith.constant 3951 : i32
    %add3A_592 = vector.broadcast %add3A_591 : i32 to vector<16xi32>
    %add3A_593 = arith.addi %iota3A, %add3A_592 : vector<16xi32>
    %gather3A_594 = tpu.vector_load_idx %arg6[%add3A_593] : memref<4112xf32, #tpu.memory_space<vmem>>[vector<16xi32>], vector<16xf32>,
    %add3A_595 = arith.addf %add3A_590, %gather3A_594 : vector<16xf32>
    %swap3A_596 = arith.constant 96 : index
    %swap3A_597 = tpu.vector_load %arg7[%swap3A_596] {strides = array<i32>} : memref<256xf32, #tpu.memory_space<vmem>>, vector<16xf32>,
    tpu.vector_store %arg7[%swap3A_596], %add3A_595 {strides = array<i32>} : memref<256xf32, #tpu.memory_space<vmem>>, vector<16xf32>,
    %add3A_598 = arith.constant 112 : i32
    %add3A_599 = vector.broadcast %add3A_598 : i32 to vector<16xi32>
    %add3A_600 = arith.addi %iota3A, %add3A_599 : vector<16xi32>
    %gather3A_601 = tpu.vector_load_idx %arg6[%add3A_600] : memref<4112xf32, #tpu.memory_space<vmem>>[vector<16xi32>], vector<16xf32>,
    %add3A_602 = arith.addf %broadcast_in_dim3A_1, %gather3A_601 : vector<16xf32>
    %add3A_603 = arith.constant 369 : i32
    %add3A_604 = vector.broadcast %add3A_603 : i32 to vector<16xi32>
    %add3A_605 = arith.addi %iota3A, %add3A_604 : vector<16xi32>
    %gather3A_606 = tpu.vector_load_idx %arg6[%add3A_605] : memref<4112xf32, #tpu.memory_space<vmem>>[vector<16xi32>], vector<16xf32>,
    %add3A_607 = arith.addf %add3A_602, %gather3A_606 : vector<16xf32>
    %add3A_608 = arith.constant 626 : i32
    %add3A_609 = vector.broadcast %add3A_608 : i32 to vector<16xi32>
    %add3A_610 = arith.addi %iota3A, %add3A_609 : vector<16xi32>
    %gather3A_611 = tpu.vector_load_idx %arg6[%add3A_610] : memref<4112xf32, #tpu.memory_space<vmem>>[vector<16xi32>], vector<16xf32>,
    %add3A_612 = arith.addf %add3A_607, %gather3A_611 : vector<16xf32>
    %add3A_613 = arith.constant 883 : i32
    %add3A_614 = vector.broadcast %add3A_613 : i32 to vector<16xi32>
    %add3A_615 = arith.addi %iota3A, %add3A_614 : vector<16xi32>
    %gather3A_616 = tpu.vector_load_idx %arg6[%add3A_615] : memref<4112xf32, #tpu.memory_space<vmem>>[vector<16xi32>], vector<16xf32>,
    %add3A_617 = arith.addf %add3A_612, %gather3A_616 : vector<16xf32>
    %add3A_618 = arith.constant 1140 : i32
    %add3A_619 = vector.broadcast %add3A_618 : i32 to vector<16xi32>
    %add3A_620 = arith.addi %iota3A, %add3A_619 : vector<16xi32>
    %gather3A_621 = tpu.vector_load_idx %arg6[%add3A_620] : memref<4112xf32, #tpu.memory_space<vmem>>[vector<16xi32>], vector<16xf32>,
    %add3A_622 = arith.addf %add3A_617, %gather3A_621 : vector<16xf32>
    %add3A_623 = arith.constant 1397 : i32
    %add3A_624 = vector.broadcast %add3A_623 : i32 to vector<16xi32>
    %add3A_625 = arith.addi %iota3A, %add3A_624 : vector<16xi32>
    %gather3A_626 = tpu.vector_load_idx %arg6[%add3A_625] : memref<4112xf32, #tpu.memory_space<vmem>>[vector<16xi32>], vector<16xf32>,
    %add3A_627 = arith.addf %add3A_622, %gather3A_626 : vector<16xf32>
    %add3A_628 = arith.constant 1654 : i32
    %add3A_629 = vector.broadcast %add3A_628 : i32 to vector<16xi32>
    %add3A_630 = arith.addi %iota3A, %add3A_629 : vector<16xi32>
    %gather3A_631 = tpu.vector_load_idx %arg6[%add3A_630] : memref<4112xf32, #tpu.memory_space<vmem>>[vector<16xi32>], vector<16xf32>,
    %add3A_632 = arith.addf %add3A_627, %gather3A_631 : vector<16xf32>
    %add3A_633 = arith.constant 1911 : i32
    %add3A_634 = vector.broadcast %add3A_633 : i32 to vector<16xi32>
    %add3A_635 = arith.addi %iota3A, %add3A_634 : vector<16xi32>
    %gather3A_636 = tpu.vector_load_idx %arg6[%add3A_635] : memref<4112xf32, #tpu.memory_space<vmem>>[vector<16xi32>], vector<16xf32>,
    %add3A_637 = arith.addf %add3A_632, %gather3A_636 : vector<16xf32>
    %add3A_638 = arith.constant 2168 : i32
    %add3A_639 = vector.broadcast %add3A_638 : i32 to vector<16xi32>
    %add3A_640 = arith.addi %iota3A, %add3A_639 : vector<16xi32>
    %gather3A_641 = tpu.vector_load_idx %arg6[%add3A_640] : memref<4112xf32, #tpu.memory_space<vmem>>[vector<16xi32>], vector<16xf32>,
    %add3A_642 = arith.addf %add3A_637, %gather3A_641 : vector<16xf32>
    %add3A_643 = arith.constant 2425 : i32
    %add3A_644 = vector.broadcast %add3A_643 : i32 to vector<16xi32>
    %add3A_645 = arith.addi %iota3A, %add3A_644 : vector<16xi32>
    %gather3A_646 = tpu.vector_load_idx %arg6[%add3A_645] : memref<4112xf32, #tpu.memory_space<vmem>>[vector<16xi32>], vector<16xf32>,
    %add3A_647 = arith.addf %add3A_642, %gather3A_646 : vector<16xf32>
    %add3A_648 = arith.constant 2682 : i32
    %add3A_649 = vector.broadcast %add3A_648 : i32 to vector<16xi32>
    %add3A_650 = arith.addi %iota3A, %add3A_649 : vector<16xi32>
    %gather3A_651 = tpu.vector_load_idx %arg6[%add3A_650] : memref<4112xf32, #tpu.memory_space<vmem>>[vector<16xi32>], vector<16xf32>,
    %add3A_652 = arith.addf %add3A_647, %gather3A_651 : vector<16xf32>
    %add3A_653 = arith.constant 2939 : i32
    %add3A_654 = vector.broadcast %add3A_653 : i32 to vector<16xi32>
    %add3A_655 = arith.addi %iota3A, %add3A_654 : vector<16xi32>
    %gather3A_656 = tpu.vector_load_idx %arg6[%add3A_655] : memref<4112xf32, #tpu.memory_space<vmem>>[vector<16xi32>], vector<16xf32>,
    %add3A_657 = arith.addf %add3A_652, %gather3A_656 : vector<16xf32>
    %add3A_658 = arith.constant 3196 : i32
    %add3A_659 = vector.broadcast %add3A_658 : i32 to vector<16xi32>
    %add3A_660 = arith.addi %iota3A, %add3A_659 : vector<16xi32>
    %gather3A_661 = tpu.vector_load_idx %arg6[%add3A_660] : memref<4112xf32, #tpu.memory_space<vmem>>[vector<16xi32>], vector<16xf32>,
    %add3A_662 = arith.addf %add3A_657, %gather3A_661 : vector<16xf32>
    %add3A_663 = arith.constant 3453 : i32
    %add3A_664 = vector.broadcast %add3A_663 : i32 to vector<16xi32>
    %add3A_665 = arith.addi %iota3A, %add3A_664 : vector<16xi32>
    %gather3A_666 = tpu.vector_load_idx %arg6[%add3A_665] : memref<4112xf32, #tpu.memory_space<vmem>>[vector<16xi32>], vector<16xf32>,
    %add3A_667 = arith.addf %add3A_662, %gather3A_666 : vector<16xf32>
    %add3A_668 = arith.constant 3710 : i32
    %add3A_669 = vector.broadcast %add3A_668 : i32 to vector<16xi32>
    %add3A_670 = arith.addi %iota3A, %add3A_669 : vector<16xi32>
    %gather3A_671 = tpu.vector_load_idx %arg6[%add3A_670] : memref<4112xf32, #tpu.memory_space<vmem>>[vector<16xi32>], vector<16xf32>,
    %add3A_672 = arith.addf %add3A_667, %gather3A_671 : vector<16xf32>
    %add3A_673 = arith.constant 3967 : i32
    %add3A_674 = vector.broadcast %add3A_673 : i32 to vector<16xi32>
    %add3A_675 = arith.addi %iota3A, %add3A_674 : vector<16xi32>
    %gather3A_676 = tpu.vector_load_idx %arg6[%add3A_675] : memref<4112xf32, #tpu.memory_space<vmem>>[vector<16xi32>], vector<16xf32>,
    %add3A_677 = arith.addf %add3A_672, %gather3A_676 : vector<16xf32>
    %swap3A_678 = arith.constant 112 : index
    %swap3A_679 = tpu.vector_load %arg7[%swap3A_678] {strides = array<i32>} : memref<256xf32, #tpu.memory_space<vmem>>, vector<16xf32>,
    tpu.vector_store %arg7[%swap3A_678], %add3A_677 {strides = array<i32>} : memref<256xf32, #tpu.memory_space<vmem>>, vector<16xf32>,
    %add3A_680 = arith.constant 128 : i32
    %add3A_681 = vector.broadcast %add3A_680 : i32 to vector<16xi32>
    %add3A_682 = arith.addi %iota3A, %add3A_681 : vector<16xi32>
    %gather3A_683 = tpu.vector_load_idx %arg6[%add3A_682] : memref<4112xf32, #tpu.memory_space<vmem>>[vector<16xi32>], vector<16xf32>,
    %add3A_684 = arith.addf %broadcast_in_dim3A_1, %gather3A_683 : vector<16xf32>
    %add3A_685 = arith.constant 385 : i32
    %add3A_686 = vector.broadcast %add3A_685 : i32 to vector<16xi32>
    %add3A_687 = arith.addi %iota3A, %add3A_686 : vector<16xi32>
    %gather3A_688 = tpu.vector_load_idx %arg6[%add3A_687] : memref<4112xf32, #tpu.memory_space<vmem>>[vector<16xi32>], vector<16xf32>,
    %add3A_689 = arith.addf %add3A_684, %gather3A_688 : vector<16xf32>
    %add3A_690 = arith.constant 642 : i32
    %add3A_691 = vector.broadcast %add3A_690 : i32 to vector<16xi32>
    %add3A_692 = arith.addi %iota3A, %add3A_691 : vector<16xi32>
    %gather3A_693 = tpu.vector_load_idx %arg6[%add3A_692] : memref<4112xf32, #tpu.memory_space<vmem>>[vector<16xi32>], vector<16xf32>,
    %add3A_694 = arith.addf %add3A_689, %gather3A_693 : vector<16xf32>
    %add3A_695 = arith.constant 899 : i32
    %add3A_696 = vector.broadcast %add3A_695 : i32 to vector<16xi32>
    %add3A_697 = arith.addi %iota3A, %add3A_696 : vector<16xi32>
    %gather3A_698 = tpu.vector_load_idx %arg6[%add3A_697] : memref<4112xf32, #tpu.memory_space<vmem>>[vector<16xi32>], vector<16xf32>,
    %add3A_699 = arith.addf %add3A_694, %gather3A_698 : vector<16xf32>
    %add3A_700 = arith.constant 1156 : i32
    %add3A_701 = vector.broadcast %add3A_700 : i32 to vector<16xi32>
    %add3A_702 = arith.addi %iota3A, %add3A_701 : vector<16xi32>
    %gather3A_703 = tpu.vector_load_idx %arg6[%add3A_702] : memref<4112xf32, #tpu.memory_space<vmem>>[vector<16xi32>], vector<16xf32>,
    %add3A_704 = arith.addf %add3A_699, %gather3A_703 : vector<16xf32>
    %add3A_705 = arith.constant 1413 : i32
    %add3A_706 = vector.broadcast %add3A_705 : i32 to vector<16xi32>
    %add3A_707 = arith.addi %iota3A, %add3A_706 : vector<16xi32>
    %gather3A_708 = tpu.vector_load_idx %arg6[%add3A_707] : memref<4112xf32, #tpu.memory_space<vmem>>[vector<16xi32>], vector<16xf32>,
    %add3A_709 = arith.addf %add3A_704, %gather3A_708 : vector<16xf32>
    %add3A_710 = arith.constant 1670 : i32
    %add3A_711 = vector.broadcast %add3A_710 : i32 to vector<16xi32>
    %add3A_712 = arith.addi %iota3A, %add3A_711 : vector<16xi32>
    %gather3A_713 = tpu.vector_load_idx %arg6[%add3A_712] : memref<4112xf32, #tpu.memory_space<vmem>>[vector<16xi32>], vector<16xf32>,
    %add3A_714 = arith.addf %add3A_709, %gather3A_713 : vector<16xf32>
    %add3A_715 = arith.constant 1927 : i32
    %add3A_716 = vector.broadcast %add3A_715 : i32 to vector<16xi32>
    %add3A_717 = arith.addi %iota3A, %add3A_716 : vector<16xi32>
    %gather3A_718 = tpu.vector_load_idx %arg6[%add3A_717] : memref<4112xf32, #tpu.memory_space<vmem>>[vector<16xi32>], vector<16xf32>,
    %add3A_719 = arith.addf %add3A_714, %gather3A_718 : vector<16xf32>
    %add3A_720 = arith.constant 2184 : i32
    %add3A_721 = vector.broadcast %add3A_720 : i32 to vector<16xi32>
    %add3A_722 = arith.addi %iota3A, %add3A_721 : vector<16xi32>
    %gather3A_723 = tpu.vector_load_idx %arg6[%add3A_722] : memref<4112xf32, #tpu.memory_space<vmem>>[vector<16xi32>], vector<16xf32>,
    %add3A_724 = arith.addf %add3A_719, %gather3A_723 : vector<16xf32>
    %add3A_725 = arith.constant 2441 : i32
    %add3A_726 = vector.broadcast %add3A_725 : i32 to vector<16xi32>
    %add3A_727 = arith.addi %iota3A, %add3A_726 : vector<16xi32>
    %gather3A_728 = tpu.vector_load_idx %arg6[%add3A_727] : memref<4112xf32, #tpu.memory_space<vmem>>[vector<16xi32>], vector<16xf32>,
    %add3A_729 = arith.addf %add3A_724, %gather3A_728 : vector<16xf32>
    %add3A_730 = arith.constant 2698 : i32
    %add3A_731 = vector.broadcast %add3A_730 : i32 to vector<16xi32>
    %add3A_732 = arith.addi %iota3A, %add3A_731 : vector<16xi32>
    %gather3A_733 = tpu.vector_load_idx %arg6[%add3A_732] : memref<4112xf32, #tpu.memory_space<vmem>>[vector<16xi32>], vector<16xf32>,
    %add3A_734 = arith.addf %add3A_729, %gather3A_733 : vector<16xf32>
    %add3A_735 = arith.constant 2955 : i32
    %add3A_736 = vector.broadcast %add3A_735 : i32 to vector<16xi32>
    %add3A_737 = arith.addi %iota3A, %add3A_736 : vector<16xi32>
    %gather3A_738 = tpu.vector_load_idx %arg6[%add3A_737] : memref<4112xf32, #tpu.memory_space<vmem>>[vector<16xi32>], vector<16xf32>,
    %add3A_739 = arith.addf %add3A_734, %gather3A_738 : vector<16xf32>
    %add3A_740 = arith.constant 3212 : i32
    %add3A_741 = vector.broadcast %add3A_740 : i32 to vector<16xi32>
    %add3A_742 = arith.addi %iota3A, %add3A_741 : vector<16xi32>
    %gather3A_743 = tpu.vector_load_idx %arg6[%add3A_742] : memref<4112xf32, #tpu.memory_space<vmem>>[vector<16xi32>], vector<16xf32>,
    %add3A_744 = arith.addf %add3A_739, %gather3A_743 : vector<16xf32>
    %add3A_745 = arith.constant 3469 : i32
    %add3A_746 = vector.broadcast %add3A_745 : i32 to vector<16xi32>
    %add3A_747 = arith.addi %iota3A, %add3A_746 : vector<16xi32>
    %gather3A_748 = tpu.vector_load_idx %arg6[%add3A_747] : memref<4112xf32, #tpu.memory_space<vmem>>[vector<16xi32>], vector<16xf32>,
    %add3A_749 = arith.addf %add3A_744, %gather3A_748 : vector<16xf32>
    %add3A_750 = arith.constant 3726 : i32
    %add3A_751 = vector.broadcast %add3A_750 : i32 to vector<16xi32>
    %add3A_752 = arith.addi %iota3A, %add3A_751 : vector<16xi32>
    %gather3A_753 = tpu.vector_load_idx %arg6[%add3A_752] : memref<4112xf32, #tpu.memory_space<vmem>>[vector<16xi32>], vector<16xf32>,
    %add3A_754 = arith.addf %add3A_749, %gather3A_753 : vector<16xf32>
    %add3A_755 = arith.constant 3983 : i32
    %add3A_756 = vector.broadcast %add3A_755 : i32 to vector<16xi32>
    %add3A_757 = arith.addi %iota3A, %add3A_756 : vector<16xi32>
    %gather3A_758 = tpu.vector_load_idx %arg6[%add3A_757] : memref<4112xf32, #tpu.memory_space<vmem>>[vector<16xi32>], vector<16xf32>,
    %add3A_759 = arith.addf %add3A_754, %gather3A_758 : vector<16xf32>
    %swap3A_760 = arith.constant 128 : index
    %swap3A_761 = tpu.vector_load %arg7[%swap3A_760] {strides = array<i32>} : memref<256xf32, #tpu.memory_space<vmem>>, vector<16xf32>,
    tpu.vector_store %arg7[%swap3A_760], %add3A_759 {strides = array<i32>} : memref<256xf32, #tpu.memory_space<vmem>>, vector<16xf32>,
    %add3A_762 = arith.constant 144 : i32
    %add3A_763 = vector.broadcast %add3A_762 : i32 to vector<16xi32>
    %add3A_764 = arith.addi %iota3A, %add3A_763 : vector<16xi32>
    %gather3A_765 = tpu.vector_load_idx %arg6[%add3A_764] : memref<4112xf32, #tpu.memory_space<vmem>>[vector<16xi32>], vector<16xf32>,
    %add3A_766 = arith.addf %broadcast_in_dim3A_1, %gather3A_765 : vector<16xf32>
    %add3A_767 = arith.constant 401 : i32
    %add3A_768 = vector.broadcast %add3A_767 : i32 to vector<16xi32>
    %add3A_769 = arith.addi %iota3A, %add3A_768 : vector<16xi32>
    %gather3A_770 = tpu.vector_load_idx %arg6[%add3A_769] : memref<4112xf32, #tpu.memory_space<vmem>>[vector<16xi32>], vector<16xf32>,
    %add3A_771 = arith.addf %add3A_766, %gather3A_770 : vector<16xf32>
    %add3A_772 = arith.constant 658 : i32
    %add3A_773 = vector.broadcast %add3A_772 : i32 to vector<16xi32>
    %add3A_774 = arith.addi %iota3A, %add3A_773 : vector<16xi32>
    %gather3A_775 = tpu.vector_load_idx %arg6[%add3A_774] : memref<4112xf32, #tpu.memory_space<vmem>>[vector<16xi32>], vector<16xf32>,
    %add3A_776 = arith.addf %add3A_771, %gather3A_775 : vector<16xf32>
    %add3A_777 = arith.constant 915 : i32
    %add3A_778 = vector.broadcast %add3A_777 : i32 to vector<16xi32>
    %add3A_779 = arith.addi %iota3A, %add3A_778 : vector<16xi32>
    %gather3A_780 = tpu.vector_load_idx %arg6[%add3A_779] : memref<4112xf32, #tpu.memory_space<vmem>>[vector<16xi32>], vector<16xf32>,
    %add3A_781 = arith.addf %add3A_776, %gather3A_780 : vector<16xf32>
    %add3A_782 = arith.constant 1172 : i32
    %add3A_783 = vector.broadcast %add3A_782 : i32 to vector<16xi32>
    %add3A_784 = arith.addi %iota3A, %add3A_783 : vector<16xi32>
    %gather3A_785 = tpu.vector_load_idx %arg6[%add3A_784] : memref<4112xf32, #tpu.memory_space<vmem>>[vector<16xi32>], vector<16xf32>,
    %add3A_786 = arith.addf %add3A_781, %gather3A_785 : vector<16xf32>
    %add3A_787 = arith.constant 1429 : i32
    %add3A_788 = vector.broadcast %add3A_787 : i32 to vector<16xi32>
    %add3A_789 = arith.addi %iota3A, %add3A_788 : vector<16xi32>
    %gather3A_790 = tpu.vector_load_idx %arg6[%add3A_789] : memref<4112xf32, #tpu.memory_space<vmem>>[vector<16xi32>], vector<16xf32>,
    %add3A_791 = arith.addf %add3A_786, %gather3A_790 : vector<16xf32>
    %add3A_792 = arith.constant 1686 : i32
    %add3A_793 = vector.broadcast %add3A_792 : i32 to vector<16xi32>
    %add3A_794 = arith.addi %iota3A, %add3A_793 : vector<16xi32>
    %gather3A_795 = tpu.vector_load_idx %arg6[%add3A_794] : memref<4112xf32, #tpu.memory_space<vmem>>[vector<16xi32>], vector<16xf32>,
    %add3A_796 = arith.addf %add3A_791, %gather3A_795 : vector<16xf32>
    %add3A_797 = arith.constant 1943 : i32
    %add3A_798 = vector.broadcast %add3A_797 : i32 to vector<16xi32>
    %add3A_799 = arith.addi %iota3A, %add3A_798 : vector<16xi32>
    %gather3A_800 = tpu.vector_load_idx %arg6[%add3A_799] : memref<4112xf32, #tpu.memory_space<vmem>>[vector<16xi32>], vector<16xf32>,
    %add3A_801 = arith.addf %add3A_796, %gather3A_800 : vector<16xf32>
    %add3A_802 = arith.constant 2200 : i32
    %add3A_803 = vector.broadcast %add3A_802 : i32 to vector<16xi32>
    %add3A_804 = arith.addi %iota3A, %add3A_803 : vector<16xi32>
    %gather3A_805 = tpu.vector_load_idx %arg6[%add3A_804] : memref<4112xf32, #tpu.memory_space<vmem>>[vector<16xi32>], vector<16xf32>,
    %add3A_806 = arith.addf %add3A_801, %gather3A_805 : vector<16xf32>
    %add3A_807 = arith.constant 2457 : i32
    %add3A_808 = vector.broadcast %add3A_807 : i32 to vector<16xi32>
    %add3A_809 = arith.addi %iota3A, %add3A_808 : vector<16xi32>
    %gather3A_810 = tpu.vector_load_idx %arg6[%add3A_809] : memref<4112xf32, #tpu.memory_space<vmem>>[vector<16xi32>], vector<16xf32>,
    %add3A_811 = arith.addf %add3A_806, %gather3A_810 : vector<16xf32>
    %add3A_812 = arith.constant 2714 : i32
    %add3A_813 = vector.broadcast %add3A_812 : i32 to vector<16xi32>
    %add3A_814 = arith.addi %iota3A, %add3A_813 : vector<16xi32>
    %gather3A_815 = tpu.vector_load_idx %arg6[%add3A_814] : memref<4112xf32, #tpu.memory_space<vmem>>[vector<16xi32>], vector<16xf32>,
    %add3A_816 = arith.addf %add3A_811, %gather3A_815 : vector<16xf32>
    %add3A_817 = arith.constant 2971 : i32
    %add3A_818 = vector.broadcast %add3A_817 : i32 to vector<16xi32>
    %add3A_819 = arith.addi %iota3A, %add3A_818 : vector<16xi32>
    %gather3A_820 = tpu.vector_load_idx %arg6[%add3A_819] : memref<4112xf32, #tpu.memory_space<vmem>>[vector<16xi32>], vector<16xf32>,
    %add3A_821 = arith.addf %add3A_816, %gather3A_820 : vector<16xf32>
    %add3A_822 = arith.constant 3228 : i32
    %add3A_823 = vector.broadcast %add3A_822 : i32 to vector<16xi32>
    %add3A_824 = arith.addi %iota3A, %add3A_823 : vector<16xi32>
    %gather3A_825 = tpu.vector_load_idx %arg6[%add3A_824] : memref<4112xf32, #tpu.memory_space<vmem>>[vector<16xi32>], vector<16xf32>,
    %add3A_826 = arith.addf %add3A_821, %gather3A_825 : vector<16xf32>
    %add3A_827 = arith.constant 3485 : i32
    %add3A_828 = vector.broadcast %add3A_827 : i32 to vector<16xi32>
    %add3A_829 = arith.addi %iota3A, %add3A_828 : vector<16xi32>
    %gather3A_830 = tpu.vector_load_idx %arg6[%add3A_829] : memref<4112xf32, #tpu.memory_space<vmem>>[vector<16xi32>], vector<16xf32>,
    %add3A_831 = arith.addf %add3A_826, %gather3A_830 : vector<16xf32>
    %add3A_832 = arith.constant 3742 : i32
    %add3A_833 = vector.broadcast %add3A_832 : i32 to vector<16xi32>
    %add3A_834 = arith.addi %iota3A, %add3A_833 : vector<16xi32>
    %gather3A_835 = tpu.vector_load_idx %arg6[%add3A_834] : memref<4112xf32, #tpu.memory_space<vmem>>[vector<16xi32>], vector<16xf32>,
    %add3A_836 = arith.addf %add3A_831, %gather3A_835 : vector<16xf32>
    %add3A_837 = arith.constant 3999 : i32
    %add3A_838 = vector.broadcast %add3A_837 : i32 to vector<16xi32>
    %add3A_839 = arith.addi %iota3A, %add3A_838 : vector<16xi32>
    %gather3A_840 = tpu.vector_load_idx %arg6[%add3A_839] : memref<4112xf32, #tpu.memory_space<vmem>>[vector<16xi32>], vector<16xf32>,
    %add3A_841 = arith.addf %add3A_836, %gather3A_840 : vector<16xf32>
    %swap3A_842 = arith.constant 144 : index
    %swap3A_843 = tpu.vector_load %arg7[%swap3A_842] {strides = array<i32>} : memref<256xf32, #tpu.memory_space<vmem>>, vector<16xf32>,
    tpu.vector_store %arg7[%swap3A_842], %add3A_841 {strides = array<i32>} : memref<256xf32, #tpu.memory_space<vmem>>, vector<16xf32>,
    %add3A_844 = arith.constant 160 : i32
    %add3A_845 = vector.broadcast %add3A_844 : i32 to vector<16xi32>
    %add3A_846 = arith.addi %iota3A, %add3A_845 : vector<16xi32>
    %gather3A_847 = tpu.vector_load_idx %arg6[%add3A_846] : memref<4112xf32, #tpu.memory_space<vmem>>[vector<16xi32>], vector<16xf32>,
    %add3A_848 = arith.addf %broadcast_in_dim3A_1, %gather3A_847 : vector<16xf32>
    %add3A_849 = arith.constant 417 : i32
    %add3A_850 = vector.broadcast %add3A_849 : i32 to vector<16xi32>
    %add3A_851 = arith.addi %iota3A, %add3A_850 : vector<16xi32>
    %gather3A_852 = tpu.vector_load_idx %arg6[%add3A_851] : memref<4112xf32, #tpu.memory_space<vmem>>[vector<16xi32>], vector<16xf32>,
    %add3A_853 = arith.addf %add3A_848, %gather3A_852 : vector<16xf32>
    %add3A_854 = arith.constant 674 : i32
    %add3A_855 = vector.broadcast %add3A_854 : i32 to vector<16xi32>
    %add3A_856 = arith.addi %iota3A, %add3A_855 : vector<16xi32>
    %gather3A_857 = tpu.vector_load_idx %arg6[%add3A_856] : memref<4112xf32, #tpu.memory_space<vmem>>[vector<16xi32>], vector<16xf32>,
    %add3A_858 = arith.addf %add3A_853, %gather3A_857 : vector<16xf32>
    %add3A_859 = arith.constant 931 : i32
    %add3A_860 = vector.broadcast %add3A_859 : i32 to vector<16xi32>
    %add3A_861 = arith.addi %iota3A, %add3A_860 : vector<16xi32>
    %gather3A_862 = tpu.vector_load_idx %arg6[%add3A_861] : memref<4112xf32, #tpu.memory_space<vmem>>[vector<16xi32>], vector<16xf32>,
    %add3A_863 = arith.addf %add3A_858, %gather3A_862 : vector<16xf32>
    %add3A_864 = arith.constant 1188 : i32
    %add3A_865 = vector.broadcast %add3A_864 : i32 to vector<16xi32>
    %add3A_866 = arith.addi %iota3A, %add3A_865 : vector<16xi32>
    %gather3A_867 = tpu.vector_load_idx %arg6[%add3A_866] : memref<4112xf32, #tpu.memory_space<vmem>>[vector<16xi32>], vector<16xf32>,
    %add3A_868 = arith.addf %add3A_863, %gather3A_867 : vector<16xf32>
    %add3A_869 = arith.constant 1445 : i32
    %add3A_870 = vector.broadcast %add3A_869 : i32 to vector<16xi32>
    %add3A_871 = arith.addi %iota3A, %add3A_870 : vector<16xi32>
    %gather3A_872 = tpu.vector_load_idx %arg6[%add3A_871] : memref<4112xf32, #tpu.memory_space<vmem>>[vector<16xi32>], vector<16xf32>,
    %add3A_873 = arith.addf %add3A_868, %gather3A_872 : vector<16xf32>
    %add3A_874 = arith.constant 1702 : i32
    %add3A_875 = vector.broadcast %add3A_874 : i32 to vector<16xi32>
    %add3A_876 = arith.addi %iota3A, %add3A_875 : vector<16xi32>
    %gather3A_877 = tpu.vector_load_idx %arg6[%add3A_876] : memref<4112xf32, #tpu.memory_space<vmem>>[vector<16xi32>], vector<16xf32>,
    %add3A_878 = arith.addf %add3A_873, %gather3A_877 : vector<16xf32>
    %add3A_879 = arith.constant 1959 : i32
    %add3A_880 = vector.broadcast %add3A_879 : i32 to vector<16xi32>
    %add3A_881 = arith.addi %iota3A, %add3A_880 : vector<16xi32>
    %gather3A_882 = tpu.vector_load_idx %arg6[%add3A_881] : memref<4112xf32, #tpu.memory_space<vmem>>[vector<16xi32>], vector<16xf32>,
    %add3A_883 = arith.addf %add3A_878, %gather3A_882 : vector<16xf32>
    %add3A_884 = arith.constant 2216 : i32
    %add3A_885 = vector.broadcast %add3A_884 : i32 to vector<16xi32>
    %add3A_886 = arith.addi %iota3A, %add3A_885 : vector<16xi32>
    %gather3A_887 = tpu.vector_load_idx %arg6[%add3A_886] : memref<4112xf32, #tpu.memory_space<vmem>>[vector<16xi32>], vector<16xf32>,
    %add3A_888 = arith.addf %add3A_883, %gather3A_887 : vector<16xf32>
    %add3A_889 = arith.constant 2473 : i32
    %add3A_890 = vector.broadcast %add3A_889 : i32 to vector<16xi32>
    %add3A_891 = arith.addi %iota3A, %add3A_890 : vector<16xi32>
    %gather3A_892 = tpu.vector_load_idx %arg6[%add3A_891] : memref<4112xf32, #tpu.memory_space<vmem>>[vector<16xi32>], vector<16xf32>,
    %add3A_893 = arith.addf %add3A_888, %gather3A_892 : vector<16xf32>
    %add3A_894 = arith.constant 2730 : i32
    %add3A_895 = vector.broadcast %add3A_894 : i32 to vector<16xi32>
    %add3A_896 = arith.addi %iota3A, %add3A_895 : vector<16xi32>
    %gather3A_897 = tpu.vector_load_idx %arg6[%add3A_896] : memref<4112xf32, #tpu.memory_space<vmem>>[vector<16xi32>], vector<16xf32>,
    %add3A_898 = arith.addf %add3A_893, %gather3A_897 : vector<16xf32>
    %add3A_899 = arith.constant 2987 : i32
    %add3A_900 = vector.broadcast %add3A_899 : i32 to vector<16xi32>
    %add3A_901 = arith.addi %iota3A, %add3A_900 : vector<16xi32>
    %gather3A_902 = tpu.vector_load_idx %arg6[%add3A_901] : memref<4112xf32, #tpu.memory_space<vmem>>[vector<16xi32>], vector<16xf32>,
    %add3A_903 = arith.addf %add3A_898, %gather3A_902 : vector<16xf32>
    %add3A_904 = arith.constant 3244 : i32
    %add3A_905 = vector.broadcast %add3A_904 : i32 to vector<16xi32>
    %add3A_906 = arith.addi %iota3A, %add3A_905 : vector<16xi32>
    %gather3A_907 = tpu.vector_load_idx %arg6[%add3A_906] : memref<4112xf32, #tpu.memory_space<vmem>>[vector<16xi32>], vector<16xf32>,
    %add3A_908 = arith.addf %add3A_903, %gather3A_907 : vector<16xf32>
    %add3A_909 = arith.constant 3501 : i32
    %add3A_910 = vector.broadcast %add3A_909 : i32 to vector<16xi32>
    %add3A_911 = arith.addi %iota3A, %add3A_910 : vector<16xi32>
    %gather3A_912 = tpu.vector_load_idx %arg6[%add3A_911] : memref<4112xf32, #tpu.memory_space<vmem>>[vector<16xi32>], vector<16xf32>,
    %add3A_913 = arith.addf %add3A_908, %gather3A_912 : vector<16xf32>
    %add3A_914 = arith.constant 3758 : i32
    %add3A_915 = vector.broadcast %add3A_914 : i32 to vector<16xi32>
    %add3A_916 = arith.addi %iota3A, %add3A_915 : vector<16xi32>
    %gather3A_917 = tpu.vector_load_idx %arg6[%add3A_916] : memref<4112xf32, #tpu.memory_space<vmem>>[vector<16xi32>], vector<16xf32>,
    %add3A_918 = arith.addf %add3A_913, %gather3A_917 : vector<16xf32>
    %add3A_919 = arith.constant 4015 : i32
    %add3A_920 = vector.broadcast %add3A_919 : i32 to vector<16xi32>
    %add3A_921 = arith.addi %iota3A, %add3A_920 : vector<16xi32>
    %gather3A_922 = tpu.vector_load_idx %arg6[%add3A_921] : memref<4112xf32, #tpu.memory_space<vmem>>[vector<16xi32>], vector<16xf32>,
    %add3A_923 = arith.addf %add3A_918, %gather3A_922 : vector<16xf32>
    %swap3A_924 = arith.constant 160 : index
    %swap3A_925 = tpu.vector_load %arg7[%swap3A_924] {strides = array<i32>} : memref<256xf32, #tpu.memory_space<vmem>>, vector<16xf32>,
    tpu.vector_store %arg7[%swap3A_924], %add3A_923 {strides = array<i32>} : memref<256xf32, #tpu.memory_space<vmem>>, vector<16xf32>,
    %add3A_926 = arith.constant 176 : i32
    %add3A_927 = vector.broadcast %add3A_926 : i32 to vector<16xi32>
    %add3A_928 = arith.addi %iota3A, %add3A_927 : vector<16xi32>
    %gather3A_929 = tpu.vector_load_idx %arg6[%add3A_928] : memref<4112xf32, #tpu.memory_space<vmem>>[vector<16xi32>], vector<16xf32>,
    %add3A_930 = arith.addf %broadcast_in_dim3A_1, %gather3A_929 : vector<16xf32>
    %add3A_931 = arith.constant 433 : i32
    %add3A_932 = vector.broadcast %add3A_931 : i32 to vector<16xi32>
    %add3A_933 = arith.addi %iota3A, %add3A_932 : vector<16xi32>
    %gather3A_934 = tpu.vector_load_idx %arg6[%add3A_933] : memref<4112xf32, #tpu.memory_space<vmem>>[vector<16xi32>], vector<16xf32>,
    %add3A_935 = arith.addf %add3A_930, %gather3A_934 : vector<16xf32>
    %add3A_936 = arith.constant 690 : i32
    %add3A_937 = vector.broadcast %add3A_936 : i32 to vector<16xi32>
    %add3A_938 = arith.addi %iota3A, %add3A_937 : vector<16xi32>
    %gather3A_939 = tpu.vector_load_idx %arg6[%add3A_938] : memref<4112xf32, #tpu.memory_space<vmem>>[vector<16xi32>], vector<16xf32>,
    %add3A_940 = arith.addf %add3A_935, %gather3A_939 : vector<16xf32>
    %add3A_941 = arith.constant 947 : i32
    %add3A_942 = vector.broadcast %add3A_941 : i32 to vector<16xi32>
    %add3A_943 = arith.addi %iota3A, %add3A_942 : vector<16xi32>
    %gather3A_944 = tpu.vector_load_idx %arg6[%add3A_943] : memref<4112xf32, #tpu.memory_space<vmem>>[vector<16xi32>], vector<16xf32>,
    %add3A_945 = arith.addf %add3A_940, %gather3A_944 : vector<16xf32>
    %add3A_946 = arith.constant 1204 : i32
    %add3A_947 = vector.broadcast %add3A_946 : i32 to vector<16xi32>
    %add3A_948 = arith.addi %iota3A, %add3A_947 : vector<16xi32>
    %gather3A_949 = tpu.vector_load_idx %arg6[%add3A_948] : memref<4112xf32, #tpu.memory_space<vmem>>[vector<16xi32>], vector<16xf32>,
    %add3A_950 = arith.addf %add3A_945, %gather3A_949 : vector<16xf32>
    %add3A_951 = arith.constant 1461 : i32
    %add3A_952 = vector.broadcast %add3A_951 : i32 to vector<16xi32>
    %add3A_953 = arith.addi %iota3A, %add3A_952 : vector<16xi32>
    %gather3A_954 = tpu.vector_load_idx %arg6[%add3A_953] : memref<4112xf32, #tpu.memory_space<vmem>>[vector<16xi32>], vector<16xf32>,
    %add3A_955 = arith.addf %add3A_950, %gather3A_954 : vector<16xf32>
    %add3A_956 = arith.constant 1718 : i32
    %add3A_957 = vector.broadcast %add3A_956 : i32 to vector<16xi32>
    %add3A_958 = arith.addi %iota3A, %add3A_957 : vector<16xi32>
    %gather3A_959 = tpu.vector_load_idx %arg6[%add3A_958] : memref<4112xf32, #tpu.memory_space<vmem>>[vector<16xi32>], vector<16xf32>,
    %add3A_960 = arith.addf %add3A_955, %gather3A_959 : vector<16xf32>
    %add3A_961 = arith.constant 1975 : i32
    %add3A_962 = vector.broadcast %add3A_961 : i32 to vector<16xi32>
    %add3A_963 = arith.addi %iota3A, %add3A_962 : vector<16xi32>
    %gather3A_964 = tpu.vector_load_idx %arg6[%add3A_963] : memref<4112xf32, #tpu.memory_space<vmem>>[vector<16xi32>], vector<16xf32>,
    %add3A_965 = arith.addf %add3A_960, %gather3A_964 : vector<16xf32>
    %add3A_966 = arith.constant 2232 : i32
    %add3A_967 = vector.broadcast %add3A_966 : i32 to vector<16xi32>
    %add3A_968 = arith.addi %iota3A, %add3A_967 : vector<16xi32>
    %gather3A_969 = tpu.vector_load_idx %arg6[%add3A_968] : memref<4112xf32, #tpu.memory_space<vmem>>[vector<16xi32>], vector<16xf32>,
    %add3A_970 = arith.addf %add3A_965, %gather3A_969 : vector<16xf32>
    %add3A_971 = arith.constant 2489 : i32
    %add3A_972 = vector.broadcast %add3A_971 : i32 to vector<16xi32>
    %add3A_973 = arith.addi %iota3A, %add3A_972 : vector<16xi32>
    %gather3A_974 = tpu.vector_load_idx %arg6[%add3A_973] : memref<4112xf32, #tpu.memory_space<vmem>>[vector<16xi32>], vector<16xf32>,
    %add3A_975 = arith.addf %add3A_970, %gather3A_974 : vector<16xf32>
    %add3A_976 = arith.constant 2746 : i32
    %add3A_977 = vector.broadcast %add3A_976 : i32 to vector<16xi32>
    %add3A_978 = arith.addi %iota3A, %add3A_977 : vector<16xi32>
    %gather3A_979 = tpu.vector_load_idx %arg6[%add3A_978] : memref<4112xf32, #tpu.memory_space<vmem>>[vector<16xi32>], vector<16xf32>,
    %add3A_980 = arith.addf %add3A_975, %gather3A_979 : vector<16xf32>
    %add3A_981 = arith.constant 3003 : i32
    %add3A_982 = vector.broadcast %add3A_981 : i32 to vector<16xi32>
    %add3A_983 = arith.addi %iota3A, %add3A_982 : vector<16xi32>
    %gather3A_984 = tpu.vector_load_idx %arg6[%add3A_983] : memref<4112xf32, #tpu.memory_space<vmem>>[vector<16xi32>], vector<16xf32>,
    %add3A_985 = arith.addf %add3A_980, %gather3A_984 : vector<16xf32>
    %add3A_986 = arith.constant 3260 : i32
    %add3A_987 = vector.broadcast %add3A_986 : i32 to vector<16xi32>
    %add3A_988 = arith.addi %iota3A, %add3A_987 : vector<16xi32>
    %gather3A_989 = tpu.vector_load_idx %arg6[%add3A_988] : memref<4112xf32, #tpu.memory_space<vmem>>[vector<16xi32>], vector<16xf32>,
    %add3A_990 = arith.addf %add3A_985, %gather3A_989 : vector<16xf32>
    %add3A_991 = arith.constant 3517 : i32
    %add3A_992 = vector.broadcast %add3A_991 : i32 to vector<16xi32>
    %add3A_993 = arith.addi %iota3A, %add3A_992 : vector<16xi32>
    %gather3A_994 = tpu.vector_load_idx %arg6[%add3A_993] : memref<4112xf32, #tpu.memory_space<vmem>>[vector<16xi32>], vector<16xf32>,
    %add3A_995 = arith.addf %add3A_990, %gather3A_994 : vector<16xf32>
    %add3A_996 = arith.constant 3774 : i32
    %add3A_997 = vector.broadcast %add3A_996 : i32 to vector<16xi32>
    %add3A_998 = arith.addi %iota3A, %add3A_997 : vector<16xi32>
    %gather3A_999 = tpu.vector_load_idx %arg6[%add3A_998] : memref<4112xf32, #tpu.memory_space<vmem>>[vector<16xi32>], vector<16xf32>,
    %add3A_1000 = arith.addf %add3A_995, %gather3A_999 : vector<16xf32>
    %add3A_1001 = arith.constant 4031 : i32
    %add3A_1002 = vector.broadcast %add3A_1001 : i32 to vector<16xi32>
    %add3A_1003 = arith.addi %iota3A, %add3A_1002 : vector<16xi32>
    %gather3A_1004 = tpu.vector_load_idx %arg6[%add3A_1003] : memref<4112xf32, #tpu.memory_space<vmem>>[vector<16xi32>], vector<16xf32>,
    %add3A_1005 = arith.addf %add3A_1000, %gather3A_1004 : vector<16xf32>
    %swap3A_1006 = arith.constant 176 : index
    %swap3A_1007 = tpu.vector_load %arg7[%swap3A_1006] {strides = array<i32>} : memref<256xf32, #tpu.memory_space<vmem>>, vector<16xf32>,
    tpu.vector_store %arg7[%swap3A_1006], %add3A_1005 {strides = array<i32>} : memref<256xf32, #tpu.memory_space<vmem>>, vector<16xf32>,
    %add3A_1008 = arith.constant 192 : i32
    %add3A_1009 = vector.broadcast %add3A_1008 : i32 to vector<16xi32>
    %add3A_1010 = arith.addi %iota3A, %add3A_1009 : vector<16xi32>
    %gather3A_1011 = tpu.vector_load_idx %arg6[%add3A_1010] : memref<4112xf32, #tpu.memory_space<vmem>>[vector<16xi32>], vector<16xf32>,
    %add3A_1012 = arith.addf %broadcast_in_dim3A_1, %gather3A_1011 : vector<16xf32>
    %add3A_1013 = arith.constant 449 : i32
    %add3A_1014 = vector.broadcast %add3A_1013 : i32 to vector<16xi32>
    %add3A_1015 = arith.addi %iota3A, %add3A_1014 : vector<16xi32>
    %gather3A_1016 = tpu.vector_load_idx %arg6[%add3A_1015] : memref<4112xf32, #tpu.memory_space<vmem>>[vector<16xi32>], vector<16xf32>,
    %add3A_1017 = arith.addf %add3A_1012, %gather3A_1016 : vector<16xf32>
    %add3A_1018 = arith.constant 706 : i32
    %add3A_1019 = vector.broadcast %add3A_1018 : i32 to vector<16xi32>
    %add3A_1020 = arith.addi %iota3A, %add3A_1019 : vector<16xi32>
    %gather3A_1021 = tpu.vector_load_idx %arg6[%add3A_1020] : memref<4112xf32, #tpu.memory_space<vmem>>[vector<16xi32>], vector<16xf32>,
    %add3A_1022 = arith.addf %add3A_1017, %gather3A_1021 : vector<16xf32>
    %add3A_1023 = arith.constant 963 : i32
    %add3A_1024 = vector.broadcast %add3A_1023 : i32 to vector<16xi32>
    %add3A_1025 = arith.addi %iota3A, %add3A_1024 : vector<16xi32>
    %gather3A_1026 = tpu.vector_load_idx %arg6[%add3A_1025] : memref<4112xf32, #tpu.memory_space<vmem>>[vector<16xi32>], vector<16xf32>,
    %add3A_1027 = arith.addf %add3A_1022, %gather3A_1026 : vector<16xf32>
    %add3A_1028 = arith.constant 1220 : i32
    %add3A_1029 = vector.broadcast %add3A_1028 : i32 to vector<16xi32>
    %add3A_1030 = arith.addi %iota3A, %add3A_1029 : vector<16xi32>
    %gather3A_1031 = tpu.vector_load_idx %arg6[%add3A_1030] : memref<4112xf32, #tpu.memory_space<vmem>>[vector<16xi32>], vector<16xf32>,
    %add3A_1032 = arith.addf %add3A_1027, %gather3A_1031 : vector<16xf32>
    %add3A_1033 = arith.constant 1477 : i32
    %add3A_1034 = vector.broadcast %add3A_1033 : i32 to vector<16xi32>
    %add3A_1035 = arith.addi %iota3A, %add3A_1034 : vector<16xi32>
    %gather3A_1036 = tpu.vector_load_idx %arg6[%add3A_1035] : memref<4112xf32, #tpu.memory_space<vmem>>[vector<16xi32>], vector<16xf32>,
    %add3A_1037 = arith.addf %add3A_1032, %gather3A_1036 : vector<16xf32>
    %add3A_1038 = arith.constant 1734 : i32
    %add3A_1039 = vector.broadcast %add3A_1038 : i32 to vector<16xi32>
    %add3A_1040 = arith.addi %iota3A, %add3A_1039 : vector<16xi32>
    %gather3A_1041 = tpu.vector_load_idx %arg6[%add3A_1040] : memref<4112xf32, #tpu.memory_space<vmem>>[vector<16xi32>], vector<16xf32>,
    %add3A_1042 = arith.addf %add3A_1037, %gather3A_1041 : vector<16xf32>
    %add3A_1043 = arith.constant 1991 : i32
    %add3A_1044 = vector.broadcast %add3A_1043 : i32 to vector<16xi32>
    %add3A_1045 = arith.addi %iota3A, %add3A_1044 : vector<16xi32>
    %gather3A_1046 = tpu.vector_load_idx %arg6[%add3A_1045] : memref<4112xf32, #tpu.memory_space<vmem>>[vector<16xi32>], vector<16xf32>,
    %add3A_1047 = arith.addf %add3A_1042, %gather3A_1046 : vector<16xf32>
    %add3A_1048 = arith.constant 2248 : i32
    %add3A_1049 = vector.broadcast %add3A_1048 : i32 to vector<16xi32>
    %add3A_1050 = arith.addi %iota3A, %add3A_1049 : vector<16xi32>
    %gather3A_1051 = tpu.vector_load_idx %arg6[%add3A_1050] : memref<4112xf32, #tpu.memory_space<vmem>>[vector<16xi32>], vector<16xf32>,
    %add3A_1052 = arith.addf %add3A_1047, %gather3A_1051 : vector<16xf32>
    %add3A_1053 = arith.constant 2505 : i32
    %add3A_1054 = vector.broadcast %add3A_1053 : i32 to vector<16xi32>
    %add3A_1055 = arith.addi %iota3A, %add3A_1054 : vector<16xi32>
    %gather3A_1056 = tpu.vector_load_idx %arg6[%add3A_1055] : memref<4112xf32, #tpu.memory_space<vmem>>[vector<16xi32>], vector<16xf32>,
    %add3A_1057 = arith.addf %add3A_1052, %gather3A_1056 : vector<16xf32>
    %add3A_1058 = arith.constant 2762 : i32
    %add3A_1059 = vector.broadcast %add3A_1058 : i32 to vector<16xi32>
    %add3A_1060 = arith.addi %iota3A, %add3A_1059 : vector<16xi32>
    %gather3A_1061 = tpu.vector_load_idx %arg6[%add3A_1060] : memref<4112xf32, #tpu.memory_space<vmem>>[vector<16xi32>], vector<16xf32>,
    %add3A_1062 = arith.addf %add3A_1057, %gather3A_1061 : vector<16xf32>
    %add3A_1063 = arith.constant 3019 : i32
    %add3A_1064 = vector.broadcast %add3A_1063 : i32 to vector<16xi32>
    %add3A_1065 = arith.addi %iota3A, %add3A_1064 : vector<16xi32>
    %gather3A_1066 = tpu.vector_load_idx %arg6[%add3A_1065] : memref<4112xf32, #tpu.memory_space<vmem>>[vector<16xi32>], vector<16xf32>,
    %add3A_1067 = arith.addf %add3A_1062, %gather3A_1066 : vector<16xf32>
    %add3A_1068 = arith.constant 3276 : i32
    %add3A_1069 = vector.broadcast %add3A_1068 : i32 to vector<16xi32>
    %add3A_1070 = arith.addi %iota3A, %add3A_1069 : vector<16xi32>
    %gather3A_1071 = tpu.vector_load_idx %arg6[%add3A_1070] : memref<4112xf32, #tpu.memory_space<vmem>>[vector<16xi32>], vector<16xf32>,
    %add3A_1072 = arith.addf %add3A_1067, %gather3A_1071 : vector<16xf32>
    %add3A_1073 = arith.constant 3533 : i32
    %add3A_1074 = vector.broadcast %add3A_1073 : i32 to vector<16xi32>
    %add3A_1075 = arith.addi %iota3A, %add3A_1074 : vector<16xi32>
    %gather3A_1076 = tpu.vector_load_idx %arg6[%add3A_1075] : memref<4112xf32, #tpu.memory_space<vmem>>[vector<16xi32>], vector<16xf32>,
    %add3A_1077 = arith.addf %add3A_1072, %gather3A_1076 : vector<16xf32>
    %add3A_1078 = arith.constant 3790 : i32
    %add3A_1079 = vector.broadcast %add3A_1078 : i32 to vector<16xi32>
    %add3A_1080 = arith.addi %iota3A, %add3A_1079 : vector<16xi32>
    %gather3A_1081 = tpu.vector_load_idx %arg6[%add3A_1080] : memref<4112xf32, #tpu.memory_space<vmem>>[vector<16xi32>], vector<16xf32>,
    %add3A_1082 = arith.addf %add3A_1077, %gather3A_1081 : vector<16xf32>
    %add3A_1083 = arith.constant 4047 : i32
    %add3A_1084 = vector.broadcast %add3A_1083 : i32 to vector<16xi32>
    %add3A_1085 = arith.addi %iota3A, %add3A_1084 : vector<16xi32>
    %gather3A_1086 = tpu.vector_load_idx %arg6[%add3A_1085] : memref<4112xf32, #tpu.memory_space<vmem>>[vector<16xi32>], vector<16xf32>,
    %add3A_1087 = arith.addf %add3A_1082, %gather3A_1086 : vector<16xf32>
    %swap3A_1088 = arith.constant 192 : index
    %swap3A_1089 = tpu.vector_load %arg7[%swap3A_1088] {strides = array<i32>} : memref<256xf32, #tpu.memory_space<vmem>>, vector<16xf32>,
    tpu.vector_store %arg7[%swap3A_1088], %add3A_1087 {strides = array<i32>} : memref<256xf32, #tpu.memory_space<vmem>>, vector<16xf32>,
    %add3A_1090 = arith.constant 208 : i32
    %add3A_1091 = vector.broadcast %add3A_1090 : i32 to vector<16xi32>
    %add3A_1092 = arith.addi %iota3A, %add3A_1091 : vector<16xi32>
    %gather3A_1093 = tpu.vector_load_idx %arg6[%add3A_1092] : memref<4112xf32, #tpu.memory_space<vmem>>[vector<16xi32>], vector<16xf32>,
    %add3A_1094 = arith.addf %broadcast_in_dim3A_1, %gather3A_1093 : vector<16xf32>
    %add3A_1095 = arith.constant 465 : i32
    %add3A_1096 = vector.broadcast %add3A_1095 : i32 to vector<16xi32>
    %add3A_1097 = arith.addi %iota3A, %add3A_1096 : vector<16xi32>
    %gather3A_1098 = tpu.vector_load_idx %arg6[%add3A_1097] : memref<4112xf32, #tpu.memory_space<vmem>>[vector<16xi32>], vector<16xf32>,
    %add3A_1099 = arith.addf %add3A_1094, %gather3A_1098 : vector<16xf32>
    %add3A_1100 = arith.constant 722 : i32
    %add3A_1101 = vector.broadcast %add3A_1100 : i32 to vector<16xi32>
    %add3A_1102 = arith.addi %iota3A, %add3A_1101 : vector<16xi32>
    %gather3A_1103 = tpu.vector_load_idx %arg6[%add3A_1102] : memref<4112xf32, #tpu.memory_space<vmem>>[vector<16xi32>], vector<16xf32>,
    %add3A_1104 = arith.addf %add3A_1099, %gather3A_1103 : vector<16xf32>
    %add3A_1105 = arith.constant 979 : i32
    %add3A_1106 = vector.broadcast %add3A_1105 : i32 to vector<16xi32>
    %add3A_1107 = arith.addi %iota3A, %add3A_1106 : vector<16xi32>
    %gather3A_1108 = tpu.vector_load_idx %arg6[%add3A_1107] : memref<4112xf32, #tpu.memory_space<vmem>>[vector<16xi32>], vector<16xf32>,
    %add3A_1109 = arith.addf %add3A_1104, %gather3A_1108 : vector<16xf32>
    %add3A_1110 = arith.constant 1236 : i32
    %add3A_1111 = vector.broadcast %add3A_1110 : i32 to vector<16xi32>
    %add3A_1112 = arith.addi %iota3A, %add3A_1111 : vector<16xi32>
    %gather3A_1113 = tpu.vector_load_idx %arg6[%add3A_1112] : memref<4112xf32, #tpu.memory_space<vmem>>[vector<16xi32>], vector<16xf32>,
    %add3A_1114 = arith.addf %add3A_1109, %gather3A_1113 : vector<16xf32>
    %add3A_1115 = arith.constant 1493 : i32
    %add3A_1116 = vector.broadcast %add3A_1115 : i32 to vector<16xi32>
    %add3A_1117 = arith.addi %iota3A, %add3A_1116 : vector<16xi32>
    %gather3A_1118 = tpu.vector_load_idx %arg6[%add3A_1117] : memref<4112xf32, #tpu.memory_space<vmem>>[vector<16xi32>], vector<16xf32>,
    %add3A_1119 = arith.addf %add3A_1114, %gather3A_1118 : vector<16xf32>
    %add3A_1120 = arith.constant 1750 : i32
    %add3A_1121 = vector.broadcast %add3A_1120 : i32 to vector<16xi32>
    %add3A_1122 = arith.addi %iota3A, %add3A_1121 : vector<16xi32>
    %gather3A_1123 = tpu.vector_load_idx %arg6[%add3A_1122] : memref<4112xf32, #tpu.memory_space<vmem>>[vector<16xi32>], vector<16xf32>,
    %add3A_1124 = arith.addf %add3A_1119, %gather3A_1123 : vector<16xf32>
    %add3A_1125 = arith.constant 2007 : i32
    %add3A_1126 = vector.broadcast %add3A_1125 : i32 to vector<16xi32>
    %add3A_1127 = arith.addi %iota3A, %add3A_1126 : vector<16xi32>
    %gather3A_1128 = tpu.vector_load_idx %arg6[%add3A_1127] : memref<4112xf32, #tpu.memory_space<vmem>>[vector<16xi32>], vector<16xf32>,
    %add3A_1129 = arith.addf %add3A_1124, %gather3A_1128 : vector<16xf32>
    %add3A_1130 = arith.constant 2264 : i32
    %add3A_1131 = vector.broadcast %add3A_1130 : i32 to vector<16xi32>
    %add3A_1132 = arith.addi %iota3A, %add3A_1131 : vector<16xi32>
    %gather3A_1133 = tpu.vector_load_idx %arg6[%add3A_1132] : memref<4112xf32, #tpu.memory_space<vmem>>[vector<16xi32>], vector<16xf32>,
    %add3A_1134 = arith.addf %add3A_1129, %gather3A_1133 : vector<16xf32>
    %add3A_1135 = arith.constant 2521 : i32
    %add3A_1136 = vector.broadcast %add3A_1135 : i32 to vector<16xi32>
    %add3A_1137 = arith.addi %iota3A, %add3A_1136 : vector<16xi32>
    %gather3A_1138 = tpu.vector_load_idx %arg6[%add3A_1137] : memref<4112xf32, #tpu.memory_space<vmem>>[vector<16xi32>], vector<16xf32>,
    %add3A_1139 = arith.addf %add3A_1134, %gather3A_1138 : vector<16xf32>
    %add3A_1140 = arith.constant 2778 : i32
    %add3A_1141 = vector.broadcast %add3A_1140 : i32 to vector<16xi32>
    %add3A_1142 = arith.addi %iota3A, %add3A_1141 : vector<16xi32>
    %gather3A_1143 = tpu.vector_load_idx %arg6[%add3A_1142] : memref<4112xf32, #tpu.memory_space<vmem>>[vector<16xi32>], vector<16xf32>,
    %add3A_1144 = arith.addf %add3A_1139, %gather3A_1143 : vector<16xf32>
    %add3A_1145 = arith.constant 3035 : i32
    %add3A_1146 = vector.broadcast %add3A_1145 : i32 to vector<16xi32>
    %add3A_1147 = arith.addi %iota3A, %add3A_1146 : vector<16xi32>
    %gather3A_1148 = tpu.vector_load_idx %arg6[%add3A_1147] : memref<4112xf32, #tpu.memory_space<vmem>>[vector<16xi32>], vector<16xf32>,
    %add3A_1149 = arith.addf %add3A_1144, %gather3A_1148 : vector<16xf32>
    %add3A_1150 = arith.constant 3292 : i32
    %add3A_1151 = vector.broadcast %add3A_1150 : i32 to vector<16xi32>
    %add3A_1152 = arith.addi %iota3A, %add3A_1151 : vector<16xi32>
    %gather3A_1153 = tpu.vector_load_idx %arg6[%add3A_1152] : memref<4112xf32, #tpu.memory_space<vmem>>[vector<16xi32>], vector<16xf32>,
    %add3A_1154 = arith.addf %add3A_1149, %gather3A_1153 : vector<16xf32>
    %add3A_1155 = arith.constant 3549 : i32
    %add3A_1156 = vector.broadcast %add3A_1155 : i32 to vector<16xi32>
    %add3A_1157 = arith.addi %iota3A, %add3A_1156 : vector<16xi32>
    %gather3A_1158 = tpu.vector_load_idx %arg6[%add3A_1157] : memref<4112xf32, #tpu.memory_space<vmem>>[vector<16xi32>], vector<16xf32>,
    %add3A_1159 = arith.addf %add3A_1154, %gather3A_1158 : vector<16xf32>
    %add3A_1160 = arith.constant 3806 : i32
    %add3A_1161 = vector.broadcast %add3A_1160 : i32 to vector<16xi32>
    %add3A_1162 = arith.addi %iota3A, %add3A_1161 : vector<16xi32>
    %gather3A_1163 = tpu.vector_load_idx %arg6[%add3A_1162] : memref<4112xf32, #tpu.memory_space<vmem>>[vector<16xi32>], vector<16xf32>,
    %add3A_1164 = arith.addf %add3A_1159, %gather3A_1163 : vector<16xf32>
    %add3A_1165 = arith.constant 4063 : i32
    %add3A_1166 = vector.broadcast %add3A_1165 : i32 to vector<16xi32>
    %add3A_1167 = arith.addi %iota3A, %add3A_1166 : vector<16xi32>
    %gather3A_1168 = tpu.vector_load_idx %arg6[%add3A_1167] : memref<4112xf32, #tpu.memory_space<vmem>>[vector<16xi32>], vector<16xf32>,
    %add3A_1169 = arith.addf %add3A_1164, %gather3A_1168 : vector<16xf32>
    %swap3A_1170 = arith.constant 208 : index
    %swap3A_1171 = tpu.vector_load %arg7[%swap3A_1170] {strides = array<i32>} : memref<256xf32, #tpu.memory_space<vmem>>, vector<16xf32>,
    tpu.vector_store %arg7[%swap3A_1170], %add3A_1169 {strides = array<i32>} : memref<256xf32, #tpu.memory_space<vmem>>, vector<16xf32>,
    %add3A_1172 = arith.constant 224 : i32
    %add3A_1173 = vector.broadcast %add3A_1172 : i32 to vector<16xi32>
    %add3A_1174 = arith.addi %iota3A, %add3A_1173 : vector<16xi32>
    %gather3A_1175 = tpu.vector_load_idx %arg6[%add3A_1174] : memref<4112xf32, #tpu.memory_space<vmem>>[vector<16xi32>], vector<16xf32>,
    %add3A_1176 = arith.addf %broadcast_in_dim3A_1, %gather3A_1175 : vector<16xf32>
    %add3A_1177 = arith.constant 481 : i32
    %add3A_1178 = vector.broadcast %add3A_1177 : i32 to vector<16xi32>
    %add3A_1179 = arith.addi %iota3A, %add3A_1178 : vector<16xi32>
    %gather3A_1180 = tpu.vector_load_idx %arg6[%add3A_1179] : memref<4112xf32, #tpu.memory_space<vmem>>[vector<16xi32>], vector<16xf32>,
    %add3A_1181 = arith.addf %add3A_1176, %gather3A_1180 : vector<16xf32>
    %add3A_1182 = arith.constant 738 : i32
    %add3A_1183 = vector.broadcast %add3A_1182 : i32 to vector<16xi32>
    %add3A_1184 = arith.addi %iota3A, %add3A_1183 : vector<16xi32>
    %gather3A_1185 = tpu.vector_load_idx %arg6[%add3A_1184] : memref<4112xf32, #tpu.memory_space<vmem>>[vector<16xi32>], vector<16xf32>,
    %add3A_1186 = arith.addf %add3A_1181, %gather3A_1185 : vector<16xf32>
    %add3A_1187 = arith.constant 995 : i32
    %add3A_1188 = vector.broadcast %add3A_1187 : i32 to vector<16xi32>
    %add3A_1189 = arith.addi %iota3A, %add3A_1188 : vector<16xi32>
    %gather3A_1190 = tpu.vector_load_idx %arg6[%add3A_1189] : memref<4112xf32, #tpu.memory_space<vmem>>[vector<16xi32>], vector<16xf32>,
    %add3A_1191 = arith.addf %add3A_1186, %gather3A_1190 : vector<16xf32>
    %add3A_1192 = arith.constant 1252 : i32
    %add3A_1193 = vector.broadcast %add3A_1192 : i32 to vector<16xi32>
    %add3A_1194 = arith.addi %iota3A, %add3A_1193 : vector<16xi32>
    %gather3A_1195 = tpu.vector_load_idx %arg6[%add3A_1194] : memref<4112xf32, #tpu.memory_space<vmem>>[vector<16xi32>], vector<16xf32>,
    %add3A_1196 = arith.addf %add3A_1191, %gather3A_1195 : vector<16xf32>
    %add3A_1197 = arith.constant 1509 : i32
    %add3A_1198 = vector.broadcast %add3A_1197 : i32 to vector<16xi32>
    %add3A_1199 = arith.addi %iota3A, %add3A_1198 : vector<16xi32>
    %gather3A_1200 = tpu.vector_load_idx %arg6[%add3A_1199] : memref<4112xf32, #tpu.memory_space<vmem>>[vector<16xi32>], vector<16xf32>,
    %add3A_1201 = arith.addf %add3A_1196, %gather3A_1200 : vector<16xf32>
    %add3A_1202 = arith.constant 1766 : i32
    %add3A_1203 = vector.broadcast %add3A_1202 : i32 to vector<16xi32>
    %add3A_1204 = arith.addi %iota3A, %add3A_1203 : vector<16xi32>
    %gather3A_1205 = tpu.vector_load_idx %arg6[%add3A_1204] : memref<4112xf32, #tpu.memory_space<vmem>>[vector<16xi32>], vector<16xf32>,
    %add3A_1206 = arith.addf %add3A_1201, %gather3A_1205 : vector<16xf32>
    %add3A_1207 = arith.constant 2023 : i32
    %add3A_1208 = vector.broadcast %add3A_1207 : i32 to vector<16xi32>
    %add3A_1209 = arith.addi %iota3A, %add3A_1208 : vector<16xi32>
    %gather3A_1210 = tpu.vector_load_idx %arg6[%add3A_1209] : memref<4112xf32, #tpu.memory_space<vmem>>[vector<16xi32>], vector<16xf32>,
    %add3A_1211 = arith.addf %add3A_1206, %gather3A_1210 : vector<16xf32>
    %add3A_1212 = arith.constant 2280 : i32
    %add3A_1213 = vector.broadcast %add3A_1212 : i32 to vector<16xi32>
    %add3A_1214 = arith.addi %iota3A, %add3A_1213 : vector<16xi32>
    %gather3A_1215 = tpu.vector_load_idx %arg6[%add3A_1214] : memref<4112xf32, #tpu.memory_space<vmem>>[vector<16xi32>], vector<16xf32>,
    %add3A_1216 = arith.addf %add3A_1211, %gather3A_1215 : vector<16xf32>
    %add3A_1217 = arith.constant 2537 : i32
    %add3A_1218 = vector.broadcast %add3A_1217 : i32 to vector<16xi32>
    %add3A_1219 = arith.addi %iota3A, %add3A_1218 : vector<16xi32>
    %gather3A_1220 = tpu.vector_load_idx %arg6[%add3A_1219] : memref<4112xf32, #tpu.memory_space<vmem>>[vector<16xi32>], vector<16xf32>,
    %add3A_1221 = arith.addf %add3A_1216, %gather3A_1220 : vector<16xf32>
    %add3A_1222 = arith.constant 2794 : i32
    %add3A_1223 = vector.broadcast %add3A_1222 : i32 to vector<16xi32>
    %add3A_1224 = arith.addi %iota3A, %add3A_1223 : vector<16xi32>
    %gather3A_1225 = tpu.vector_load_idx %arg6[%add3A_1224] : memref<4112xf32, #tpu.memory_space<vmem>>[vector<16xi32>], vector<16xf32>,
    %add3A_1226 = arith.addf %add3A_1221, %gather3A_1225 : vector<16xf32>
    %add3A_1227 = arith.constant 3051 : i32
    %add3A_1228 = vector.broadcast %add3A_1227 : i32 to vector<16xi32>
    %add3A_1229 = arith.addi %iota3A, %add3A_1228 : vector<16xi32>
    %gather3A_1230 = tpu.vector_load_idx %arg6[%add3A_1229] : memref<4112xf32, #tpu.memory_space<vmem>>[vector<16xi32>], vector<16xf32>,
    %add3A_1231 = arith.addf %add3A_1226, %gather3A_1230 : vector<16xf32>
    %add3A_1232 = arith.constant 3308 : i32
    %add3A_1233 = vector.broadcast %add3A_1232 : i32 to vector<16xi32>
    %add3A_1234 = arith.addi %iota3A, %add3A_1233 : vector<16xi32>
    %gather3A_1235 = tpu.vector_load_idx %arg6[%add3A_1234] : memref<4112xf32, #tpu.memory_space<vmem>>[vector<16xi32>], vector<16xf32>,
    %add3A_1236 = arith.addf %add3A_1231, %gather3A_1235 : vector<16xf32>
    %add3A_1237 = arith.constant 3565 : i32
    %add3A_1238 = vector.broadcast %add3A_1237 : i32 to vector<16xi32>
    %add3A_1239 = arith.addi %iota3A, %add3A_1238 : vector<16xi32>
    %gather3A_1240 = tpu.vector_load_idx %arg6[%add3A_1239] : memref<4112xf32, #tpu.memory_space<vmem>>[vector<16xi32>], vector<16xf32>,
    %add3A_1241 = arith.addf %add3A_1236, %gather3A_1240 : vector<16xf32>
    %add3A_1242 = arith.constant 3822 : i32
    %add3A_1243 = vector.broadcast %add3A_1242 : i32 to vector<16xi32>
    %add3A_1244 = arith.addi %iota3A, %add3A_1243 : vector<16xi32>
    %gather3A_1245 = tpu.vector_load_idx %arg6[%add3A_1244] : memref<4112xf32, #tpu.memory_space<vmem>>[vector<16xi32>], vector<16xf32>,
    %add3A_1246 = arith.addf %add3A_1241, %gather3A_1245 : vector<16xf32>
    %add3A_1247 = arith.constant 4079 : i32
    %add3A_1248 = vector.broadcast %add3A_1247 : i32 to vector<16xi32>
    %add3A_1249 = arith.addi %iota3A, %add3A_1248 : vector<16xi32>
    %gather3A_1250 = tpu.vector_load_idx %arg6[%add3A_1249] : memref<4112xf32, #tpu.memory_space<vmem>>[vector<16xi32>], vector<16xf32>,
    %add3A_1251 = arith.addf %add3A_1246, %gather3A_1250 : vector<16xf32>
    %swap3A_1252 = arith.constant 224 : index
    %swap3A_1253 = tpu.vector_load %arg7[%swap3A_1252] {strides = array<i32>} : memref<256xf32, #tpu.memory_space<vmem>>, vector<16xf32>,
    tpu.vector_store %arg7[%swap3A_1252], %add3A_1251 {strides = array<i32>} : memref<256xf32, #tpu.memory_space<vmem>>, vector<16xf32>,
    %add3A_1254 = arith.constant 240 : i32
    %add3A_1255 = vector.broadcast %add3A_1254 : i32 to vector<16xi32>
    %add3A_1256 = arith.addi %iota3A, %add3A_1255 : vector<16xi32>
    %gather3A_1257 = tpu.vector_load_idx %arg6[%add3A_1256] : memref<4112xf32, #tpu.memory_space<vmem>>[vector<16xi32>], vector<16xf32>,
    %add3A_1258 = arith.addf %broadcast_in_dim3A_1, %gather3A_1257 : vector<16xf32>
    %add3A_1259 = arith.constant 497 : i32
    %add3A_1260 = vector.broadcast %add3A_1259 : i32 to vector<16xi32>
    %add3A_1261 = arith.addi %iota3A, %add3A_1260 : vector<16xi32>
    %gather3A_1262 = tpu.vector_load_idx %arg6[%add3A_1261] : memref<4112xf32, #tpu.memory_space<vmem>>[vector<16xi32>], vector<16xf32>,
    %add3A_1263 = arith.addf %add3A_1258, %gather3A_1262 : vector<16xf32>
    %add3A_1264 = arith.constant 754 : i32
    %add3A_1265 = vector.broadcast %add3A_1264 : i32 to vector<16xi32>
    %add3A_1266 = arith.addi %iota3A, %add3A_1265 : vector<16xi32>
    %gather3A_1267 = tpu.vector_load_idx %arg6[%add3A_1266] : memref<4112xf32, #tpu.memory_space<vmem>>[vector<16xi32>], vector<16xf32>,
    %add3A_1268 = arith.addf %add3A_1263, %gather3A_1267 : vector<16xf32>
    %add3A_1269 = arith.constant 1011 : i32
    %add3A_1270 = vector.broadcast %add3A_1269 : i32 to vector<16xi32>
    %add3A_1271 = arith.addi %iota3A, %add3A_1270 : vector<16xi32>
    %gather3A_1272 = tpu.vector_load_idx %arg6[%add3A_1271] : memref<4112xf32, #tpu.memory_space<vmem>>[vector<16xi32>], vector<16xf32>,
    %add3A_1273 = arith.addf %add3A_1268, %gather3A_1272 : vector<16xf32>
    %add3A_1274 = arith.constant 1268 : i32
    %add3A_1275 = vector.broadcast %add3A_1274 : i32 to vector<16xi32>
    %add3A_1276 = arith.addi %iota3A, %add3A_1275 : vector<16xi32>
    %gather3A_1277 = tpu.vector_load_idx %arg6[%add3A_1276] : memref<4112xf32, #tpu.memory_space<vmem>>[vector<16xi32>], vector<16xf32>,
    %add3A_1278 = arith.addf %add3A_1273, %gather3A_1277 : vector<16xf32>
    %add3A_1279 = arith.constant 1525 : i32
    %add3A_1280 = vector.broadcast %add3A_1279 : i32 to vector<16xi32>
    %add3A_1281 = arith.addi %iota3A, %add3A_1280 : vector<16xi32>
    %gather3A_1282 = tpu.vector_load_idx %arg6[%add3A_1281] : memref<4112xf32, #tpu.memory_space<vmem>>[vector<16xi32>], vector<16xf32>,
    %add3A_1283 = arith.addf %add3A_1278, %gather3A_1282 : vector<16xf32>
    %add3A_1284 = arith.constant 1782 : i32
    %add3A_1285 = vector.broadcast %add3A_1284 : i32 to vector<16xi32>
    %add3A_1286 = arith.addi %iota3A, %add3A_1285 : vector<16xi32>
    %gather3A_1287 = tpu.vector_load_idx %arg6[%add3A_1286] : memref<4112xf32, #tpu.memory_space<vmem>>[vector<16xi32>], vector<16xf32>,
    %add3A_1288 = arith.addf %add3A_1283, %gather3A_1287 : vector<16xf32>
    %add3A_1289 = arith.constant 2039 : i32
    %add3A_1290 = vector.broadcast %add3A_1289 : i32 to vector<16xi32>
    %add3A_1291 = arith.addi %iota3A, %add3A_1290 : vector<16xi32>
    %gather3A_1292 = tpu.vector_load_idx %arg6[%add3A_1291] : memref<4112xf32, #tpu.memory_space<vmem>>[vector<16xi32>], vector<16xf32>,
    %add3A_1293 = arith.addf %add3A_1288, %gather3A_1292 : vector<16xf32>
    %add3A_1294 = arith.constant 2296 : i32
    %add3A_1295 = vector.broadcast %add3A_1294 : i32 to vector<16xi32>
    %add3A_1296 = arith.addi %iota3A, %add3A_1295 : vector<16xi32>
    %gather3A_1297 = tpu.vector_load_idx %arg6[%add3A_1296] : memref<4112xf32, #tpu.memory_space<vmem>>[vector<16xi32>], vector<16xf32>,
    %add3A_1298 = arith.addf %add3A_1293, %gather3A_1297 : vector<16xf32>
    %add3A_1299 = arith.constant 2553 : i32
    %add3A_1300 = vector.broadcast %add3A_1299 : i32 to vector<16xi32>
    %add3A_1301 = arith.addi %iota3A, %add3A_1300 : vector<16xi32>
    %gather3A_1302 = tpu.vector_load_idx %arg6[%add3A_1301] : memref<4112xf32, #tpu.memory_space<vmem>>[vector<16xi32>], vector<16xf32>,
    %add3A_1303 = arith.addf %add3A_1298, %gather3A_1302 : vector<16xf32>
    %add3A_1304 = arith.constant 2810 : i32
    %add3A_1305 = vector.broadcast %add3A_1304 : i32 to vector<16xi32>
    %add3A_1306 = arith.addi %iota3A, %add3A_1305 : vector<16xi32>
    %gather3A_1307 = tpu.vector_load_idx %arg6[%add3A_1306] : memref<4112xf32, #tpu.memory_space<vmem>>[vector<16xi32>], vector<16xf32>,
    %add3A_1308 = arith.addf %add3A_1303, %gather3A_1307 : vector<16xf32>
    %add3A_1309 = arith.constant 3067 : i32
    %add3A_1310 = vector.broadcast %add3A_1309 : i32 to vector<16xi32>
    %add3A_1311 = arith.addi %iota3A, %add3A_1310 : vector<16xi32>
    %gather3A_1312 = tpu.vector_load_idx %arg6[%add3A_1311] : memref<4112xf32, #tpu.memory_space<vmem>>[vector<16xi32>], vector<16xf32>,
    %add3A_1313 = arith.addf %add3A_1308, %gather3A_1312 : vector<16xf32>
    %add3A_1314 = arith.constant 3324 : i32
    %add3A_1315 = vector.broadcast %add3A_1314 : i32 to vector<16xi32>
    %add3A_1316 = arith.addi %iota3A, %add3A_1315 : vector<16xi32>
    %gather3A_1317 = tpu.vector_load_idx %arg6[%add3A_1316] : memref<4112xf32, #tpu.memory_space<vmem>>[vector<16xi32>], vector<16xf32>,
    %add3A_1318 = arith.addf %add3A_1313, %gather3A_1317 : vector<16xf32>
    %add3A_1319 = arith.constant 3581 : i32
    %add3A_1320 = vector.broadcast %add3A_1319 : i32 to vector<16xi32>
    %add3A_1321 = arith.addi %iota3A, %add3A_1320 : vector<16xi32>
    %gather3A_1322 = tpu.vector_load_idx %arg6[%add3A_1321] : memref<4112xf32, #tpu.memory_space<vmem>>[vector<16xi32>], vector<16xf32>,
    %add3A_1323 = arith.addf %add3A_1318, %gather3A_1322 : vector<16xf32>
    %add3A_1324 = arith.constant 3838 : i32
    %add3A_1325 = vector.broadcast %add3A_1324 : i32 to vector<16xi32>
    %add3A_1326 = arith.addi %iota3A, %add3A_1325 : vector<16xi32>
    %gather3A_1327 = tpu.vector_load_idx %arg6[%add3A_1326] : memref<4112xf32, #tpu.memory_space<vmem>>[vector<16xi32>], vector<16xf32>,
    %add3A_1328 = arith.addf %add3A_1323, %gather3A_1327 : vector<16xf32>
    %add3A_1329 = arith.constant 4095 : i32
    %add3A_1330 = vector.broadcast %add3A_1329 : i32 to vector<16xi32>
    %add3A_1331 = arith.addi %iota3A, %add3A_1330 : vector<16xi32>
    %gather3A_1332 = tpu.vector_load_idx %arg6[%add3A_1331] : memref<4112xf32, #tpu.memory_space<vmem>>[vector<16xi32>], vector<16xf32>,
    %add3A_1333 = arith.addf %add3A_1328, %gather3A_1332 : vector<16xf32>
    %swap3A_1334 = arith.constant 240 : index
    %swap3A_1335 = tpu.vector_load %arg7[%swap3A_1334] {strides = array<i32>} : memref<256xf32, #tpu.memory_space<vmem>>, vector<16xf32>,
    tpu.vector_store %arg7[%swap3A_1334], %add3A_1333 {strides = array<i32>} : memref<256xf32, #tpu.memory_space<vmem>>, vector<16xf32>,
    %jit3A = arith.constant 4 : i32
    %eq3A = arith.constant 0 : i32
    %eq3A_1336 = arith.cmpi eq, %jit3A, %eq3A : i32
    %jit3A_1337 = arith.constant 1 : i32
    %select_n3A = arith.select %eq3A_1336, %jit3A_1337, %jit3A : i32
    %rem3A = arith.remsi %add3A, %select_n3A : i32
    %ne3A = arith.constant 0 : i32
    %ne3A_1338 = arith.cmpi ne, %rem3A, %ne3A : i32
    %lt3A = arith.constant 0 : i32
    %lt3A_1339 = arith.cmpi slt, %rem3A, %lt3A : i32
    %lt3A_1340 = arith.constant 0 : i32
    %lt3A_1341 = arith.cmpi slt, %select_n3A, %lt3A_1340 : i32
    %ne3A_1342 = arith.xori %lt3A_1339, %lt3A_1341 : i1
    %and3A = arith.andi %ne3A_1342, %ne3A_1338 : i1
    %add3A_1343 = arith.addi %rem3A, %select_n3A : i32
    %select_n3A_1344 = arith.select %and3A, %add3A_1343, %rem3A : i32
    %jit3A_1345 = arith.constant 4 : i32
    %div3A = arith.divsi %add3A, %jit3A_1345 : i32
    %sign3A = arith.constant 0 : i32
    %sign3A_1346 = arith.cmpi sgt, %add3A, %sign3A : i32
    %sign3A_1347 = arith.extui %sign3A_1346 : i1 to i32
    %sign3A_1348 = arith.constant 0 : i32
    %sign3A_1349 = arith.cmpi slt, %add3A, %sign3A_1348 : i32
    %sign3A_1350 = arith.extui %sign3A_1349 : i1 to i32
    %sign3A_1351 = arith.subi %sign3A_1347, %sign3A_1350 : i32
    %sign3A_1352 = arith.constant 0 : i32
    %sign3A_1353 = arith.cmpi sgt, %jit3A_1345, %sign3A_1352 : i32
    %sign3A_1354 = arith.extui %sign3A_1353 : i1 to i32
    %sign3A_1355 = arith.constant 0 : i32
    %sign3A_1356 = arith.cmpi slt, %jit3A_1345, %sign3A_1355 : i32
    %sign3A_1357 = arith.extui %sign3A_1356 : i1 to i32
    %sign3A_1358 = arith.subi %sign3A_1354, %sign3A_1357 : i32
    %ne3A_1359 = arith.cmpi ne, %sign3A_1351, %sign3A_1358 : i32
    %rem3A_1360 = arith.remsi %add3A, %jit3A_1345 : i32
    %ne3A_1361 = arith.constant 0 : i32
    %ne3A_1362 = arith.cmpi ne, %rem3A_1360, %ne3A_1361 : i32
    %and3A_1363 = arith.andi %ne3A_1359, %ne3A_1362 : i1
    %sub3A = arith.constant 1 : i32
    %sub3A_1364 = arith.subi %div3A, %sub3A : i32
    %select_n3A_1365 = arith.select %and3A_1363, %sub3A_1364, %div3A : i32
    "tpu.region"() ({
      %run_scoped3A = tpu.sem_alloc : memref<!tpu.dma_semaphore, #tpu.memory_space<semaphore_mem>>
      %dma_start3A_1366 = arith.constant 0 : i32
      %dma_start3A_1367 = tpu.memref_slice %arg3[%select_n3A_1344, %select_n3A_1365, %dma_start3A_1366] : memref<4x8x256xf32, #tpu.memory_space<hbm>> -> memref<1x1x256xf32, #tpu.memory_space<hbm>>
      %dma_start3A_1368 = tpu.memref_squeeze %dma_start3A_1367 : memref<1x1x256xf32, #tpu.memory_space<hbm>> -> memref<256xf32, #tpu.memory_space<hbm>>
      %dma_start3A_1369 = arith.constant 0 : i32
      %dma_start3A_1370 = tpu.memref_slice %arg3[%select_n3A_1344, %select_n3A_1365, %dma_start3A_1369] : memref<4x8x256xf32, #tpu.memory_space<hbm>> -> memref<1x1x256xf32, #tpu.memory_space<hbm>>
      %dma_start3A_1371 = tpu.memref_squeeze %dma_start3A_1370 : memref<1x1x256xf32, #tpu.memory_space<hbm>> -> memref<256xf32, #tpu.memory_space<hbm>>
      tpu.enqueue_dma source(%arg7 : memref<256xf32, #tpu.memory_space<vmem>>) target(%dma_start3A_1371 : memref<256xf32, #tpu.memory_space<hbm>>) target_semaphore(%run_scoped3A : memref<!tpu.dma_semaphore, #tpu.memory_space<semaphore_mem>>)
      %dma_wait3A = arith.constant 0 : i32
      %dma_wait3A_1372 = tpu.memref_slice %arg3[%select_n3A_1344, %select_n3A_1365, %dma_wait3A] : memref<4x8x256xf32, #tpu.memory_space<hbm>> -> memref<1x1x256xf32, #tpu.memory_space<hbm>>
      %dma_wait3A_1373 = tpu.memref_squeeze %dma_wait3A_1372 : memref<1x1x256xf32, #tpu.memory_space<hbm>> -> memref<256xf32, #tpu.memory_space<hbm>>
      %dma_wait3A_1374 = arith.constant 0 : i32
      %dma_wait3A_1375 = tpu.memref_slice %arg3[%select_n3A_1344, %select_n3A_1365, %dma_wait3A_1374] : memref<4x8x256xf32, #tpu.memory_space<hbm>> -> memref<1x1x256xf32, #tpu.memory_space<hbm>>
      %dma_wait3A_1376 = tpu.memref_squeeze %dma_wait3A_1375 : memref<1x1x256xf32, #tpu.memory_space<hbm>> -> memref<256xf32, #tpu.memory_space<hbm>>
      tpu.wait_dma2 semaphore(%run_scoped3A : memref<!tpu.dma_semaphore, #tpu.memory_space<semaphore_mem>>) src(%arg7 : memref<256xf32, #tpu.memory_space<vmem>>) dst(%dma_wait3A_1376 : memref<256xf32, #tpu.memory_space<hbm>>)
      tpu.yield
    }) : () -> ()
    return
  }
}

module attributes {stable_mosaic.version = 14 : i64} {
  func.func @_tc_head_body(%arg0: memref<4x8x256xf32, #tpu.memory_space<vmem>>, %arg1: memref<8x128xf32, #tpu.memory_space<vmem>>) attributes {dimension_semantics = [], scalar_prefetch = 0 : i64, scratch_operands = 0 : i64, tpu.core_type = #tpu.core_type<tc>} {
    %get3A = arith.constant 0 : index
    %get3A_0 = arith.constant 0 : index
    %get3A_1 = arith.constant 0 : index
    %get3A_2 = vector.load %arg0[%get3A, %get3A_0, %get3A_1] : memref<4x8x256xf32, #tpu.memory_space<vmem>>, vector<1x8x256xf32>
    %get3A_3 = vector.shape_cast %get3A_2 : vector<1x8x256xf32> to vector<8x256xf32>
    %get3A_4 = arith.constant 1 : index
    %get3A_5 = arith.constant 0 : index
    %get3A_6 = arith.constant 0 : index
    %get3A_7 = vector.load %arg0[%get3A_4, %get3A_5, %get3A_6] : memref<4x8x256xf32, #tpu.memory_space<vmem>>, vector<1x8x256xf32>
    %get3A_8 = vector.shape_cast %get3A_7 : vector<1x8x256xf32> to vector<8x256xf32>
    %add3A = arith.addf %get3A_3, %get3A_8 : vector<8x256xf32>
    %get3A_9 = arith.constant 2 : index
    %get3A_10 = arith.constant 0 : index
    %get3A_11 = arith.constant 0 : index
    %get3A_12 = vector.load %arg0[%get3A_9, %get3A_10, %get3A_11] : memref<4x8x256xf32, #tpu.memory_space<vmem>>, vector<1x8x256xf32>
    %get3A_13 = vector.shape_cast %get3A_12 : vector<1x8x256xf32> to vector<8x256xf32>
    %add3A_14 = arith.addf %add3A, %get3A_13 : vector<8x256xf32>
    %get3A_15 = arith.constant 3 : index
    %get3A_16 = arith.constant 0 : index
    %get3A_17 = arith.constant 0 : index
    %get3A_18 = vector.load %arg0[%get3A_15, %get3A_16, %get3A_17] : memref<4x8x256xf32, #tpu.memory_space<vmem>>, vector<1x8x256xf32>
    %get3A_19 = vector.shape_cast %get3A_18 : vector<1x8x256xf32> to vector<8x256xf32>
    %add3A_20 = arith.addf %add3A_14, %get3A_19 : vector<8x256xf32>
    %reduce_max3A = arith.constant dense<0xFF800000> : vector<8xf32>
    %reduce_max3A_21 = vector.multi_reduction <maximumf>, %add3A_20, %reduce_max3A [1] : vector<8x256xf32> to vector<8xf32>
    %broadcast_in_dim3A = vector.shape_cast %reduce_max3A_21 : vector<8xf32> to vector<8x1xf32>
    %iota3A = tpu.iota {dimensions = array<i32: 1>} : vector<8x256xi32>
    %eq3A = vector.broadcast %broadcast_in_dim3A : vector<8x1xf32> to vector<8x256xf32>
    %eq3A_22 = arith.cmpf oeq, %add3A_20, %eq3A : vector<8x256xf32>
    %jit3A = arith.constant 256 : i32
    %broadcast_in_dim3A_23 = vector.broadcast %jit3A : i32 to vector<8x256xi32>
    %select_n3A = arith.select %eq3A_22, %iota3A, %broadcast_in_dim3A_23 : vector<8x256xi1>, vector<8x256xi32>
    %reduce_min3A = arith.constant dense<2147483647> : vector<8xi32>
    %reduce_min3A_24 = vector.multi_reduction <minsi>, %select_n3A, %reduce_min3A [1] : vector<8x256xi32> to vector<8xi32>
    %broadcast_in_dim3A_25 = vector.shape_cast %reduce_min3A_24 : vector<8xi32> to vector<8x1xi32>
    %lt3A = vector.broadcast %broadcast_in_dim3A_25 : vector<8x1xi32> to vector<8x256xi32>
    %lt3A_26 = arith.cmpi slt, %iota3A, %lt3A : vector<8x256xi32>
    %mul3A = arith.constant 5.000000e-01 : f32
    %mul3A_27 = vector.broadcast %mul3A : f32 to vector<8x1xf32>
    %mul3A_28 = arith.mulf %broadcast_in_dim3A, %mul3A_27 : vector<8x1xf32>
    %gt3A = vector.broadcast %mul3A_28 : vector<8x1xf32> to vector<8x256xf32>
    %gt3A_29 = arith.cmpf ogt, %add3A_20, %gt3A : vector<8x256xf32>
    %or3A = arith.ori %lt3A_26, %gt3A_29 : vector<8x256xi1>
    %jit3A_30 = arith.constant 256 : i32
    %broadcast_in_dim3A_31 = vector.broadcast %jit3A_30 : i32 to vector<8x256xi32>
    %select_n3A_32 = arith.select %or3A, %broadcast_in_dim3A_31, %iota3A : vector<8x256xi1>, vector<8x256xi32>
    %reduce_min3A_33 = arith.constant dense<2147483647> : vector<8xi32>
    %reduce_min3A_34 = vector.multi_reduction <minsi>, %select_n3A_32, %reduce_min3A_33 [1] : vector<8x256xi32> to vector<8xi32>
    %eq3A_35 = arith.constant 256 : i32
    %eq3A_36 = vector.broadcast %eq3A_35 : i32 to vector<8xi32>
    %eq3A_37 = arith.cmpi eq, %reduce_min3A_34, %eq3A_36 : vector<8xi32>
    %jit3A_38 = arith.constant 0 : i32
    %broadcast_in_dim3A_39 = vector.broadcast %jit3A_38 : i32 to vector<8xi32>
    %select_n3A_40 = arith.select %eq3A_37, %broadcast_in_dim3A_39, %reduce_min3A_34 : vector<8xi1>, vector<8xi32>
    %convert_element_type3A = arith.sitofp %select_n3A_40 : vector<8xi32> to vector<8xf32>
    %mul3A_41 = arith.constant 3.906250e-03 : f32
    %mul3A_42 = vector.broadcast %mul3A_41 : f32 to vector<8xf32>
    %mul3A_43 = arith.mulf %convert_element_type3A, %mul3A_42 : vector<8xf32>
    %broadcast_in_dim3A_44 = vector.shape_cast %mul3A_43 : vector<8xf32> to vector<8x1xf32>
    %broadcast_in_dim3A_45 = vector.shape_cast %broadcast_in_dim3A_44 : vector<8x1xf32> to vector<8x1xf32>
    %broadcast_in_dim3A_46 = vector.broadcast %broadcast_in_dim3A_45 : vector<8x1xf32> to vector<8x128xf32>
    %swap3A = arith.constant 0 : index
    %swap3A_47 = arith.constant 0 : index
    %swap3A_48 = vector.load %arg1[%swap3A, %swap3A_47] : memref<8x128xf32, #tpu.memory_space<vmem>>, vector<8x128xf32>
    tpu.vector_store %arg1[%swap3A, %swap3A_47], %broadcast_in_dim3A_46 {strides = array<i32>} : memref<8x128xf32, #tpu.memory_space<vmem>>, vector<8x128xf32>,
    return
  }
}

module attributes {stable_mosaic.version = 14 : i64} {
  func.func @_rescale_body(%arg0: i32, %arg1: i32, %arg2: memref<8xf32, #tpu.memory_space<smem>>, %arg3: memref<1x24x224x224xf32, #tpu.memory_space<vmem>>, %arg4: memref<1x24x224x224xf32, #tpu.memory_space<vmem>>) attributes {dimension_semantics = [#tpu.dimension_semantics<arbitrary>, #tpu.dimension_semantics<arbitrary>], iteration_bounds = array<i64: 8, 4>, scalar_prefetch = 0 : i64, scratch_operands = 0 : i64, tpu.core_type = #tpu.core_type<tc>, window_params = [{transform_indices = @transform_0, window_bounds = array<i64: 8>}, {transform_indices = @transform_1, window_bounds = array<i64: 1, 24, 224, 224>}, {transform_indices = @transform_2, window_bounds = array<i64: 1, 24, 224, 224>}]} {
    %get3A = arith.constant 0 : index
    %get3A_0 = arith.constant 0 : index
    %get3A_1 = arith.constant 0 : index
    %get3A_2 = arith.constant 0 : index
    %get3A_3 = vector.load %arg3[%get3A, %get3A_0, %get3A_1, %get3A_2] : memref<1x24x224x224xf32, #tpu.memory_space<vmem>>, vector<1x24x224x224xf32>
    %get3A_4 = arith.index_cast %arg0 : i32 to index
    %get3A_5 = memref.load %arg2[%get3A_4] : memref<8xf32, #tpu.memory_space<smem>>
    %mul3A = vector.broadcast %get3A_5 : f32 to vector<1x24x224x224xf32>
    %mul3A_6 = arith.mulf %get3A_3, %mul3A : vector<1x24x224x224xf32>
    %swap3A = arith.constant 0 : index
    %swap3A_7 = arith.constant 0 : index
    %swap3A_8 = arith.constant 0 : index
    %swap3A_9 = arith.constant 0 : index
    %swap3A_10 = vector.load %arg4[%swap3A, %swap3A_7, %swap3A_8, %swap3A_9] : memref<1x24x224x224xf32, #tpu.memory_space<vmem>>, vector<1x24x224x224xf32>
    tpu.vector_store %arg4[%swap3A, %swap3A_7, %swap3A_8, %swap3A_9], %mul3A_6 {strides = array<i32>} : memref<1x24x224x224xf32, #tpu.memory_space<vmem>>, vector<1x24x224x224xf32>,
    return
  }
  func.func @transform_0(%arg0: i32, %arg1: i32) -> i32 {
    %c0_i32 = arith.constant 0 : i32
    %c0_i32_0 = arith.constant 0 : i32
    return %c0_i32 : i32
  }
  func.func @transform_1(%arg0: i32, %arg1: i32) -> (i32, i32, i32, i32) {
    %c0_i32 = arith.constant 0 : i32
    %c0_i32_0 = arith.constant 0 : i32
    %c0_i32_1 = arith.constant 0 : i32
    return %arg0, %arg1, %c0_i32, %c0_i32_0 : i32, i32, i32, i32
  }
  func.func @transform_2(%arg0: i32, %arg1: i32) -> (i32, i32, i32, i32) {
    %c0_i32 = arith.constant 0 : i32
    %c0_i32_0 = arith.constant 0 : i32
    %c0_i32_1 = arith.constant 0 : i32
    return %arg0, %arg1, %c0_i32, %c0_i32_0 : i32, i32, i32, i32
  }
}

</mosaic_0001>

<sc_bundles>
// kernel: kernel.5.cloned.1.call-start
scs
__scs_entry_jumppad:
0x0: {  	(pc) =	sbr.rel $0x88, $3  }
0x1: {  	(tag) =	ssettag $0x0;
	lr =	simm.s32 $0x1  }
0x2: {  	[smem:$0x3F98] =	sst lr;
	_ =	strace $0xD0000000  }
0x3: {  	_ = 	snop  }
0x4: {  	_ = 	snop  }
0x5: {  	_ = 	snop  }
0x6: {  	_ = 	snop  }
0x7: {  	_ = 	snop  }
__scs_overlays_trampoline_lowered:
0x8: {  	[smem:$0x3FA7] =	sst s0  }
0x9: {  	[smem:$0x3FA8] =	sst s1  }
0xa: {  	[smem:$0x3FA9] =	sst s2  }
0xb: {  	[smem:$0x3FAA] =	sst s3  }
0xc: {  	[smem:$0x3FAB] =	sst s4  }
0xd: {  	[smem:$0x3FAC] =	sst s5  }
0xe: {  	[smem:$0x3FAD] =	sst s6  }
0xf: {  	[smem:$0x3FAE] =	sst s7  }
0x10: {  	[smem:$0x3FAF] =	sst s8  }
0x11: {  	[smem:$0x3FB0] =	sst s9;
	s0 =	simm.s32 @!p0 $0x0  }
0x12: {  	s1 =	sld [smem:$0x3F96];
	s0 =	simm.s32 @p0 $0x1  }
0x13: {  	[smem:$0x3FB1] =	sst s0;
	s0 =	simm.s32 @!p1 $0x0  }
0x14: {  	s2 =	sld [smem:$0x3F95];
	s0 =	simm.s32 @p1 $0x1  }
0x15: {  	[smem:$0x3FB2] =	sst s0;
	s0 =	simm.s32 @!p2 $0x0  }
0x16: {  	s3 =	sld [smem:$0x3FDB];
	s0 =	simm.s32 @p2 $0x1  }
0x17: {  	s4 =	simm.s32 $0x1BF5;
	[smem:$0x3FB4] =	sst s0  }
0x18: {  	s0 =	sld [smem:$0x3F97];
	_ =	swait.ge [sflag:s4], $0x0  }
0x19: {  	s7 =	sld [smem:$0x3F98]  }
0x1a: {  	s8 =	sadd.s32 $0xFFFFE003, lr  }
0x1b: {  	s9 =	sadd.s32 $0xFFFFFEF7, lr;
	s5 =	simm.s32 $0xFFFFFFFF;
	p2 =	slt.u32 s8, $0xFFFFF086  }
0x1c: {  	p1 =	slt.u32 s9, $0xF7A;
	s5 =	simm.s32 @!p2 $0x0  }
0x1d: {  	s5 =	simm.s32 @p1 $0x1;
	p0 =	seq.s32 s7, s2  }
0x1e: {  	s7 =	smul.u32 @!p0 $0xF7A, s2;
	p2 =	seq.s32 @!p0 s5, $0x0  }
0x1f: {  	s9 =	smul.u32 $0xF7A, s1;
	s8 =	simm.s32 @!p0 $0x1BF5;
	p2 =	por !p2, p0  }
0x20: {  	[sflag:s8] =	ssyncset.s32 @!p0 $0xFFFFF086;
	s6 =	sadd.s32 @!p0 s3, s7;
	s7 =	simm.s32 @!p0 $0x108  }
0x21: {  	s3 =	sadd.s32 s3, s9;
	s6 =	sadd.s32 @!p0 $0x88, s6;
	s7 =	simm.s32 @p2 $0x1082  }
0x22: {  	[simem:s7], [sflag:s8] =	dma.local @!p0 [hbm:s6], $0xF7A  }
0x23: {  	s9 =	sor.u32 $0xD0000000, s2;
	s6 =	simm.s32 $0x108;
	_ =	swait.ge @!p0 [sflag:s8], $0x0  }
0x24: {  	s3 =	sadd.s32 $0x88, s3;
	s6 =	simm.s32 @!p1 $0x1082;
	[sflag:s4] =	ssyncset.s32 $0xFFFFF086  }
0x25: {  	[simem:s6], [sflag:s4] =	dma.local [hbm:s3], $0xF7A  }
0x26: {  	[smem:$0x3F98] =	sst s1;
	(tag) =	ssettag s2;
	_ =	strace s9  }
0x27: {  	s1 =	sld [smem:$0x3FA8]  }
0x28: {  	s2 =	sld [smem:$0x3FA9]  }
0x29: {  	s4 =	sld [smem:$0x3FAB]  }
0x2a: {  	p0 =	seq.s32 s5, $0x0;
	s5 =	sld [smem:$0x3FAC]  }
0x2b: {  	s6 =	sld [smem:$0x3FAD]  }
0x2c: {  	s7 =	sld [smem:$0x3FAE]  }
0x2d: {  	s3 =	simm.s32 $0x108;
	s8 =	sld [smem:$0x3FAF]  }
0x2e: {  	s3 =	simm.s32 @!p0 $0x1082;
	s9 =	sld [smem:$0x3FB0]  }
0x2f: {  	lr =	sadd.s32 s0, s3;
	s0 =	sld [smem:$0x3FA7]  }
0x30: {  	s3 =	sld [smem:$0x3FAA]  }
0x31: {  	[smem:$0x3FB3] =	sst s10  }
0x32: {  	s10 =	sld [smem:$0x3FB1];
	_ =	sdelay $0x3  }
0x33: {  	p0 =	seq.s32 s10, $0x1;
	s10 =	sld [smem:$0x3FB3];
	_ =	sdelay $0x3  }
0x34: {  	[smem:$0x3FB3] =	sst s10  }
0x35: {  	s10 =	sld [smem:$0x3FB2];
	_ =	sdelay $0x3  }
0x36: {  	p1 =	seq.s32 s10, $0x1;
	s10 =	sld [smem:$0x3FB3];
	_ =	sdelay $0x3  }
0x37: {  	[smem:$0x3FB3] =	sst s10  }
0x38: {  	s10 =	sld [smem:$0x3FB4]  }
0x39: {  	_ = 	snop;
	(pc) =	sbr.ind lr, $3  }
0x3a: {  	_ = 	snop  }
0x3b: {  	_ = 	snop  }
0x3c: {  	p2 =	seq.s32 s10, $0x1;
	s10 =	sld [smem:$0x3FB3]  }
0x3d: {  	_ =	shalt  }
0x3e: {  	_ =	shalt  }
0x3f: {  	_ =	shalt  }
0x40: {  	_ =	shalt  }
0x41: {  	_ =	shalt  }
0x42: {  	_ =	shalt  }
0x43: {  	_ =	shalt  }
0x44: {  	_ =	shalt  }
0x45: {  	_ =	shalt  }
0x46: {  	_ =	shalt  }
0x47: {  	_ =	shalt  }
0x48: {  	_ =	shalt  }
0x49: {  	_ =	shalt  }
0x4a: {  	_ =	shalt  }
0x4b: {  	_ =	shalt  }
0x4c: {  	_ =	shalt  }
0x4d: {  	_ =	shalt  }
0x4e: {  	_ =	shalt  }
0x4f: {  	_ =	shalt  }
0x50: {  	_ =	shalt  }
0x51: {  	_ =	shalt  }
0x52: {  	_ =	shalt  }
0x53: {  	_ =	shalt  }
0x54: {  	_ =	shalt  }
0x55: {  	_ =	shalt  }
0x56: {  	_ =	shalt  }
0x57: {  	_ =	shalt  }
0x58: {  	_ =	shalt  }
0x59: {  	_ =	shalt  }
0x5a: {  	_ =	shalt  }
0x5b: {  	_ =	shalt  }
0x5c: {  	_ =	shalt  }
0x5d: {  	_ =	shalt  }
0x5e: {  	_ =	shalt  }
0x5f: {  	_ =	shalt  }
0x60: {  	_ =	shalt  }
0x61: {  	_ =	shalt  }
0x62: {  	_ =	shalt  }
0x63: {  	_ =	shalt  }
0x64: {  	_ =	shalt  }
0x65: {  	_ =	shalt  }
0x66: {  	_ =	shalt  }
0x67: {  	_ =	shalt  }
0x68: {  	_ =	shalt  }
0x69: {  	_ =	shalt  }
0x6a: {  	_ =	shalt  }
0x6b: {  	_ =	shalt  }
0x6c: {  	_ =	shalt  }
0x6d: {  	_ =	shalt  }
0x6e: {  	_ =	shalt  }
0x6f: {  	_ =	shalt  }
0x70: {  	_ =	shalt  }
0x71: {  	_ =	shalt  }
0x72: {  	_ =	shalt  }
0x73: {  	_ =	shalt  }
0x74: {  	_ =	shalt  }
0x75: {  	_ =	shalt  }
0x76: {  	_ =	shalt  }
0x77: {  	_ =	shalt  }
0x78: {  	_ =	shalt  }
0x79: {  	_ =	shalt  }
0x7a: {  	_ =	shalt  }
0x7b: {  	_ =	shalt  }
0x7c: {  	_ =	shalt  }
0x7d: {  	_ =	shalt  }
0x7e: {  	_ =	shalt  }
0x7f: {  	_ =	shalt  }
0x80: {  	_ =	shalt  }
0x81: {  	_ =	shalt  }
0x82: {  	_ =	shalt  }
0x83: {  	_ =	shalt  }
0x84: {  	_ =	shalt  }
0x85: {  	_ =	shalt  }
0x86: {  	_ =	shalt  }
0x87: {  	_ =	shalt  }
.Lfunc_end0:
.L_simem_size_0:
called_computation_lowered:
.L_overlay_start_0:
0x88: {  	s2 =	sld [smem:$0x3FD9]  }
0x89: {  	s3 =	sld [smem:$0x3FFE];
	_ =	sdelay $0x1  }
0x8a: {  	s1 =	srdreg.scid  }
0x8b: {  	s0 =	sand.u32 $0x1, s1  }
0x8c: {  	s15 =	sshll.u32 s0, $0xA;
	s2 =	sadd.s32 s3, s2  }
0x8d: {  	s2 =	sadd.s32 s2, s15  }
0x8e: {  	[smem:$0x3FBF] =	sst s2  }
0x8f: {  	_ = 	snop  }
0x90: {  	s2 =	sld [smem:$0x3FD0];
	_ =	sdelay $0x2  }
0x91: {  	s4 =	simm.s32 $0xA;
	s5 =	simm.s32 $0x10;
	s16 =	sld [smem:$0x3FC9]  }
0x92: {  	[smem:s5], [sflag:s4] =	dma.local [hbm:s2], $0x1  }
0x93: {  	_ =	swait.eq [sflag:s4], $0x1  }
0x94: {  	[sflag:s4] =	ssyncset.done $0x0  }
0x95: {  	[sflag:s4] =	ssyncadd.s32 $0xFFFFFFFF  }
0x96: {  	s17 =	sld [smem:$0x10];
	(tm) =	ssettm $0x1  }
0x97: {  	s18 =	sld [smem:$0x3FFB];
	_ =	sdelay $0x3  }
0x98: {  	_ =	strace s18  }
0x99: {  	s4 =	sld [smem:$0x3FFC];
	_ =	sdelay $0x3  }
0x9a: {  	_ =	strace s4  }
0x9b: {  	s4 =	sld [smem:$0x3FFD];
	_ =	sdelay $0x3  }
0x9c: {  	_ =	strace s4  }
0x9d: {  	_ =	strace $0x8FFFFFFF  }
0x9e: {  	s19 =	sld [smem:$0x3FDB];
	_ =	sdelay $0x1  }
0x9f: {  	s20 =	simm.s32 $_scs_section_size  }
0xa0: {  	s6 =	simm.s32 $_size__tile_overlayer_lowered;
	s7 =	simm.s32 $_tile_overlayer_lowered  }
0xa1: {  	s23 =	simm.s32 $0x1BFF;
	s22 =	sshll.u32 s7, $0x1;
	s4 =	sadd.s32 s20, s19  }
0xa2: {  	s8 =	simm.s32 $0x0;
	s21 =	sshll.u32 s6, $0x1;
	s6 =	sadd.s32 s22, s4  }
0xa3: {  	[timem:s8], [sflag:s23] =	dma.local [hbm:s6], s21  }
0xa4: {  	_ =	swait.ge [sflag:s23], s21  }
0xa5: {  	s5 =	ssub.s32 $0x0, s21;
	[sflag:s23] =	ssyncset.done $0x0  }
0xa6: {  	[sflag:s23] =	ssyncadd.s32 s5;
	_ =	sdelay $0x1  }
0xa7: {  	s24 =	simm.s32 $0x1B8B  }
0xa8: {  	_ =	swait.ge [sflag:s24], $0x1  }
0xa9: {  	[sflag:s24] =	ssyncset.done $0x0  }
0xaa: {  	s25 =	simm.s32 $0x1B8E;
	[sflag:s24] =	ssyncadd.s32 $0xFFFFFFFF  }
0xab: {  	s26 =	simm.s32 $execute0_lowered;
	[smem:$0x3FD2] =	sst s25  }
0xac: {  	s5 =	sshll.u32 s26, $0x1;
	_ =	strace $0x80000046;
	[dreg:$0x1] =	wrdreg $0xFFFFFFFF  }
0xad: {  	s28 =	simm.s32 $_size_execute0_lowered;
	s4 =	sadd.s32 s4, s5;
	[dreg:$0x0] =	wrdreg $0x0  }
0xae: {  	s5 =	sshll.u32 s28, $0x1;
	[dreg:$0x2] =	wrdreg s4  }
0xaf: {  	[dreg:$0x3] =	wrdreg s5  }
0xb0: {  	[dreg:$0x4] =	wrdreg $0xC0  }
0xb1: {  	_ =	task [dreg:s8], $0x5FFFF  }
0xb2: {  	[dreg:$0x1] =	wrdreg $0xFFFFFFFF  }
0xb3: {  	[dreg:$0x0] =	wrdreg $0x60  }
0xb4: {  	[dreg:$0x2] =	wrdreg s16  }
0xb5: {  	[dreg:$0x3] =	wrdreg s17  }
0xb6: {  	[dreg:$0x4] =	wrdreg $0x9  }
0xb7: {  	_ =	task.clear_ibuf [dreg:s8], $0x5FFFF;
	_ =	strace $0x90000046  }
0xb8: {  	s29 =	simm.s32 $0x9;
	_ =	strace $0x80000048  }
0xb9: {  	_ =	swait.ge [sflag:s29], $0x1  }
0xba: {  	[sflag:s29] =	ssyncadd.s32 $0xFFFFFFFF  }
0xbb: {  	_ =	strace $0x90000048  }
0xbc: {  	_ =	sfence  }
0xbd: {  	s30 =	sld [smem:$0x0];
	_ =	sdelay $0x2  }
0xbe: {  	s31 =	sshll.u32 s1, $0xD;
	s1 =	sshrl.u32 s1, $0x2  }
0xbf: {  	s3 =	sand.u32 $0x4000, s31;
	s1 =	sadd.s32 s1, s30  }
0xc0: {  	s0 =	sor.u32 s3, s0;
	s1 =	sshll.u32 s1, $0x11  }
0xc1: {  	s0 =	sor.u32 s1, s0  }
0xc2: {  	s0 =	sadd.s32 $0x8F2B, s0  }
0xc3: {  	[sflag:s0] =	ssyncadd.remote.s32 $0x1  }
0xc4: {  	_ =	sfence.sel $0xFFFF  }
0xc5: {  	[dreg:$0x0] =	wrdreg $0xFFFFFFFF;
	(pc) =	sbr.abs _section_cstart, $3  }
0xc6: {  	[dreg:$0x1] =	wrdreg $0xFFFFFFFF  }
0xc7: {  	_ =	task.clear_ibuf [dreg:s8], $0x2FFFF;
	_ =	strace $0x9FFFFFFF  }
0xc8: {  	(tm) =	ssettm $0x7FFFFFFF  }
0xc9: {  	_ =	shalt  }
tec
execute0_lowered:
.L_overlay_start_1:
0x0: {  	(tag) =	ssettag $0x1  }
0x1: {  	v1 =	vlaneseq.u32  }
0x2: {  	v4 =	vadd.s32 $0x101, v1  }
0x3: {  	[tilespmem:$0x1FE30] =	vst v4;
	v4 =	vadd.s32 $0x202, v1  }
0x4: {  	[tilespmem:$0x1FE40] =	vst v4;
	v4 =	vadd.s32 $0x303, v1  }
0x5: {  	[tilespmem:$0x1FE50] =	vst v4;
	v4 =	vadd.s32 $0x404, v1  }
0x6: {  	[tilespmem:$0x1FE60] =	vst v4;
	v4 =	vadd.s32 $0x505, v1  }
0x7: {  	[tilespmem:$0x1FE70] =	vst v4;
	v4 =	vadd.s32 $0x606, v1  }
0x8: {  	[tilespmem:$0x1FE80] =	vst v4;
	v4 =	vadd.s32 $0x707, v1  }
0x9: {  	[tilespmem:$0x1FE90] =	vst v4;
	v4 =	vadd.s32 $0x808, v1  }
0xa: {  	[tilespmem:$0x1FEA0] =	vst v4;
	v4 =	vadd.s32 $0x909, v1  }
0xb: {  	[tilespmem:$0x1FEB0] =	vst v4;
	v4 =	vadd.s32 $0xA0A, v1  }
0xc: {  	[tilespmem:$0x1FEC0] =	vst v4;
	v4 =	vadd.s32 $0xB0B, v1  }
0xd: {  	[tilespmem:$0x1FED0] =	vst v4;
	v4 =	vadd.s32 $0xC0C, v1  }
0xe: {  	[tilespmem:$0x1FEE0] =	vst v4;
	v4 =	vadd.s32 $0xD0D, v1  }
0xf: {  	[tilespmem:$0x1FEF0] =	vst v4;
	v4 =	vadd.s32 $0xE0E, v1  }
0x10: {  	v0 =	vimm.f32 $0.0e+00;
	[tilespmem:$0x1FF00] =	vst v4;
	v4 =	vadd.s32 $0xF0F, v1  }
0x11: {  	v3 =	vimm.f32 $1.000000000e+00;
	v2 =	vmul.u32 $0x101, v1;
	[tilespmem:$0x1FF10] =	vst v4;
	v4 =	vor.u32 $0x10, v1  }
0x12: {  	v33 =	vadd.s32 $0xE1E, v1;
	v34 =	vadd.s32 $0xF1F, v1;
	[tilespmem:$0x1FF20] =	vst v4;
	v4 =	vadd.s32 $0x111, v1  }
0x13: {  	v35 =	vor.u32 $0x20, v1;
	v36 =	vadd.s32 $0x121, v1;
	[tilespmem:$0x1FF30] =	vst v4;
	v4 =	vadd.s32 $0x212, v1  }
0x14: {  	s0 =	rddreg [dreg:$0x0];
	v37 =	vadd.s32 $0x222, v1;
	v38 =	vadd.s32 $0x323, v1;
	[tilespmem:$0x1FF40] =	vst v4;
	v4 =	vadd.s32 $0x313, v1  }
0x15: {  	s5 =	rddreg [dreg:$0x1];
	v39 =	vadd.s32 $0x424, v1;
	v40 =	vadd.s32 $0x525, v1;
	[tilespmem:$0x1FF50] =	vst v4;
	v4 =	vadd.s32 $0x414, v1  }
0x16: {  	s3 =	srdreg.scid;
	s1 =	stileid.u32;
	v41 =	vadd.s32 $0x626, v1;
	v42 =	vadd.s32 $0x727, v1;
	[tilespmem:$0x1FF60] =	vst v4;
	v4 =	vadd.s32 $0x515, v1  }
0x17: {  	s2 =	rddreg [dreg:$0x2];
	s11 =	simm.s32 $0x1C000;
	s12 =	simm.s32 $0x2;
	v43 =	vadd.s32 $0x828, v1;
	v44 =	vadd.s32 $0x929, v1;
	[tilespmem:$0x1FF70] =	vst v4;
	v4 =	vadd.s32 $0x616, v1  }
0x18: {  	s13 =	simm.s32 $0x80;
	s14 =	simm.s32 $0x400;
	s15 =	simm.s32 $0x1D080;
	v45 =	vadd.s32 $0xA2A, v1;
	v46 =	vadd.s32 $0xB2B, v1;
	[tilespmem:$0x1FF80] =	vst v4;
	v4 =	vadd.s32 $0x717, v1  }
0x19: {  	s16 =	simm.s32 $0x3;
	s4 =	sand.u32 $0x1, s3;
	s6 =	sshll.u32 s1, $0x1;
	v47 =	vadd.s32 $0xC2C, v1;
	v48 =	vadd.s32 $0xD2D, v1;
	[tilespmem:$0x1FF90] =	vst v4;
	v4 =	vadd.s32 $0x818, v1  }
0x1a: {  	s3 =	simm.s32 $0x0;
	s28 =	sshll.u32 s1, $0x3;
	v49 =	vadd.s32 $0xE2E, v1;
	v50 =	vadd.s32 $0xF2F, v1;
	s7 =	ssub.s32 $0x2, s4;
	[tilespmem:$0x1FFA0] =	vst v4;
	v4 =	vadd.s32 $0x919, v1  }
0x1b: {  	v51 =	vor.u32 $0x30, v1;
	v52 =	vadd.s32 $0x131, v1;
	s4 =	sor.u32 s4, s6;
	[smem:$0x7FF] =	sst s3;
	s6 =	sand.u32 $0x70, s28;
	[tilespmem:$0x1FFB0] =	vst v4;
	v4 =	vadd.s32 $0xA1A, v1  }
0x1c: {  	v53 =	vadd.s32 $0x232, v1;
	v54 =	vadd.s32 $0x333, v1;
	s26 =	sshrl.u32 s7, $0x1;
	s8 =	smul.u32 $0x150000, s4;
	s10 =	sshll.u32 s4, $0x8;
	[tilespmem:$0x1FFC0] =	vst v4;
	v4 =	vadd.s32 $0xB1B, v1  }
0x1d: {  	v55 =	vadd.s32 $0x434, v1;
	v56 =	vadd.s32 $0x535, v1;
	s31 =	sadd.s32 s5, s6;
	s9 =	ssub.s32 s7, s26;
	s30 =	sand.u32 $0x300, s10;
	[tilespmem:$0x1FFD0] =	vst v4;
	v4 =	vadd.s32 $0xC1C, v1  }
0x1e: {  	v57 =	vadd.s32 $0x636, v1;
	v58 =	vadd.s32 $0x737, v1;
	s10 =	simm.s32 $0x1;
	s29 =	sshrl.u32 s8, $0x3;
	s5 =	sor.u32 $0xE000, s8;
	[tilespmem:$0x1FFE0] =	vst v4;
	v4 =	vadd.s32 $0xD1D, v1  }
0x1f: {  	v59 =	vadd.s32 $0x838, v1;
	v60 =	vadd.s32 $0x939, v1;
	v61 =	vadd.s32 $0xA3A, v1;
	s6 =	sadd.s32 $0x1C000, s8;
	s7 =	sadd.s32 s30, s31;
	s8 =	smax.u32 s9, $0x1;
	[tilespmem:$0x1FFF0] =	vst v4  }
0x20: {  	v62 =	vadd.s32 $0xB3B, v1;
	v63 =	vadd.s32 $0xC3C, v1;
	s9 =	simm.s32 $0xE000;
	s4 =	sadd.s32 s0, s29;
	v4 =	vadd.s32 $0xD3D, v1;
	_ =	strace $0x80000047  }
.LBB2_1:
0x21: {  	s17 =	simm.s32 $0x40;
	s18 =	simm.s32 $0x0  }
.LBB2_2:
0x22: {  	p0 =	sne.s32 s17, $0x4000;
	[tilespmem:s18+$0x1C000] =	vst v0;
	s18 =	smov.u32 s17;
	s17 =	sadd.s32 $0x40, s17  }
.Ltmp0:
0x23: {  	(pc) =	sbr.rel @p0 .LBB2_2-.Ltmp0, $2  }
0x24: {  	_ =	sdelay $0x2  }
0x25: {  	s18 =	sshra.s32 s18, $0x2  }
0x26: {  	[tilespmem:s18+$0x1C000] =	vst v0;
	s17 =	simm.s32 $0x0;
	s18 =	simm.s32 $0x0  }
0x27: {  	[tilespmem:s17], [sflag:$0x1] =	stream.linear.gather [hbm4b:s4+s17], $0xE000, $0x38;
	[tilespmem:$0x1D180] =	vst v63  }
.LBB2_4:
0x28: {  	s19 =	smul.u32 $0x1C000, s18;
	_ =	sdelay $0x1  }
0x29: {  	s20 =	sadd.s32 s19, s5  }
0x2a: {  	s20 =	sshrl.u32 s20, $0x3  }
0x2b: {  	s20 =	sadd.s32 s0, s20  }
0x2c: {  	[tilespmem:s9], [sflag:$0x2] =	stream.linear.gather [hbm4b:s20+s17], $0xE000, $0x38;
	[tilespmem:$0x1D180] =	vst v63  }
0x2d: {  	_ =	swait.ge [sflag:s10], $0xE000  }
0x2e: {  	p0 =	por $0x0, $0x0;
	s21 =	simm.s32 $0x0;
	[sflag:s10] =	ssyncset.done $0x0  }
0x2f: {  	s22 =	simm.s32 $0x0;
	s20 =	simm.s32 $0xFFFFFFFE;
	[sflag:s10] =	ssyncadd.s32 $0xFFFF2000  }
.LBB2_5:
0x30: {  	s23 =	sand.u32 $0xF800, s22;
	s24 =	sand.u32 $0x200, s21  }
0x31: {  	s23 =	sor.u32 s24, s23  }
0x32: {  	v5 =	vld [tilespmem:s23+$0x0]  }
0x33: {  	v6 =	vld [tilespmem:s23+$0x10]  }
0x34: {  	v7 =	vld [tilespmem:s23+$0x20]  }
0x35: {  	v8 =	vld [tilespmem:s23+$0x30]  }
0x36: {  	v9 =	vld [tilespmem:s23+$0x40]  }
0x37: {  	v10 =	vld [tilespmem:s23+$0x50]  }
0x38: {  	v11 =	vld [tilespmem:s23+$0x60]  }
0x39: {  	v12 =	vld [tilespmem:s23+$0x70]  }
0x3a: {  	v19 =	vld [tilespmem:s23+$0x80]  }
0x3b: {  	v20 =	vld [tilespmem:s23+$0x90]  }
0x3c: {  	v22 =	vld [tilespmem:s23+$0xB0]  }
0x3d: {  	v23 =	vld [tilespmem:s23+$0xC0];
	v5 =	vmul.f32 $2.560000000e+02, v5  }
0x3e: {  	v26 =	vld [tilespmem:s23+$0xF0];
	v6 =	vmul.f32 $2.560000000e+02, v6;
	v7 =	vmul.f32 $2.560000000e+02, v7  }
0x3f: {  	v8 =	vmul.f32 $2.560000000e+02, v8;
	v9 =	vmul.f32 $2.560000000e+02, v9  }
0x40: {  	s24 =	simm.s32 $0x1;
	v10 =	vmul.f32 $2.560000000e+02, v10;
	v11 =	vmul.f32 $2.560000000e+02, v11  }
0x41: {  	s24 =	simm.s32 @!p0 $0x0;
	v12 =	vmul.f32 $2.560000000e+02, v12;
	v19 =	vmul.f32 $2.560000000e+02, v19  }
0x42: {  	s24 =	sshll.u32 s24, $0x9;
	v20 =	vmul.f32 $2.560000000e+02, v20;
	v22 =	vmul.f32 $2.560000000e+02, v22  }
0x43: {  	s24 =	sadd.s32 s24, s22;
	v23 =	vmul.f32 $2.560000000e+02, v23;
	v26 =	vmul.f32 $2.560000000e+02, v26  }
0x44: {  	v21 =	vld [tilespmem:s23+$0xA0];
	s25 =	sor.u32 $0x400, s24;
	v5 =	vtrunc.f32 v5;
	v6 =	vtrunc.f32 v6  }
0x45: {  	s31 =	sor.u32 $0x410, s24;
	v13 =	vld [tilespmem:s25+$0x0];
	v7 =	vtrunc.f32 v7;
	v8 =	vtrunc.f32 v8  }
0x46: {  	s26 =	sor.u32 $0x420, s24;
	v14 =	vld [tilespmem:s31+$0x0];
	v9 =	vtrunc.f32 v9;
	v10 =	vtrunc.f32 v10  }
0x47: {  	s28 =	sor.u32 $0x430, s24;
	v15 =	vld [tilespmem:s26+$0x0];
	v11 =	vtrunc.f32 v11;
	v12 =	vtrunc.f32 v12  }
0x48: {  	s29 =	sor.u32 $0x440, s24;
	v16 =	vld [tilespmem:s28+$0x0];
	v19 =	vtrunc.f32 v19;
	v5 =	vcvt.f32.s32 v5  }
0x49: {  	s30 =	sor.u32 $0x450, s24;
	v17 =	vld [tilespmem:s29+$0x0];
	v6 =	vcvt.f32.s32 v6;
	v7 =	vcvt.f32.s32 v7  }
0x4a: {  	v18 =	vld [tilespmem:s30+$0x0];
	v8 =	vcvt.f32.s32 v8;
	v9 =	vcvt.f32.s32 v9  }
0x4b: {  	v24 =	vld [tilespmem:s23+$0xD0];
	s25 =	sadd.s32 $0x80, s24;
	v10 =	vcvt.f32.s32 v10;
	v11 =	vcvt.f32.s32 v11  }
0x4c: {  	v25 =	vld [tilespmem:s23+$0xE0];
	s26 =	sor.u32 $0x400, s25;
	v12 =	vcvt.f32.s32 v12;
	v13 =	vmul.f32 $2.560000000e+02, v13  }
0x4d: {  	s31 =	sor.u32 $0x410, s25;
	v27 =	vld [tilespmem:s26+$0x0];
	v14 =	vmul.f32 $2.560000000e+02, v14;
	v15 =	vmul.f32 $2.560000000e+02, v15  }
0x4e: {  	s28 =	sor.u32 $0x420, s25;
	v28 =	vld [tilespmem:s31+$0x0];
	v16 =	vmul.f32 $2.560000000e+02, v16;
	v17 =	vmul.f32 $2.560000000e+02, v17;
	v5 =	vadd.s32 v2, v5  }
0x4f: {  	s29 =	sor.u32 $0x430, s25;
	v29 =	vld [tilespmem:s28+$0x0];
	v18 =	vmul.f32 $2.560000000e+02, v18;
	v6 =	vadd.s32 v2, v6;
	v13 =	vtrunc.f32 v13  }
0x50: {  	s30 =	sor.u32 $0x440, s25;
	v30 =	vld [tilespmem:s29+$0x0];
	v7 =	vadd.s32 v2, v7;
	v14 =	vtrunc.f32 v14;
	v15 =	vtrunc.f32 v15  }
0x51: {  	s25 =	sor.u32 $0x450, s25;
	v31 =	vld [tilespmem:s30+$0x0];
	v8 =	vadd.s32 v2, v8;
	v16 =	vtrunc.f32 v16;
	v17 =	vtrunc.f32 v17  }
0x52: {  	v32 =	vld [tilespmem:s25+$0x0];
	v9 =	vadd.s32 v2, v9;
	v18 =	vtrunc.f32 v18;
	v13 =	vcvt.f32.s32 v13  }
0x53: {  	v10 =	vadd.s32 v2, v10;
	v14 =	vcvt.f32.s32 v14;
	v15 =	vcvt.f32.s32 v15;
	[tilespmem:v5+s11+$0x0] =	vst.idx.add.f32.msk $0xffff, v3  }
0x54: {  	v16 =	vcvt.f32.s32 v16;
	v17 =	vcvt.f32.s32 v17;
	v5 =	vadd.s32 v2, v11;
	[tilespmem:v6+s11+$0x0] =	vst.idx.add.f32.msk $0xffff, v3  }
0x55: {  	v18 =	vcvt.f32.s32 v18;
	v11 =	vtrunc.f32 v20;
	v6 =	vadd.s32 v2, v12;
	[tilespmem:v7+s11+$0x0] =	vst.idx.add.f32.msk $0xffff, v3  }
0x56: {  	v20 =	vmul.f32 $2.560000000e+02, v21;
	v12 =	vcvt.f32.s32 v19;
	v7 =	vadd.s32 v2, v13;
	[tilespmem:v8+s11+$0x0] =	vst.idx.add.f32.msk $0xffff, v3  }
0x57: {  	v11 =	vcvt.f32.s32 v11;
	v19 =	vmul.f32 $2.560000000e+02, v32;
	v8 =	vadd.s32 v2, v14;
	[tilespmem:v9+s11+$0x0] =	vst.idx.add.f32.msk $0xffff, v3  }
0x58: {  	v21 =	vtrunc.f32 v20;
	v20 =	vmul.f32 $2.560000000e+02, v27;
	v9 =	vadd.s32 v2, v15;
	[tilespmem:v10+s11+$0x0] =	vst.idx.add.f32.msk $0xffff, v3  }
0x59: {  	v13 =	vcvt.f32.s32 v21;
	v21 =	vtrunc.f32 v22;
	v10 =	vadd.s32 v2, v16;
	[tilespmem:v5+s11+$0x0] =	vst.idx.add.f32.msk $0xffff, v3  }
0x5a: {  	v22 =	vmul.f32 $2.560000000e+02, v24;
	v14 =	vtrunc.f32 v23;
	v5 =	vadd.s32 v2, v17;
	[tilespmem:v6+s11+$0x0] =	vst.idx.add.f32.msk $0xffff, v3  }
0x5b: {  	v24 =	vmul.f32 $2.560000000e+02, v25;
	v15 =	vcvt.f32.s32 v21;
	v6 =	vadd.s32 v2, v18;
	[tilespmem:v7+s11+$0x0] =	vst.idx.add.f32.msk $0xffff, v3  }
0x5c: {  	v14 =	vcvt.f32.s32 v14;
	v23 =	vtrunc.f32 v22;
	v7 =	vadd.s32 v2, v12;
	[tilespmem:v8+s11+$0x0] =	vst.idx.add.f32.msk $0xffff, v3  }
0x5d: {  	v25 =	vtrunc.f32 v24;
	v22 =	vtrunc.f32 v26;
	v8 =	vadd.s32 v2, v11;
	[tilespmem:v9+s11+$0x0] =	vst.idx.add.f32.msk $0xffff, v3  }
0x5e: {  	v21 =	vadd.s32 v2, v13;
	v26 =	vmul.f32 $2.560000000e+02, v29;
	v16 =	vcvt.f32.s32 v23;
	[tilespmem:v10+s11+$0x0] =	vst.idx.add.f32.msk $0xffff, v3  }
0x5f: {  	v23 =	vmul.f32 $2.560000000e+02, v28;
	v24 =	vadd.s32 v2, v15;
	v13 =	vcvt.f32.s32 v22;
	[tilespmem:v5+s11+$0x0] =	vst.idx.add.f32.msk $0xffff, v3  }
0x60: {  	v28 =	vmul.f32 $2.560000000e+02, v30;
	v11 =	vcvt.f32.s32 v25;
	v5 =	vadd.s32 v2, v14;
	[tilespmem:v6+s11+$0x0] =	vst.idx.add.f32.msk $0xffff, v3  }
0x61: {  	v30 =	vmul.f32 $2.560000000e+02, v31;
	v12 =	vtrunc.f32 v20;
	v6 =	vadd.s32 v2, v16;
	[tilespmem:v7+s11+$0x0] =	vst.idx.add.f32.msk $0xffff, v3  }
0x62: {  	v25 =	vtrunc.f32 v23;
	v12 =	vcvt.f32.s32 v12;
	v7 =	vadd.s32 v2, v11;
	[tilespmem:v8+s11+$0x0] =	vst.idx.add.f32.msk $0xffff, v3  }
0x63: {  	v27 =	vtrunc.f32 v26;
	v29 =	vadd.s32 v2, v13;
	v14 =	vcvt.f32.s32 v25;
	[tilespmem:v21+s11+$0x0] =	vst.idx.add.f32.msk $0xffff, v3  }
0x64: {  	v18 =	vtrunc.f32 v28;
	v31 =	vadd.s32 v2, v12;
	v11 =	vcvt.f32.s32 v27;
	[tilespmem:v24+s11+$0x0] =	vst.idx.add.f32.msk $0xffff, v3  }
0x65: {  	v13 =	vtrunc.f32 v30;
	v12 =	vcvt.f32.s32 v18;
	v20 =	vadd.s32 v2, v14;
	[tilespmem:v5+s11+$0x0] =	vst.idx.add.f32.msk $0xffff, v3  }
0x66: {  	v22 =	vtrunc.f32 v19;
	v21 =	vcvt.f32.s32 v13;
	v5 =	vadd.s32 v2, v11;
	[tilespmem:v6+s11+$0x0] =	vst.idx.add.f32.msk $0xffff, v3  }
0x67: {  	v23 =	vcvt.f32.s32 v22;
	v6 =	vadd.s32 v2, v12;
	[tilespmem:v7+s11+$0x0] =	vst.idx.add.f32.msk $0xffff, v3  }
0x68: {  	v7 =	vadd.s32 v2, v21;
	[tilespmem:v29+s11+$0x0] =	vst.idx.add.f32.msk $0xffff, v3  }
0x69: {  	v24 =	vadd.s32 v2, v23;
	[tilespmem:v31+s11+$0x0] =	vst.idx.add.f32.msk $0xffff, v3  }
0x6a: {  	[tilespmem:v20+s11+$0x0] =	vst.idx.add.f32.msk $0xffff, v3  }
0x6b: {  	[tilespmem:v5+s11+$0x0] =	vst.idx.add.f32.msk $0xffff, v3  }
0x6c: {  	[tilespmem:v6+s11+$0x0] =	vst.idx.add.f32.msk $0xffff, v3  }
0x6d: {  	[tilespmem:v7+s11+$0x0] =	vst.idx.add.f32.msk $0xffff, v3  }
0x6e: {  	[tilespmem:v24+s11+$0x0] =	vst.idx.add.f32.msk $0xffff, v3  }
0x6f: {  	v5 =	vld [tilespmem:s23+$0x100]  }
0x70: {  	v6 =	vld [tilespmem:s23+$0x110]  }
0x71: {  	v7 =	vld [tilespmem:s23+$0x120]  }
0x72: {  	v8 =	vld [tilespmem:s23+$0x130]  }
0x73: {  	v9 =	vld [tilespmem:s23+$0x140]  }
0x74: {  	v10 =	vld [tilespmem:s23+$0x150]  }
0x75: {  	s25 =	sadd.s32 $0x100, s24;
	v25 =	vld [tilespmem:s23+$0x160]  }
0x76: {  	s31 =	sor.u32 $0x400, s25;
	v26 =	vld [tilespmem:s23+$0x170]  }
0x77: {  	s28 =	sor.u32 $0x410, s25;
	v27 =	vld [tilespmem:s31+$0x0]  }
0x78: {  	s29 =	sor.u32 $0x420, s25;
	v28 =	vld [tilespmem:s28+$0x0]  }
0x79: {  	s30 =	sor.u32 $0x430, s25;
	v29 =	vld [tilespmem:s29+$0x0]  }
0x7a: {  	v30 =	vld [tilespmem:s30+$0x0]  }
0x7b: {  	v19 =	vld [tilespmem:s23+$0x180]  }
0x7c: {  	v20 =	vld [tilespmem:s23+$0x190];
	v5 =	vmul.f32 $2.560000000e+02, v5  }
0x7d: {  	s31 =	sor.u32 $0x440, s25;
	v22 =	vld [tilespmem:s23+$0x1B0];
	v6 =	vmul.f32 $2.560000000e+02, v6;
	v7 =	vmul.f32 $2.560000000e+02, v7  }
0x7e: {  	s25 =	sor.u32 $0x450, s25;
	v31 =	vld [tilespmem:s31+$0x0];
	v8 =	vmul.f32 $2.560000000e+02, v8;
	v9 =	vmul.f32 $2.560000000e+02, v9  }
0x7f: {  	v32 =	vld [tilespmem:s25+$0x0];
	v10 =	vmul.f32 $2.560000000e+02, v10;
	v11 =	vmul.f32 $2.560000000e+02, v25  }
0x80: {  	v12 =	vmul.f32 $2.560000000e+02, v26;
	v13 =	vmul.f32 $2.560000000e+02, v27  }
0x81: {  	v14 =	vmul.f32 $2.560000000e+02, v28;
	v15 =	vmul.f32 $2.560000000e+02, v29  }
0x82: {  	v16 =	vmul.f32 $2.560000000e+02, v30;
	v19 =	vmul.f32 $2.560000000e+02, v19  }
0x83: {  	v20 =	vmul.f32 $2.560000000e+02, v20;
	v22 =	vmul.f32 $2.560000000e+02, v22  }
0x84: {  	v17 =	vmul.f32 $2.560000000e+02, v31;
	v18 =	vmul.f32 $2.560000000e+02, v32  }
0x85: {  	v5 =	vtrunc.f32 v5;
	v6 =	vtrunc.f32 v6  }
0x86: {  	v7 =	vtrunc.f32 v7;
	v8 =	vtrunc.f32 v8  }
0x87: {  	v21 =	vld [tilespmem:s23+$0x1A0];
	v9 =	vtrunc.f32 v9;
	v10 =	vtrunc.f32 v10  }
0x88: {  	v23 =	vld [tilespmem:s23+$0x1C0];
	v11 =	vtrunc.f32 v11;
	v12 =	vtrunc.f32 v12  }
0x89: {  	v24 =	vld [tilespmem:s23+$0x1D0];
	v13 =	vtrunc.f32 v13;
	v14 =	vtrunc.f32 v14  }
0x8a: {  	s24 =	sadd.s32 $0x180, s24;
	v25 =	vld [tilespmem:s23+$0x1E0];
	v15 =	vtrunc.f32 v15;
	v16 =	vtrunc.f32 v16  }
0x8b: {  	s25 =	sor.u32 $0x400, s24;
	v26 =	vld [tilespmem:s23+$0x1F0];
	v19 =	vtrunc.f32 v19;
	v5 =	vcvt.f32.s32 v5  }
0x8c: {  	s26 =	sor.u32 $0x410, s24;
	v27 =	vld [tilespmem:s25+$0x0];
	v22 =	vtrunc.f32 v22;
	v6 =	vcvt.f32.s32 v6  }
0x8d: {  	s28 =	sor.u32 $0x420, s24;
	v28 =	vld [tilespmem:s26+$0x0];
	v7 =	vcvt.f32.s32 v7;
	v8 =	vcvt.f32.s32 v8;
	v5 =	vadd.s32 v2, v5  }
0x8e: {  	s29 =	sor.u32 $0x430, s24;
	v29 =	vld [tilespmem:s28+$0x0];
	v9 =	vcvt.f32.s32 v9;
	v10 =	vcvt.f32.s32 v10;
	v6 =	vadd.s32 v2, v6  }
0x8f: {  	s30 =	sor.u32 $0x440, s24;
	v30 =	vld [tilespmem:s29+$0x0];
	v11 =	vcvt.f32.s32 v11;
	v12 =	vcvt.f32.s32 v12;
	v7 =	vadd.s32 v2, v7  }
0x90: {  	s31 =	sor.u32 $0x450, s24;
	v31 =	vld [tilespmem:s30+$0x0];
	v13 =	vcvt.f32.s32 v13;
	v14 =	vcvt.f32.s32 v14;
	v8 =	vadd.s32 v2, v8  }
0x91: {  	v32 =	vld [tilespmem:s31+$0x0];
	v15 =	vcvt.f32.s32 v15;
	v16 =	vcvt.f32.s32 v16;
	v9 =	vadd.s32 v2, v9  }
0x92: {  	v17 =	vtrunc.f32 v17;
	v18 =	vtrunc.f32 v18;
	v10 =	vadd.s32 v2, v10;
	[tilespmem:v5+s11+$0x0] =	vst.idx.add.f32.msk $0xffff, v3  }
0x93: {  	v17 =	vcvt.f32.s32 v17;
	v18 =	vcvt.f32.s32 v18;
	v5 =	vadd.s32 v2, v11;
	[tilespmem:v6+s11+$0x0] =	vst.idx.add.f32.msk $0xffff, v3  }
0x94: {  	v28 =	vmul.f32 $2.560000000e+02, v28;
	v11 =	vtrunc.f32 v20;
	v6 =	vadd.s32 v2, v12;
	[tilespmem:v7+s11+$0x0] =	vst.idx.add.f32.msk $0xffff, v3  }
0x95: {  	v20 =	vmul.f32 $2.560000000e+02, v21;
	v12 =	vcvt.f32.s32 v19;
	v7 =	vadd.s32 v2, v13;
	[tilespmem:v8+s11+$0x0] =	vst.idx.add.f32.msk $0xffff, v3  }
0x96: {  	v11 =	vcvt.f32.s32 v11;
	v19 =	vtrunc.f32 v28;
	v8 =	vadd.s32 v2, v14;
	[tilespmem:v9+s11+$0x0] =	vst.idx.add.f32.msk $0xffff, v3  }
0x97: {  	v21 =	vtrunc.f32 v20;
	v20 =	vmul.f32 $2.560000000e+02, v25;
	v9 =	vadd.s32 v2, v15;
	[tilespmem:v10+s11+$0x0] =	vst.idx.add.f32.msk $0xffff, v3  }
0x98: {  	v25 =	vmul.f32 $2.560000000e+02, v27;
	v13 =	vcvt.f32.s32 v21;
	v10 =	vadd.s32 v2, v16;
	[tilespmem:v5+s11+$0x0] =	vst.idx.add.f32.msk $0xffff, v3  }
0x99: {  	v21 =	vmul.f32 $2.560000000e+02, v23;
	v23 =	vmul.f32 $2.560000000e+02, v24;
	v5 =	vadd.s32 v2, v17;
	[tilespmem:v6+s11+$0x0] =	vst.idx.add.f32.msk $0xffff, v3  }
0x9a: {  	v15 =	vcvt.f32.s32 v22;
	v22 =	vmul.f32 $2.560000000e+02, v26;
	v6 =	vadd.s32 v2, v18;
	[tilespmem:v7+s11+$0x0] =	vst.idx.add.f32.msk $0xffff, v3  }
0x9b: {  	v14 =	vtrunc.f32 v21;
	v24 =	vtrunc.f32 v23;
	v7 =	vadd.s32 v2, v12;
	[tilespmem:v8+s11+$0x0] =	vst.idx.add.f32.msk $0xffff, v3  }
0x9c: {  	v21 =	vtrunc.f32 v20;
	v23 =	vadd.s32 v2, v11;
	v20 =	vmul.f32 $2.560000000e+02, v29;
	[tilespmem:v9+s11+$0x0] =	vst.idx.add.f32.msk $0xffff, v3  }
0x9d: {  	v26 =	vadd.s32 v2, v13;
	v14 =	vcvt.f32.s32 v14;
	v16 =	vcvt.f32.s32 v24;
	[tilespmem:v10+s11+$0x0] =	vst.idx.add.f32.msk $0xffff, v3  }
0x9e: {  	v24 =	vcvt.f32.s32 v21;
	v27 =	vtrunc.f32 v22;
	v18 =	vadd.s32 v2, v15;
	[tilespmem:v5+s11+$0x0] =	vst.idx.add.f32.msk $0xffff, v3  }
0x9f: {  	v22 =	vmul.f32 $2.560000000e+02, v30;
	v13 =	vcvt.f32.s32 v27;
	v5 =	vadd.s32 v2, v14;
	[tilespmem:v6+s11+$0x0] =	vst.idx.add.f32.msk $0xffff, v3  }
0xa0: {  	v21 =	vtrunc.f32 v20;
	v12 =	vtrunc.f32 v25;
	v6 =	vadd.s32 v2, v16;
	[tilespmem:v7+s11+$0x0] =	vst.idx.add.f32.msk $0xffff, v3  }
0xa1: {  	v27 =	vmul.f32 $2.560000000e+02, v32;
	v12 =	vcvt.f32.s32 v12;
	v7 =	vadd.s32 v2, v24;
	[tilespmem:v23+s11+$0x0] =	vst.idx.add.f32.msk $0xffff, v3  }
0xa2: {  	v14 =	vcvt.f32.s32 v19;
	v24 =	vmul.f32 $2.560000000e+02, v31;
	v23 =	vadd.s32 v2, v13;
	[tilespmem:v26+s11+$0x0] =	vst.idx.add.f32.msk $0xffff, v3  }
0xa3: {  	v11 =	vcvt.f32.s32 v21;
	v25 =	vadd.s32 v2, v12;
	v26 =	vtrunc.f32 v22;
	[tilespmem:v18+s11+$0x0] =	vst.idx.add.f32.msk $0xffff, v3  }
0xa4: {  	v28 =	vadd.s32 v2, v14;
	v13 =	vtrunc.f32 v24;
	v12 =	vcvt.f32.s32 v26;
	[tilespmem:v5+s11+$0x0] =	vst.idx.add.f32.msk $0xffff, v3  }
0xa5: {  	v30 =	vtrunc.f32 v27;
	v29 =	vcvt.f32.s32 v13;
	v5 =	vadd.s32 v2, v11;
	[tilespmem:v6+s11+$0x0] =	vst.idx.add.f32.msk $0xffff, v3  }
0xa6: {  	v31 =	vcvt.f32.s32 v30;
	v6 =	vadd.s32 v2, v12;
	[tilespmem:v7+s11+$0x0] =	vst.idx.add.f32.msk $0xffff, v3  }
0xa7: {  	s20 =	sadd.s32 $0x2, s20;
	v7 =	vadd.s32 v2, v29;
	[tilespmem:v23+s11+$0x0] =	vst.idx.add.f32.msk $0xffff, v3  }
0xa8: {  	p1 =	slt.u32 s20, $0x6E;
	v32 =	vadd.s32 v2, v31;
	[tilespmem:v25+s11+$0x0] =	vst.idx.add.f32.msk $0xffff, v3  }
.Ltmp1:
0xa9: {  	[tilespmem:v28+s11+$0x0] =	vst.idx.add.f32.msk $0xffff, v3;
	(pc) =	sbr.rel @p1 .LBB2_5-.Ltmp1, $4  }
0xaa: {  	[tilespmem:v5+s11+$0x0] =	vst.idx.add.f32.msk $0xffff, v3  }
0xab: {  	[tilespmem:v6+s11+$0x0] =	vst.idx.add.f32.msk $0xffff, v3  }
0xac: {  	[tilespmem:v7+s11+$0x0] =	vst.idx.add.f32.msk $0xffff, v3  }
0xad: {  	s21 =	sadd.s32 $0x200, s21;
	p0 =	por !p0, !p0;
	s22 =	sadd.s32 $0x400, s22;
	[tilespmem:v32+s11+$0x0] =	vst.idx.add.f32.msk $0xffff, v3  }
0xae: {  	p0 =	seq.s32 s18, $0xB  }
0xaf: {  	s19 =	sadd.s32 @!p0 s19, s6  }
0xb0: {  	s19 =	sshrl.u32 @!p0 s19, $0x3  }
0xb1: {  	s20 =	simm.s32 @!p0 $0x0;
	s19 =	sadd.s32 @!p0 s0, s19  }
0xb2: {  	[tilespmem:s20], [sflag:$0x1] =	stream.linear.gather @!p0 [hbm4b:s19+s20], $0xE000, $0x38;
	[tilespmem:$0x1D180] =	vst v63  }
0xb3: {  	_ =	swait.ge [sflag:s12], $0xE000  }
0xb4: {  	s21 =	simm.s32 $0x0;
	s19 =	simm.s32 $0xFFFFFFFE;
	[sflag:s12] =	ssyncset.done $0x0  }
0xb5: {  	p0 =	por $0x0, $0x0;
	s20 =	simm.s32 $0x0;
	[sflag:s12] =	ssyncadd.s32 $0xFFFF2000  }
.LBB2_7:
0xb6: {  	s22 =	sand.u32 $0xF800, s21;
	s23 =	sand.u32 $0x200, s20  }
0xb7: {  	s22 =	sor.u32 s23, s22  }
0xb8: {  	v5 =	vld [tilespmem:s22+$0xE000]  }
0xb9: {  	v6 =	vld [tilespmem:s22+$0xE010]  }
0xba: {  	v7 =	vld [tilespmem:s22+$0xE020]  }
0xbb: {  	v8 =	vld [tilespmem:s22+$0xE030]  }
0xbc: {  	v9 =	vld [tilespmem:s22+$0xE040]  }
0xbd: {  	v10 =	vld [tilespmem:s22+$0xE050]  }
0xbe: {  	v11 =	vld [tilespmem:s22+$0xE060]  }
0xbf: {  	v12 =	vld [tilespmem:s22+$0xE070]  }
0xc0: {  	v19 =	vld [tilespmem:s22+$0xE080]  }
0xc1: {  	v20 =	vld [tilespmem:s22+$0xE090]  }
0xc2: {  	v22 =	vld [tilespmem:s22+$0xE0B0]  }
0xc3: {  	v23 =	vld [tilespmem:s22+$0xE0C0];
	v5 =	vmul.f32 $2.560000000e+02, v5  }
0xc4: {  	v26 =	vld [tilespmem:s22+$0xE0F0];
	v6 =	vmul.f32 $2.560000000e+02, v6;
	v7 =	vmul.f32 $2.560000000e+02, v7  }
0xc5: {  	v8 =	vmul.f32 $2.560000000e+02, v8;
	v9 =	vmul.f32 $2.560000000e+02, v9  }
0xc6: {  	s23 =	simm.s32 $0x1;
	v10 =	vmul.f32 $2.560000000e+02, v10;
	v11 =	vmul.f32 $2.560000000e+02, v11  }
0xc7: {  	s23 =	simm.s32 @!p0 $0x0;
	v12 =	vmul.f32 $2.560000000e+02, v12;
	v19 =	vmul.f32 $2.560000000e+02, v19  }
0xc8: {  	s23 =	sshll.u32 s23, $0x9;
	v20 =	vmul.f32 $2.560000000e+02, v20;
	v22 =	vmul.f32 $2.560000000e+02, v22  }
0xc9: {  	s23 =	sadd.s32 s23, s21;
	v23 =	vmul.f32 $2.560000000e+02, v23;
	v26 =	vmul.f32 $2.560000000e+02, v26  }
0xca: {  	v21 =	vld [tilespmem:s22+$0xE0A0];
	s24 =	sor.u32 $0x400, s23;
	v5 =	vtrunc.f32 v5;
	v6 =	vtrunc.f32 v6  }
0xcb: {  	s28 =	sor.u32 $0x410, s23;
	v13 =	vld [tilespmem:s24+$0xE000];
	v7 =	vtrunc.f32 v7;
	v8 =	vtrunc.f32 v8  }
0xcc: {  	s29 =	sor.u32 $0x420, s23;
	v14 =	vld [tilespmem:s28+$0xE000];
	v9 =	vtrunc.f32 v9;
	v10 =	vtrunc.f32 v10  }
0xcd: {  	s30 =	sor.u32 $0x430, s23;
	v15 =	vld [tilespmem:s29+$0xE000];
	v11 =	vtrunc.f32 v11;
	v12 =	vtrunc.f32 v12  }
0xce: {  	s31 =	sor.u32 $0x440, s23;
	v16 =	vld [tilespmem:s30+$0xE000];
	v19 =	vtrunc.f32 v19;
	v5 =	vcvt.f32.s32 v5  }
0xcf: {  	s25 =	sor.u32 $0x450, s23;
	v17 =	vld [tilespmem:s31+$0xE000];
	v6 =	vcvt.f32.s32 v6;
	v7 =	vcvt.f32.s32 v7  }
0xd0: {  	v18 =	vld [tilespmem:s25+$0xE000];
	v8 =	vcvt.f32.s32 v8;
	v9 =	vcvt.f32.s32 v9  }
0xd1: {  	v24 =	vld [tilespmem:s22+$0xE0D0];
	s26 =	sadd.s32 $0x80, s23;
	v10 =	vcvt.f32.s32 v10;
	v11 =	vcvt.f32.s32 v11  }
0xd2: {  	v25 =	vld [tilespmem:s22+$0xE0E0];
	s25 =	sor.u32 $0x400, s26;
	v12 =	vcvt.f32.s32 v12;
	v13 =	vmul.f32 $2.560000000e+02, v13  }
0xd3: {  	s28 =	sor.u32 $0x410, s26;
	v27 =	vld [tilespmem:s25+$0xE000];
	v14 =	vmul.f32 $2.560000000e+02, v14;
	v15 =	vmul.f32 $2.560000000e+02, v15  }
0xd4: {  	s29 =	sor.u32 $0x420, s26;
	v28 =	vld [tilespmem:s28+$0xE000];
	v16 =	vmul.f32 $2.560000000e+02, v16;
	v17 =	vmul.f32 $2.560000000e+02, v17;
	v5 =	vadd.s32 v2, v5  }
0xd5: {  	s30 =	sor.u32 $0x430, s26;
	v29 =	vld [tilespmem:s29+$0xE000];
	v18 =	vmul.f32 $2.560000000e+02, v18;
	v6 =	vadd.s32 v2, v6;
	v13 =	vtrunc.f32 v13  }
0xd6: {  	s31 =	sor.u32 $0x440, s26;
	v30 =	vld [tilespmem:s30+$0xE000];
	v7 =	vadd.s32 v2, v7;
	v14 =	vtrunc.f32 v14;
	v15 =	vtrunc.f32 v15  }
0xd7: {  	s24 =	sor.u32 $0x450, s26;
	v31 =	vld [tilespmem:s31+$0xE000];
	v8 =	vadd.s32 v2, v8;
	v16 =	vtrunc.f32 v16;
	v17 =	vtrunc.f32 v17  }
0xd8: {  	v32 =	vld [tilespmem:s24+$0xE000];
	v9 =	vadd.s32 v2, v9;
	v18 =	vtrunc.f32 v18;
	v13 =	vcvt.f32.s32 v13  }
0xd9: {  	v10 =	vadd.s32 v2, v10;
	v14 =	vcvt.f32.s32 v14;
	v15 =	vcvt.f32.s32 v15;
	[tilespmem:v5+s11+$0x0] =	vst.idx.add.f32.msk $0xffff, v3  }
0xda: {  	v16 =	vcvt.f32.s32 v16;
	v17 =	vcvt.f32.s32 v17;
	v5 =	vadd.s32 v2, v11;
	[tilespmem:v6+s11+$0x0] =	vst.idx.add.f32.msk $0xffff, v3  }
0xdb: {  	v18 =	vcvt.f32.s32 v18;
	v11 =	vtrunc.f32 v20;
	v6 =	vadd.s32 v2, v12;
	[tilespmem:v7+s11+$0x0] =	vst.idx.add.f32.msk $0xffff, v3  }
0xdc: {  	v20 =	vmul.f32 $2.560000000e+02, v21;
	v12 =	vcvt.f32.s32 v19;
	v7 =	vadd.s32 v2, v13;
	[tilespmem:v8+s11+$0x0] =	vst.idx.add.f32.msk $0xffff, v3  }
0xdd: {  	v11 =	vcvt.f32.s32 v11;
	v19 =	vmul.f32 $2.560000000e+02, v32;
	v8 =	vadd.s32 v2, v14;
	[tilespmem:v9+s11+$0x0] =	vst.idx.add.f32.msk $0xffff, v3  }
0xde: {  	v21 =	vtrunc.f32 v20;
	v20 =	vmul.f32 $2.560000000e+02, v27;
	v9 =	vadd.s32 v2, v15;
	[tilespmem:v10+s11+$0x0] =	vst.idx.add.f32.msk $0xffff, v3  }
0xdf: {  	v13 =	vcvt.f32.s32 v21;
	v21 =	vtrunc.f32 v22;
	v10 =	vadd.s32 v2, v16;
	[tilespmem:v5+s11+$0x0] =	vst.idx.add.f32.msk $0xffff, v3  }
0xe0: {  	v22 =	vmul.f32 $2.560000000e+02, v24;
	v14 =	vtrunc.f32 v23;
	v5 =	vadd.s32 v2, v17;
	[tilespmem:v6+s11+$0x0] =	vst.idx.add.f32.msk $0xffff, v3  }
0xe1: {  	v24 =	vmul.f32 $2.560000000e+02, v25;
	v15 =	vcvt.f32.s32 v21;
	v6 =	vadd.s32 v2, v18;
	[tilespmem:v7+s11+$0x0] =	vst.idx.add.f32.msk $0xffff, v3  }
0xe2: {  	v14 =	vcvt.f32.s32 v14;
	v23 =	vtrunc.f32 v22;
	v7 =	vadd.s32 v2, v12;
	[tilespmem:v8+s11+$0x0] =	vst.idx.add.f32.msk $0xffff, v3  }
0xe3: {  	v25 =	vtrunc.f32 v24;
	v22 =	vtrunc.f32 v26;
	v8 =	vadd.s32 v2, v11;
	[tilespmem:v9+s11+$0x0] =	vst.idx.add.f32.msk $0xffff, v3  }
0xe4: {  	v21 =	vadd.s32 v2, v13;
	v26 =	vmul.f32 $2.560000000e+02, v29;
	v16 =	vcvt.f32.s32 v23;
	[tilespmem:v10+s11+$0x0] =	vst.idx.add.f32.msk $0xffff, v3  }
0xe5: {  	v23 =	vmul.f32 $2.560000000e+02, v28;
	v24 =	vadd.s32 v2, v15;
	v13 =	vcvt.f32.s32 v22;
	[tilespmem:v5+s11+$0x0] =	vst.idx.add.f32.msk $0xffff, v3  }
0xe6: {  	v28 =	vmul.f32 $2.560000000e+02, v30;
	v11 =	vcvt.f32.s32 v25;
	v5 =	vadd.s32 v2, v14;
	[tilespmem:v6+s11+$0x0] =	vst.idx.add.f32.msk $0xffff, v3  }
0xe7: {  	v30 =	vmul.f32 $2.560000000e+02, v31;
	v12 =	vtrunc.f32 v20;
	v6 =	vadd.s32 v2, v16;
	[tilespmem:v7+s11+$0x0] =	vst.idx.add.f32.msk $0xffff, v3  }
0xe8: {  	v25 =	vtrunc.f32 v23;
	v12 =	vcvt.f32.s32 v12;
	v7 =	vadd.s32 v2, v11;
	[tilespmem:v8+s11+$0x0] =	vst.idx.add.f32.msk $0xffff, v3  }
0xe9: {  	v27 =	vtrunc.f32 v26;
	v29 =	vadd.s32 v2, v13;
	v14 =	vcvt.f32.s32 v25;
	[tilespmem:v21+s11+$0x0] =	vst.idx.add.f32.msk $0xffff, v3  }
0xea: {  	v18 =	vtrunc.f32 v28;
	v31 =	vadd.s32 v2, v12;
	v11 =	vcvt.f32.s32 v27;
	[tilespmem:v24+s11+$0x0] =	vst.idx.add.f32.msk $0xffff, v3  }
0xeb: {  	v13 =	vtrunc.f32 v30;
	v12 =	vcvt.f32.s32 v18;
	v20 =	vadd.s32 v2, v14;
	[tilespmem:v5+s11+$0x0] =	vst.idx.add.f32.msk $0xffff, v3  }
0xec: {  	v22 =	vtrunc.f32 v19;
	v21 =	vcvt.f32.s32 v13;
	v5 =	vadd.s32 v2, v11;
	[tilespmem:v6+s11+$0x0] =	vst.idx.add.f32.msk $0xffff, v3  }
0xed: {  	v23 =	vcvt.f32.s32 v22;
	v6 =	vadd.s32 v2, v12;
	[tilespmem:v7+s11+$0x0] =	vst.idx.add.f32.msk $0xffff, v3  }
0xee: {  	v7 =	vadd.s32 v2, v21;
	[tilespmem:v29+s11+$0x0] =	vst.idx.add.f32.msk $0xffff, v3  }
0xef: {  	v24 =	vadd.s32 v2, v23;
	[tilespmem:v31+s11+$0x0] =	vst.idx.add.f32.msk $0xffff, v3  }
0xf0: {  	[tilespmem:v20+s11+$0x0] =	vst.idx.add.f32.msk $0xffff, v3  }
0xf1: {  	[tilespmem:v5+s11+$0x0] =	vst.idx.add.f32.msk $0xffff, v3  }
0xf2: {  	[tilespmem:v6+s11+$0x0] =	vst.idx.add.f32.msk $0xffff, v3  }
0xf3: {  	[tilespmem:v7+s11+$0x0] =	vst.idx.add.f32.msk $0xffff, v3  }
0xf4: {  	[tilespmem:v24+s11+$0x0] =	vst.idx.add.f32.msk $0xffff, v3  }
0xf5: {  	v5 =	vld [tilespmem:s22+$0xE100]  }
0xf6: {  	v6 =	vld [tilespmem:s22+$0xE110]  }
0xf7: {  	v7 =	vld [tilespmem:s22+$0xE120]  }
0xf8: {  	v8 =	vld [tilespmem:s22+$0xE130]  }
0xf9: {  	v9 =	vld [tilespmem:s22+$0xE140]  }
0xfa: {  	v10 =	vld [tilespmem:s22+$0xE150]  }
0xfb: {  	s24 =	sadd.s32 $0x100, s23;
	v25 =	vld [tilespmem:s22+$0xE160]  }
0xfc: {  	s26 =	sor.u32 $0x400, s24;
	v26 =	vld [tilespmem:s22+$0xE170]  }
0xfd: {  	s28 =	sor.u32 $0x410, s24;
	v27 =	vld [tilespmem:s26+$0xE000]  }
0xfe: {  	s29 =	sor.u32 $0x420, s24;
	v28 =	vld [tilespmem:s28+$0xE000]  }
0xff: {  	s30 =	sor.u32 $0x430, s24;
	v29 =	vld [tilespmem:s29+$0xE000]  }
0x100: {  	s31 =	sor.u32 $0x440, s24;
	v30 =	vld [tilespmem:s30+$0xE000]  }
0x101: {  	s24 =	sor.u32 $0x450, s24;
	v31 =	vld [tilespmem:s31+$0xE000]  }
0x102: {  	v32 =	vld [tilespmem:s24+$0xE000];
	v5 =	vmul.f32 $2.560000000e+02, v5  }
0x103: {  	v19 =	vld [tilespmem:s22+$0xE180];
	v6 =	vmul.f32 $2.560000000e+02, v6;
	v7 =	vmul.f32 $2.560000000e+02, v7  }
0x104: {  	v20 =	vld [tilespmem:s22+$0xE190];
	v8 =	vmul.f32 $2.560000000e+02, v8;
	v9 =	vmul.f32 $2.560000000e+02, v9  }
0x105: {  	v22 =	vld [tilespmem:s22+$0xE1B0];
	v10 =	vmul.f32 $2.560000000e+02, v10;
	v11 =	vmul.f32 $2.560000000e+02, v25  }
0x106: {  	v12 =	vmul.f32 $2.560000000e+02, v26;
	v13 =	vmul.f32 $2.560000000e+02, v27  }
0x107: {  	v14 =	vmul.f32 $2.560000000e+02, v28;
	v15 =	vmul.f32 $2.560000000e+02, v29  }
0x108: {  	v16 =	vmul.f32 $2.560000000e+02, v30;
	v17 =	vmul.f32 $2.560000000e+02, v31  }
0x109: {  	v18 =	vmul.f32 $2.560000000e+02, v32;
	v19 =	vmul.f32 $2.560000000e+02, v19  }
0x10a: {  	v20 =	vmul.f32 $2.560000000e+02, v20;
	v22 =	vmul.f32 $2.560000000e+02, v22  }
0x10b: {  	v5 =	vtrunc.f32 v5;
	v6 =	vtrunc.f32 v6  }
0x10c: {  	v7 =	vtrunc.f32 v7;
	v8 =	vtrunc.f32 v8  }
0x10d: {  	v21 =	vld [tilespmem:s22+$0xE1A0];
	v9 =	vtrunc.f32 v9;
	v10 =	vtrunc.f32 v10  }
0x10e: {  	v23 =	vld [tilespmem:s22+$0xE1C0];
	v11 =	vtrunc.f32 v11;
	v12 =	vtrunc.f32 v12  }
0x10f: {  	v24 =	vld [tilespmem:s22+$0xE1D0];
	v13 =	vtrunc.f32 v13;
	v14 =	vtrunc.f32 v14  }
0x110: {  	s23 =	sadd.s32 $0x180, s23;
	v25 =	vld [tilespmem:s22+$0xE1E0];
	v15 =	vtrunc.f32 v15;
	v16 =	vtrunc.f32 v16  }
0x111: {  	s25 =	sor.u32 $0x400, s23;
	v26 =	vld [tilespmem:s22+$0xE1F0];
	v17 =	vtrunc.f32 v17;
	v5 =	vcvt.f32.s32 v5  }
0x112: {  	s26 =	sor.u32 $0x410, s23;
	v27 =	vld [tilespmem:s25+$0xE000];
	v18 =	vtrunc.f32 v18;
	v6 =	vcvt.f32.s32 v6  }
0x113: {  	s28 =	sor.u32 $0x420, s23;
	v28 =	vld [tilespmem:s26+$0xE000];
	v19 =	vtrunc.f32 v19;
	v7 =	vcvt.f32.s32 v7;
	v5 =	vadd.s32 v2, v5  }
0x114: {  	s29 =	sor.u32 $0x430, s23;
	v29 =	vld [tilespmem:s28+$0xE000];
	v22 =	vtrunc.f32 v22;
	v8 =	vcvt.f32.s32 v8;
	v6 =	vadd.s32 v2, v6  }
0x115: {  	s30 =	sor.u32 $0x440, s23;
	v30 =	vld [tilespmem:s29+$0xE000];
	v9 =	vcvt.f32.s32 v9;
	v10 =	vcvt.f32.s32 v10;
	v7 =	vadd.s32 v2, v7  }
0x116: {  	s31 =	sor.u32 $0x450, s23;
	v31 =	vld [tilespmem:s30+$0xE000];
	v11 =	vcvt.f32.s32 v11;
	v12 =	vcvt.f32.s32 v12;
	v8 =	vadd.s32 v2, v8  }
0x117: {  	v32 =	vld [tilespmem:s31+$0xE000];
	v13 =	vcvt.f32.s32 v13;
	v14 =	vcvt.f32.s32 v14;
	v9 =	vadd.s32 v2, v9  }
0x118: {  	v15 =	vcvt.f32.s32 v15;
	v16 =	vcvt.f32.s32 v16;
	v10 =	vadd.s32 v2, v10;
	[tilespmem:v5+s11+$0x0] =	vst.idx.add.f32.msk $0xffff, v3  }
0x119: {  	v17 =	vcvt.f32.s32 v17;
	v18 =	vcvt.f32.s32 v18;
	v5 =	vadd.s32 v2, v11;
	[tilespmem:v6+s11+$0x0] =	vst.idx.add.f32.msk $0xffff, v3  }
0x11a: {  	v28 =	vmul.f32 $2.560000000e+02, v28;
	v11 =	vtrunc.f32 v20;
	v6 =	vadd.s32 v2, v12;
	[tilespmem:v7+s11+$0x0] =	vst.idx.add.f32.msk $0xffff, v3  }
0x11b: {  	v20 =	vmul.f32 $2.560000000e+02, v21;
	v12 =	vcvt.f32.s32 v19;
	v7 =	vadd.s32 v2, v13;
	[tilespmem:v8+s11+$0x0] =	vst.idx.add.f32.msk $0xffff, v3  }
0x11c: {  	v11 =	vcvt.f32.s32 v11;
	v19 =	vtrunc.f32 v28;
	v8 =	vadd.s32 v2, v14;
	[tilespmem:v9+s11+$0x0] =	vst.idx.add.f32.msk $0xffff, v3  }
0x11d: {  	v21 =	vtrunc.f32 v20;
	v20 =	vmul.f32 $2.560000000e+02, v25;
	v9 =	vadd.s32 v2, v15;
	[tilespmem:v10+s11+$0x0] =	vst.idx.add.f32.msk $0xffff, v3  }
0x11e: {  	v25 =	vmul.f32 $2.560000000e+02, v27;
	v13 =	vcvt.f32.s32 v21;
	v10 =	vadd.s32 v2, v16;
	[tilespmem:v5+s11+$0x0] =	vst.idx.add.f32.msk $0xffff, v3  }
0x11f: {  	v21 =	vmul.f32 $2.560000000e+02, v23;
	v23 =	vmul.f32 $2.560000000e+02, v24;
	v5 =	vadd.s32 v2, v17;
	[tilespmem:v6+s11+$0x0] =	vst.idx.add.f32.msk $0xffff, v3  }
0x120: {  	v15 =	vcvt.f32.s32 v22;
	v22 =	vmul.f32 $2.560000000e+02, v26;
	v6 =	vadd.s32 v2, v18;
	[tilespmem:v7+s11+$0x0] =	vst.idx.add.f32.msk $0xffff, v3  }
0x121: {  	v14 =	vtrunc.f32 v21;
	v24 =	vtrunc.f32 v23;
	v7 =	vadd.s32 v2, v12;
	[tilespmem:v8+s11+$0x0] =	vst.idx.add.f32.msk $0xffff, v3  }
0x122: {  	v21 =	vtrunc.f32 v20;
	v23 =	vadd.s32 v2, v11;
	v20 =	vmul.f32 $2.560000000e+02, v29;
	[tilespmem:v9+s11+$0x0] =	vst.idx.add.f32.msk $0xffff, v3  }
0x123: {  	v26 =	vadd.s32 v2, v13;
	v14 =	vcvt.f32.s32 v14;
	v16 =	vcvt.f32.s32 v24;
	[tilespmem:v10+s11+$0x0] =	vst.idx.add.f32.msk $0xffff, v3  }
0x124: {  	v24 =	vcvt.f32.s32 v21;
	v27 =	vtrunc.f32 v22;
	v18 =	vadd.s32 v2, v15;
	[tilespmem:v5+s11+$0x0] =	vst.idx.add.f32.msk $0xffff, v3  }
0x125: {  	v22 =	vmul.f32 $2.560000000e+02, v30;
	v13 =	vcvt.f32.s32 v27;
	v5 =	vadd.s32 v2, v14;
	[tilespmem:v6+s11+$0x0] =	vst.idx.add.f32.msk $0xffff, v3  }
0x126: {  	v21 =	vtrunc.f32 v20;
	v12 =	vtrunc.f32 v25;
	v6 =	vadd.s32 v2, v16;
	[tilespmem:v7+s11+$0x0] =	vst.idx.add.f32.msk $0xffff, v3  }
0x127: {  	v27 =	vmul.f32 $2.560000000e+02, v32;
	v12 =	vcvt.f32.s32 v12;
	v7 =	vadd.s32 v2, v24;
	[tilespmem:v23+s11+$0x0] =	vst.idx.add.f32.msk $0xffff, v3  }
0x128: {  	v14 =	vcvt.f32.s32 v19;
	v24 =	vmul.f32 $2.560000000e+02, v31;
	v23 =	vadd.s32 v2, v13;
	[tilespmem:v26+s11+$0x0] =	vst.idx.add.f32.msk $0xffff, v3  }
0x129: {  	v11 =	vcvt.f32.s32 v21;
	v25 =	vadd.s32 v2, v12;
	v26 =	vtrunc.f32 v22;
	[tilespmem:v18+s11+$0x0] =	vst.idx.add.f32.msk $0xffff, v3  }
0x12a: {  	v28 =	vadd.s32 v2, v14;
	v13 =	vtrunc.f32 v24;
	v12 =	vcvt.f32.s32 v26;
	[tilespmem:v5+s11+$0x0] =	vst.idx.add.f32.msk $0xffff, v3  }
0x12b: {  	v30 =	vtrunc.f32 v27;
	v29 =	vcvt.f32.s32 v13;
	v5 =	vadd.s32 v2, v11;
	[tilespmem:v6+s11+$0x0] =	vst.idx.add.f32.msk $0xffff, v3  }
0x12c: {  	v31 =	vcvt.f32.s32 v30;
	v6 =	vadd.s32 v2, v12;
	[tilespmem:v7+s11+$0x0] =	vst.idx.add.f32.msk $0xffff, v3  }
0x12d: {  	s19 =	sadd.s32 $0x2, s19;
	v7 =	vadd.s32 v2, v29;
	[tilespmem:v23+s11+$0x0] =	vst.idx.add.f32.msk $0xffff, v3  }
0x12e: {  	p1 =	slt.u32 s19, $0x6E;
	v32 =	vadd.s32 v2, v31;
	[tilespmem:v25+s11+$0x0] =	vst.idx.add.f32.msk $0xffff, v3  }
.Ltmp2:
0x12f: {  	[tilespmem:v28+s11+$0x0] =	vst.idx.add.f32.msk $0xffff, v3;
	(pc) =	sbr.rel @p1 .LBB2_7-.Ltmp2, $4  }
0x130: {  	[tilespmem:v5+s11+$0x0] =	vst.idx.add.f32.msk $0xffff, v3  }
0x131: {  	[tilespmem:v6+s11+$0x0] =	vst.idx.add.f32.msk $0xffff, v3  }
0x132: {  	[tilespmem:v7+s11+$0x0] =	vst.idx.add.f32.msk $0xffff, v3  }
0x133: {  	s20 =	sadd.s32 $0x200, s20;
	p0 =	por !p0, !p0;
	s21 =	sadd.s32 $0x400, s21;
	[tilespmem:v32+s11+$0x0] =	vst.idx.add.f32.msk $0xffff, v3  }
0x134: {  	s18 =	sadd.s32 $0x1, s18  }
0x135: {  	p0 =	sne.s32 s18, $0xC  }
.Ltmp3:
0x136: {  	_ = 	snop;
	(pc) =	sbr.rel @p0 .LBB2_4-.Ltmp3, $1  }
0x137: {  	_ =	sdelay $0x3  }
0x138: {  	v6 =	vld [tilespmem:$0x1FE30];
	_ =	sdelay $0x1  }
0x139: {  	v7 =	vld [tilespmem:$0x1FE40];
	_ =	sdelay $0x3  }
0x13a: {  	v5 =	vld.idx.msk [tilespmem:v1+s11+$0x0], $0xffff;
	_ =	sdelay $0x1  }
0x13b: {  	v6 =	vld.idx.msk [tilespmem:v6+s11+$0x0], $0xffff;
	_ =	sdelay $0x1  }
0x13c: {  	v7 =	vld.idx.msk [tilespmem:v7+s11+$0x0], $0xffff  }
0x13d: {  	v8 =	vld [tilespmem:$0x1FE50];
	v5 =	vadd.f32 $0.0e+00, v5;
	_ =	sdelay $0x1  }
0x13e: {  	v5 =	vadd.f32 v6, v5;
	v6 =	vld [tilespmem:$0x1FE60];
	_ =	sdelay $0x1  }
0x13f: {  	v5 =	vadd.f32 v7, v5;
	v7 =	vld [tilespmem:$0x1FE70];
	_ =	sdelay $0x3  }
0x140: {  	v8 =	vld.idx.msk [tilespmem:v8+s11+$0x0], $0xffff;
	_ =	sdelay $0x1  }
0x141: {  	v6 =	vld.idx.msk [tilespmem:v6+s11+$0x0], $0xffff;
	_ =	sdelay $0x1  }
0x142: {  	v7 =	vld.idx.msk [tilespmem:v7+s11+$0x0], $0xffff  }
0x143: {  	v12 =	vld [tilespmem:$0x1FE80];
	v5 =	vadd.f32 v8, v5;
	_ =	sdelay $0x1  }
0x144: {  	v5 =	vadd.f32 v6, v5;
	v6 =	vld [tilespmem:$0x1FE90];
	_ =	sdelay $0x1  }
0x145: {  	v5 =	vadd.f32 v7, v5;
	v7 =	vld [tilespmem:$0x1FEA0];
	_ =	sdelay $0x3  }
0x146: {  	v8 =	vld.idx.msk [tilespmem:v12+s11+$0x0], $0xffff;
	_ =	sdelay $0x1  }
0x147: {  	v6 =	vld.idx.msk [tilespmem:v6+s11+$0x0], $0xffff;
	_ =	sdelay $0x1  }
0x148: {  	v7 =	vld.idx.msk [tilespmem:v7+s11+$0x0], $0xffff  }
0x149: {  	v13 =	vld [tilespmem:$0x1FEB0];
	v5 =	vadd.f32 v8, v5;
	_ =	sdelay $0x1  }
0x14a: {  	v5 =	vadd.f32 v6, v5;
	v6 =	vld [tilespmem:$0x1FEC0];
	_ =	sdelay $0x1  }
0x14b: {  	v5 =	vadd.f32 v7, v5;
	v7 =	vld [tilespmem:$0x1FED0];
	_ =	sdelay $0x3  }
0x14c: {  	v8 =	vld.idx.msk [tilespmem:v13+s11+$0x0], $0xffff;
	_ =	sdelay $0x1  }
0x14d: {  	v6 =	vld.idx.msk [tilespmem:v6+s11+$0x0], $0xffff;
	_ =	sdelay $0x1  }
0x14e: {  	v7 =	vld.idx.msk [tilespmem:v7+s11+$0x0], $0xffff  }
0x14f: {  	v14 =	vld [tilespmem:$0x1FEE0];
	v5 =	vadd.f32 v8, v5;
	_ =	sdelay $0x1  }
0x150: {  	v5 =	vadd.f32 v6, v5;
	v6 =	vld [tilespmem:$0x1FEF0];
	_ =	sdelay $0x1  }
0x151: {  	v5 =	vadd.f32 v7, v5;
	v7 =	vld [tilespmem:$0x1FF00];
	_ =	sdelay $0x1  }
0x152: {  	v15 =	vld [tilespmem:$0x1FF10];
	_ =	sdelay $0x1  }
0x153: {  	v8 =	vld.idx.msk [tilespmem:v14+s11+$0x0], $0xffff;
	_ =	sdelay $0x1  }
0x154: {  	v6 =	vld.idx.msk [tilespmem:v6+s11+$0x0], $0xffff;
	_ =	sdelay $0x1  }
0x155: {  	v7 =	vld.idx.msk [tilespmem:v7+s11+$0x0], $0xffff  }
0x156: {  	v5 =	vadd.f32 v8, v5  }
0x157: {  	v8 =	vld.idx.msk [tilespmem:v15+s11+$0x0], $0xffff  }
0x158: {  	v5 =	vadd.f32 v6, v5;
	_ =	sdelay $0x1  }
0x159: {  	v5 =	vadd.f32 v7, v5;
	_ =	sdelay $0x1  }
0x15a: {  	v5 =	vadd.f32 v8, v5;
	_ =	sdelay $0x1  }
0x15b: {  	[tilespmem:$0x1D080] =	vst v5;
	v5 =	vld [tilespmem:$0x1FF20];
	_ =	sdelay $0x1  }
0x15c: {  	v6 =	vld [tilespmem:$0x1FF30];
	_ =	sdelay $0x5  }
0x15d: {  	v5 =	vld.idx.msk [tilespmem:v5+s11+$0x0], $0xffff;
	_ =	sdelay $0x1  }
0x15e: {  	v6 =	vld.idx.msk [tilespmem:v6+s11+$0x0], $0xffff  }
0x15f: {  	v7 =	vld [tilespmem:$0x1FF40];
	_ =	sdelay $0x1  }
0x160: {  	v16 =	vld [tilespmem:$0x1FF50];
	v5 =	vadd.f32 $0.0e+00, v5;
	_ =	sdelay $0x1  }
0x161: {  	v5 =	vadd.f32 v6, v5;
	v6 =	vld [tilespmem:$0x1FF60];
	_ =	sdelay $0x3  }
0x162: {  	v7 =	vld.idx.msk [tilespmem:v7+s11+$0x0], $0xffff;
	_ =	sdelay $0x1  }
0x163: {  	v8 =	vld.idx.msk [tilespmem:v16+s11+$0x0], $0xffff;
	_ =	sdelay $0x1  }
0x164: {  	v6 =	vld.idx.msk [tilespmem:v6+s11+$0x0], $0xffff  }
0x165: {  	v5 =	vadd.f32 v7, v5;
	v7 =	vld [tilespmem:$0x1FF70];
	_ =	sdelay $0x1  }
0x166: {  	v17 =	vld [tilespmem:$0x1FF80];
	v5 =	vadd.f32 v8, v5;
	_ =	sdelay $0x1  }
0x167: {  	v5 =	vadd.f32 v6, v5;
	v6 =	vld [tilespmem:$0x1FF90];
	_ =	sdelay $0x3  }
0x168: {  	v7 =	vld.idx.msk [tilespmem:v7+s11+$0x0], $0xffff;
	_ =	sdelay $0x1  }
0x169: {  	v8 =	vld.idx.msk [tilespmem:v17+s11+$0x0], $0xffff;
	_ =	sdelay $0x1  }
0x16a: {  	v6 =	vld.idx.msk [tilespmem:v6+s11+$0x0], $0xffff  }
0x16b: {  	v5 =	vadd.f32 v7, v5;
	v7 =	vld [tilespmem:$0x1FFA0];
	_ =	sdelay $0x1  }
0x16c: {  	v18 =	vld [tilespmem:$0x1FFB0];
	v5 =	vadd.f32 v8, v5;
	_ =	sdelay $0x1  }
0x16d: {  	v5 =	vadd.f32 v6, v5;
	v6 =	vld [tilespmem:$0x1FFC0];
	_ =	sdelay $0x3  }
0x16e: {  	v7 =	vld.idx.msk [tilespmem:v7+s11+$0x0], $0xffff;
	_ =	sdelay $0x1  }
0x16f: {  	v8 =	vld.idx.msk [tilespmem:v18+s11+$0x0], $0xffff;
	_ =	sdelay $0x1  }
0x170: {  	v6 =	vld.idx.msk [tilespmem:v6+s11+$0x0], $0xffff  }
0x171: {  	v5 =	vadd.f32 v7, v5;
	v7 =	vld [tilespmem:$0x1FFD0];
	_ =	sdelay $0x1  }
0x172: {  	v19 =	vld [tilespmem:$0x1FFE0];
	v5 =	vadd.f32 v8, v5;
	_ =	sdelay $0x1  }
0x173: {  	v5 =	vadd.f32 v6, v5;
	v6 =	vld [tilespmem:$0x1FFF0];
	_ =	sdelay $0x3  }
0x174: {  	v7 =	vld.idx.msk [tilespmem:v7+s11+$0x0], $0xffff;
	_ =	sdelay $0x1  }
0x175: {  	v8 =	vld.idx.msk [tilespmem:v19+s11+$0x0], $0xffff;
	_ =	sdelay $0x1  }
0x176: {  	v6 =	vld.idx.msk [tilespmem:v6+s11+$0x0], $0xffff  }
0x177: {  	v5 =	vadd.f32 v7, v5  }
0x178: {  	v7 =	vld.idx.msk [tilespmem:v33+s11+$0x0], $0xffff  }
0x179: {  	v5 =	vadd.f32 v8, v5  }
0x17a: {  	v20 =	vld.idx.msk [tilespmem:v34+s11+$0x0], $0xffff  }
0x17b: {  	v5 =	vadd.f32 v6, v5;
	_ =	sdelay $0x1  }
0x17c: {  	v5 =	vadd.f32 v7, v5;
	_ =	sdelay $0x1  }
0x17d: {  	v5 =	vadd.f32 v20, v5;
	_ =	sdelay $0x1  }
0x17e: {  	[tilespmem:$0x1D090] =	vst v5  }
0x17f: {  	v5 =	vld.idx.msk [tilespmem:v35+s11+$0x0], $0xffff;
	_ =	sdelay $0x1  }
0x180: {  	v6 =	vld.idx.msk [tilespmem:v36+s11+$0x0], $0xffff;
	_ =	sdelay $0x1  }
0x181: {  	v7 =	vld.idx.msk [tilespmem:v37+s11+$0x0], $0xffff  }
0x182: {  	v5 =	vadd.f32 $0.0e+00, v5  }
0x183: {  	v21 =	vld.idx.msk [tilespmem:v38+s11+$0x0], $0xffff  }
0x184: {  	v5 =	vadd.f32 v6, v5  }
0x185: {  	v6 =	vld.idx.msk [tilespmem:v39+s11+$0x0], $0xffff  }
0x186: {  	v5 =	vadd.f32 v7, v5  }
0x187: {  	v7 =	vld.idx.msk [tilespmem:v40+s11+$0x0], $0xffff  }
0x188: {  	v5 =	vadd.f32 v21, v5  }
0x189: {  	v22 =	vld.idx.msk [tilespmem:v41+s11+$0x0], $0xffff  }
0x18a: {  	v5 =	vadd.f32 v6, v5  }
0x18b: {  	v6 =	vld.idx.msk [tilespmem:v42+s11+$0x0], $0xffff  }
0x18c: {  	v5 =	vadd.f32 v7, v5  }
0x18d: {  	v7 =	vld.idx.msk [tilespmem:v43+s11+$0x0], $0xffff  }
0x18e: {  	v5 =	vadd.f32 v22, v5  }
0x18f: {  	v23 =	vld.idx.msk [tilespmem:v44+s11+$0x0], $0xffff  }
0x190: {  	v5 =	vadd.f32 v6, v5  }
0x191: {  	v6 =	vld.idx.msk [tilespmem:v45+s11+$0x0], $0xffff  }
0x192: {  	v5 =	vadd.f32 v7, v5  }
0x193: {  	v7 =	vld.idx.msk [tilespmem:v46+s11+$0x0], $0xffff  }
0x194: {  	v5 =	vadd.f32 v23, v5  }
0x195: {  	v24 =	vld.idx.msk [tilespmem:v47+s11+$0x0], $0xffff  }
0x196: {  	v5 =	vadd.f32 v6, v5  }
0x197: {  	v6 =	vld.idx.msk [tilespmem:v48+s11+$0x0], $0xffff  }
0x198: {  	v5 =	vadd.f32 v7, v5  }
0x199: {  	v7 =	vld.idx.msk [tilespmem:v49+s11+$0x0], $0xffff  }
0x19a: {  	v5 =	vadd.f32 v24, v5  }
0x19b: {  	v25 =	vld.idx.msk [tilespmem:v50+s11+$0x0], $0xffff  }
0x19c: {  	v5 =	vadd.f32 v6, v5;
	_ =	sdelay $0x1  }
0x19d: {  	v5 =	vadd.f32 v7, v5;
	_ =	sdelay $0x1  }
0x19e: {  	v5 =	vadd.f32 v25, v5;
	_ =	sdelay $0x1  }
0x19f: {  	[tilespmem:$0x1D0A0] =	vst v5  }
0x1a0: {  	v5 =	vld.idx.msk [tilespmem:v51+s11+$0x0], $0xffff;
	_ =	sdelay $0x1  }
0x1a1: {  	v6 =	vld.idx.msk [tilespmem:v52+s11+$0x0], $0xffff;
	_ =	sdelay $0x1  }
0x1a2: {  	v7 =	vld.idx.msk [tilespmem:v53+s11+$0x0], $0xffff  }
0x1a3: {  	v5 =	vadd.f32 $0.0e+00, v5  }
0x1a4: {  	v26 =	vld.idx.msk [tilespmem:v54+s11+$0x0], $0xffff  }
0x1a5: {  	v5 =	vadd.f32 v6, v5  }
0x1a6: {  	v6 =	vld.idx.msk [tilespmem:v55+s11+$0x0], $0xffff  }
0x1a7: {  	v5 =	vadd.f32 v7, v5  }
0x1a8: {  	v7 =	vld.idx.msk [tilespmem:v56+s11+$0x0], $0xffff  }
0x1a9: {  	v5 =	vadd.f32 v26, v5  }
0x1aa: {  	v27 =	vld.idx.msk [tilespmem:v57+s11+$0x0], $0xffff  }
0x1ab: {  	v5 =	vadd.f32 v6, v5  }
0x1ac: {  	v6 =	vld.idx.msk [tilespmem:v58+s11+$0x0], $0xffff  }
0x1ad: {  	v5 =	vadd.f32 v7, v5  }
0x1ae: {  	v7 =	vld.idx.msk [tilespmem:v59+s11+$0x0], $0xffff  }
0x1af: {  	v5 =	vadd.f32 v27, v5  }
0x1b0: {  	v28 =	vld.idx.msk [tilespmem:v60+s11+$0x0], $0xffff  }
0x1b1: {  	v5 =	vadd.f32 v6, v5  }
0x1b2: {  	v6 =	vld.idx.msk [tilespmem:v61+s11+$0x0], $0xffff  }
0x1b3: {  	v5 =	vadd.f32 v7, v5  }
0x1b4: {  	v7 =	vld.idx.msk [tilespmem:v62+s11+$0x0], $0xffff  }
0x1b5: {  	v29 =	vadd.s32 $0xE3E, v1;
	v5 =	vadd.f32 v28, v5  }
0x1b6: {  	v9 =	vld.idx.msk [tilespmem:v63+s11+$0x0], $0xffff  }
0x1b7: {  	v5 =	vadd.f32 v6, v5;
	v6 =	vadd.s32 $0xF3F, v1  }
0x1b8: {  	v10 =	vld.idx.msk [tilespmem:v4+s11+$0x0], $0xffff  }
0x1b9: {  	v5 =	vadd.f32 v7, v5  }
0x1ba: {  	v7 =	vld.idx.msk [tilespmem:v29+s11+$0x0], $0xffff  }
0x1bb: {  	v5 =	vadd.f32 v9, v5  }
0x1bc: {  	v6 =	vld.idx.msk [tilespmem:v6+s11+$0x0], $0xffff  }
0x1bd: {  	v5 =	vadd.f32 v10, v5;
	_ =	sdelay $0x1  }
0x1be: {  	v5 =	vadd.f32 v7, v5;
	v7 =	vor.u32 $0x40, v1;
	_ =	sdelay $0x1  }
0x1bf: {  	v5 =	vadd.f32 v6, v5;
	v6 =	vadd.s32 $0x141, v1;
	_ =	sdelay $0x1  }
0x1c0: {  	[tilespmem:$0x1D0B0] =	vst v5;
	v5 =	vadd.s32 $0x242, v1  }
0x1c1: {  	v7 =	vld.idx.msk [tilespmem:v7+s11+$0x0], $0xffff  }
0x1c2: {  	v30 =	vadd.s32 $0x343, v1  }
0x1c3: {  	v6 =	vld.idx.msk [tilespmem:v6+s11+$0x0], $0xffff  }
0x1c4: {  	v31 =	vadd.s32 $0x444, v1  }
0x1c5: {  	v5 =	vld.idx.msk [tilespmem:v5+s11+$0x0], $0xffff  }
0x1c6: {  	v32 =	vadd.s32 $0x545, v1;
	v7 =	vadd.f32 $0.0e+00, v7  }
0x1c7: {  	v8 =	vld.idx.msk [tilespmem:v30+s11+$0x0], $0xffff  }
0x1c8: {  	v6 =	vadd.f32 v6, v7;
	v7 =	vadd.s32 $0x646, v1  }
0x1c9: {  	v9 =	vld.idx.msk [tilespmem:v31+s11+$0x0], $0xffff  }
0x1ca: {  	v5 =	vadd.f32 v5, v6;
	v6 =	vadd.s32 $0x747, v1  }
0x1cb: {  	v10 =	vld.idx.msk [tilespmem:v32+s11+$0x0], $0xffff  }
0x1cc: {  	v12 =	vadd.s32 $0x848, v1;
	v5 =	vadd.f32 v8, v5  }
0x1cd: {  	v7 =	vld.idx.msk [tilespmem:v7+s11+$0x0], $0xffff  }
0x1ce: {  	v13 =	vadd.s32 $0x949, v1;
	v5 =	vadd.f32 v9, v5  }
0x1cf: {  	v6 =	vld.idx.msk [tilespmem:v6+s11+$0x0], $0xffff  }
0x1d0: {  	v14 =	vadd.s32 $0xA4A, v1;
	v5 =	vadd.f32 v10, v5  }
0x1d1: {  	v8 =	vld.idx.msk [tilespmem:v12+s11+$0x0], $0xffff  }
0x1d2: {  	v5 =	vadd.f32 v7, v5;
	v7 =	vadd.s32 $0xB4B, v1  }
0x1d3: {  	v9 =	vld.idx.msk [tilespmem:v13+s11+$0x0], $0xffff  }
0x1d4: {  	v5 =	vadd.f32 v6, v5;
	v6 =	vadd.s32 $0xC4C, v1  }
0x1d5: {  	v10 =	vld.idx.msk [tilespmem:v14+s11+$0x0], $0xffff  }
0x1d6: {  	v15 =	vadd.s32 $0xD4D, v1;
	v5 =	vadd.f32 v8, v5  }
0x1d7: {  	v7 =	vld.idx.msk [tilespmem:v7+s11+$0x0], $0xffff  }
0x1d8: {  	v16 =	vadd.s32 $0xE4E, v1;
	v5 =	vadd.f32 v9, v5  }
0x1d9: {  	v6 =	vld.idx.msk [tilespmem:v6+s11+$0x0], $0xffff  }
0x1da: {  	v17 =	vadd.s32 $0xF4F, v1;
	v5 =	vadd.f32 v10, v5  }
0x1db: {  	v8 =	vld.idx.msk [tilespmem:v15+s11+$0x0], $0xffff  }
0x1dc: {  	v5 =	vadd.f32 v7, v5  }
0x1dd: {  	v7 =	vld.idx.msk [tilespmem:v16+s11+$0x0], $0xffff  }
0x1de: {  	v5 =	vadd.f32 v6, v5  }
0x1df: {  	v6 =	vld.idx.msk [tilespmem:v17+s11+$0x0], $0xffff  }
0x1e0: {  	v5 =	vadd.f32 v8, v5;
	_ =	sdelay $0x1  }
0x1e1: {  	v5 =	vadd.f32 v7, v5;
	v7 =	vor.u32 $0x50, v1;
	_ =	sdelay $0x1  }
0x1e2: {  	v5 =	vadd.f32 v6, v5;
	v6 =	vadd.s32 $0x151, v1;
	_ =	sdelay $0x1  }
0x1e3: {  	[tilespmem:$0x1D0C0] =	vst v5;
	v5 =	vadd.s32 $0x252, v1  }
0x1e4: {  	v7 =	vld.idx.msk [tilespmem:v7+s11+$0x0], $0xffff  }
0x1e5: {  	v18 =	vadd.s32 $0x353, v1  }
0x1e6: {  	v6 =	vld.idx.msk [tilespmem:v6+s11+$0x0], $0xffff  }
0x1e7: {  	v19 =	vadd.s32 $0x454, v1  }
0x1e8: {  	v5 =	vld.idx.msk [tilespmem:v5+s11+$0x0], $0xffff  }
0x1e9: {  	v20 =	vadd.s32 $0x555, v1;
	v7 =	vadd.f32 $0.0e+00, v7  }
0x1ea: {  	v8 =	vld.idx.msk [tilespmem:v18+s11+$0x0], $0xffff  }
0x1eb: {  	v6 =	vadd.f32 v6, v7;
	v7 =	vadd.s32 $0x656, v1  }
0x1ec: {  	v9 =	vld.idx.msk [tilespmem:v19+s11+$0x0], $0xffff  }
0x1ed: {  	v5 =	vadd.f32 v5, v6;
	v6 =	vadd.s32 $0x757, v1  }
0x1ee: {  	v10 =	vld.idx.msk [tilespmem:v20+s11+$0x0], $0xffff  }
0x1ef: {  	v21 =	vadd.s32 $0x858, v1;
	v5 =	vadd.f32 v8, v5  }
0x1f0: {  	v7 =	vld.idx.msk [tilespmem:v7+s11+$0x0], $0xffff  }
0x1f1: {  	v22 =	vadd.s32 $0x959, v1;
	v5 =	vadd.f32 v9, v5  }
0x1f2: {  	v6 =	vld.idx.msk [tilespmem:v6+s11+$0x0], $0xffff  }
0x1f3: {  	v23 =	vadd.s32 $0xA5A, v1;
	v5 =	vadd.f32 v10, v5  }
0x1f4: {  	v8 =	vld.idx.msk [tilespmem:v21+s11+$0x0], $0xffff  }
0x1f5: {  	v5 =	vadd.f32 v7, v5;
	v7 =	vadd.s32 $0xB5B, v1  }
0x1f6: {  	v9 =	vld.idx.msk [tilespmem:v22+s11+$0x0], $0xffff  }
0x1f7: {  	v5 =	vadd.f32 v6, v5;
	v6 =	vadd.s32 $0xC5C, v1  }
0x1f8: {  	v10 =	vld.idx.msk [tilespmem:v23+s11+$0x0], $0xffff  }
0x1f9: {  	v24 =	vadd.s32 $0xD5D, v1;
	v5 =	vadd.f32 v8, v5  }
0x1fa: {  	v7 =	vld.idx.msk [tilespmem:v7+s11+$0x0], $0xffff  }
0x1fb: {  	v25 =	vadd.s32 $0xE5E, v1;
	v5 =	vadd.f32 v9, v5  }
0x1fc: {  	v6 =	vld.idx.msk [tilespmem:v6+s11+$0x0], $0xffff  }
0x1fd: {  	v26 =	vadd.s32 $0xF5F, v1;
	v5 =	vadd.f32 v10, v5  }
0x1fe: {  	v8 =	vld.idx.msk [tilespmem:v24+s11+$0x0], $0xffff  }
0x1ff: {  	v5 =	vadd.f32 v7, v5  }
0x200: {  	v7 =	vld.idx.msk [tilespmem:v25+s11+$0x0], $0xffff  }
0x201: {  	v5 =	vadd.f32 v6, v5  }
0x202: {  	v6 =	vld.idx.msk [tilespmem:v26+s11+$0x0], $0xffff  }
0x203: {  	v5 =	vadd.f32 v8, v5;
	_ =	sdelay $0x1  }
0x204: {  	v5 =	vadd.f32 v7, v5;
	v7 =	vor.u32 $0x60, v1;
	_ =	sdelay $0x1  }
0x205: {  	v5 =	vadd.f32 v6, v5;
	v6 =	vadd.s32 $0x161, v1;
	_ =	sdelay $0x1  }
0x206: {  	[tilespmem:$0x1D0D0] =	vst v5;
	v5 =	vadd.s32 $0x262, v1  }
0x207: {  	v7 =	vld.idx.msk [tilespmem:v7+s11+$0x0], $0xffff  }
0x208: {  	v27 =	vadd.s32 $0x363, v1  }
0x209: {  	v6 =	vld.idx.msk [tilespmem:v6+s11+$0x0], $0xffff  }
0x20a: {  	v28 =	vadd.s32 $0x464, v1  }
0x20b: {  	v5 =	vld.idx.msk [tilespmem:v5+s11+$0x0], $0xffff  }
0x20c: {  	v29 =	vadd.s32 $0x565, v1;
	v7 =	vadd.f32 $0.0e+00, v7  }
0x20d: {  	v8 =	vld.idx.msk [tilespmem:v27+s11+$0x0], $0xffff  }
0x20e: {  	v6 =	vadd.f32 v6, v7;
	v7 =	vadd.s32 $0x666, v1  }
0x20f: {  	v9 =	vld.idx.msk [tilespmem:v28+s11+$0x0], $0xffff  }
0x210: {  	v5 =	vadd.f32 v5, v6;
	v6 =	vadd.s32 $0x767, v1  }
0x211: {  	v10 =	vld.idx.msk [tilespmem:v29+s11+$0x0], $0xffff  }
0x212: {  	v30 =	vadd.s32 $0x868, v1;
	v5 =	vadd.f32 v8, v5  }
0x213: {  	v7 =	vld.idx.msk [tilespmem:v7+s11+$0x0], $0xffff  }
0x214: {  	v31 =	vadd.s32 $0x969, v1;
	v5 =	vadd.f32 v9, v5  }
0x215: {  	v6 =	vld.idx.msk [tilespmem:v6+s11+$0x0], $0xffff  }
0x216: {  	v32 =	vadd.s32 $0xA6A, v1;
	v5 =	vadd.f32 v10, v5  }
0x217: {  	v8 =	vld.idx.msk [tilespmem:v30+s11+$0x0], $0xffff  }
0x218: {  	v5 =	vadd.f32 v7, v5;
	v7 =	vadd.s32 $0xB6B, v1  }
0x219: {  	v9 =	vld.idx.msk [tilespmem:v31+s11+$0x0], $0xffff  }
0x21a: {  	v5 =	vadd.f32 v6, v5;
	v6 =	vadd.s32 $0xC6C, v1  }
0x21b: {  	v10 =	vld.idx.msk [tilespmem:v32+s11+$0x0], $0xffff  }
0x21c: {  	v12 =	vadd.s32 $0xD6D, v1;
	v5 =	vadd.f32 v8, v5  }
0x21d: {  	v7 =	vld.idx.msk [tilespmem:v7+s11+$0x0], $0xffff  }
0x21e: {  	v13 =	vadd.s32 $0xE6E, v1;
	v5 =	vadd.f32 v9, v5  }
0x21f: {  	v6 =	vld.idx.msk [tilespmem:v6+s11+$0x0], $0xffff  }
0x220: {  	v14 =	vadd.s32 $0xF6F, v1;
	v5 =	vadd.f32 v10, v5  }
0x221: {  	v8 =	vld.idx.msk [tilespmem:v12+s11+$0x0], $0xffff  }
0x222: {  	v5 =	vadd.f32 v7, v5  }
0x223: {  	v7 =	vld.idx.msk [tilespmem:v13+s11+$0x0], $0xffff  }
0x224: {  	v5 =	vadd.f32 v6, v5  }
0x225: {  	v6 =	vld.idx.msk [tilespmem:v14+s11+$0x0], $0xffff  }
0x226: {  	v5 =	vadd.f32 v8, v5;
	_ =	sdelay $0x1  }
0x227: {  	v5 =	vadd.f32 v7, v5;
	v7 =	vor.u32 $0x70, v1;
	_ =	sdelay $0x1  }
0x228: {  	v5 =	vadd.f32 v6, v5;
	v6 =	vadd.s32 $0x171, v1;
	_ =	sdelay $0x1  }
0x229: {  	[tilespmem:$0x1D0E0] =	vst v5;
	v5 =	vadd.s32 $0x272, v1  }
0x22a: {  	v7 =	vld.idx.msk [tilespmem:v7+s11+$0x0], $0xffff  }
0x22b: {  	v15 =	vadd.s32 $0x373, v1  }
0x22c: {  	v6 =	vld.idx.msk [tilespmem:v6+s11+$0x0], $0xffff  }
0x22d: {  	v16 =	vadd.s32 $0x474, v1  }
0x22e: {  	v5 =	vld.idx.msk [tilespmem:v5+s11+$0x0], $0xffff  }
0x22f: {  	v17 =	vadd.s32 $0x575, v1;
	v7 =	vadd.f32 $0.0e+00, v7  }
0x230: {  	v8 =	vld.idx.msk [tilespmem:v15+s11+$0x0], $0xffff  }
0x231: {  	v6 =	vadd.f32 v6, v7;
	v7 =	vadd.s32 $0x676, v1  }
0x232: {  	v9 =	vld.idx.msk [tilespmem:v16+s11+$0x0], $0xffff  }
0x233: {  	v5 =	vadd.f32 v5, v6;
	v6 =	vadd.s32 $0x777, v1  }
0x234: {  	v10 =	vld.idx.msk [tilespmem:v17+s11+$0x0], $0xffff  }
0x235: {  	v18 =	vadd.s32 $0x878, v1;
	v5 =	vadd.f32 v8, v5  }
0x236: {  	v7 =	vld.idx.msk [tilespmem:v7+s11+$0x0], $0xffff  }
0x237: {  	v19 =	vadd.s32 $0x979, v1;
	v5 =	vadd.f32 v9, v5  }
0x238: {  	v6 =	vld.idx.msk [tilespmem:v6+s11+$0x0], $0xffff  }
0x239: {  	v20 =	vadd.s32 $0xA7A, v1;
	v5 =	vadd.f32 v10, v5  }
0x23a: {  	v8 =	vld.idx.msk [tilespmem:v18+s11+$0x0], $0xffff  }
0x23b: {  	v5 =	vadd.f32 v7, v5;
	v7 =	vadd.s32 $0xB7B, v1  }
0x23c: {  	v9 =	vld.idx.msk [tilespmem:v19+s11+$0x0], $0xffff  }
0x23d: {  	v5 =	vadd.f32 v6, v5;
	v6 =	vadd.s32 $0xC7C, v1  }
0x23e: {  	v10 =	vld.idx.msk [tilespmem:v20+s11+$0x0], $0xffff  }
0x23f: {  	v21 =	vadd.s32 $0xD7D, v1;
	v5 =	vadd.f32 v8, v5  }
0x240: {  	v7 =	vld.idx.msk [tilespmem:v7+s11+$0x0], $0xffff  }
0x241: {  	v22 =	vadd.s32 $0xE7E, v1;
	v5 =	vadd.f32 v9, v5  }
0x242: {  	v6 =	vld.idx.msk [tilespmem:v6+s11+$0x0], $0xffff  }
0x243: {  	v23 =	vadd.s32 $0xF7F, v1;
	v5 =	vadd.f32 v10, v5  }
0x244: {  	v8 =	vld.idx.msk [tilespmem:v21+s11+$0x0], $0xffff  }
0x245: {  	v5 =	vadd.f32 v7, v5  }
0x246: {  	v7 =	vld.idx.msk [tilespmem:v22+s11+$0x0], $0xffff  }
0x247: {  	v5 =	vadd.f32 v6, v5  }
0x248: {  	v6 =	vld.idx.msk [tilespmem:v23+s11+$0x0], $0xffff  }
0x249: {  	v5 =	vadd.f32 v8, v5;
	_ =	sdelay $0x1  }
0x24a: {  	v5 =	vadd.f32 v7, v5;
	v7 =	vor.u32 $0x80, v1;
	_ =	sdelay $0x1  }
0x24b: {  	v5 =	vadd.f32 v6, v5;
	v6 =	vadd.s32 $0x181, v1;
	_ =	sdelay $0x1  }
0x24c: {  	[tilespmem:$0x1D0F0] =	vst v5;
	v5 =	vadd.s32 $0x282, v1  }
0x24d: {  	v7 =	vld.idx.msk [tilespmem:v7+s11+$0x0], $0xffff  }
0x24e: {  	v24 =	vadd.s32 $0x383, v1  }
0x24f: {  	v6 =	vld.idx.msk [tilespmem:v6+s11+$0x0], $0xffff  }
0x250: {  	v25 =	vadd.s32 $0x484, v1  }
0x251: {  	v5 =	vld.idx.msk [tilespmem:v5+s11+$0x0], $0xffff  }
0x252: {  	v26 =	vadd.s32 $0x585, v1;
	v7 =	vadd.f32 $0.0e+00, v7  }
0x253: {  	v8 =	vld.idx.msk [tilespmem:v24+s11+$0x0], $0xffff  }
0x254: {  	v6 =	vadd.f32 v6, v7;
	v7 =	vadd.s32 $0x686, v1  }
0x255: {  	v9 =	vld.idx.msk [tilespmem:v25+s11+$0x0], $0xffff  }
0x256: {  	v5 =	vadd.f32 v5, v6;
	v6 =	vadd.s32 $0x787, v1  }
0x257: {  	v10 =	vld.idx.msk [tilespmem:v26+s11+$0x0], $0xffff  }
0x258: {  	v27 =	vadd.s32 $0x888, v1;
	v5 =	vadd.f32 v8, v5  }
0x259: {  	v7 =	vld.idx.msk [tilespmem:v7+s11+$0x0], $0xffff  }
0x25a: {  	v28 =	vadd.s32 $0x989, v1;
	v5 =	vadd.f32 v9, v5  }
0x25b: {  	v6 =	vld.idx.msk [tilespmem:v6+s11+$0x0], $0xffff  }
0x25c: {  	v29 =	vadd.s32 $0xA8A, v1;
	v5 =	vadd.f32 v10, v5  }
0x25d: {  	v8 =	vld.idx.msk [tilespmem:v27+s11+$0x0], $0xffff  }
0x25e: {  	v5 =	vadd.f32 v7, v5;
	v7 =	vadd.s32 $0xB8B, v1  }
0x25f: {  	v9 =	vld.idx.msk [tilespmem:v28+s11+$0x0], $0xffff  }
0x260: {  	v5 =	vadd.f32 v6, v5;
	v6 =	vadd.s32 $0xC8C, v1  }
0x261: {  	v10 =	vld.idx.msk [tilespmem:v29+s11+$0x0], $0xffff  }
0x262: {  	v30 =	vadd.s32 $0xD8D, v1;
	v5 =	vadd.f32 v8, v5  }
0x263: {  	v7 =	vld.idx.msk [tilespmem:v7+s11+$0x0], $0xffff  }
0x264: {  	v31 =	vadd.s32 $0xE8E, v1;
	v5 =	vadd.f32 v9, v5  }
0x265: {  	v6 =	vld.idx.msk [tilespmem:v6+s11+$0x0], $0xffff  }
0x266: {  	v32 =	vadd.s32 $0xF8F, v1;
	v5 =	vadd.f32 v10, v5  }
0x267: {  	v8 =	vld.idx.msk [tilespmem:v30+s11+$0x0], $0xffff  }
0x268: {  	v5 =	vadd.f32 v7, v5  }
0x269: {  	v7 =	vld.idx.msk [tilespmem:v31+s11+$0x0], $0xffff  }
0x26a: {  	v5 =	vadd.f32 v6, v5  }
0x26b: {  	v6 =	vld.idx.msk [tilespmem:v32+s11+$0x0], $0xffff  }
0x26c: {  	v5 =	vadd.f32 v8, v5;
	_ =	sdelay $0x1  }
0x26d: {  	v5 =	vadd.f32 v7, v5;
	v7 =	vor.u32 $0x90, v1;
	_ =	sdelay $0x1  }
0x26e: {  	v5 =	vadd.f32 v6, v5;
	v6 =	vadd.s32 $0x191, v1;
	_ =	sdelay $0x1  }
0x26f: {  	[tilespmem:$0x1D100] =	vst v5;
	v5 =	vadd.s32 $0x292, v1  }
0x270: {  	v7 =	vld.idx.msk [tilespmem:v7+s11+$0x0], $0xffff  }
0x271: {  	v12 =	vadd.s32 $0x393, v1  }
0x272: {  	v6 =	vld.idx.msk [tilespmem:v6+s11+$0x0], $0xffff  }
0x273: {  	v13 =	vadd.s32 $0x494, v1  }
0x274: {  	v5 =	vld.idx.msk [tilespmem:v5+s11+$0x0], $0xffff  }
0x275: {  	v14 =	vadd.s32 $0x595, v1;
	v7 =	vadd.f32 $0.0e+00, v7  }
0x276: {  	v8 =	vld.idx.msk [tilespmem:v12+s11+$0x0], $0xffff  }
0x277: {  	v6 =	vadd.f32 v6, v7;
	v7 =	vadd.s32 $0x696, v1  }
0x278: {  	v9 =	vld.idx.msk [tilespmem:v13+s11+$0x0], $0xffff  }
0x279: {  	v5 =	vadd.f32 v5, v6;
	v6 =	vadd.s32 $0x797, v1  }
0x27a: {  	v10 =	vld.idx.msk [tilespmem:v14+s11+$0x0], $0xffff  }
0x27b: {  	v15 =	vadd.s32 $0x898, v1;
	v5 =	vadd.f32 v8, v5  }
0x27c: {  	v7 =	vld.idx.msk [tilespmem:v7+s11+$0x0], $0xffff  }
0x27d: {  	v16 =	vadd.s32 $0x999, v1;
	v5 =	vadd.f32 v9, v5  }
0x27e: {  	v6 =	vld.idx.msk [tilespmem:v6+s11+$0x0], $0xffff  }
0x27f: {  	v17 =	vadd.s32 $0xA9A, v1;
	v5 =	vadd.f32 v10, v5  }
0x280: {  	v8 =	vld.idx.msk [tilespmem:v15+s11+$0x0], $0xffff  }
0x281: {  	v5 =	vadd.f32 v7, v5;
	v7 =	vadd.s32 $0xB9B, v1  }
0x282: {  	v9 =	vld.idx.msk [tilespmem:v16+s11+$0x0], $0xffff  }
0x283: {  	v5 =	vadd.f32 v6, v5;
	v6 =	vadd.s32 $0xC9C, v1  }
0x284: {  	v10 =	vld.idx.msk [tilespmem:v17+s11+$0x0], $0xffff  }
0x285: {  	v18 =	vadd.s32 $0xD9D, v1;
	v5 =	vadd.f32 v8, v5  }
0x286: {  	v7 =	vld.idx.msk [tilespmem:v7+s11+$0x0], $0xffff  }
0x287: {  	v19 =	vadd.s32 $0xE9E, v1;
	v5 =	vadd.f32 v9, v5  }
0x288: {  	v6 =	vld.idx.msk [tilespmem:v6+s11+$0x0], $0xffff  }
0x289: {  	v20 =	vadd.s32 $0xF9F, v1;
	v5 =	vadd.f32 v10, v5  }
0x28a: {  	v8 =	vld.idx.msk [tilespmem:v18+s11+$0x0], $0xffff  }
0x28b: {  	v5 =	vadd.f32 v7, v5  }
0x28c: {  	v7 =	vld.idx.msk [tilespmem:v19+s11+$0x0], $0xffff  }
0x28d: {  	v5 =	vadd.f32 v6, v5  }
0x28e: {  	v6 =	vld.idx.msk [tilespmem:v20+s11+$0x0], $0xffff  }
0x28f: {  	v5 =	vadd.f32 v8, v5;
	_ =	sdelay $0x1  }
0x290: {  	v5 =	vadd.f32 v7, v5;
	v7 =	vor.u32 $0xA0, v1;
	_ =	sdelay $0x1  }
0x291: {  	v5 =	vadd.f32 v6, v5;
	v6 =	vadd.s32 $0x1A1, v1;
	_ =	sdelay $0x1  }
0x292: {  	[tilespmem:$0x1D110] =	vst v5;
	v5 =	vadd.s32 $0x2A2, v1  }
0x293: {  	v7 =	vld.idx.msk [tilespmem:v7+s11+$0x0], $0xffff  }
0x294: {  	v21 =	vadd.s32 $0x3A3, v1  }
0x295: {  	v6 =	vld.idx.msk [tilespmem:v6+s11+$0x0], $0xffff  }
0x296: {  	v22 =	vadd.s32 $0x4A4, v1  }
0x297: {  	v5 =	vld.idx.msk [tilespmem:v5+s11+$0x0], $0xffff  }
0x298: {  	v23 =	vadd.s32 $0x5A5, v1;
	v7 =	vadd.f32 $0.0e+00, v7  }
0x299: {  	v8 =	vld.idx.msk [tilespmem:v21+s11+$0x0], $0xffff  }
0x29a: {  	v6 =	vadd.f32 v6, v7;
	v7 =	vadd.s32 $0x6A6, v1  }
0x29b: {  	v9 =	vld.idx.msk [tilespmem:v22+s11+$0x0], $0xffff  }
0x29c: {  	v5 =	vadd.f32 v5, v6;
	v6 =	vadd.s32 $0x7A7, v1  }
0x29d: {  	v10 =	vld.idx.msk [tilespmem:v23+s11+$0x0], $0xffff  }
0x29e: {  	v24 =	vadd.s32 $0x8A8, v1;
	v5 =	vadd.f32 v8, v5  }
0x29f: {  	v7 =	vld.idx.msk [tilespmem:v7+s11+$0x0], $0xffff  }
0x2a0: {  	v25 =	vadd.s32 $0x9A9, v1;
	v5 =	vadd.f32 v9, v5  }
0x2a1: {  	v6 =	vld.idx.msk [tilespmem:v6+s11+$0x0], $0xffff  }
0x2a2: {  	v26 =	vadd.s32 $0xAAA, v1;
	v5 =	vadd.f32 v10, v5  }
0x2a3: {  	v8 =	vld.idx.msk [tilespmem:v24+s11+$0x0], $0xffff  }
0x2a4: {  	v5 =	vadd.f32 v7, v5;
	v7 =	vadd.s32 $0xBAB, v1  }
0x2a5: {  	v9 =	vld.idx.msk [tilespmem:v25+s11+$0x0], $0xffff  }
0x2a6: {  	v5 =	vadd.f32 v6, v5;
	v6 =	vadd.s32 $0xCAC, v1  }
0x2a7: {  	v10 =	vld.idx.msk [tilespmem:v26+s11+$0x0], $0xffff  }
0x2a8: {  	v27 =	vadd.s32 $0xDAD, v1;
	v5 =	vadd.f32 v8, v5  }
0x2a9: {  	v7 =	vld.idx.msk [tilespmem:v7+s11+$0x0], $0xffff  }
0x2aa: {  	v28 =	vadd.s32 $0xEAE, v1;
	v5 =	vadd.f32 v9, v5  }
0x2ab: {  	v6 =	vld.idx.msk [tilespmem:v6+s11+$0x0], $0xffff  }
0x2ac: {  	v29 =	vadd.s32 $0xFAF, v1;
	v5 =	vadd.f32 v10, v5  }
0x2ad: {  	v8 =	vld.idx.msk [tilespmem:v27+s11+$0x0], $0xffff  }
0x2ae: {  	v5 =	vadd.f32 v7, v5  }
0x2af: {  	v7 =	vld.idx.msk [tilespmem:v28+s11+$0x0], $0xffff  }
0x2b0: {  	v5 =	vadd.f32 v6, v5  }
0x2b1: {  	v6 =	vld.idx.msk [tilespmem:v29+s11+$0x0], $0xffff  }
0x2b2: {  	v5 =	vadd.f32 v8, v5;
	_ =	sdelay $0x1  }
0x2b3: {  	v5 =	vadd.f32 v7, v5;
	v7 =	vor.u32 $0xB0, v1;
	_ =	sdelay $0x1  }
0x2b4: {  	v5 =	vadd.f32 v6, v5;
	v6 =	vadd.s32 $0x1B1, v1;
	_ =	sdelay $0x1  }
0x2b5: {  	[tilespmem:$0x1D120] =	vst v5;
	v5 =	vadd.s32 $0x2B2, v1  }
0x2b6: {  	v7 =	vld.idx.msk [tilespmem:v7+s11+$0x0], $0xffff  }
0x2b7: {  	v30 =	vadd.s32 $0x3B3, v1  }
0x2b8: {  	v6 =	vld.idx.msk [tilespmem:v6+s11+$0x0], $0xffff  }
0x2b9: {  	v31 =	vadd.s32 $0x4B4, v1  }
0x2ba: {  	v5 =	vld.idx.msk [tilespmem:v5+s11+$0x0], $0xffff  }
0x2bb: {  	v32 =	vadd.s32 $0x5B5, v1;
	v7 =	vadd.f32 $0.0e+00, v7  }
0x2bc: {  	v8 =	vld.idx.msk [tilespmem:v30+s11+$0x0], $0xffff  }
0x2bd: {  	v6 =	vadd.f32 v6, v7;
	v7 =	vadd.s32 $0x6B6, v1  }
0x2be: {  	v9 =	vld.idx.msk [tilespmem:v31+s11+$0x0], $0xffff  }
0x2bf: {  	v5 =	vadd.f32 v5, v6;
	v6 =	vadd.s32 $0x7B7, v1  }
0x2c0: {  	v10 =	vld.idx.msk [tilespmem:v32+s11+$0x0], $0xffff  }
0x2c1: {  	v12 =	vadd.s32 $0x8B8, v1;
	v5 =	vadd.f32 v8, v5  }
0x2c2: {  	v7 =	vld.idx.msk [tilespmem:v7+s11+$0x0], $0xffff  }
0x2c3: {  	v13 =	vadd.s32 $0x9B9, v1;
	v5 =	vadd.f32 v9, v5  }
0x2c4: {  	v6 =	vld.idx.msk [tilespmem:v6+s11+$0x0], $0xffff  }
0x2c5: {  	v14 =	vadd.s32 $0xABA, v1;
	v5 =	vadd.f32 v10, v5  }
0x2c6: {  	v8 =	vld.idx.msk [tilespmem:v12+s11+$0x0], $0xffff  }
0x2c7: {  	v5 =	vadd.f32 v7, v5;
	v7 =	vadd.s32 $0xBBB, v1  }
0x2c8: {  	v9 =	vld.idx.msk [tilespmem:v13+s11+$0x0], $0xffff  }
0x2c9: {  	v5 =	vadd.f32 v6, v5;
	v6 =	vadd.s32 $0xCBC, v1  }
0x2ca: {  	v10 =	vld.idx.msk [tilespmem:v14+s11+$0x0], $0xffff  }
0x2cb: {  	v15 =	vadd.s32 $0xDBD, v1;
	v5 =	vadd.f32 v8, v5  }
0x2cc: {  	v7 =	vld.idx.msk [tilespmem:v7+s11+$0x0], $0xffff  }
0x2cd: {  	v16 =	vadd.s32 $0xEBE, v1;
	v5 =	vadd.f32 v9, v5  }
0x2ce: {  	v6 =	vld.idx.msk [tilespmem:v6+s11+$0x0], $0xffff  }
0x2cf: {  	v17 =	vadd.s32 $0xFBF, v1;
	v5 =	vadd.f32 v10, v5  }
0x2d0: {  	v8 =	vld.idx.msk [tilespmem:v15+s11+$0x0], $0xffff  }
0x2d1: {  	v5 =	vadd.f32 v7, v5  }
0x2d2: {  	v7 =	vld.idx.msk [tilespmem:v16+s11+$0x0], $0xffff  }
0x2d3: {  	v5 =	vadd.f32 v6, v5  }
0x2d4: {  	v6 =	vld.idx.msk [tilespmem:v17+s11+$0x0], $0xffff  }
0x2d5: {  	v5 =	vadd.f32 v8, v5;
	_ =	sdelay $0x1  }
0x2d6: {  	v5 =	vadd.f32 v7, v5;
	v7 =	vor.u32 $0xC0, v1;
	_ =	sdelay $0x1  }
0x2d7: {  	v5 =	vadd.f32 v6, v5;
	v6 =	vadd.s32 $0x1C1, v1;
	_ =	sdelay $0x1  }
0x2d8: {  	[tilespmem:$0x1D130] =	vst v5;
	v5 =	vadd.s32 $0x2C2, v1  }
0x2d9: {  	v7 =	vld.idx.msk [tilespmem:v7+s11+$0x0], $0xffff  }
0x2da: {  	v18 =	vadd.s32 $0x3C3, v1  }
0x2db: {  	v6 =	vld.idx.msk [tilespmem:v6+s11+$0x0], $0xffff  }
0x2dc: {  	v19 =	vadd.s32 $0x4C4, v1  }
0x2dd: {  	v5 =	vld.idx.msk [tilespmem:v5+s11+$0x0], $0xffff  }
0x2de: {  	v20 =	vadd.s32 $0x5C5, v1;
	v7 =	vadd.f32 $0.0e+00, v7  }
0x2df: {  	v8 =	vld.idx.msk [tilespmem:v18+s11+$0x0], $0xffff  }
0x2e0: {  	v6 =	vadd.f32 v6, v7;
	v7 =	vadd.s32 $0x6C6, v1  }
0x2e1: {  	v9 =	vld.idx.msk [tilespmem:v19+s11+$0x0], $0xffff  }
0x2e2: {  	v5 =	vadd.f32 v5, v6;
	v6 =	vadd.s32 $0x7C7, v1  }
0x2e3: {  	v10 =	vld.idx.msk [tilespmem:v20+s11+$0x0], $0xffff  }
0x2e4: {  	v21 =	vadd.s32 $0x8C8, v1;
	v5 =	vadd.f32 v8, v5  }
0x2e5: {  	v7 =	vld.idx.msk [tilespmem:v7+s11+$0x0], $0xffff  }
0x2e6: {  	v22 =	vadd.s32 $0x9C9, v1;
	v5 =	vadd.f32 v9, v5  }
0x2e7: {  	v6 =	vld.idx.msk [tilespmem:v6+s11+$0x0], $0xffff  }
0x2e8: {  	v23 =	vadd.s32 $0xACA, v1;
	v5 =	vadd.f32 v10, v5  }
0x2e9: {  	v8 =	vld.idx.msk [tilespmem:v21+s11+$0x0], $0xffff  }
0x2ea: {  	v5 =	vadd.f32 v7, v5;
	v7 =	vadd.s32 $0xBCB, v1  }
0x2eb: {  	v9 =	vld.idx.msk [tilespmem:v22+s11+$0x0], $0xffff  }
0x2ec: {  	v5 =	vadd.f32 v6, v5;
	v6 =	vadd.s32 $0xCCC, v1  }
0x2ed: {  	v10 =	vld.idx.msk [tilespmem:v23+s11+$0x0], $0xffff  }
0x2ee: {  	v24 =	vadd.s32 $0xDCD, v1;
	v5 =	vadd.f32 v8, v5  }
0x2ef: {  	v7 =	vld.idx.msk [tilespmem:v7+s11+$0x0], $0xffff  }
0x2f0: {  	v25 =	vadd.s32 $0xECE, v1;
	v5 =	vadd.f32 v9, v5  }
0x2f1: {  	v6 =	vld.idx.msk [tilespmem:v6+s11+$0x0], $0xffff  }
0x2f2: {  	v26 =	vadd.s32 $0xFCF, v1;
	v5 =	vadd.f32 v10, v5  }
0x2f3: {  	v8 =	vld.idx.msk [tilespmem:v24+s11+$0x0], $0xffff  }
0x2f4: {  	v5 =	vadd.f32 v7, v5  }
0x2f5: {  	v7 =	vld.idx.msk [tilespmem:v25+s11+$0x0], $0xffff  }
0x2f6: {  	v5 =	vadd.f32 v6, v5  }
0x2f7: {  	v6 =	vld.idx.msk [tilespmem:v26+s11+$0x0], $0xffff  }
0x2f8: {  	v5 =	vadd.f32 v8, v5;
	_ =	sdelay $0x1  }
0x2f9: {  	v5 =	vadd.f32 v7, v5;
	v7 =	vor.u32 $0xD0, v1;
	_ =	sdelay $0x1  }
0x2fa: {  	v5 =	vadd.f32 v6, v5;
	v6 =	vadd.s32 $0x1D1, v1;
	_ =	sdelay $0x1  }
0x2fb: {  	[tilespmem:$0x1D140] =	vst v5;
	v5 =	vadd.s32 $0x2D2, v1  }
0x2fc: {  	v7 =	vld.idx.msk [tilespmem:v7+s11+$0x0], $0xffff  }
0x2fd: {  	v27 =	vadd.s32 $0x3D3, v1  }
0x2fe: {  	v6 =	vld.idx.msk [tilespmem:v6+s11+$0x0], $0xffff  }
0x2ff: {  	v28 =	vadd.s32 $0x4D4, v1  }
0x300: {  	v5 =	vld.idx.msk [tilespmem:v5+s11+$0x0], $0xffff  }
0x301: {  	v29 =	vadd.s32 $0x5D5, v1;
	v7 =	vadd.f32 $0.0e+00, v7  }
0x302: {  	v8 =	vld.idx.msk [tilespmem:v27+s11+$0x0], $0xffff  }
0x303: {  	v6 =	vadd.f32 v6, v7;
	v7 =	vadd.s32 $0x6D6, v1  }
0x304: {  	v9 =	vld.idx.msk [tilespmem:v28+s11+$0x0], $0xffff  }
0x305: {  	v5 =	vadd.f32 v5, v6;
	v6 =	vadd.s32 $0x7D7, v1  }
0x306: {  	v10 =	vld.idx.msk [tilespmem:v29+s11+$0x0], $0xffff  }
0x307: {  	v30 =	vadd.s32 $0x8D8, v1;
	v5 =	vadd.f32 v8, v5  }
0x308: {  	v7 =	vld.idx.msk [tilespmem:v7+s11+$0x0], $0xffff  }
0x309: {  	v31 =	vadd.s32 $0x9D9, v1;
	v5 =	vadd.f32 v9, v5  }
0x30a: {  	v6 =	vld.idx.msk [tilespmem:v6+s11+$0x0], $0xffff  }
0x30b: {  	v32 =	vadd.s32 $0xADA, v1;
	v5 =	vadd.f32 v10, v5  }
0x30c: {  	v8 =	vld.idx.msk [tilespmem:v30+s11+$0x0], $0xffff  }
0x30d: {  	v5 =	vadd.f32 v7, v5;
	v7 =	vadd.s32 $0xBDB, v1  }
0x30e: {  	v9 =	vld.idx.msk [tilespmem:v31+s11+$0x0], $0xffff  }
0x30f: {  	v5 =	vadd.f32 v6, v5;
	v6 =	vadd.s32 $0xCDC, v1  }
0x310: {  	v10 =	vld.idx.msk [tilespmem:v32+s11+$0x0], $0xffff  }
0x311: {  	v12 =	vadd.s32 $0xDDD, v1;
	v5 =	vadd.f32 v8, v5  }
0x312: {  	v7 =	vld.idx.msk [tilespmem:v7+s11+$0x0], $0xffff  }
0x313: {  	v13 =	vadd.s32 $0xEDE, v1;
	v5 =	vadd.f32 v9, v5  }
0x314: {  	v6 =	vld.idx.msk [tilespmem:v6+s11+$0x0], $0xffff  }
0x315: {  	v14 =	vadd.s32 $0xFDF, v1;
	v5 =	vadd.f32 v10, v5  }
0x316: {  	v8 =	vld.idx.msk [tilespmem:v12+s11+$0x0], $0xffff  }
0x317: {  	v5 =	vadd.f32 v7, v5  }
0x318: {  	v7 =	vld.idx.msk [tilespmem:v13+s11+$0x0], $0xffff  }
0x319: {  	v5 =	vadd.f32 v6, v5  }
0x31a: {  	v6 =	vld.idx.msk [tilespmem:v14+s11+$0x0], $0xffff  }
0x31b: {  	v5 =	vadd.f32 v8, v5;
	_ =	sdelay $0x1  }
0x31c: {  	v5 =	vadd.f32 v7, v5;
	v7 =	vor.u32 $0xE0, v1;
	_ =	sdelay $0x1  }
0x31d: {  	v5 =	vadd.f32 v6, v5;
	v6 =	vadd.s32 $0x1E1, v1;
	_ =	sdelay $0x1  }
0x31e: {  	[tilespmem:$0x1D150] =	vst v5;
	v5 =	vadd.s32 $0x2E2, v1  }
0x31f: {  	v7 =	vld.idx.msk [tilespmem:v7+s11+$0x0], $0xffff  }
0x320: {  	v15 =	vadd.s32 $0x3E3, v1  }
0x321: {  	v6 =	vld.idx.msk [tilespmem:v6+s11+$0x0], $0xffff  }
0x322: {  	v16 =	vadd.s32 $0x4E4, v1  }
0x323: {  	v5 =	vld.idx.msk [tilespmem:v5+s11+$0x0], $0xffff  }
0x324: {  	v17 =	vadd.s32 $0x5E5, v1;
	v7 =	vadd.f32 $0.0e+00, v7  }
0x325: {  	v8 =	vld.idx.msk [tilespmem:v15+s11+$0x0], $0xffff  }
0x326: {  	v6 =	vadd.f32 v6, v7;
	v7 =	vadd.s32 $0x6E6, v1  }
0x327: {  	v9 =	vld.idx.msk [tilespmem:v16+s11+$0x0], $0xffff  }
0x328: {  	v5 =	vadd.f32 v5, v6;
	v6 =	vadd.s32 $0x7E7, v1  }
0x329: {  	v10 =	vld.idx.msk [tilespmem:v17+s11+$0x0], $0xffff  }
0x32a: {  	v18 =	vadd.s32 $0x8E8, v1;
	v5 =	vadd.f32 v8, v5  }
0x32b: {  	v7 =	vld.idx.msk [tilespmem:v7+s11+$0x0], $0xffff  }
0x32c: {  	v19 =	vadd.s32 $0x9E9, v1;
	v5 =	vadd.f32 v9, v5  }
0x32d: {  	v6 =	vld.idx.msk [tilespmem:v6+s11+$0x0], $0xffff  }
0x32e: {  	v20 =	vadd.s32 $0xAEA, v1;
	v5 =	vadd.f32 v10, v5  }
0x32f: {  	v8 =	vld.idx.msk [tilespmem:v18+s11+$0x0], $0xffff  }
0x330: {  	v5 =	vadd.f32 v7, v5;
	v7 =	vadd.s32 $0xBEB, v1  }
0x331: {  	v9 =	vld.idx.msk [tilespmem:v19+s11+$0x0], $0xffff  }
0x332: {  	v5 =	vadd.f32 v6, v5;
	v6 =	vadd.s32 $0xCEC, v1  }
0x333: {  	v10 =	vld.idx.msk [tilespmem:v20+s11+$0x0], $0xffff  }
0x334: {  	v21 =	vadd.s32 $0xDED, v1;
	v5 =	vadd.f32 v8, v5  }
0x335: {  	v7 =	vld.idx.msk [tilespmem:v7+s11+$0x0], $0xffff  }
0x336: {  	v22 =	vadd.s32 $0xEEE, v1;
	v5 =	vadd.f32 v9, v5  }
0x337: {  	v6 =	vld.idx.msk [tilespmem:v6+s11+$0x0], $0xffff  }
0x338: {  	v23 =	vadd.s32 $0xFEF, v1;
	v5 =	vadd.f32 v10, v5  }
0x339: {  	v8 =	vld.idx.msk [tilespmem:v21+s11+$0x0], $0xffff  }
0x33a: {  	v5 =	vadd.f32 v7, v5  }
0x33b: {  	v7 =	vld.idx.msk [tilespmem:v22+s11+$0x0], $0xffff  }
0x33c: {  	v5 =	vadd.f32 v6, v5  }
0x33d: {  	v6 =	vld.idx.msk [tilespmem:v23+s11+$0x0], $0xffff  }
0x33e: {  	v5 =	vadd.f32 v8, v5;
	_ =	sdelay $0x1  }
0x33f: {  	v5 =	vadd.f32 v7, v5;
	v7 =	vor.u32 $0xF0, v1;
	_ =	sdelay $0x1  }
0x340: {  	v5 =	vadd.f32 v6, v5;
	v6 =	vadd.s32 $0x1F1, v1;
	_ =	sdelay $0x1  }
0x341: {  	[tilespmem:$0x1D160] =	vst v5;
	v5 =	vadd.s32 $0x2F2, v1  }
0x342: {  	v7 =	vld.idx.msk [tilespmem:v7+s11+$0x0], $0xffff  }
0x343: {  	v24 =	vadd.s32 $0x3F3, v1  }
0x344: {  	v6 =	vld.idx.msk [tilespmem:v6+s11+$0x0], $0xffff  }
0x345: {  	v25 =	vadd.s32 $0x4F4, v1  }
0x346: {  	v5 =	vld.idx.msk [tilespmem:v5+s11+$0x0], $0xffff  }
0x347: {  	v26 =	vadd.s32 $0x5F5, v1;
	v7 =	vadd.f32 $0.0e+00, v7  }
0x348: {  	v8 =	vld.idx.msk [tilespmem:v24+s11+$0x0], $0xffff  }
0x349: {  	v6 =	vadd.f32 v6, v7;
	v7 =	vadd.s32 $0x6F6, v1  }
0x34a: {  	v9 =	vld.idx.msk [tilespmem:v25+s11+$0x0], $0xffff  }
0x34b: {  	v5 =	vadd.f32 v5, v6;
	v6 =	vadd.s32 $0x7F7, v1  }
0x34c: {  	v10 =	vld.idx.msk [tilespmem:v26+s11+$0x0], $0xffff  }
0x34d: {  	v27 =	vadd.s32 $0x8F8, v1;
	v5 =	vadd.f32 v8, v5  }
0x34e: {  	v7 =	vld.idx.msk [tilespmem:v7+s11+$0x0], $0xffff  }
0x34f: {  	v28 =	vadd.s32 $0x9F9, v1;
	v5 =	vadd.f32 v9, v5  }
0x350: {  	v6 =	vld.idx.msk [tilespmem:v6+s11+$0x0], $0xffff  }
0x351: {  	v29 =	vadd.s32 $0xAFA, v1;
	v5 =	vadd.f32 v10, v5  }
0x352: {  	v8 =	vld.idx.msk [tilespmem:v27+s11+$0x0], $0xffff  }
0x353: {  	v5 =	vadd.f32 v7, v5;
	v7 =	vadd.s32 $0xBFB, v1  }
0x354: {  	v9 =	vld.idx.msk [tilespmem:v28+s11+$0x0], $0xffff  }
0x355: {  	v5 =	vadd.f32 v6, v5;
	v6 =	vadd.s32 $0xCFC, v1  }
0x356: {  	v10 =	vld.idx.msk [tilespmem:v29+s11+$0x0], $0xffff  }
0x357: {  	v30 =	vadd.s32 $0xDFD, v1;
	v5 =	vadd.f32 v8, v5  }
0x358: {  	v7 =	vld.idx.msk [tilespmem:v7+s11+$0x0], $0xffff  }
0x359: {  	v31 =	vadd.s32 $0xEFE, v1;
	v5 =	vadd.f32 v9, v5  }
0x35a: {  	v6 =	vld.idx.msk [tilespmem:v6+s11+$0x0], $0xffff  }
0x35b: {  	v32 =	vadd.s32 $0xFFF, v1;
	v5 =	vadd.f32 v10, v5  }
0x35c: {  	v8 =	vld.idx.msk [tilespmem:v30+s11+$0x0], $0xffff  }
0x35d: {  	v5 =	vadd.f32 v7, v5  }
0x35e: {  	v7 =	vld.idx.msk [tilespmem:v31+s11+$0x0], $0xffff  }
0x35f: {  	v5 =	vadd.f32 v6, v5  }
0x360: {  	v6 =	vld.idx.msk [tilespmem:v32+s11+$0x0], $0xffff  }
0x361: {  	v5 =	vadd.f32 v8, v5;
	_ =	sdelay $0x1  }
0x362: {  	v5 =	vadd.f32 v7, v5;
	_ =	sdelay $0x1  }
0x363: {  	s3 =	sadd.s32 $0x1, s3;
	v5 =	vadd.f32 v6, v5  }
0x364: {  	p0 =	sne.s32 s3, s8  }
.Ltmp4:
0x365: {  	[tilespmem:$0x1D170] =	vst v5;
	(pc) =	sbr.rel @p0 .LBB2_1-.Ltmp4, $4  }
0x366: {  	[hbm4b:s7+s13] =	stream.strided.scatter [tilespmem:s15], [sflag:$0x3], $0x100, s14, s13, $0x38;
	[tilespmem:$0x1D180] =	vst v63  }
0x367: {  	_ =	swait.ge [sflag:s16], $0x100  }
0x368: {  	[sflag:s16] =	ssyncset.done $0x0  }
0x369: {  	[sflag:s16] =	ssyncadd.s32 $0xFFFFFF00  }
0x36a: {  	_ =	sfence.sel $0x180000  }
0x36b: {  	[bflag:$0x0] =	sbarrier.arrive $0xFFFF  }
0x36c: {  	p0 =	sne.s32 s1, $0x0;
	_ =	strace $0x90000047  }
0x36d: {  	s0 =	sadd.s32 @!p0 $0x100000, s2;
	[bflag:$0x2] =	sbarrier.arrive $0xFFFF  }
0x36e: {  	[sflag:s0] =	ssyncadd.tile.s32 @!p0 $0x1;
	_ =	shalt  }
.Lfunc_end2:
_tile_overlayer_lowered:
.L_overlay_start_2:
0x36f: {  	(tag) =	ssettag $0x2  }
0x370: {  	s0 =	rddreg [dreg:$0x0];
	s2 =	stileid.u32  }
0x371: {  	s1 =	rddreg [dreg:$0x1];
	p0 =	sne.s32 s2, $0x0  }
0x372: {  	s3 =	rddreg [dreg:$0x2];
	[bflag:$0x3] =	sbarrier.arrive $0xFFFF;
	s2 =	simm.s32 @!p0 $0x1C03  }
0x373: {  	[timem:s3], [sflag:s2] =	dma.local @!p0 [hbm:s0], s1  }
0x374: {  	s0 =	simm.s32 @!p0 $0x3  }
0x375: {  	_ =	swait.ge @!p0 [sflag:s0], s1  }
0x376: {  	s1 =	ssub.s32 @!p0 $0x0, s1;
	[sflag:s0] =	ssyncset.done @!p0 $0x0  }
0x377: {  	[sflag:s0] =	ssyncadd.s32 @!p0 s1  }
0x378: {  	[bflag:$0x3] =	sbarrier.arrive $0xFFFF  }
0x379: {  	_ =	shalt  }

</sc_bundles>
